<compile_context>
chip_gen: v7x
topology: tpu7x:2x2x1
jax: 0.10.2.dev20260603
libtpu: 0.0.44.dev20260713+nightly
codegen_flags: <defaults>
</compile_context>

<pallas_src>
import functools

import jax
import jax.numpy as jnp
from jax import lax
from jax.experimental import pallas as pl
from jax.experimental.pallas import tpu as pltpu
from jax.experimental.pallas import tpu_sc as plsc

N = 10000
NP = 10240
E = 320000
NC = 2
NS = 16
NW = NC * NS
EPW = E // NW
CH = 80
NCH = EPW // CH
CH2 = 40
NCH2 = EPW // CH2
CH64 = 128
NCH64 = 79
EP = NW * CH64 * NCH64
EPAD = EP - E
RPT = NP // NS
RPT2 = N - (NS - 1) * RPT
DEG_W = 8

@functools.lru_cache(maxsize=None)
def _get_mesh():
  return plsc.VectorSubcoreMesh(core_axis_name="c", subcore_axis_name="s",
                                num_cores=NC, num_subcores=NS)


@functools.lru_cache(maxsize=None)
def _make_prop(D, ch, nch, nbuf):

  @functools.partial(
      pl.kernel,
      out_type=jax.ShapeDtypeStruct((NC, NP, D), jnp.float32),
      mesh=_get_mesh(),
      compiler_params=pltpu.CompilerParams(use_tc_tiling_on_sc=False),
      scratch_types=[
          pltpu.VMEM((nch, ch), jnp.int32),
          pltpu.VMEM((nch, ch), jnp.int32),
      ] + [pltpu.VMEM((ch, D), jnp.float32)] * nbuf
        + [pltpu.VMEM_SHARED((NP, D), jnp.float32)]
        + [pltpu.SemaphoreType.DMA] * (2 * nbuf),
  )
  def prop(g_hbm, src_hbm, dst_hbm, zeros_hbm, out_hbm,
           src_v, dst_v, *rest):
    bufs = rest[:nbuf]
    acc = rest[nbuf]
    sems = rest[nbuf + 1:nbuf + 1 + nbuf]
    ssems = rest[nbuf + 1 + nbuf:]
    cid = lax.axis_index("c")
    sid = lax.axis_index("s")
    wid = sid * NC + cid

    pltpu.sync_copy(src_hbm.at[wid], src_v)
    pltpu.sync_copy(dst_hbm.at[wid], dst_v)
    @pl.when(cid == 0)
    def _():
      @pl.when(sid < NS - 1)
      def _():
        pltpu.sync_copy(g_hbm.at[pl.ds(sid * RPT, RPT)],
                        acc.at[pl.ds(sid * RPT, RPT)])

      @pl.when(sid == NS - 1)
      def _():
        pltpu.sync_copy(g_hbm.at[pl.ds(N - RPT2, RPT2)],
                        acc.at[pl.ds(N - RPT2, RPT2)])
        pltpu.sync_copy(zeros_hbm.at[pl.ds(0, NP - N)],
                        acc.at[pl.ds(N, NP - N)])

    @pl.when(cid == 1)
    def _():
      pltpu.sync_copy(zeros_hbm, acc.at[pl.ds(sid * RPT, RPT)])
    plsc.subcore_barrier()

    def gather(c, b):
      if c >= nbuf:
        pltpu.make_async_copy(bufs[b], acc.at[dst_v.at[c - nbuf]],
                              ssems[b]).wait()
      return pltpu.async_copy(g_hbm.at[src_v.at[c]], bufs[b], sems[b])

    def gather_dyn(c, b):
      @pl.when(c >= nbuf)
      def _():
        pltpu.make_async_copy(bufs[b], acc.at[dst_v.at[c - nbuf]],
                              ssems[b]).wait()
      return pltpu.async_copy(g_hbm.at[src_v.at[c]], bufs[b], sems[b])

    def drain(c, b):
      pltpu.make_async_copy(g_hbm.at[src_v.at[c]], bufs[b], sems[b]).wait()
      pltpu.async_copy(bufs[b], acc.at[dst_v.at[c]], ssems[b], add=True)

    for b in range(nbuf - 1):
      gather(b, b)

    def body(k, c):
      i = nbuf * k
      for j in range(nbuf):
        nxt = i + j + nbuf - 1

        @pl.when(nxt < nch)
        def _():
          gather_dyn(nxt, (j + nbuf - 1) % nbuf)

        drain(i + j, j)
      return c

    lax.fori_loop(0, nch // nbuf, body, 0)
    base = nch - nch % nbuf
    for j in range(nch % nbuf):
      drain(base + j, (base + j) % nbuf)
    for c in range(nch - nbuf, nch):
      pltpu.make_async_copy(bufs[c % nbuf], acc.at[dst_v.at[c]],
                            ssems[c % nbuf]).wait()

    plsc.subcore_barrier()
    pltpu.sync_copy(acc.at[pl.ds(sid * RPT, RPT)],
                    out_hbm.at[cid, pl.ds(sid * RPT, RPT)])

  return prop


@functools.lru_cache(maxsize=None)
def _make_deg():
  @functools.partial(
      pl.kernel,
      out_type=jax.ShapeDtypeStruct((NC, NP, DEG_W), jnp.float32),
      mesh=_get_mesh(),
      compiler_params=pltpu.CompilerParams(use_tc_tiling_on_sc=False),
      scratch_types=[
          pltpu.VMEM((NCH, CH), jnp.int32),
          pltpu.VMEM((CH, DEG_W), jnp.float32),
          pltpu.VMEM_SHARED((NP, DEG_W), jnp.float32),
          pltpu.SemaphoreType.DMA,
      ],
  )
  def _deg_kernel(ones_hbm, dst_hbm, zeros_hbm, out_hbm, dst_v, ones_v, acc, sem):
    cid = lax.axis_index("c")
    sid = lax.axis_index("s")
    wid = sid * NC + cid

    pltpu.sync_copy(dst_hbm.at[wid], dst_v)
    pltpu.sync_copy(ones_hbm, ones_v)
    pltpu.sync_copy(zeros_hbm, acc.at[pl.ds(sid * RPT, RPT)])
    plsc.subcore_barrier()

    pltpu.async_copy(ones_v, acc.at[dst_v.at[0]], sem, add=True)

    def body(i, c):
      pltpu.async_copy(ones_v, acc.at[dst_v.at[i]], sem, add=True)
      pltpu.make_async_copy(ones_v, acc.at[dst_v.at[i - 1]], sem).wait()
      return c

    lax.fori_loop(1, NCH, body, 0)
    pltpu.make_async_copy(ones_v, acc.at[dst_v.at[NCH - 1]], sem).wait()

    plsc.subcore_barrier()
    pltpu.sync_copy(acc.at[pl.ds(sid * RPT, RPT)],
                    out_hbm.at[cid, pl.ds(sid * RPT, RPT)])

  return _deg_kernel



_RB = 2000
_NG = N // _RB


def _row_spec(d):
  return pl.BlockSpec((_RB, d), lambda i: (i, 0))


def _part_spec(d):
  return pl.BlockSpec((NC, _RB, d), lambda i: (0, i, 0))


def _full_spec(r, c):
  return pl.BlockSpec((r, c), lambda i: (0, 0))


def _dis_spec():
  return pl.BlockSpec((_RB, 1), lambda i: (i, 0))


def _tc1_body(degp_ref, x_ref, w1_ref, dis_ref, g1_ref):
  deg = degp_ref[0, :, 0:1] + degp_ref[1, :, 0:1] + 1.0
  dis = lax.rsqrt(deg)
  dis_ref[...] = dis
  xw = jnp.dot(x_ref[...], w1_ref[...], preferred_element_type=jnp.float32)
  g1_ref[...] = dis * xw


def _tc2_body(s1p_ref, dis_ref, b1_ref, w2_ref, g2_ref):
  dis = dis_ref[...]
  s = s1p_ref[0] + s1p_ref[1]
  h1 = jnp.maximum(dis * s + b1_ref[...], 0.0)
  g2_ref[...] = dis * jnp.dot(h1, w2_ref[...],
                              preferred_element_type=jnp.float32)


def _tc3_body(s2p_ref, dis_ref, b2_ref, g3_ref):
  dis = dis_ref[...]
  s = s2p_ref[0] + s2p_ref[1]
  g3_ref[...] = dis * jnp.maximum(dis * s + b2_ref[...], 0.0)


def _tc4_body(s3p_ref, dis_ref, w3_ref, b3_ref, out_ref):
  dis = dis_ref[...]
  p3 = dis * (s3p_ref[0] + s3p_ref[1])
  out_ref[...] = jnp.dot(p3, w3_ref[...],
                         preferred_element_type=jnp.float32) + b3_ref[...]


def kernel(x, edge_index, W1, b1, W2, b2, W3, b3):
  ei = edge_index.astype(jnp.int32)
  src3 = ei[0].reshape(NW, NCH2, CH2)
  dst3 = ei[1].reshape(NW, NCH2, CH2)
  dst3d = ei[1].reshape(NW, NCH, CH)

  ones_deg = jnp.ones((CH, DEG_W), jnp.float32)
  zeros_deg = jnp.zeros((RPT, DEG_W), jnp.float32)
  zeros128 = jnp.zeros((RPT, 128), jnp.float32)
  zeros64 = jnp.zeros((RPT, 64), jnp.float32)

  degp = _make_deg()(ones_deg, dst3d, zeros_deg)

  dis, g1 = pl.pallas_call(
      _tc1_body,
      grid=(_NG,),
      in_specs=[_part_spec(DEG_W), _row_spec(128), _full_spec(128, 128)],
      out_specs=[_dis_spec(), _row_spec(128)],
      out_shape=[jax.ShapeDtypeStruct((N, 1), jnp.float32),
                 jax.ShapeDtypeStruct((N, 128), jnp.float32)],
  )(degp, x, W1)

  s1p = _make_prop(128, CH2, NCH2, 5)(g1, src3, dst3, zeros128)

  g2 = pl.pallas_call(
      _tc2_body,
      grid=(_NG,),
      in_specs=[_part_spec(128), _dis_spec(),
                _full_spec(1, 128), _full_spec(128, 64)],
      out_specs=_row_spec(64),
      out_shape=jax.ShapeDtypeStruct((N, 64), jnp.float32),
  )(s1p, dis, b1.reshape(1, 128), W2)

  s2p = _make_prop(64, CH2, NCH2, 8)(g2, src3, dst3, zeros64)

  g3 = pl.pallas_call(
      _tc3_body,
      grid=(_NG,),
      in_specs=[_part_spec(64), _dis_spec(),
                _full_spec(1, 64)],
      out_specs=_row_spec(64),
      out_shape=jax.ShapeDtypeStruct((N, 64), jnp.float32),
  )(s2p, dis, b2.reshape(1, 64))

  s3p = _make_prop(64, CH2, NCH2, 8)(g3, src3, dst3, zeros64)

  out = pl.pallas_call(
      _tc4_body,
      grid=(_NG,),
      in_specs=[_part_spec(64), _dis_spec(),
                _full_spec(64, 128), _full_spec(1, 128)],
      out_specs=_row_spec(128),
      out_shape=jax.ShapeDtypeStruct((N, 128), jnp.float32),
  )(s3p, dis, W3, b3.reshape(1, 128))

  return out

# --- scband reference (transcript-rebuilt; emitter-appended) ---
"""Pipeline reference for scband-gnnnet-83958020703045 (READ-ONLY COPY).

The authoritative reference and input builder live on the scoring server;
editing this copy changes nothing except your own understanding.
"""

import jax, jax.numpy as jnp
import numpy as np

N_NODES = 10000
N_EDGES = 320000
D_IN = 128
D_HID = 128
D_EMB = 64


def gcn_conv(x, edge_index, W, b, num_nodes):
    # GCNConv: add self-loops, symmetric normalization, message passing, bias
    src = edge_index[0]
    dst = edge_index[1]
    loop = jnp.arange(num_nodes, dtype=edge_index.dtype)
    src = jnp.concatenate([src, loop])
    dst = jnp.concatenate([dst, loop])
    h = x @ W
    ones = jnp.ones(src.shape[0], dtype=x.dtype)
    deg = jax.ops.segment_sum(ones, dst, num_segments=num_nodes)
    deg_inv_sqrt = jnp.where(deg > 0, deg ** -0.5, 0.0)
    norm = deg_inv_sqrt[src] * deg_inv_sqrt[dst]
    msg = h[src] * norm[:, None]
    out = jax.ops.segment_sum(msg, dst, num_segments=num_nodes)
    return out + b


def setup_inputs(seed: int = 0) -> dict:
    key = jax.random.key(seed)
    k = jax.random.split(key, 8)
    x = jax.random.normal(k[0], (N_NODES, D_IN), dtype=jnp.float32)
    edge_index = jax.random.randint(k[1], (2, N_EDGES), 0, N_NODES, dtype=jnp.int64)
    s1 = 1.0 / np.sqrt(D_IN)
    s2 = 1.0 / np.sqrt(D_HID)
    s3 = 1.0 / np.sqrt(D_EMB)
    W1 = jax.random.uniform(k[2], (D_IN, D_HID), jnp.float32, -s1, s1)
    b1 = jnp.zeros((D_HID,), jnp.float32)
    W2 = jax.random.uniform(k[3], (D_HID, D_EMB), jnp.float32, -s2, s2)
    b2 = jnp.zeros((D_EMB,), jnp.float32)
    W3 = jax.random.uniform(k[4], (D_EMB, D_IN), jnp.float32, -s3, s3)
    b3 = jnp.zeros((D_IN,), jnp.float32)
    return {"x": x, "edge_index": edge_index, "W1": W1, "b1": b1, "W2": W2, "b2": b2, "W3": W3, "b3": b3}


def reference(x, edge_index, W1, b1, W2, b2, W3, b3):
    num_nodes = x.shape[0]
    h = jax.nn.relu(gcn_conv(x, edge_index, W1, b1, num_nodes))
    h = jax.nn.relu(gcn_conv(h, edge_index, W2, b2, num_nodes))
    out = gcn_conv(h, edge_index, W3, b3, num_nodes)
    return out

if __name__ == "__main__":
    import jax
    _d = setup_inputs()
    print(jax.jit(kernel)(*tuple(_d.values())))

</pallas_src>

<mosaic_0001>
#map = affine_map<(d0, d1) -> (0, 0)>
#map1 = affine_map<(d0, d1) -> (0, 0, 0)>
module attributes {stable_mosaic.version = 14 : i64} {
  func.func @prop(%arg0: i32, %arg1: i32, %arg2: memref<10000x64xf32, #tpu.memory_space<hbm>>, %arg3: memref<32x250x40xi32, #tpu.memory_space<hbm>>, %arg4: memref<32x250x40xi32, #tpu.memory_space<hbm>>, %arg5: memref<640x64xf32, #tpu.memory_space<hbm>>, %arg6: memref<2x10240x64xf32, #tpu.memory_space<hbm>>, %arg7: memref<250x40xi32, #tpu.memory_space<vmem>>, %arg8: memref<250x40xi32, #tpu.memory_space<vmem>>, %arg9: memref<40x64xf32, #tpu.memory_space<vmem>>, %arg10: memref<40x64xf32, #tpu.memory_space<vmem>>, %arg11: memref<40x64xf32, #tpu.memory_space<vmem>>, %arg12: memref<40x64xf32, #tpu.memory_space<vmem>>, %arg13: memref<40x64xf32, #tpu.memory_space<vmem>>, %arg14: memref<40x64xf32, #tpu.memory_space<vmem>>, %arg15: memref<40x64xf32, #tpu.memory_space<vmem>>, %arg16: memref<40x64xf32, #tpu.memory_space<vmem>>, %arg17: memref<10240x64xf32, #tpu.memory_space<vmem_shared>>, %arg18: memref<!tpu.dma_semaphore, #tpu.memory_space<semaphore_mem>>, %arg19: memref<!tpu.dma_semaphore, #tpu.memory_space<semaphore_mem>>, %arg20: memref<!tpu.dma_semaphore, #tpu.memory_space<semaphore_mem>>, %arg21: memref<!tpu.dma_semaphore, #tpu.memory_space<semaphore_mem>>, %arg22: memref<!tpu.dma_semaphore, #tpu.memory_space<semaphore_mem>>, %arg23: memref<!tpu.dma_semaphore, #tpu.memory_space<semaphore_mem>>, %arg24: memref<!tpu.dma_semaphore, #tpu.memory_space<semaphore_mem>>, %arg25: memref<!tpu.dma_semaphore, #tpu.memory_space<semaphore_mem>>, %arg26: memref<!tpu.dma_semaphore, #tpu.memory_space<semaphore_mem>>, %arg27: memref<!tpu.dma_semaphore, #tpu.memory_space<semaphore_mem>>, %arg28: memref<!tpu.dma_semaphore, #tpu.memory_space<semaphore_mem>>, %arg29: memref<!tpu.dma_semaphore, #tpu.memory_space<semaphore_mem>>, %arg30: memref<!tpu.dma_semaphore, #tpu.memory_space<semaphore_mem>>, %arg31: memref<!tpu.dma_semaphore, #tpu.memory_space<semaphore_mem>>, %arg32: memref<!tpu.dma_semaphore, #tpu.memory_space<semaphore_mem>>, %arg33: memref<!tpu.dma_semaphore, #tpu.memory_space<semaphore_mem>>) attributes {dimension_semantics = [#tpu.dimension_semantics<core_parallel>, #tpu.dimension_semantics<subcore_parallel>], iteration_bounds = array<i64: 2, 16>, scalar_prefetch = 0 : i64, scratch_operands = 27 : i64, tpu.core_type = #tpu.core_type<sc_vector_subcore>, window_params = [{transform_indices = #map}, {transform_indices = #map1}, {transform_indices = #map1}, {transform_indices = #map}, {transform_indices = #map1}]} {
    %mul3A = arith.constant 2 : i32
    %mul3A_0 = arith.muli %arg1, %mul3A : i32
    %add3A = arith.addi %mul3A_0, %arg0 : i32
    "tpu.region"() ({
      %run_scoped3A = tpu.sem_alloc : memref<!tpu.dma_semaphore, #tpu.memory_space<semaphore_mem>>
      %dma_start3A_149 = arith.constant 0 : i32
      %dma_start3A_150 = arith.constant 0 : i32
      %dma_start3A_151 = tpu.memref_slice %arg3[%add3A, %dma_start3A_149, %dma_start3A_150] : memref<32x250x40xi32, #tpu.memory_space<hbm>> -> memref<1x250x40xi32, #tpu.memory_space<hbm>>
      %dma_start3A_152 = tpu.memref_squeeze %dma_start3A_151 : memref<1x250x40xi32, #tpu.memory_space<hbm>> -> memref<250x40xi32, #tpu.memory_space<hbm>>
      %dma_start3A_153 = arith.constant 0 : i32
      %dma_start3A_154 = arith.constant 0 : i32
      %dma_start3A_155 = tpu.memref_slice %arg3[%add3A, %dma_start3A_153, %dma_start3A_154] : memref<32x250x40xi32, #tpu.memory_space<hbm>> -> memref<1x250x40xi32, #tpu.memory_space<hbm>>
      %dma_start3A_156 = tpu.memref_squeeze %dma_start3A_155 : memref<1x250x40xi32, #tpu.memory_space<hbm>> -> memref<250x40xi32, #tpu.memory_space<hbm>>
      tpu.enqueue_dma source(%dma_start3A_156 : memref<250x40xi32, #tpu.memory_space<hbm>>) target(%arg7 : memref<250x40xi32, #tpu.memory_space<vmem>>) target_semaphore(%run_scoped3A : memref<!tpu.dma_semaphore, #tpu.memory_space<semaphore_mem>>)
      %dma_wait3A_157 = arith.constant 0 : i32
      %dma_wait3A_158 = arith.constant 0 : i32
      %dma_wait3A_159 = tpu.memref_slice %arg3[%add3A, %dma_wait3A_157, %dma_wait3A_158] : memref<32x250x40xi32, #tpu.memory_space<hbm>> -> memref<1x250x40xi32, #tpu.memory_space<hbm>>
      %dma_wait3A_160 = tpu.memref_squeeze %dma_wait3A_159 : memref<1x250x40xi32, #tpu.memory_space<hbm>> -> memref<250x40xi32, #tpu.memory_space<hbm>>
      %dma_wait3A_161 = arith.constant 0 : i32
      %dma_wait3A_162 = arith.constant 0 : i32
      %dma_wait3A_163 = tpu.memref_slice %arg3[%add3A, %dma_wait3A_161, %dma_wait3A_162] : memref<32x250x40xi32, #tpu.memory_space<hbm>> -> memref<1x250x40xi32, #tpu.memory_space<hbm>>
      %dma_wait3A_164 = tpu.memref_squeeze %dma_wait3A_163 : memref<1x250x40xi32, #tpu.memory_space<hbm>> -> memref<250x40xi32, #tpu.memory_space<hbm>>
      tpu.wait_dma2 semaphore(%run_scoped3A : memref<!tpu.dma_semaphore, #tpu.memory_space<semaphore_mem>>) src(%dma_wait3A_164 : memref<250x40xi32, #tpu.memory_space<hbm>>) dst(%arg7 : memref<250x40xi32, #tpu.memory_space<vmem>>)
      tpu.yield
    }) : () -> ()
    "tpu.region"() ({
      %run_scoped3A = tpu.sem_alloc : memref<!tpu.dma_semaphore, #tpu.memory_space<semaphore_mem>>
      %dma_start3A_149 = arith.constant 0 : i32
      %dma_start3A_150 = arith.constant 0 : i32
      %dma_start3A_151 = tpu.memref_slice %arg4[%add3A, %dma_start3A_149, %dma_start3A_150] : memref<32x250x40xi32, #tpu.memory_space<hbm>> -> memref<1x250x40xi32, #tpu.memory_space<hbm>>
      %dma_start3A_152 = tpu.memref_squeeze %dma_start3A_151 : memref<1x250x40xi32, #tpu.memory_space<hbm>> -> memref<250x40xi32, #tpu.memory_space<hbm>>
      %dma_start3A_153 = arith.constant 0 : i32
      %dma_start3A_154 = arith.constant 0 : i32
      %dma_start3A_155 = tpu.memref_slice %arg4[%add3A, %dma_start3A_153, %dma_start3A_154] : memref<32x250x40xi32, #tpu.memory_space<hbm>> -> memref<1x250x40xi32, #tpu.memory_space<hbm>>
      %dma_start3A_156 = tpu.memref_squeeze %dma_start3A_155 : memref<1x250x40xi32, #tpu.memory_space<hbm>> -> memref<250x40xi32, #tpu.memory_space<hbm>>
      tpu.enqueue_dma source(%dma_start3A_156 : memref<250x40xi32, #tpu.memory_space<hbm>>) target(%arg8 : memref<250x40xi32, #tpu.memory_space<vmem>>) target_semaphore(%run_scoped3A : memref<!tpu.dma_semaphore, #tpu.memory_space<semaphore_mem>>)
      %dma_wait3A_157 = arith.constant 0 : i32
      %dma_wait3A_158 = arith.constant 0 : i32
      %dma_wait3A_159 = tpu.memref_slice %arg4[%add3A, %dma_wait3A_157, %dma_wait3A_158] : memref<32x250x40xi32, #tpu.memory_space<hbm>> -> memref<1x250x40xi32, #tpu.memory_space<hbm>>
      %dma_wait3A_160 = tpu.memref_squeeze %dma_wait3A_159 : memref<1x250x40xi32, #tpu.memory_space<hbm>> -> memref<250x40xi32, #tpu.memory_space<hbm>>
      %dma_wait3A_161 = arith.constant 0 : i32
      %dma_wait3A_162 = arith.constant 0 : i32
      %dma_wait3A_163 = tpu.memref_slice %arg4[%add3A, %dma_wait3A_161, %dma_wait3A_162] : memref<32x250x40xi32, #tpu.memory_space<hbm>> -> memref<1x250x40xi32, #tpu.memory_space<hbm>>
      %dma_wait3A_164 = tpu.memref_squeeze %dma_wait3A_163 : memref<1x250x40xi32, #tpu.memory_space<hbm>> -> memref<250x40xi32, #tpu.memory_space<hbm>>
      tpu.wait_dma2 semaphore(%run_scoped3A : memref<!tpu.dma_semaphore, #tpu.memory_space<semaphore_mem>>) src(%dma_wait3A_164 : memref<250x40xi32, #tpu.memory_space<hbm>>) dst(%arg8 : memref<250x40xi32, #tpu.memory_space<vmem>>)
      tpu.yield
    }) : () -> ()
    %eq3A = arith.constant 0 : i32
    %eq3A_1 = arith.cmpi eq, %arg0, %eq3A : i32
    %convert_element_type3A = arith.extui %eq3A_1 : i1 to i32
    %cond3A = arith.constant 0 : i32
    %cond3A_2 = arith.cmpi ne, %convert_element_type3A, %cond3A : i32
    scf.if %cond3A_2 {
      %lt3A = arith.constant 15 : i32
      %lt3A_149 = arith.cmpi slt, %arg1, %lt3A : i32
      %convert_element_type3A_150 = arith.extui %lt3A_149 : i1 to i32
      %cond3A_151 = arith.constant 0 : i32
      %cond3A_152 = arith.cmpi ne, %convert_element_type3A_150, %cond3A_151 : i32
      scf.if %cond3A_152 {
        %mul3A_158 = arith.constant 640 : i32
        %mul3A_159 = arith.muli %arg1, %mul3A_158 : i32
        %mul3A_160 = arith.constant 640 : i32
        %mul3A_161 = arith.muli %arg1, %mul3A_160 : i32
        "tpu.region"() ({
          %run_scoped3A = tpu.sem_alloc : memref<!tpu.dma_semaphore, #tpu.memory_space<semaphore_mem>>
          %dma_start3A_162 = arith.constant 0 : i32
          %dma_start3A_163 = tpu.memref_slice %arg17[%mul3A_161, %dma_start3A_162] : memref<10240x64xf32, #tpu.memory_space<vmem_shared>> -> memref<640x64xf32, #tpu.memory_space<vmem_shared>>
          %dma_start3A_164 = arith.constant 0 : i32
          %dma_start3A_165 = tpu.memref_slice %arg2[%mul3A_159, %dma_start3A_164] : memref<10000x64xf32, #tpu.memory_space<hbm>> -> memref<640x64xf32, #tpu.memory_space<hbm>>
          tpu.enqueue_dma source(%dma_start3A_165 : memref<640x64xf32, #tpu.memory_space<hbm>>) target(%dma_start3A_163 : memref<640x64xf32, #tpu.memory_space<vmem_shared>>) target_semaphore(%run_scoped3A : memref<!tpu.dma_semaphore, #tpu.memory_space<semaphore_mem>>)
          %dma_wait3A_166 = arith.constant 0 : i32
          %dma_wait3A_167 = tpu.memref_slice %arg17[%mul3A_161, %dma_wait3A_166] : memref<10240x64xf32, #tpu.memory_space<vmem_shared>> -> memref<640x64xf32, #tpu.memory_space<vmem_shared>>
          %dma_wait3A_168 = arith.constant 0 : i32
          %dma_wait3A_169 = tpu.memref_slice %arg2[%mul3A_159, %dma_wait3A_168] : memref<10000x64xf32, #tpu.memory_space<hbm>> -> memref<640x64xf32, #tpu.memory_space<hbm>>
          tpu.wait_dma2 semaphore(%run_scoped3A : memref<!tpu.dma_semaphore, #tpu.memory_space<semaphore_mem>>) src(%dma_wait3A_169 : memref<640x64xf32, #tpu.memory_space<hbm>>) dst(%dma_wait3A_167 : memref<640x64xf32, #tpu.memory_space<vmem_shared>>)
          tpu.yield
        }) : () -> ()
      } else {
      }
      %eq3A_153 = arith.constant 15 : i32
      %eq3A_154 = arith.cmpi eq, %arg1, %eq3A_153 : i32
      %convert_element_type3A_155 = arith.extui %eq3A_154 : i1 to i32
      %cond3A_156 = arith.constant 0 : i32
      %cond3A_157 = arith.cmpi ne, %convert_element_type3A_155, %cond3A_156 : i32
      scf.if %cond3A_157 {
        "tpu.region"() ({
          %run_scoped3A = tpu.sem_alloc : memref<!tpu.dma_semaphore, #tpu.memory_space<semaphore_mem>>
          %dma_start3A_158 = arith.constant 9600 : i32
          %dma_start3A_159 = arith.constant 0 : i32
          %dma_start3A_160 = tpu.memref_slice %arg17[%dma_start3A_158, %dma_start3A_159] : memref<10240x64xf32, #tpu.memory_space<vmem_shared>> -> memref<400x64xf32, #tpu.memory_space<vmem_shared>>
          %dma_start3A_161 = arith.constant 9600 : i32
          %dma_start3A_162 = arith.constant 0 : i32
          %dma_start3A_163 = tpu.memref_slice %arg2[%dma_start3A_161, %dma_start3A_162] : memref<10000x64xf32, #tpu.memory_space<hbm>> -> memref<400x64xf32, #tpu.memory_space<hbm>>
          tpu.enqueue_dma source(%dma_start3A_163 : memref<400x64xf32, #tpu.memory_space<hbm>>) target(%dma_start3A_160 : memref<400x64xf32, #tpu.memory_space<vmem_shared>>) target_semaphore(%run_scoped3A : memref<!tpu.dma_semaphore, #tpu.memory_space<semaphore_mem>>)
          %dma_wait3A_164 = arith.constant 9600 : i32
          %dma_wait3A_165 = arith.constant 0 : i32
          %dma_wait3A_166 = tpu.memref_slice %arg17[%dma_wait3A_164, %dma_wait3A_165] : memref<10240x64xf32, #tpu.memory_space<vmem_shared>> -> memref<400x64xf32, #tpu.memory_space<vmem_shared>>
          %dma_wait3A_167 = arith.constant 9600 : i32
          %dma_wait3A_168 = arith.constant 0 : i32
          %dma_wait3A_169 = tpu.memref_slice %arg2[%dma_wait3A_167, %dma_wait3A_168] : memref<10000x64xf32, #tpu.memory_space<hbm>> -> memref<400x64xf32, #tpu.memory_space<hbm>>
          tpu.wait_dma2 semaphore(%run_scoped3A : memref<!tpu.dma_semaphore, #tpu.memory_space<semaphore_mem>>) src(%dma_wait3A_169 : memref<400x64xf32, #tpu.memory_space<hbm>>) dst(%dma_wait3A_166 : memref<400x64xf32, #tpu.memory_space<vmem_shared>>)
          tpu.yield
        }) : () -> ()
        "tpu.region"() ({
          %run_scoped3A = tpu.sem_alloc : memref<!tpu.dma_semaphore, #tpu.memory_space<semaphore_mem>>
          %dma_start3A_158 = arith.constant 10000 : i32
          %dma_start3A_159 = arith.constant 0 : i32
          %dma_start3A_160 = tpu.memref_slice %arg17[%dma_start3A_158, %dma_start3A_159] : memref<10240x64xf32, #tpu.memory_space<vmem_shared>> -> memref<240x64xf32, #tpu.memory_space<vmem_shared>>
          %dma_start3A_161 = arith.constant 0 : i32
          %dma_start3A_162 = arith.constant 0 : i32
          %dma_start3A_163 = tpu.memref_slice %arg5[%dma_start3A_161, %dma_start3A_162] : memref<640x64xf32, #tpu.memory_space<hbm>> -> memref<240x64xf32, #tpu.memory_space<hbm>>
          tpu.enqueue_dma source(%dma_start3A_163 : memref<240x64xf32, #tpu.memory_space<hbm>>) target(%dma_start3A_160 : memref<240x64xf32, #tpu.memory_space<vmem_shared>>) target_semaphore(%run_scoped3A : memref<!tpu.dma_semaphore, #tpu.memory_space<semaphore_mem>>)
          %dma_wait3A_164 = arith.constant 10000 : i32
          %dma_wait3A_165 = arith.constant 0 : i32
          %dma_wait3A_166 = tpu.memref_slice %arg17[%dma_wait3A_164, %dma_wait3A_165] : memref<10240x64xf32, #tpu.memory_space<vmem_shared>> -> memref<240x64xf32, #tpu.memory_space<vmem_shared>>
          %dma_wait3A_167 = arith.constant 0 : i32
          %dma_wait3A_168 = arith.constant 0 : i32
          %dma_wait3A_169 = tpu.memref_slice %arg5[%dma_wait3A_167, %dma_wait3A_168] : memref<640x64xf32, #tpu.memory_space<hbm>> -> memref<240x64xf32, #tpu.memory_space<hbm>>
          tpu.wait_dma2 semaphore(%run_scoped3A : memref<!tpu.dma_semaphore, #tpu.memory_space<semaphore_mem>>) src(%dma_wait3A_169 : memref<240x64xf32, #tpu.memory_space<hbm>>) dst(%dma_wait3A_166 : memref<240x64xf32, #tpu.memory_space<vmem_shared>>)
          tpu.yield
        }) : () -> ()
      } else {
      }
    } else {
    }
    %eq3A_3 = arith.constant 1 : i32
    %eq3A_4 = arith.cmpi eq, %arg0, %eq3A_3 : i32
    %convert_element_type3A_5 = arith.extui %eq3A_4 : i1 to i32
    %cond3A_6 = arith.constant 0 : i32
    %cond3A_7 = arith.cmpi ne, %convert_element_type3A_5, %cond3A_6 : i32
    scf.if %cond3A_7 {
      %mul3A_149 = arith.constant 640 : i32
      %mul3A_150 = arith.muli %arg1, %mul3A_149 : i32
      "tpu.region"() ({
        %run_scoped3A = tpu.sem_alloc : memref<!tpu.dma_semaphore, #tpu.memory_space<semaphore_mem>>
        %dma_start3A_151 = arith.constant 0 : i32
        %dma_start3A_152 = tpu.memref_slice %arg17[%mul3A_150, %dma_start3A_151] : memref<10240x64xf32, #tpu.memory_space<vmem_shared>> -> memref<640x64xf32, #tpu.memory_space<vmem_shared>>
        tpu.enqueue_dma source(%arg5 : memref<640x64xf32, #tpu.memory_space<hbm>>) target(%dma_start3A_152 : memref<640x64xf32, #tpu.memory_space<vmem_shared>>) target_semaphore(%run_scoped3A : memref<!tpu.dma_semaphore, #tpu.memory_space<semaphore_mem>>)
        %dma_wait3A_153 = arith.constant 0 : i32
        %dma_wait3A_154 = tpu.memref_slice %arg17[%mul3A_150, %dma_wait3A_153] : memref<10240x64xf32, #tpu.memory_space<vmem_shared>> -> memref<640x64xf32, #tpu.memory_space<vmem_shared>>
        tpu.wait_dma2 semaphore(%run_scoped3A : memref<!tpu.dma_semaphore, #tpu.memory_space<semaphore_mem>>) src(%arg5 : memref<640x64xf32, #tpu.memory_space<hbm>>) dst(%dma_wait3A_154 : memref<640x64xf32, #tpu.memory_space<vmem_shared>>)
        tpu.yield
      }) : () -> ()
    } else {
    }
    %barrier3A = arith.constant 0 : index
    tpu.barrier barrier_id(%barrier3A)
    %dma_start3A = arith.constant 0 : i32
    %dma_start3A_8 = arith.constant 0 : i32
    %dma_start3A_9 = tpu.memref_slice %arg7[%dma_start3A, %dma_start3A_8] : memref<250x40xi32, #tpu.memory_space<vmem>> -> memref<1x40xi32, #tpu.memory_space<vmem>>
    %dma_start3A_10 = tpu.memref_squeeze %dma_start3A_9 : memref<1x40xi32, #tpu.memory_space<vmem>> -> memref<40xi32, #tpu.memory_space<vmem>>
    %dma_start3A_11 = arith.constant 0 : i32
    %dma_start3A_12 = arith.constant 0 : i32
    %dma_start3A_13 = tpu.memref_slice %arg2[%dma_start3A_11, %dma_start3A_12] : memref<10000x64xf32, #tpu.memory_space<hbm>> -> memref<10000x64xf32, #tpu.memory_space<hbm>>
    tpu.enqueue_indirect_dma source(%dma_start3A_13 : memref<10000x64xf32, #tpu.memory_space<hbm>>) target(%arg9 : memref<40x64xf32, #tpu.memory_space<vmem>>) offsets(%dma_start3A_10 : memref<40xi32, #tpu.memory_space<vmem>>) semaphore(%arg18 : memref<!tpu.dma_semaphore, #tpu.memory_space<semaphore_mem>>)
    %dma_start3A_14 = arith.constant 1 : i32
    %dma_start3A_15 = arith.constant 0 : i32
    %dma_start3A_16 = tpu.memref_slice %arg7[%dma_start3A_14, %dma_start3A_15] : memref<250x40xi32, #tpu.memory_space<vmem>> -> memref<1x40xi32, #tpu.memory_space<vmem>>
    %dma_start3A_17 = tpu.memref_squeeze %dma_start3A_16 : memref<1x40xi32, #tpu.memory_space<vmem>> -> memref<40xi32, #tpu.memory_space<vmem>>
    %dma_start3A_18 = arith.constant 0 : i32
    %dma_start3A_19 = arith.constant 0 : i32
    %dma_start3A_20 = tpu.memref_slice %arg2[%dma_start3A_18, %dma_start3A_19] : memref<10000x64xf32, #tpu.memory_space<hbm>> -> memref<10000x64xf32, #tpu.memory_space<hbm>>
    tpu.enqueue_indirect_dma source(%dma_start3A_20 : memref<10000x64xf32, #tpu.memory_space<hbm>>) target(%arg10 : memref<40x64xf32, #tpu.memory_space<vmem>>) offsets(%dma_start3A_17 : memref<40xi32, #tpu.memory_space<vmem>>) semaphore(%arg19 : memref<!tpu.dma_semaphore, #tpu.memory_space<semaphore_mem>>)
    %dma_start3A_21 = arith.constant 2 : i32
    %dma_start3A_22 = arith.constant 0 : i32
    %dma_start3A_23 = tpu.memref_slice %arg7[%dma_start3A_21, %dma_start3A_22] : memref<250x40xi32, #tpu.memory_space<vmem>> -> memref<1x40xi32, #tpu.memory_space<vmem>>
    %dma_start3A_24 = tpu.memref_squeeze %dma_start3A_23 : memref<1x40xi32, #tpu.memory_space<vmem>> -> memref<40xi32, #tpu.memory_space<vmem>>
    %dma_start3A_25 = arith.constant 0 : i32
    %dma_start3A_26 = arith.constant 0 : i32
    %dma_start3A_27 = tpu.memref_slice %arg2[%dma_start3A_25, %dma_start3A_26] : memref<10000x64xf32, #tpu.memory_space<hbm>> -> memref<10000x64xf32, #tpu.memory_space<hbm>>
    tpu.enqueue_indirect_dma source(%dma_start3A_27 : memref<10000x64xf32, #tpu.memory_space<hbm>>) target(%arg11 : memref<40x64xf32, #tpu.memory_space<vmem>>) offsets(%dma_start3A_24 : memref<40xi32, #tpu.memory_space<vmem>>) semaphore(%arg20 : memref<!tpu.dma_semaphore, #tpu.memory_space<semaphore_mem>>)
    %dma_start3A_28 = arith.constant 3 : i32
    %dma_start3A_29 = arith.constant 0 : i32
    %dma_start3A_30 = tpu.memref_slice %arg7[%dma_start3A_28, %dma_start3A_29] : memref<250x40xi32, #tpu.memory_space<vmem>> -> memref<1x40xi32, #tpu.memory_space<vmem>>
    %dma_start3A_31 = tpu.memref_squeeze %dma_start3A_30 : memref<1x40xi32, #tpu.memory_space<vmem>> -> memref<40xi32, #tpu.memory_space<vmem>>
    %dma_start3A_32 = arith.constant 0 : i32
    %dma_start3A_33 = arith.constant 0 : i32
    %dma_start3A_34 = tpu.memref_slice %arg2[%dma_start3A_32, %dma_start3A_33] : memref<10000x64xf32, #tpu.memory_space<hbm>> -> memref<10000x64xf32, #tpu.memory_space<hbm>>
    tpu.enqueue_indirect_dma source(%dma_start3A_34 : memref<10000x64xf32, #tpu.memory_space<hbm>>) target(%arg12 : memref<40x64xf32, #tpu.memory_space<vmem>>) offsets(%dma_start3A_31 : memref<40xi32, #tpu.memory_space<vmem>>) semaphore(%arg21 : memref<!tpu.dma_semaphore, #tpu.memory_space<semaphore_mem>>)
    %dma_start3A_35 = arith.constant 4 : i32
    %dma_start3A_36 = arith.constant 0 : i32
    %dma_start3A_37 = tpu.memref_slice %arg7[%dma_start3A_35, %dma_start3A_36] : memref<250x40xi32, #tpu.memory_space<vmem>> -> memref<1x40xi32, #tpu.memory_space<vmem>>
    %dma_start3A_38 = tpu.memref_squeeze %dma_start3A_37 : memref<1x40xi32, #tpu.memory_space<vmem>> -> memref<40xi32, #tpu.memory_space<vmem>>
    %dma_start3A_39 = arith.constant 0 : i32
    %dma_start3A_40 = arith.constant 0 : i32
    %dma_start3A_41 = tpu.memref_slice %arg2[%dma_start3A_39, %dma_start3A_40] : memref<10000x64xf32, #tpu.memory_space<hbm>> -> memref<10000x64xf32, #tpu.memory_space<hbm>>
    tpu.enqueue_indirect_dma source(%dma_start3A_41 : memref<10000x64xf32, #tpu.memory_space<hbm>>) target(%arg13 : memref<40x64xf32, #tpu.memory_space<vmem>>) offsets(%dma_start3A_38 : memref<40xi32, #tpu.memory_space<vmem>>) semaphore(%arg22 : memref<!tpu.dma_semaphore, #tpu.memory_space<semaphore_mem>>)
    %dma_start3A_42 = arith.constant 5 : i32
    %dma_start3A_43 = arith.constant 0 : i32
    %dma_start3A_44 = tpu.memref_slice %arg7[%dma_start3A_42, %dma_start3A_43] : memref<250x40xi32, #tpu.memory_space<vmem>> -> memref<1x40xi32, #tpu.memory_space<vmem>>
    %dma_start3A_45 = tpu.memref_squeeze %dma_start3A_44 : memref<1x40xi32, #tpu.memory_space<vmem>> -> memref<40xi32, #tpu.memory_space<vmem>>
    %dma_start3A_46 = arith.constant 0 : i32
    %dma_start3A_47 = arith.constant 0 : i32
    %dma_start3A_48 = tpu.memref_slice %arg2[%dma_start3A_46, %dma_start3A_47] : memref<10000x64xf32, #tpu.memory_space<hbm>> -> memref<10000x64xf32, #tpu.memory_space<hbm>>
    tpu.enqueue_indirect_dma source(%dma_start3A_48 : memref<10000x64xf32, #tpu.memory_space<hbm>>) target(%arg14 : memref<40x64xf32, #tpu.memory_space<vmem>>) offsets(%dma_start3A_45 : memref<40xi32, #tpu.memory_space<vmem>>) semaphore(%arg23 : memref<!tpu.dma_semaphore, #tpu.memory_space<semaphore_mem>>)
    %dma_start3A_49 = arith.constant 6 : i32
    %dma_start3A_50 = arith.constant 0 : i32
    %dma_start3A_51 = tpu.memref_slice %arg7[%dma_start3A_49, %dma_start3A_50] : memref<250x40xi32, #tpu.memory_space<vmem>> -> memref<1x40xi32, #tpu.memory_space<vmem>>
    %dma_start3A_52 = tpu.memref_squeeze %dma_start3A_51 : memref<1x40xi32, #tpu.memory_space<vmem>> -> memref<40xi32, #tpu.memory_space<vmem>>
    %dma_start3A_53 = arith.constant 0 : i32
    %dma_start3A_54 = arith.constant 0 : i32
    %dma_start3A_55 = tpu.memref_slice %arg2[%dma_start3A_53, %dma_start3A_54] : memref<10000x64xf32, #tpu.memory_space<hbm>> -> memref<10000x64xf32, #tpu.memory_space<hbm>>
    tpu.enqueue_indirect_dma source(%dma_start3A_55 : memref<10000x64xf32, #tpu.memory_space<hbm>>) target(%arg15 : memref<40x64xf32, #tpu.memory_space<vmem>>) offsets(%dma_start3A_52 : memref<40xi32, #tpu.memory_space<vmem>>) semaphore(%arg24 : memref<!tpu.dma_semaphore, #tpu.memory_space<semaphore_mem>>)
    %scan3A = arith.constant 0 : i32
    %scan3A_56 = arith.constant 0 : i32
    %scan3A_57 = arith.constant 31 : i32
    %scan3A_58 = arith.addi %scan3A_56, %scan3A_57 : i32
    %scan3A_59 = arith.constant 1 : i32
    scf.for %scan3A_149 = %scan3A_56 to %scan3A_58 step %scan3A_59  : i32 {
      %mul3A_150 = arith.constant 8 : i32
      %mul3A_151 = arith.muli %mul3A_150, %scan3A_149 : i32
      %add3A_152 = arith.constant 0 : i32
      %add3A_153 = arith.addi %mul3A_151, %add3A_152 : i32
      %add3A_154 = arith.constant 8 : i32
      %add3A_155 = arith.addi %add3A_153, %add3A_154 : i32
      %sub3A = arith.constant 1 : i32
      %sub3A_156 = arith.subi %add3A_155, %sub3A : i32
      %lt3A = arith.constant 250 : i32
      %lt3A_157 = arith.cmpi slt, %sub3A_156, %lt3A : i32
      %convert_element_type3A_158 = arith.extui %lt3A_157 : i1 to i32
      %cond3A_159 = arith.constant 0 : i32
      %cond3A_160 = arith.cmpi ne, %convert_element_type3A_158, %cond3A_159 : i32
      scf.if %cond3A_160 {
        %ge3A = arith.constant 8 : i32
        %ge3A_350 = arith.cmpi sge, %sub3A_156, %ge3A : i32
        %convert_element_type3A_351 = arith.extui %ge3A_350 : i1 to i32
        %cond3A_352 = arith.constant 0 : i32
        %cond3A_353 = arith.cmpi ne, %convert_element_type3A_351, %cond3A_352 : i32
        scf.if %cond3A_353 {
          %sub3A_360 = arith.constant 8 : i32
          %sub3A_361 = arith.subi %sub3A_156, %sub3A_360 : i32
          %dma_wait3A_362 = arith.constant 0 : i32
          %dma_wait3A_363 = tpu.memref_slice %arg8[%sub3A_361, %dma_wait3A_362] : memref<250x40xi32, #tpu.memory_space<vmem>> -> memref<1x40xi32, #tpu.memory_space<vmem>>
          %dma_wait3A_364 = tpu.memref_squeeze %dma_wait3A_363 : memref<1x40xi32, #tpu.memory_space<vmem>> -> memref<40xi32, #tpu.memory_space<vmem>>
          %dma_wait3A_365 = arith.constant 0 : i32
          %dma_wait3A_366 = arith.constant 0 : i32
          %dma_wait3A_367 = tpu.memref_slice %arg17[%dma_wait3A_365, %dma_wait3A_366] : memref<10240x64xf32, #tpu.memory_space<vmem_shared>> -> memref<10240x64xf32, #tpu.memory_space<vmem_shared>>
          tpu.wait_indirect_dma semaphore(%arg33 : memref<!tpu.dma_semaphore, #tpu.memory_space<semaphore_mem>>) src(%arg16 : memref<40x64xf32, #tpu.memory_space<vmem>>) dst(%dma_wait3A_367 : memref<10240x64xf32, #tpu.memory_space<vmem_shared>>)
        } else {
        }
        %dma_start3A_354 = arith.constant 0 : i32
        %dma_start3A_355 = tpu.memref_slice %arg7[%sub3A_156, %dma_start3A_354] : memref<250x40xi32, #tpu.memory_space<vmem>> -> memref<1x40xi32, #tpu.memory_space<vmem>>
        %dma_start3A_356 = tpu.memref_squeeze %dma_start3A_355 : memref<1x40xi32, #tpu.memory_space<vmem>> -> memref<40xi32, #tpu.memory_space<vmem>>
        %dma_start3A_357 = arith.constant 0 : i32
        %dma_start3A_358 = arith.constant 0 : i32
        %dma_start3A_359 = tpu.memref_slice %arg2[%dma_start3A_357, %dma_start3A_358] : memref<10000x64xf32, #tpu.memory_space<hbm>> -> memref<10000x64xf32, #tpu.memory_space<hbm>>
        tpu.enqueue_indirect_dma source(%dma_start3A_359 : memref<10000x64xf32, #tpu.memory_space<hbm>>) target(%arg16 : memref<40x64xf32, #tpu.memory_space<vmem>>) offsets(%dma_start3A_356 : memref<40xi32, #tpu.memory_space<vmem>>) semaphore(%arg25 : memref<!tpu.dma_semaphore, #tpu.memory_space<semaphore_mem>>)
      } else {
      }
      %add3A_161 = arith.constant 0 : i32
      %add3A_162 = arith.addi %mul3A_151, %add3A_161 : i32
      %dma_wait3A_163 = arith.constant 0 : i32
      %dma_wait3A_164 = tpu.memref_slice %arg7[%add3A_162, %dma_wait3A_163] : memref<250x40xi32, #tpu.memory_space<vmem>> -> memref<1x40xi32, #tpu.memory_space<vmem>>
      %dma_wait3A_165 = tpu.memref_squeeze %dma_wait3A_164 : memref<1x40xi32, #tpu.memory_space<vmem>> -> memref<40xi32, #tpu.memory_space<vmem>>
      %dma_wait3A_166 = arith.constant 0 : i32
      %dma_wait3A_167 = arith.constant 0 : i32
      %dma_wait3A_168 = tpu.memref_slice %arg2[%dma_wait3A_166, %dma_wait3A_167] : memref<10000x64xf32, #tpu.memory_space<hbm>> -> memref<10000x64xf32, #tpu.memory_space<hbm>>
      tpu.wait_indirect_dma semaphore(%arg18 : memref<!tpu.dma_semaphore, #tpu.memory_space<semaphore_mem>>) src(%dma_wait3A_168 : memref<10000x64xf32, #tpu.memory_space<hbm>>) dst(%arg9 : memref<40x64xf32, #tpu.memory_space<vmem>>)
      %dma_start3A_169 = arith.constant 0 : i32
      %dma_start3A_170 = tpu.memref_slice %arg8[%add3A_162, %dma_start3A_169] : memref<250x40xi32, #tpu.memory_space<vmem>> -> memref<1x40xi32, #tpu.memory_space<vmem>>
      %dma_start3A_171 = tpu.memref_squeeze %dma_start3A_170 : memref<1x40xi32, #tpu.memory_space<vmem>> -> memref<40xi32, #tpu.memory_space<vmem>>
      %dma_start3A_172 = arith.constant 0 : i32
      %dma_start3A_173 = arith.constant 0 : i32
      %dma_start3A_174 = tpu.memref_slice %arg17[%dma_start3A_172, %dma_start3A_173] : memref<10240x64xf32, #tpu.memory_space<vmem_shared>> -> memref<10240x64xf32, #tpu.memory_space<vmem_shared>>
      tpu.enqueue_indirect_dma source(%arg9 : memref<40x64xf32, #tpu.memory_space<vmem>>) target(%dma_start3A_174 : memref<10240x64xf32, #tpu.memory_space<vmem_shared>>) offsets(%dma_start3A_171 : memref<40xi32, #tpu.memory_space<vmem>>) semaphore(%arg26 : memref<!tpu.dma_semaphore, #tpu.memory_space<semaphore_mem>>) {add = true}
      %add3A_175 = arith.constant 1 : i32
      %add3A_176 = arith.addi %mul3A_151, %add3A_175 : i32
      %add3A_177 = arith.constant 8 : i32
      %add3A_178 = arith.addi %add3A_176, %add3A_177 : i32
      %sub3A_179 = arith.constant 1 : i32
      %sub3A_180 = arith.subi %add3A_178, %sub3A_179 : i32
      %lt3A_181 = arith.constant 250 : i32
      %lt3A_182 = arith.cmpi slt, %sub3A_180, %lt3A_181 : i32
      %convert_element_type3A_183 = arith.extui %lt3A_182 : i1 to i32
      %cond3A_184 = arith.constant 0 : i32
      %cond3A_185 = arith.cmpi ne, %convert_element_type3A_183, %cond3A_184 : i32
      scf.if %cond3A_185 {
        %ge3A = arith.constant 8 : i32
        %ge3A_350 = arith.cmpi sge, %sub3A_180, %ge3A : i32
        %convert_element_type3A_351 = arith.extui %ge3A_350 : i1 to i32
        %cond3A_352 = arith.constant 0 : i32
        %cond3A_353 = arith.cmpi ne, %convert_element_type3A_351, %cond3A_352 : i32
        scf.if %cond3A_353 {
          %sub3A_360 = arith.constant 8 : i32
          %sub3A_361 = arith.subi %sub3A_180, %sub3A_360 : i32
          %dma_wait3A_362 = arith.constant 0 : i32
          %dma_wait3A_363 = tpu.memref_slice %arg8[%sub3A_361, %dma_wait3A_362] : memref<250x40xi32, #tpu.memory_space<vmem>> -> memref<1x40xi32, #tpu.memory_space<vmem>>
          %dma_wait3A_364 = tpu.memref_squeeze %dma_wait3A_363 : memref<1x40xi32, #tpu.memory_space<vmem>> -> memref<40xi32, #tpu.memory_space<vmem>>
          %dma_wait3A_365 = arith.constant 0 : i32
          %dma_wait3A_366 = arith.constant 0 : i32
          %dma_wait3A_367 = tpu.memref_slice %arg17[%dma_wait3A_365, %dma_wait3A_366] : memref<10240x64xf32, #tpu.memory_space<vmem_shared>> -> memref<10240x64xf32, #tpu.memory_space<vmem_shared>>
          tpu.wait_indirect_dma semaphore(%arg26 : memref<!tpu.dma_semaphore, #tpu.memory_space<semaphore_mem>>) src(%arg9 : memref<40x64xf32, #tpu.memory_space<vmem>>) dst(%dma_wait3A_367 : memref<10240x64xf32, #tpu.memory_space<vmem_shared>>)
        } else {
        }
        %dma_start3A_354 = arith.constant 0 : i32
        %dma_start3A_355 = tpu.memref_slice %arg7[%sub3A_180, %dma_start3A_354] : memref<250x40xi32, #tpu.memory_space<vmem>> -> memref<1x40xi32, #tpu.memory_space<vmem>>
        %dma_start3A_356 = tpu.memref_squeeze %dma_start3A_355 : memref<1x40xi32, #tpu.memory_space<vmem>> -> memref<40xi32, #tpu.memory_space<vmem>>
        %dma_start3A_357 = arith.constant 0 : i32
        %dma_start3A_358 = arith.constant 0 : i32
        %dma_start3A_359 = tpu.memref_slice %arg2[%dma_start3A_357, %dma_start3A_358] : memref<10000x64xf32, #tpu.memory_space<hbm>> -> memref<10000x64xf32, #tpu.memory_space<hbm>>
        tpu.enqueue_indirect_dma source(%dma_start3A_359 : memref<10000x64xf32, #tpu.memory_space<hbm>>) target(%arg9 : memref<40x64xf32, #tpu.memory_space<vmem>>) offsets(%dma_start3A_356 : memref<40xi32, #tpu.memory_space<vmem>>) semaphore(%arg18 : memref<!tpu.dma_semaphore, #tpu.memory_space<semaphore_mem>>)
      } else {
      }
      %add3A_186 = arith.constant 1 : i32
      %add3A_187 = arith.addi %mul3A_151, %add3A_186 : i32
      %dma_wait3A_188 = arith.constant 0 : i32
      %dma_wait3A_189 = tpu.memref_slice %arg7[%add3A_187, %dma_wait3A_188] : memref<250x40xi32, #tpu.memory_space<vmem>> -> memref<1x40xi32, #tpu.memory_space<vmem>>
      %dma_wait3A_190 = tpu.memref_squeeze %dma_wait3A_189 : memref<1x40xi32, #tpu.memory_space<vmem>> -> memref<40xi32, #tpu.memory_space<vmem>>
      %dma_wait3A_191 = arith.constant 0 : i32
      %dma_wait3A_192 = arith.constant 0 : i32
      %dma_wait3A_193 = tpu.memref_slice %arg2[%dma_wait3A_191, %dma_wait3A_192] : memref<10000x64xf32, #tpu.memory_space<hbm>> -> memref<10000x64xf32, #tpu.memory_space<hbm>>
      tpu.wait_indirect_dma semaphore(%arg19 : memref<!tpu.dma_semaphore, #tpu.memory_space<semaphore_mem>>) src(%dma_wait3A_193 : memref<10000x64xf32, #tpu.memory_space<hbm>>) dst(%arg10 : memref<40x64xf32, #tpu.memory_space<vmem>>)
      %dma_start3A_194 = arith.constant 0 : i32
      %dma_start3A_195 = tpu.memref_slice %arg8[%add3A_187, %dma_start3A_194] : memref<250x40xi32, #tpu.memory_space<vmem>> -> memref<1x40xi32, #tpu.memory_space<vmem>>
      %dma_start3A_196 = tpu.memref_squeeze %dma_start3A_195 : memref<1x40xi32, #tpu.memory_space<vmem>> -> memref<40xi32, #tpu.memory_space<vmem>>
      %dma_start3A_197 = arith.constant 0 : i32
      %dma_start3A_198 = arith.constant 0 : i32
      %dma_start3A_199 = tpu.memref_slice %arg17[%dma_start3A_197, %dma_start3A_198] : memref<10240x64xf32, #tpu.memory_space<vmem_shared>> -> memref<10240x64xf32, #tpu.memory_space<vmem_shared>>
      tpu.enqueue_indirect_dma source(%arg10 : memref<40x64xf32, #tpu.memory_space<vmem>>) target(%dma_start3A_199 : memref<10240x64xf32, #tpu.memory_space<vmem_shared>>) offsets(%dma_start3A_196 : memref<40xi32, #tpu.memory_space<vmem>>) semaphore(%arg27 : memref<!tpu.dma_semaphore, #tpu.memory_space<semaphore_mem>>) {add = true}
      %add3A_200 = arith.constant 2 : i32
      %add3A_201 = arith.addi %mul3A_151, %add3A_200 : i32
      %add3A_202 = arith.constant 8 : i32
      %add3A_203 = arith.addi %add3A_201, %add3A_202 : i32
      %sub3A_204 = arith.constant 1 : i32
      %sub3A_205 = arith.subi %add3A_203, %sub3A_204 : i32
      %lt3A_206 = arith.constant 250 : i32
      %lt3A_207 = arith.cmpi slt, %sub3A_205, %lt3A_206 : i32
      %convert_element_type3A_208 = arith.extui %lt3A_207 : i1 to i32
      %cond3A_209 = arith.constant 0 : i32
      %cond3A_210 = arith.cmpi ne, %convert_element_type3A_208, %cond3A_209 : i32
      scf.if %cond3A_210 {
        %ge3A = arith.constant 8 : i32
        %ge3A_350 = arith.cmpi sge, %sub3A_205, %ge3A : i32
        %convert_element_type3A_351 = arith.extui %ge3A_350 : i1 to i32
        %cond3A_352 = arith.constant 0 : i32
        %cond3A_353 = arith.cmpi ne, %convert_element_type3A_351, %cond3A_352 : i32
        scf.if %cond3A_353 {
          %sub3A_360 = arith.constant 8 : i32
          %sub3A_361 = arith.subi %sub3A_205, %sub3A_360 : i32
          %dma_wait3A_362 = arith.constant 0 : i32
          %dma_wait3A_363 = tpu.memref_slice %arg8[%sub3A_361, %dma_wait3A_362] : memref<250x40xi32, #tpu.memory_space<vmem>> -> memref<1x40xi32, #tpu.memory_space<vmem>>
          %dma_wait3A_364 = tpu.memref_squeeze %dma_wait3A_363 : memref<1x40xi32, #tpu.memory_space<vmem>> -> memref<40xi32, #tpu.memory_space<vmem>>
          %dma_wait3A_365 = arith.constant 0 : i32
          %dma_wait3A_366 = arith.constant 0 : i32
          %dma_wait3A_367 = tpu.memref_slice %arg17[%dma_wait3A_365, %dma_wait3A_366] : memref<10240x64xf32, #tpu.memory_space<vmem_shared>> -> memref<10240x64xf32, #tpu.memory_space<vmem_shared>>
          tpu.wait_indirect_dma semaphore(%arg27 : memref<!tpu.dma_semaphore, #tpu.memory_space<semaphore_mem>>) src(%arg10 : memref<40x64xf32, #tpu.memory_space<vmem>>) dst(%dma_wait3A_367 : memref<10240x64xf32, #tpu.memory_space<vmem_shared>>)
        } else {
        }
        %dma_start3A_354 = arith.constant 0 : i32
        %dma_start3A_355 = tpu.memref_slice %arg7[%sub3A_205, %dma_start3A_354] : memref<250x40xi32, #tpu.memory_space<vmem>> -> memref<1x40xi32, #tpu.memory_space<vmem>>
        %dma_start3A_356 = tpu.memref_squeeze %dma_start3A_355 : memref<1x40xi32, #tpu.memory_space<vmem>> -> memref<40xi32, #tpu.memory_space<vmem>>
        %dma_start3A_357 = arith.constant 0 : i32
        %dma_start3A_358 = arith.constant 0 : i32
        %dma_start3A_359 = tpu.memref_slice %arg2[%dma_start3A_357, %dma_start3A_358] : memref<10000x64xf32, #tpu.memory_space<hbm>> -> memref<10000x64xf32, #tpu.memory_space<hbm>>
        tpu.enqueue_indirect_dma source(%dma_start3A_359 : memref<10000x64xf32, #tpu.memory_space<hbm>>) target(%arg10 : memref<40x64xf32, #tpu.memory_space<vmem>>) offsets(%dma_start3A_356 : memref<40xi32, #tpu.memory_space<vmem>>) semaphore(%arg19 : memref<!tpu.dma_semaphore, #tpu.memory_space<semaphore_mem>>)
      } else {
      }
      %add3A_211 = arith.constant 2 : i32
      %add3A_212 = arith.addi %mul3A_151, %add3A_211 : i32
      %dma_wait3A_213 = arith.constant 0 : i32
      %dma_wait3A_214 = tpu.memref_slice %arg7[%add3A_212, %dma_wait3A_213] : memref<250x40xi32, #tpu.memory_space<vmem>> -> memref<1x40xi32, #tpu.memory_space<vmem>>
      %dma_wait3A_215 = tpu.memref_squeeze %dma_wait3A_214 : memref<1x40xi32, #tpu.memory_space<vmem>> -> memref<40xi32, #tpu.memory_space<vmem>>
      %dma_wait3A_216 = arith.constant 0 : i32
      %dma_wait3A_217 = arith.constant 0 : i32
      %dma_wait3A_218 = tpu.memref_slice %arg2[%dma_wait3A_216, %dma_wait3A_217] : memref<10000x64xf32, #tpu.memory_space<hbm>> -> memref<10000x64xf32, #tpu.memory_space<hbm>>
      tpu.wait_indirect_dma semaphore(%arg20 : memref<!tpu.dma_semaphore, #tpu.memory_space<semaphore_mem>>) src(%dma_wait3A_218 : memref<10000x64xf32, #tpu.memory_space<hbm>>) dst(%arg11 : memref<40x64xf32, #tpu.memory_space<vmem>>)
      %dma_start3A_219 = arith.constant 0 : i32
      %dma_start3A_220 = tpu.memref_slice %arg8[%add3A_212, %dma_start3A_219] : memref<250x40xi32, #tpu.memory_space<vmem>> -> memref<1x40xi32, #tpu.memory_space<vmem>>
      %dma_start3A_221 = tpu.memref_squeeze %dma_start3A_220 : memref<1x40xi32, #tpu.memory_space<vmem>> -> memref<40xi32, #tpu.memory_space<vmem>>
      %dma_start3A_222 = arith.constant 0 : i32
      %dma_start3A_223 = arith.constant 0 : i32
      %dma_start3A_224 = tpu.memref_slice %arg17[%dma_start3A_222, %dma_start3A_223] : memref<10240x64xf32, #tpu.memory_space<vmem_shared>> -> memref<10240x64xf32, #tpu.memory_space<vmem_shared>>
      tpu.enqueue_indirect_dma source(%arg11 : memref<40x64xf32, #tpu.memory_space<vmem>>) target(%dma_start3A_224 : memref<10240x64xf32, #tpu.memory_space<vmem_shared>>) offsets(%dma_start3A_221 : memref<40xi32, #tpu.memory_space<vmem>>) semaphore(%arg28 : memref<!tpu.dma_semaphore, #tpu.memory_space<semaphore_mem>>) {add = true}
      %add3A_225 = arith.constant 3 : i32
      %add3A_226 = arith.addi %mul3A_151, %add3A_225 : i32
      %add3A_227 = arith.constant 8 : i32
      %add3A_228 = arith.addi %add3A_226, %add3A_227 : i32
      %sub3A_229 = arith.constant 1 : i32
      %sub3A_230 = arith.subi %add3A_228, %sub3A_229 : i32
      %lt3A_231 = arith.constant 250 : i32
      %lt3A_232 = arith.cmpi slt, %sub3A_230, %lt3A_231 : i32
      %convert_element_type3A_233 = arith.extui %lt3A_232 : i1 to i32
      %cond3A_234 = arith.constant 0 : i32
      %cond3A_235 = arith.cmpi ne, %convert_element_type3A_233, %cond3A_234 : i32
      scf.if %cond3A_235 {
        %ge3A = arith.constant 8 : i32
        %ge3A_350 = arith.cmpi sge, %sub3A_230, %ge3A : i32
        %convert_element_type3A_351 = arith.extui %ge3A_350 : i1 to i32
        %cond3A_352 = arith.constant 0 : i32
        %cond3A_353 = arith.cmpi ne, %convert_element_type3A_351, %cond3A_352 : i32
        scf.if %cond3A_353 {
          %sub3A_360 = arith.constant 8 : i32
          %sub3A_361 = arith.subi %sub3A_230, %sub3A_360 : i32
          %dma_wait3A_362 = arith.constant 0 : i32
          %dma_wait3A_363 = tpu.memref_slice %arg8[%sub3A_361, %dma_wait3A_362] : memref<250x40xi32, #tpu.memory_space<vmem>> -> memref<1x40xi32, #tpu.memory_space<vmem>>
          %dma_wait3A_364 = tpu.memref_squeeze %dma_wait3A_363 : memref<1x40xi32, #tpu.memory_space<vmem>> -> memref<40xi32, #tpu.memory_space<vmem>>
          %dma_wait3A_365 = arith.constant 0 : i32
          %dma_wait3A_366 = arith.constant 0 : i32
          %dma_wait3A_367 = tpu.memref_slice %arg17[%dma_wait3A_365, %dma_wait3A_366] : memref<10240x64xf32, #tpu.memory_space<vmem_shared>> -> memref<10240x64xf32, #tpu.memory_space<vmem_shared>>
          tpu.wait_indirect_dma semaphore(%arg28 : memref<!tpu.dma_semaphore, #tpu.memory_space<semaphore_mem>>) src(%arg11 : memref<40x64xf32, #tpu.memory_space<vmem>>) dst(%dma_wait3A_367 : memref<10240x64xf32, #tpu.memory_space<vmem_shared>>)
        } else {
        }
        %dma_start3A_354 = arith.constant 0 : i32
        %dma_start3A_355 = tpu.memref_slice %arg7[%sub3A_230, %dma_start3A_354] : memref<250x40xi32, #tpu.memory_space<vmem>> -> memref<1x40xi32, #tpu.memory_space<vmem>>
        %dma_start3A_356 = tpu.memref_squeeze %dma_start3A_355 : memref<1x40xi32, #tpu.memory_space<vmem>> -> memref<40xi32, #tpu.memory_space<vmem>>
        %dma_start3A_357 = arith.constant 0 : i32
        %dma_start3A_358 = arith.constant 0 : i32
        %dma_start3A_359 = tpu.memref_slice %arg2[%dma_start3A_357, %dma_start3A_358] : memref<10000x64xf32, #tpu.memory_space<hbm>> -> memref<10000x64xf32, #tpu.memory_space<hbm>>
        tpu.enqueue_indirect_dma source(%dma_start3A_359 : memref<10000x64xf32, #tpu.memory_space<hbm>>) target(%arg11 : memref<40x64xf32, #tpu.memory_space<vmem>>) offsets(%dma_start3A_356 : memref<40xi32, #tpu.memory_space<vmem>>) semaphore(%arg20 : memref<!tpu.dma_semaphore, #tpu.memory_space<semaphore_mem>>)
      } else {
      }
      %add3A_236 = arith.constant 3 : i32
      %add3A_237 = arith.addi %mul3A_151, %add3A_236 : i32
      %dma_wait3A_238 = arith.constant 0 : i32
      %dma_wait3A_239 = tpu.memref_slice %arg7[%add3A_237, %dma_wait3A_238] : memref<250x40xi32, #tpu.memory_space<vmem>> -> memref<1x40xi32, #tpu.memory_space<vmem>>
      %dma_wait3A_240 = tpu.memref_squeeze %dma_wait3A_239 : memref<1x40xi32, #tpu.memory_space<vmem>> -> memref<40xi32, #tpu.memory_space<vmem>>
      %dma_wait3A_241 = arith.constant 0 : i32
      %dma_wait3A_242 = arith.constant 0 : i32
      %dma_wait3A_243 = tpu.memref_slice %arg2[%dma_wait3A_241, %dma_wait3A_242] : memref<10000x64xf32, #tpu.memory_space<hbm>> -> memref<10000x64xf32, #tpu.memory_space<hbm>>
      tpu.wait_indirect_dma semaphore(%arg21 : memref<!tpu.dma_semaphore, #tpu.memory_space<semaphore_mem>>) src(%dma_wait3A_243 : memref<10000x64xf32, #tpu.memory_space<hbm>>) dst(%arg12 : memref<40x64xf32, #tpu.memory_space<vmem>>)
      %dma_start3A_244 = arith.constant 0 : i32
      %dma_start3A_245 = tpu.memref_slice %arg8[%add3A_237, %dma_start3A_244] : memref<250x40xi32, #tpu.memory_space<vmem>> -> memref<1x40xi32, #tpu.memory_space<vmem>>
      %dma_start3A_246 = tpu.memref_squeeze %dma_start3A_245 : memref<1x40xi32, #tpu.memory_space<vmem>> -> memref<40xi32, #tpu.memory_space<vmem>>
      %dma_start3A_247 = arith.constant 0 : i32
      %dma_start3A_248 = arith.constant 0 : i32
      %dma_start3A_249 = tpu.memref_slice %arg17[%dma_start3A_247, %dma_start3A_248] : memref<10240x64xf32, #tpu.memory_space<vmem_shared>> -> memref<10240x64xf32, #tpu.memory_space<vmem_shared>>
      tpu.enqueue_indirect_dma source(%arg12 : memref<40x64xf32, #tpu.memory_space<vmem>>) target(%dma_start3A_249 : memref<10240x64xf32, #tpu.memory_space<vmem_shared>>) offsets(%dma_start3A_246 : memref<40xi32, #tpu.memory_space<vmem>>) semaphore(%arg29 : memref<!tpu.dma_semaphore, #tpu.memory_space<semaphore_mem>>) {add = true}
      %add3A_250 = arith.constant 4 : i32
      %add3A_251 = arith.addi %mul3A_151, %add3A_250 : i32
      %add3A_252 = arith.constant 8 : i32
      %add3A_253 = arith.addi %add3A_251, %add3A_252 : i32
      %sub3A_254 = arith.constant 1 : i32
      %sub3A_255 = arith.subi %add3A_253, %sub3A_254 : i32
      %lt3A_256 = arith.constant 250 : i32
      %lt3A_257 = arith.cmpi slt, %sub3A_255, %lt3A_256 : i32
      %convert_element_type3A_258 = arith.extui %lt3A_257 : i1 to i32
      %cond3A_259 = arith.constant 0 : i32
      %cond3A_260 = arith.cmpi ne, %convert_element_type3A_258, %cond3A_259 : i32
      scf.if %cond3A_260 {
        %ge3A = arith.constant 8 : i32
        %ge3A_350 = arith.cmpi sge, %sub3A_255, %ge3A : i32
        %convert_element_type3A_351 = arith.extui %ge3A_350 : i1 to i32
        %cond3A_352 = arith.constant 0 : i32
        %cond3A_353 = arith.cmpi ne, %convert_element_type3A_351, %cond3A_352 : i32
        scf.if %cond3A_353 {
          %sub3A_360 = arith.constant 8 : i32
          %sub3A_361 = arith.subi %sub3A_255, %sub3A_360 : i32
          %dma_wait3A_362 = arith.constant 0 : i32
          %dma_wait3A_363 = tpu.memref_slice %arg8[%sub3A_361, %dma_wait3A_362] : memref<250x40xi32, #tpu.memory_space<vmem>> -> memref<1x40xi32, #tpu.memory_space<vmem>>
          %dma_wait3A_364 = tpu.memref_squeeze %dma_wait3A_363 : memref<1x40xi32, #tpu.memory_space<vmem>> -> memref<40xi32, #tpu.memory_space<vmem>>
          %dma_wait3A_365 = arith.constant 0 : i32
          %dma_wait3A_366 = arith.constant 0 : i32
          %dma_wait3A_367 = tpu.memref_slice %arg17[%dma_wait3A_365, %dma_wait3A_366] : memref<10240x64xf32, #tpu.memory_space<vmem_shared>> -> memref<10240x64xf32, #tpu.memory_space<vmem_shared>>
          tpu.wait_indirect_dma semaphore(%arg29 : memref<!tpu.dma_semaphore, #tpu.memory_space<semaphore_mem>>) src(%arg12 : memref<40x64xf32, #tpu.memory_space<vmem>>) dst(%dma_wait3A_367 : memref<10240x64xf32, #tpu.memory_space<vmem_shared>>)
        } else {
        }
        %dma_start3A_354 = arith.constant 0 : i32
        %dma_start3A_355 = tpu.memref_slice %arg7[%sub3A_255, %dma_start3A_354] : memref<250x40xi32, #tpu.memory_space<vmem>> -> memref<1x40xi32, #tpu.memory_space<vmem>>
        %dma_start3A_356 = tpu.memref_squeeze %dma_start3A_355 : memref<1x40xi32, #tpu.memory_space<vmem>> -> memref<40xi32, #tpu.memory_space<vmem>>
        %dma_start3A_357 = arith.constant 0 : i32
        %dma_start3A_358 = arith.constant 0 : i32
        %dma_start3A_359 = tpu.memref_slice %arg2[%dma_start3A_357, %dma_start3A_358] : memref<10000x64xf32, #tpu.memory_space<hbm>> -> memref<10000x64xf32, #tpu.memory_space<hbm>>
        tpu.enqueue_indirect_dma source(%dma_start3A_359 : memref<10000x64xf32, #tpu.memory_space<hbm>>) target(%arg12 : memref<40x64xf32, #tpu.memory_space<vmem>>) offsets(%dma_start3A_356 : memref<40xi32, #tpu.memory_space<vmem>>) semaphore(%arg21 : memref<!tpu.dma_semaphore, #tpu.memory_space<semaphore_mem>>)
      } else {
      }
      %add3A_261 = arith.constant 4 : i32
      %add3A_262 = arith.addi %mul3A_151, %add3A_261 : i32
      %dma_wait3A_263 = arith.constant 0 : i32
      %dma_wait3A_264 = tpu.memref_slice %arg7[%add3A_262, %dma_wait3A_263] : memref<250x40xi32, #tpu.memory_space<vmem>> -> memref<1x40xi32, #tpu.memory_space<vmem>>
      %dma_wait3A_265 = tpu.memref_squeeze %dma_wait3A_264 : memref<1x40xi32, #tpu.memory_space<vmem>> -> memref<40xi32, #tpu.memory_space<vmem>>
      %dma_wait3A_266 = arith.constant 0 : i32
      %dma_wait3A_267 = arith.constant 0 : i32
      %dma_wait3A_268 = tpu.memref_slice %arg2[%dma_wait3A_266, %dma_wait3A_267] : memref<10000x64xf32, #tpu.memory_space<hbm>> -> memref<10000x64xf32, #tpu.memory_space<hbm>>
      tpu.wait_indirect_dma semaphore(%arg22 : memref<!tpu.dma_semaphore, #tpu.memory_space<semaphore_mem>>) src(%dma_wait3A_268 : memref<10000x64xf32, #tpu.memory_space<hbm>>) dst(%arg13 : memref<40x64xf32, #tpu.memory_space<vmem>>)
      %dma_start3A_269 = arith.constant 0 : i32
      %dma_start3A_270 = tpu.memref_slice %arg8[%add3A_262, %dma_start3A_269] : memref<250x40xi32, #tpu.memory_space<vmem>> -> memref<1x40xi32, #tpu.memory_space<vmem>>
      %dma_start3A_271 = tpu.memref_squeeze %dma_start3A_270 : memref<1x40xi32, #tpu.memory_space<vmem>> -> memref<40xi32, #tpu.memory_space<vmem>>
      %dma_start3A_272 = arith.constant 0 : i32
      %dma_start3A_273 = arith.constant 0 : i32
      %dma_start3A_274 = tpu.memref_slice %arg17[%dma_start3A_272, %dma_start3A_273] : memref<10240x64xf32, #tpu.memory_space<vmem_shared>> -> memref<10240x64xf32, #tpu.memory_space<vmem_shared>>
      tpu.enqueue_indirect_dma source(%arg13 : memref<40x64xf32, #tpu.memory_space<vmem>>) target(%dma_start3A_274 : memref<10240x64xf32, #tpu.memory_space<vmem_shared>>) offsets(%dma_start3A_271 : memref<40xi32, #tpu.memory_space<vmem>>) semaphore(%arg30 : memref<!tpu.dma_semaphore, #tpu.memory_space<semaphore_mem>>) {add = true}
      %add3A_275 = arith.constant 5 : i32
      %add3A_276 = arith.addi %mul3A_151, %add3A_275 : i32
      %add3A_277 = arith.constant 8 : i32
      %add3A_278 = arith.addi %add3A_276, %add3A_277 : i32
      %sub3A_279 = arith.constant 1 : i32
      %sub3A_280 = arith.subi %add3A_278, %sub3A_279 : i32
      %lt3A_281 = arith.constant 250 : i32
      %lt3A_282 = arith.cmpi slt, %sub3A_280, %lt3A_281 : i32
      %convert_element_type3A_283 = arith.extui %lt3A_282 : i1 to i32
      %cond3A_284 = arith.constant 0 : i32
      %cond3A_285 = arith.cmpi ne, %convert_element_type3A_283, %cond3A_284 : i32
      scf.if %cond3A_285 {
        %ge3A = arith.constant 8 : i32
        %ge3A_350 = arith.cmpi sge, %sub3A_280, %ge3A : i32
        %convert_element_type3A_351 = arith.extui %ge3A_350 : i1 to i32
        %cond3A_352 = arith.constant 0 : i32
        %cond3A_353 = arith.cmpi ne, %convert_element_type3A_351, %cond3A_352 : i32
        scf.if %cond3A_353 {
          %sub3A_360 = arith.constant 8 : i32
          %sub3A_361 = arith.subi %sub3A_280, %sub3A_360 : i32
          %dma_wait3A_362 = arith.constant 0 : i32
          %dma_wait3A_363 = tpu.memref_slice %arg8[%sub3A_361, %dma_wait3A_362] : memref<250x40xi32, #tpu.memory_space<vmem>> -> memref<1x40xi32, #tpu.memory_space<vmem>>
          %dma_wait3A_364 = tpu.memref_squeeze %dma_wait3A_363 : memref<1x40xi32, #tpu.memory_space<vmem>> -> memref<40xi32, #tpu.memory_space<vmem>>
          %dma_wait3A_365 = arith.constant 0 : i32
          %dma_wait3A_366 = arith.constant 0 : i32
          %dma_wait3A_367 = tpu.memref_slice %arg17[%dma_wait3A_365, %dma_wait3A_366] : memref<10240x64xf32, #tpu.memory_space<vmem_shared>> -> memref<10240x64xf32, #tpu.memory_space<vmem_shared>>
          tpu.wait_indirect_dma semaphore(%arg30 : memref<!tpu.dma_semaphore, #tpu.memory_space<semaphore_mem>>) src(%arg13 : memref<40x64xf32, #tpu.memory_space<vmem>>) dst(%dma_wait3A_367 : memref<10240x64xf32, #tpu.memory_space<vmem_shared>>)
        } else {
        }
        %dma_start3A_354 = arith.constant 0 : i32
        %dma_start3A_355 = tpu.memref_slice %arg7[%sub3A_280, %dma_start3A_354] : memref<250x40xi32, #tpu.memory_space<vmem>> -> memref<1x40xi32, #tpu.memory_space<vmem>>
        %dma_start3A_356 = tpu.memref_squeeze %dma_start3A_355 : memref<1x40xi32, #tpu.memory_space<vmem>> -> memref<40xi32, #tpu.memory_space<vmem>>
        %dma_start3A_357 = arith.constant 0 : i32
        %dma_start3A_358 = arith.constant 0 : i32
        %dma_start3A_359 = tpu.memref_slice %arg2[%dma_start3A_357, %dma_start3A_358] : memref<10000x64xf32, #tpu.memory_space<hbm>> -> memref<10000x64xf32, #tpu.memory_space<hbm>>
        tpu.enqueue_indirect_dma source(%dma_start3A_359 : memref<10000x64xf32, #tpu.memory_space<hbm>>) target(%arg13 : memref<40x64xf32, #tpu.memory_space<vmem>>) offsets(%dma_start3A_356 : memref<40xi32, #tpu.memory_space<vmem>>) semaphore(%arg22 : memref<!tpu.dma_semaphore, #tpu.memory_space<semaphore_mem>>)
      } else {
      }
      %add3A_286 = arith.constant 5 : i32
      %add3A_287 = arith.addi %mul3A_151, %add3A_286 : i32
      %dma_wait3A_288 = arith.constant 0 : i32
      %dma_wait3A_289 = tpu.memref_slice %arg7[%add3A_287, %dma_wait3A_288] : memref<250x40xi32, #tpu.memory_space<vmem>> -> memref<1x40xi32, #tpu.memory_space<vmem>>
      %dma_wait3A_290 = tpu.memref_squeeze %dma_wait3A_289 : memref<1x40xi32, #tpu.memory_space<vmem>> -> memref<40xi32, #tpu.memory_space<vmem>>
      %dma_wait3A_291 = arith.constant 0 : i32
      %dma_wait3A_292 = arith.constant 0 : i32
      %dma_wait3A_293 = tpu.memref_slice %arg2[%dma_wait3A_291, %dma_wait3A_292] : memref<10000x64xf32, #tpu.memory_space<hbm>> -> memref<10000x64xf32, #tpu.memory_space<hbm>>
      tpu.wait_indirect_dma semaphore(%arg23 : memref<!tpu.dma_semaphore, #tpu.memory_space<semaphore_mem>>) src(%dma_wait3A_293 : memref<10000x64xf32, #tpu.memory_space<hbm>>) dst(%arg14 : memref<40x64xf32, #tpu.memory_space<vmem>>)
      %dma_start3A_294 = arith.constant 0 : i32
      %dma_start3A_295 = tpu.memref_slice %arg8[%add3A_287, %dma_start3A_294] : memref<250x40xi32, #tpu.memory_space<vmem>> -> memref<1x40xi32, #tpu.memory_space<vmem>>
      %dma_start3A_296 = tpu.memref_squeeze %dma_start3A_295 : memref<1x40xi32, #tpu.memory_space<vmem>> -> memref<40xi32, #tpu.memory_space<vmem>>
      %dma_start3A_297 = arith.constant 0 : i32
      %dma_start3A_298 = arith.constant 0 : i32
      %dma_start3A_299 = tpu.memref_slice %arg17[%dma_start3A_297, %dma_start3A_298] : memref<10240x64xf32, #tpu.memory_space<vmem_shared>> -> memref<10240x64xf32, #tpu.memory_space<vmem_shared>>
      tpu.enqueue_indirect_dma source(%arg14 : memref<40x64xf32, #tpu.memory_space<vmem>>) target(%dma_start3A_299 : memref<10240x64xf32, #tpu.memory_space<vmem_shared>>) offsets(%dma_start3A_296 : memref<40xi32, #tpu.memory_space<vmem>>) semaphore(%arg31 : memref<!tpu.dma_semaphore, #tpu.memory_space<semaphore_mem>>) {add = true}
      %add3A_300 = arith.constant 6 : i32
      %add3A_301 = arith.addi %mul3A_151, %add3A_300 : i32
      %add3A_302 = arith.constant 8 : i32
      %add3A_303 = arith.addi %add3A_301, %add3A_302 : i32
      %sub3A_304 = arith.constant 1 : i32
      %sub3A_305 = arith.subi %add3A_303, %sub3A_304 : i32
      %lt3A_306 = arith.constant 250 : i32
      %lt3A_307 = arith.cmpi slt, %sub3A_305, %lt3A_306 : i32
      %convert_element_type3A_308 = arith.extui %lt3A_307 : i1 to i32
      %cond3A_309 = arith.constant 0 : i32
      %cond3A_310 = arith.cmpi ne, %convert_element_type3A_308, %cond3A_309 : i32
      scf.if %cond3A_310 {
        %ge3A = arith.constant 8 : i32
        %ge3A_350 = arith.cmpi sge, %sub3A_305, %ge3A : i32
        %convert_element_type3A_351 = arith.extui %ge3A_350 : i1 to i32
        %cond3A_352 = arith.constant 0 : i32
        %cond3A_353 = arith.cmpi ne, %convert_element_type3A_351, %cond3A_352 : i32
        scf.if %cond3A_353 {
          %sub3A_360 = arith.constant 8 : i32
          %sub3A_361 = arith.subi %sub3A_305, %sub3A_360 : i32
          %dma_wait3A_362 = arith.constant 0 : i32
          %dma_wait3A_363 = tpu.memref_slice %arg8[%sub3A_361, %dma_wait3A_362] : memref<250x40xi32, #tpu.memory_space<vmem>> -> memref<1x40xi32, #tpu.memory_space<vmem>>
          %dma_wait3A_364 = tpu.memref_squeeze %dma_wait3A_363 : memref<1x40xi32, #tpu.memory_space<vmem>> -> memref<40xi32, #tpu.memory_space<vmem>>
          %dma_wait3A_365 = arith.constant 0 : i32
          %dma_wait3A_366 = arith.constant 0 : i32
          %dma_wait3A_367 = tpu.memref_slice %arg17[%dma_wait3A_365, %dma_wait3A_366] : memref<10240x64xf32, #tpu.memory_space<vmem_shared>> -> memref<10240x64xf32, #tpu.memory_space<vmem_shared>>
          tpu.wait_indirect_dma semaphore(%arg31 : memref<!tpu.dma_semaphore, #tpu.memory_space<semaphore_mem>>) src(%arg14 : memref<40x64xf32, #tpu.memory_space<vmem>>) dst(%dma_wait3A_367 : memref<10240x64xf32, #tpu.memory_space<vmem_shared>>)
        } else {
        }
        %dma_start3A_354 = arith.constant 0 : i32
        %dma_start3A_355 = tpu.memref_slice %arg7[%sub3A_305, %dma_start3A_354] : memref<250x40xi32, #tpu.memory_space<vmem>> -> memref<1x40xi32, #tpu.memory_space<vmem>>
        %dma_start3A_356 = tpu.memref_squeeze %dma_start3A_355 : memref<1x40xi32, #tpu.memory_space<vmem>> -> memref<40xi32, #tpu.memory_space<vmem>>
        %dma_start3A_357 = arith.constant 0 : i32
        %dma_start3A_358 = arith.constant 0 : i32
        %dma_start3A_359 = tpu.memref_slice %arg2[%dma_start3A_357, %dma_start3A_358] : memref<10000x64xf32, #tpu.memory_space<hbm>> -> memref<10000x64xf32, #tpu.memory_space<hbm>>
        tpu.enqueue_indirect_dma source(%dma_start3A_359 : memref<10000x64xf32, #tpu.memory_space<hbm>>) target(%arg14 : memref<40x64xf32, #tpu.memory_space<vmem>>) offsets(%dma_start3A_356 : memref<40xi32, #tpu.memory_space<vmem>>) semaphore(%arg23 : memref<!tpu.dma_semaphore, #tpu.memory_space<semaphore_mem>>)
      } else {
      }
      %add3A_311 = arith.constant 6 : i32
      %add3A_312 = arith.addi %mul3A_151, %add3A_311 : i32
      %dma_wait3A_313 = arith.constant 0 : i32
      %dma_wait3A_314 = tpu.memref_slice %arg7[%add3A_312, %dma_wait3A_313] : memref<250x40xi32, #tpu.memory_space<vmem>> -> memref<1x40xi32, #tpu.memory_space<vmem>>
      %dma_wait3A_315 = tpu.memref_squeeze %dma_wait3A_314 : memref<1x40xi32, #tpu.memory_space<vmem>> -> memref<40xi32, #tpu.memory_space<vmem>>
      %dma_wait3A_316 = arith.constant 0 : i32
      %dma_wait3A_317 = arith.constant 0 : i32
      %dma_wait3A_318 = tpu.memref_slice %arg2[%dma_wait3A_316, %dma_wait3A_317] : memref<10000x64xf32, #tpu.memory_space<hbm>> -> memref<10000x64xf32, #tpu.memory_space<hbm>>
      tpu.wait_indirect_dma semaphore(%arg24 : memref<!tpu.dma_semaphore, #tpu.memory_space<semaphore_mem>>) src(%dma_wait3A_318 : memref<10000x64xf32, #tpu.memory_space<hbm>>) dst(%arg15 : memref<40x64xf32, #tpu.memory_space<vmem>>)
      %dma_start3A_319 = arith.constant 0 : i32
      %dma_start3A_320 = tpu.memref_slice %arg8[%add3A_312, %dma_start3A_319] : memref<250x40xi32, #tpu.memory_space<vmem>> -> memref<1x40xi32, #tpu.memory_space<vmem>>
      %dma_start3A_321 = tpu.memref_squeeze %dma_start3A_320 : memref<1x40xi32, #tpu.memory_space<vmem>> -> memref<40xi32, #tpu.memory_space<vmem>>
      %dma_start3A_322 = arith.constant 0 : i32
      %dma_start3A_323 = arith.constant 0 : i32
      %dma_start3A_324 = tpu.memref_slice %arg17[%dma_start3A_322, %dma_start3A_323] : memref<10240x64xf32, #tpu.memory_space<vmem_shared>> -> memref<10240x64xf32, #tpu.memory_space<vmem_shared>>
      tpu.enqueue_indirect_dma source(%arg15 : memref<40x64xf32, #tpu.memory_space<vmem>>) target(%dma_start3A_324 : memref<10240x64xf32, #tpu.memory_space<vmem_shared>>) offsets(%dma_start3A_321 : memref<40xi32, #tpu.memory_space<vmem>>) semaphore(%arg32 : memref<!tpu.dma_semaphore, #tpu.memory_space<semaphore_mem>>) {add = true}
      %add3A_325 = arith.constant 7 : i32
      %add3A_326 = arith.addi %mul3A_151, %add3A_325 : i32
      %add3A_327 = arith.constant 8 : i32
      %add3A_328 = arith.addi %add3A_326, %add3A_327 : i32
      %sub3A_329 = arith.constant 1 : i32
      %sub3A_330 = arith.subi %add3A_328, %sub3A_329 : i32
      %lt3A_331 = arith.constant 250 : i32
      %lt3A_332 = arith.cmpi slt, %sub3A_330, %lt3A_331 : i32
      %convert_element_type3A_333 = arith.extui %lt3A_332 : i1 to i32
      %cond3A_334 = arith.constant 0 : i32
      %cond3A_335 = arith.cmpi ne, %convert_element_type3A_333, %cond3A_334 : i32
      scf.if %cond3A_335 {
        %ge3A = arith.constant 8 : i32
        %ge3A_350 = arith.cmpi sge, %sub3A_330, %ge3A : i32
        %convert_element_type3A_351 = arith.extui %ge3A_350 : i1 to i32
        %cond3A_352 = arith.constant 0 : i32
        %cond3A_353 = arith.cmpi ne, %convert_element_type3A_351, %cond3A_352 : i32
        scf.if %cond3A_353 {
          %sub3A_360 = arith.constant 8 : i32
          %sub3A_361 = arith.subi %sub3A_330, %sub3A_360 : i32
          %dma_wait3A_362 = arith.constant 0 : i32
          %dma_wait3A_363 = tpu.memref_slice %arg8[%sub3A_361, %dma_wait3A_362] : memref<250x40xi32, #tpu.memory_space<vmem>> -> memref<1x40xi32, #tpu.memory_space<vmem>>
          %dma_wait3A_364 = tpu.memref_squeeze %dma_wait3A_363 : memref<1x40xi32, #tpu.memory_space<vmem>> -> memref<40xi32, #tpu.memory_space<vmem>>
          %dma_wait3A_365 = arith.constant 0 : i32
          %dma_wait3A_366 = arith.constant 0 : i32
          %dma_wait3A_367 = tpu.memref_slice %arg17[%dma_wait3A_365, %dma_wait3A_366] : memref<10240x64xf32, #tpu.memory_space<vmem_shared>> -> memref<10240x64xf32, #tpu.memory_space<vmem_shared>>
          tpu.wait_indirect_dma semaphore(%arg32 : memref<!tpu.dma_semaphore, #tpu.memory_space<semaphore_mem>>) src(%arg15 : memref<40x64xf32, #tpu.memory_space<vmem>>) dst(%dma_wait3A_367 : memref<10240x64xf32, #tpu.memory_space<vmem_shared>>)
        } else {
        }
        %dma_start3A_354 = arith.constant 0 : i32
        %dma_start3A_355 = tpu.memref_slice %arg7[%sub3A_330, %dma_start3A_354] : memref<250x40xi32, #tpu.memory_space<vmem>> -> memref<1x40xi32, #tpu.memory_space<vmem>>
        %dma_start3A_356 = tpu.memref_squeeze %dma_start3A_355 : memref<1x40xi32, #tpu.memory_space<vmem>> -> memref<40xi32, #tpu.memory_space<vmem>>
        %dma_start3A_357 = arith.constant 0 : i32
        %dma_start3A_358 = arith.constant 0 : i32
        %dma_start3A_359 = tpu.memref_slice %arg2[%dma_start3A_357, %dma_start3A_358] : memref<10000x64xf32, #tpu.memory_space<hbm>> -> memref<10000x64xf32, #tpu.memory_space<hbm>>
        tpu.enqueue_indirect_dma source(%dma_start3A_359 : memref<10000x64xf32, #tpu.memory_space<hbm>>) target(%arg15 : memref<40x64xf32, #tpu.memory_space<vmem>>) offsets(%dma_start3A_356 : memref<40xi32, #tpu.memory_space<vmem>>) semaphore(%arg24 : memref<!tpu.dma_semaphore, #tpu.memory_space<semaphore_mem>>)
      } else {
      }
      %add3A_336 = arith.constant 7 : i32
      %add3A_337 = arith.addi %mul3A_151, %add3A_336 : i32
      %dma_wait3A_338 = arith.constant 0 : i32
      %dma_wait3A_339 = tpu.memref_slice %arg7[%add3A_337, %dma_wait3A_338] : memref<250x40xi32, #tpu.memory_space<vmem>> -> memref<1x40xi32, #tpu.memory_space<vmem>>
      %dma_wait3A_340 = tpu.memref_squeeze %dma_wait3A_339 : memref<1x40xi32, #tpu.memory_space<vmem>> -> memref<40xi32, #tpu.memory_space<vmem>>
      %dma_wait3A_341 = arith.constant 0 : i32
      %dma_wait3A_342 = arith.constant 0 : i32
      %dma_wait3A_343 = tpu.memref_slice %arg2[%dma_wait3A_341, %dma_wait3A_342] : memref<10000x64xf32, #tpu.memory_space<hbm>> -> memref<10000x64xf32, #tpu.memory_space<hbm>>
      tpu.wait_indirect_dma semaphore(%arg25 : memref<!tpu.dma_semaphore, #tpu.memory_space<semaphore_mem>>) src(%dma_wait3A_343 : memref<10000x64xf32, #tpu.memory_space<hbm>>) dst(%arg16 : memref<40x64xf32, #tpu.memory_space<vmem>>)
      %dma_start3A_344 = arith.constant 0 : i32
      %dma_start3A_345 = tpu.memref_slice %arg8[%add3A_337, %dma_start3A_344] : memref<250x40xi32, #tpu.memory_space<vmem>> -> memref<1x40xi32, #tpu.memory_space<vmem>>
      %dma_start3A_346 = tpu.memref_squeeze %dma_start3A_345 : memref<1x40xi32, #tpu.memory_space<vmem>> -> memref<40xi32, #tpu.memory_space<vmem>>
      %dma_start3A_347 = arith.constant 0 : i32
      %dma_start3A_348 = arith.constant 0 : i32
      %dma_start3A_349 = tpu.memref_slice %arg17[%dma_start3A_347, %dma_start3A_348] : memref<10240x64xf32, #tpu.memory_space<vmem_shared>> -> memref<10240x64xf32, #tpu.memory_space<vmem_shared>>
      tpu.enqueue_indirect_dma source(%arg16 : memref<40x64xf32, #tpu.memory_space<vmem>>) target(%dma_start3A_349 : memref<10240x64xf32, #tpu.memory_space<vmem_shared>>) offsets(%dma_start3A_346 : memref<40xi32, #tpu.memory_space<vmem>>) semaphore(%arg33 : memref<!tpu.dma_semaphore, #tpu.memory_space<semaphore_mem>>) {add = true}
    }
    %scan3A_60 = arith.constant 31 : i32
    %dma_wait3A = arith.constant 248 : i32
    %dma_wait3A_61 = arith.constant 0 : i32
    %dma_wait3A_62 = tpu.memref_slice %arg7[%dma_wait3A, %dma_wait3A_61] : memref<250x40xi32, #tpu.memory_space<vmem>> -> memref<1x40xi32, #tpu.memory_space<vmem>>
    %dma_wait3A_63 = tpu.memref_squeeze %dma_wait3A_62 : memref<1x40xi32, #tpu.memory_space<vmem>> -> memref<40xi32, #tpu.memory_space<vmem>>
    %dma_wait3A_64 = arith.constant 0 : i32
    %dma_wait3A_65 = arith.constant 0 : i32
    %dma_wait3A_66 = tpu.memref_slice %arg2[%dma_wait3A_64, %dma_wait3A_65] : memref<10000x64xf32, #tpu.memory_space<hbm>> -> memref<10000x64xf32, #tpu.memory_space<hbm>>
    tpu.wait_indirect_dma semaphore(%arg18 : memref<!tpu.dma_semaphore, #tpu.memory_space<semaphore_mem>>) src(%dma_wait3A_66 : memref<10000x64xf32, #tpu.memory_space<hbm>>) dst(%arg9 : memref<40x64xf32, #tpu.memory_space<vmem>>)
    %dma_start3A_67 = arith.constant 248 : i32
    %dma_start3A_68 = arith.constant 0 : i32
    %dma_start3A_69 = tpu.memref_slice %arg8[%dma_start3A_67, %dma_start3A_68] : memref<250x40xi32, #tpu.memory_space<vmem>> -> memref<1x40xi32, #tpu.memory_space<vmem>>
    %dma_start3A_70 = tpu.memref_squeeze %dma_start3A_69 : memref<1x40xi32, #tpu.memory_space<vmem>> -> memref<40xi32, #tpu.memory_space<vmem>>
    %dma_start3A_71 = arith.constant 0 : i32
    %dma_start3A_72 = arith.constant 0 : i32
    %dma_start3A_73 = tpu.memref_slice %arg17[%dma_start3A_71, %dma_start3A_72] : memref<10240x64xf32, #tpu.memory_space<vmem_shared>> -> memref<10240x64xf32, #tpu.memory_space<vmem_shared>>
    tpu.enqueue_indirect_dma source(%arg9 : memref<40x64xf32, #tpu.memory_space<vmem>>) target(%dma_start3A_73 : memref<10240x64xf32, #tpu.memory_space<vmem_shared>>) offsets(%dma_start3A_70 : memref<40xi32, #tpu.memory_space<vmem>>) semaphore(%arg26 : memref<!tpu.dma_semaphore, #tpu.memory_space<semaphore_mem>>) {add = true}
    %dma_wait3A_74 = arith.constant 249 : i32
    %dma_wait3A_75 = arith.constant 0 : i32
    %dma_wait3A_76 = tpu.memref_slice %arg7[%dma_wait3A_74, %dma_wait3A_75] : memref<250x40xi32, #tpu.memory_space<vmem>> -> memref<1x40xi32, #tpu.memory_space<vmem>>
    %dma_wait3A_77 = tpu.memref_squeeze %dma_wait3A_76 : memref<1x40xi32, #tpu.memory_space<vmem>> -> memref<40xi32, #tpu.memory_space<vmem>>
    %dma_wait3A_78 = arith.constant 0 : i32
    %dma_wait3A_79 = arith.constant 0 : i32
    %dma_wait3A_80 = tpu.memref_slice %arg2[%dma_wait3A_78, %dma_wait3A_79] : memref<10000x64xf32, #tpu.memory_space<hbm>> -> memref<10000x64xf32, #tpu.memory_space<hbm>>
    tpu.wait_indirect_dma semaphore(%arg19 : memref<!tpu.dma_semaphore, #tpu.memory_space<semaphore_mem>>) src(%dma_wait3A_80 : memref<10000x64xf32, #tpu.memory_space<hbm>>) dst(%arg10 : memref<40x64xf32, #tpu.memory_space<vmem>>)
    %dma_start3A_81 = arith.constant 249 : i32
    %dma_start3A_82 = arith.constant 0 : i32
    %dma_start3A_83 = tpu.memref_slice %arg8[%dma_start3A_81, %dma_start3A_82] : memref<250x40xi32, #tpu.memory_space<vmem>> -> memref<1x40xi32, #tpu.memory_space<vmem>>
    %dma_start3A_84 = tpu.memref_squeeze %dma_start3A_83 : memref<1x40xi32, #tpu.memory_space<vmem>> -> memref<40xi32, #tpu.memory_space<vmem>>
    %dma_start3A_85 = arith.constant 0 : i32
    %dma_start3A_86 = arith.constant 0 : i32
    %dma_start3A_87 = tpu.memref_slice %arg17[%dma_start3A_85, %dma_start3A_86] : memref<10240x64xf32, #tpu.memory_space<vmem_shared>> -> memref<10240x64xf32, #tpu.memory_space<vmem_shared>>
    tpu.enqueue_indirect_dma source(%arg10 : memref<40x64xf32, #tpu.memory_space<vmem>>) target(%dma_start3A_87 : memref<10240x64xf32, #tpu.memory_space<vmem_shared>>) offsets(%dma_start3A_84 : memref<40xi32, #tpu.memory_space<vmem>>) semaphore(%arg27 : memref<!tpu.dma_semaphore, #tpu.memory_space<semaphore_mem>>) {add = true}
    %dma_wait3A_88 = arith.constant 242 : i32
    %dma_wait3A_89 = arith.constant 0 : i32
    %dma_wait3A_90 = tpu.memref_slice %arg8[%dma_wait3A_88, %dma_wait3A_89] : memref<250x40xi32, #tpu.memory_space<vmem>> -> memref<1x40xi32, #tpu.memory_space<vmem>>
    %dma_wait3A_91 = tpu.memref_squeeze %dma_wait3A_90 : memref<1x40xi32, #tpu.memory_space<vmem>> -> memref<40xi32, #tpu.memory_space<vmem>>
    %dma_wait3A_92 = arith.constant 0 : i32
    %dma_wait3A_93 = arith.constant 0 : i32
    %dma_wait3A_94 = tpu.memref_slice %arg17[%dma_wait3A_92, %dma_wait3A_93] : memref<10240x64xf32, #tpu.memory_space<vmem_shared>> -> memref<10240x64xf32, #tpu.memory_space<vmem_shared>>
    tpu.wait_indirect_dma semaphore(%arg28 : memref<!tpu.dma_semaphore, #tpu.memory_space<semaphore_mem>>) src(%arg11 : memref<40x64xf32, #tpu.memory_space<vmem>>) dst(%dma_wait3A_94 : memref<10240x64xf32, #tpu.memory_space<vmem_shared>>)
    %dma_wait3A_95 = arith.constant 243 : i32
    %dma_wait3A_96 = arith.constant 0 : i32
    %dma_wait3A_97 = tpu.memref_slice %arg8[%dma_wait3A_95, %dma_wait3A_96] : memref<250x40xi32, #tpu.memory_space<vmem>> -> memref<1x40xi32, #tpu.memory_space<vmem>>
    %dma_wait3A_98 = tpu.memref_squeeze %dma_wait3A_97 : memref<1x40xi32, #tpu.memory_space<vmem>> -> memref<40xi32, #tpu.memory_space<vmem>>
    %dma_wait3A_99 = arith.constant 0 : i32
    %dma_wait3A_100 = arith.constant 0 : i32
    %dma_wait3A_101 = tpu.memref_slice %arg17[%dma_wait3A_99, %dma_wait3A_100] : memref<10240x64xf32, #tpu.memory_space<vmem_shared>> -> memref<10240x64xf32, #tpu.memory_space<vmem_shared>>
    tpu.wait_indirect_dma semaphore(%arg29 : memref<!tpu.dma_semaphore, #tpu.memory_space<semaphore_mem>>) src(%arg12 : memref<40x64xf32, #tpu.memory_space<vmem>>) dst(%dma_wait3A_101 : memref<10240x64xf32, #tpu.memory_space<vmem_shared>>)
    %dma_wait3A_102 = arith.constant 244 : i32
    %dma_wait3A_103 = arith.constant 0 : i32
    %dma_wait3A_104 = tpu.memref_slice %arg8[%dma_wait3A_102, %dma_wait3A_103] : memref<250x40xi32, #tpu.memory_space<vmem>> -> memref<1x40xi32, #tpu.memory_space<vmem>>
    %dma_wait3A_105 = tpu.memref_squeeze %dma_wait3A_104 : memref<1x40xi32, #tpu.memory_space<vmem>> -> memref<40xi32, #tpu.memory_space<vmem>>
    %dma_wait3A_106 = arith.constant 0 : i32
    %dma_wait3A_107 = arith.constant 0 : i32
    %dma_wait3A_108 = tpu.memref_slice %arg17[%dma_wait3A_106, %dma_wait3A_107] : memref<10240x64xf32, #tpu.memory_space<vmem_shared>> -> memref<10240x64xf32, #tpu.memory_space<vmem_shared>>
    tpu.wait_indirect_dma semaphore(%arg30 : memref<!tpu.dma_semaphore, #tpu.memory_space<semaphore_mem>>) src(%arg13 : memref<40x64xf32, #tpu.memory_space<vmem>>) dst(%dma_wait3A_108 : memref<10240x64xf32, #tpu.memory_space<vmem_shared>>)
    %dma_wait3A_109 = arith.constant 245 : i32
    %dma_wait3A_110 = arith.constant 0 : i32
    %dma_wait3A_111 = tpu.memref_slice %arg8[%dma_wait3A_109, %dma_wait3A_110] : memref<250x40xi32, #tpu.memory_space<vmem>> -> memref<1x40xi32, #tpu.memory_space<vmem>>
    %dma_wait3A_112 = tpu.memref_squeeze %dma_wait3A_111 : memref<1x40xi32, #tpu.memory_space<vmem>> -> memref<40xi32, #tpu.memory_space<vmem>>
    %dma_wait3A_113 = arith.constant 0 : i32
    %dma_wait3A_114 = arith.constant 0 : i32
    %dma_wait3A_115 = tpu.memref_slice %arg17[%dma_wait3A_113, %dma_wait3A_114] : memref<10240x64xf32, #tpu.memory_space<vmem_shared>> -> memref<10240x64xf32, #tpu.memory_space<vmem_shared>>
    tpu.wait_indirect_dma semaphore(%arg31 : memref<!tpu.dma_semaphore, #tpu.memory_space<semaphore_mem>>) src(%arg14 : memref<40x64xf32, #tpu.memory_space<vmem>>) dst(%dma_wait3A_115 : memref<10240x64xf32, #tpu.memory_space<vmem_shared>>)
    %dma_wait3A_116 = arith.constant 246 : i32
    %dma_wait3A_117 = arith.constant 0 : i32
    %dma_wait3A_118 = tpu.memref_slice %arg8[%dma_wait3A_116, %dma_wait3A_117] : memref<250x40xi32, #tpu.memory_space<vmem>> -> memref<1x40xi32, #tpu.memory_space<vmem>>
    %dma_wait3A_119 = tpu.memref_squeeze %dma_wait3A_118 : memref<1x40xi32, #tpu.memory_space<vmem>> -> memref<40xi32, #tpu.memory_space<vmem>>
    %dma_wait3A_120 = arith.constant 0 : i32
    %dma_wait3A_121 = arith.constant 0 : i32
    %dma_wait3A_122 = tpu.memref_slice %arg17[%dma_wait3A_120, %dma_wait3A_121] : memref<10240x64xf32, #tpu.memory_space<vmem_shared>> -> memref<10240x64xf32, #tpu.memory_space<vmem_shared>>
    tpu.wait_indirect_dma semaphore(%arg32 : memref<!tpu.dma_semaphore, #tpu.memory_space<semaphore_mem>>) src(%arg15 : memref<40x64xf32, #tpu.memory_space<vmem>>) dst(%dma_wait3A_122 : memref<10240x64xf32, #tpu.memory_space<vmem_shared>>)
    %dma_wait3A_123 = arith.constant 247 : i32
    %dma_wait3A_124 = arith.constant 0 : i32
    %dma_wait3A_125 = tpu.memref_slice %arg8[%dma_wait3A_123, %dma_wait3A_124] : memref<250x40xi32, #tpu.memory_space<vmem>> -> memref<1x40xi32, #tpu.memory_space<vmem>>
    %dma_wait3A_126 = tpu.memref_squeeze %dma_wait3A_125 : memref<1x40xi32, #tpu.memory_space<vmem>> -> memref<40xi32, #tpu.memory_space<vmem>>
    %dma_wait3A_127 = arith.constant 0 : i32
    %dma_wait3A_128 = arith.constant 0 : i32
    %dma_wait3A_129 = tpu.memref_slice %arg17[%dma_wait3A_127, %dma_wait3A_128] : memref<10240x64xf32, #tpu.memory_space<vmem_shared>> -> memref<10240x64xf32, #tpu.memory_space<vmem_shared>>
    tpu.wait_indirect_dma semaphore(%arg33 : memref<!tpu.dma_semaphore, #tpu.memory_space<semaphore_mem>>) src(%arg16 : memref<40x64xf32, #tpu.memory_space<vmem>>) dst(%dma_wait3A_129 : memref<10240x64xf32, #tpu.memory_space<vmem_shared>>)
    %dma_wait3A_130 = arith.constant 248 : i32
    %dma_wait3A_131 = arith.constant 0 : i32
    %dma_wait3A_132 = tpu.memref_slice %arg8[%dma_wait3A_130, %dma_wait3A_131] : memref<250x40xi32, #tpu.memory_space<vmem>> -> memref<1x40xi32, #tpu.memory_space<vmem>>
    %dma_wait3A_133 = tpu.memref_squeeze %dma_wait3A_132 : memref<1x40xi32, #tpu.memory_space<vmem>> -> memref<40xi32, #tpu.memory_space<vmem>>
    %dma_wait3A_134 = arith.constant 0 : i32
    %dma_wait3A_135 = arith.constant 0 : i32
    %dma_wait3A_136 = tpu.memref_slice %arg17[%dma_wait3A_134, %dma_wait3A_135] : memref<10240x64xf32, #tpu.memory_space<vmem_shared>> -> memref<10240x64xf32, #tpu.memory_space<vmem_shared>>
    tpu.wait_indirect_dma semaphore(%arg26 : memref<!tpu.dma_semaphore, #tpu.memory_space<semaphore_mem>>) src(%arg9 : memref<40x64xf32, #tpu.memory_space<vmem>>) dst(%dma_wait3A_136 : memref<10240x64xf32, #tpu.memory_space<vmem_shared>>)
    %dma_wait3A_137 = arith.constant 249 : i32
    %dma_wait3A_138 = arith.constant 0 : i32
    %dma_wait3A_139 = tpu.memref_slice %arg8[%dma_wait3A_137, %dma_wait3A_138] : memref<250x40xi32, #tpu.memory_space<vmem>> -> memref<1x40xi32, #tpu.memory_space<vmem>>
    %dma_wait3A_140 = tpu.memref_squeeze %dma_wait3A_139 : memref<1x40xi32, #tpu.memory_space<vmem>> -> memref<40xi32, #tpu.memory_space<vmem>>
    %dma_wait3A_141 = arith.constant 0 : i32
    %dma_wait3A_142 = arith.constant 0 : i32
    %dma_wait3A_143 = tpu.memref_slice %arg17[%dma_wait3A_141, %dma_wait3A_142] : memref<10240x64xf32, #tpu.memory_space<vmem_shared>> -> memref<10240x64xf32, #tpu.memory_space<vmem_shared>>
    tpu.wait_indirect_dma semaphore(%arg27 : memref<!tpu.dma_semaphore, #tpu.memory_space<semaphore_mem>>) src(%arg10 : memref<40x64xf32, #tpu.memory_space<vmem>>) dst(%dma_wait3A_143 : memref<10240x64xf32, #tpu.memory_space<vmem_shared>>)
    %barrier3A_144 = arith.constant 0 : index
    tpu.barrier barrier_id(%barrier3A_144)
    %mul3A_145 = arith.constant 640 : i32
    %mul3A_146 = arith.muli %arg1, %mul3A_145 : i32
    %mul3A_147 = arith.constant 640 : i32
    %mul3A_148 = arith.muli %arg1, %mul3A_147 : i32
    "tpu.region"() ({
      %run_scoped3A = tpu.sem_alloc : memref<!tpu.dma_semaphore, #tpu.memory_space<semaphore_mem>>
      %dma_start3A_149 = arith.constant 0 : i32
      %dma_start3A_150 = tpu.memref_slice %arg6[%arg0, %mul3A_148, %dma_start3A_149] : memref<2x10240x64xf32, #tpu.memory_space<hbm>> -> memref<1x640x64xf32, #tpu.memory_space<hbm>>
      %dma_start3A_151 = tpu.memref_squeeze %dma_start3A_150 : memref<1x640x64xf32, #tpu.memory_space<hbm>> -> memref<640x64xf32, #tpu.memory_space<hbm>>
      %dma_start3A_152 = arith.constant 0 : i32
      %dma_start3A_153 = tpu.memref_slice %arg17[%mul3A_146, %dma_start3A_152] : memref<10240x64xf32, #tpu.memory_space<vmem_shared>> -> memref<640x64xf32, #tpu.memory_space<vmem_shared>>
      tpu.enqueue_dma source(%dma_start3A_153 : memref<640x64xf32, #tpu.memory_space<vmem_shared>>) target(%dma_start3A_151 : memref<640x64xf32, #tpu.memory_space<hbm>>) target_semaphore(%run_scoped3A : memref<!tpu.dma_semaphore, #tpu.memory_space<semaphore_mem>>)
      %dma_wait3A_154 = arith.constant 0 : i32
      %dma_wait3A_155 = tpu.memref_slice %arg6[%arg0, %mul3A_148, %dma_wait3A_154] : memref<2x10240x64xf32, #tpu.memory_space<hbm>> -> memref<1x640x64xf32, #tpu.memory_space<hbm>>
      %dma_wait3A_156 = tpu.memref_squeeze %dma_wait3A_155 : memref<1x640x64xf32, #tpu.memory_space<hbm>> -> memref<640x64xf32, #tpu.memory_space<hbm>>
      %dma_wait3A_157 = arith.constant 0 : i32
      %dma_wait3A_158 = tpu.memref_slice %arg17[%mul3A_146, %dma_wait3A_157] : memref<10240x64xf32, #tpu.memory_space<vmem_shared>> -> memref<640x64xf32, #tpu.memory_space<vmem_shared>>
      tpu.wait_dma2 semaphore(%run_scoped3A : memref<!tpu.dma_semaphore, #tpu.memory_space<semaphore_mem>>) src(%dma_wait3A_158 : memref<640x64xf32, #tpu.memory_space<vmem_shared>>) dst(%dma_wait3A_156 : memref<640x64xf32, #tpu.memory_space<hbm>>)
      tpu.yield
    }) : () -> ()
    return
  }
}

#map = affine_map<(d0, d1) -> (0, 0)>
#map1 = affine_map<(d0, d1) -> (0, 0, 0)>
module attributes {stable_mosaic.version = 14 : i64} {
  func.func @_deg_kernel(%arg0: i32, %arg1: i32, %arg2: memref<80x8xf32, #tpu.memory_space<hbm>>, %arg3: memref<32x125x80xi32, #tpu.memory_space<hbm>>, %arg4: memref<640x8xf32, #tpu.memory_space<hbm>>, %arg5: memref<2x10240x8xf32, #tpu.memory_space<hbm>>, %arg6: memref<125x80xi32, #tpu.memory_space<vmem>>, %arg7: memref<80x8xf32, #tpu.memory_space<vmem>>, %arg8: memref<10240x8xf32, #tpu.memory_space<vmem_shared>>, %arg9: memref<!tpu.dma_semaphore, #tpu.memory_space<semaphore_mem>>) attributes {dimension_semantics = [#tpu.dimension_semantics<core_parallel>, #tpu.dimension_semantics<subcore_parallel>], iteration_bounds = array<i64: 2, 16>, scalar_prefetch = 0 : i64, scratch_operands = 4 : i64, tpu.core_type = #tpu.core_type<sc_vector_subcore>, window_params = [{transform_indices = #map}, {transform_indices = #map1}, {transform_indices = #map}, {transform_indices = #map1}]} {
    %mul3A = arith.constant 2 : i32
    %mul3A_0 = arith.muli %arg1, %mul3A : i32
    %add3A = arith.addi %mul3A_0, %arg0 : i32
    "tpu.region"() ({
      %run_scoped3A = tpu.sem_alloc : memref<!tpu.dma_semaphore, #tpu.memory_space<semaphore_mem>>
      %dma_start3A_25 = arith.constant 0 : i32
      %dma_start3A_26 = arith.constant 0 : i32
      %dma_start3A_27 = tpu.memref_slice %arg3[%add3A, %dma_start3A_25, %dma_start3A_26] : memref<32x125x80xi32, #tpu.memory_space<hbm>> -> memref<1x125x80xi32, #tpu.memory_space<hbm>>
      %dma_start3A_28 = tpu.memref_squeeze %dma_start3A_27 : memref<1x125x80xi32, #tpu.memory_space<hbm>> -> memref<125x80xi32, #tpu.memory_space<hbm>>
      %dma_start3A_29 = arith.constant 0 : i32
      %dma_start3A_30 = arith.constant 0 : i32
      %dma_start3A_31 = tpu.memref_slice %arg3[%add3A, %dma_start3A_29, %dma_start3A_30] : memref<32x125x80xi32, #tpu.memory_space<hbm>> -> memref<1x125x80xi32, #tpu.memory_space<hbm>>
      %dma_start3A_32 = tpu.memref_squeeze %dma_start3A_31 : memref<1x125x80xi32, #tpu.memory_space<hbm>> -> memref<125x80xi32, #tpu.memory_space<hbm>>
      tpu.enqueue_dma source(%dma_start3A_32 : memref<125x80xi32, #tpu.memory_space<hbm>>) target(%arg6 : memref<125x80xi32, #tpu.memory_space<vmem>>) target_semaphore(%run_scoped3A : memref<!tpu.dma_semaphore, #tpu.memory_space<semaphore_mem>>)
      %dma_wait3A_33 = arith.constant 0 : i32
      %dma_wait3A_34 = arith.constant 0 : i32
      %dma_wait3A_35 = tpu.memref_slice %arg3[%add3A, %dma_wait3A_33, %dma_wait3A_34] : memref<32x125x80xi32, #tpu.memory_space<hbm>> -> memref<1x125x80xi32, #tpu.memory_space<hbm>>
      %dma_wait3A_36 = tpu.memref_squeeze %dma_wait3A_35 : memref<1x125x80xi32, #tpu.memory_space<hbm>> -> memref<125x80xi32, #tpu.memory_space<hbm>>
      %dma_wait3A_37 = arith.constant 0 : i32
      %dma_wait3A_38 = arith.constant 0 : i32
      %dma_wait3A_39 = tpu.memref_slice %arg3[%add3A, %dma_wait3A_37, %dma_wait3A_38] : memref<32x125x80xi32, #tpu.memory_space<hbm>> -> memref<1x125x80xi32, #tpu.memory_space<hbm>>
      %dma_wait3A_40 = tpu.memref_squeeze %dma_wait3A_39 : memref<1x125x80xi32, #tpu.memory_space<hbm>> -> memref<125x80xi32, #tpu.memory_space<hbm>>
      tpu.wait_dma2 semaphore(%run_scoped3A : memref<!tpu.dma_semaphore, #tpu.memory_space<semaphore_mem>>) src(%dma_wait3A_40 : memref<125x80xi32, #tpu.memory_space<hbm>>) dst(%arg6 : memref<125x80xi32, #tpu.memory_space<vmem>>)
      tpu.yield
    }) : () -> ()
    "tpu.region"() ({
      %run_scoped3A = tpu.sem_alloc : memref<!tpu.dma_semaphore, #tpu.memory_space<semaphore_mem>>
      tpu.enqueue_dma source(%arg2 : memref<80x8xf32, #tpu.memory_space<hbm>>) target(%arg7 : memref<80x8xf32, #tpu.memory_space<vmem>>) target_semaphore(%run_scoped3A : memref<!tpu.dma_semaphore, #tpu.memory_space<semaphore_mem>>)
      tpu.wait_dma2 semaphore(%run_scoped3A : memref<!tpu.dma_semaphore, #tpu.memory_space<semaphore_mem>>) src(%arg2 : memref<80x8xf32, #tpu.memory_space<hbm>>) dst(%arg7 : memref<80x8xf32, #tpu.memory_space<vmem>>)
      tpu.yield
    }) : () -> ()
    %mul3A_1 = arith.constant 640 : i32
    %mul3A_2 = arith.muli %arg1, %mul3A_1 : i32
    "tpu.region"() ({
      %run_scoped3A = tpu.sem_alloc : memref<!tpu.dma_semaphore, #tpu.memory_space<semaphore_mem>>
      %dma_start3A_25 = arith.constant 0 : i32
      %dma_start3A_26 = tpu.memref_slice %arg8[%mul3A_2, %dma_start3A_25] : memref<10240x8xf32, #tpu.memory_space<vmem_shared>> -> memref<640x8xf32, #tpu.memory_space<vmem_shared>>
      tpu.enqueue_dma source(%arg4 : memref<640x8xf32, #tpu.memory_space<hbm>>) target(%dma_start3A_26 : memref<640x8xf32, #tpu.memory_space<vmem_shared>>) target_semaphore(%run_scoped3A : memref<!tpu.dma_semaphore, #tpu.memory_space<semaphore_mem>>)
      %dma_wait3A_27 = arith.constant 0 : i32
      %dma_wait3A_28 = tpu.memref_slice %arg8[%mul3A_2, %dma_wait3A_27] : memref<10240x8xf32, #tpu.memory_space<vmem_shared>> -> memref<640x8xf32, #tpu.memory_space<vmem_shared>>
      tpu.wait_dma2 semaphore(%run_scoped3A : memref<!tpu.dma_semaphore, #tpu.memory_space<semaphore_mem>>) src(%arg4 : memref<640x8xf32, #tpu.memory_space<hbm>>) dst(%dma_wait3A_28 : memref<640x8xf32, #tpu.memory_space<vmem_shared>>)
      tpu.yield
    }) : () -> ()
    %barrier3A = arith.constant 0 : index
    tpu.barrier barrier_id(%barrier3A)
    %dma_start3A = arith.constant 0 : i32
    %dma_start3A_3 = arith.constant 0 : i32
    %dma_start3A_4 = tpu.memref_slice %arg6[%dma_start3A, %dma_start3A_3] : memref<125x80xi32, #tpu.memory_space<vmem>> -> memref<1x80xi32, #tpu.memory_space<vmem>>
    %dma_start3A_5 = tpu.memref_squeeze %dma_start3A_4 : memref<1x80xi32, #tpu.memory_space<vmem>> -> memref<80xi32, #tpu.memory_space<vmem>>
    %dma_start3A_6 = arith.constant 0 : i32
    %dma_start3A_7 = arith.constant 0 : i32
    %dma_start3A_8 = tpu.memref_slice %arg8[%dma_start3A_6, %dma_start3A_7] : memref<10240x8xf32, #tpu.memory_space<vmem_shared>> -> memref<10240x8xf32, #tpu.memory_space<vmem_shared>>
    tpu.enqueue_indirect_dma source(%arg7 : memref<80x8xf32, #tpu.memory_space<vmem>>) target(%dma_start3A_8 : memref<10240x8xf32, #tpu.memory_space<vmem_shared>>) offsets(%dma_start3A_5 : memref<80xi32, #tpu.memory_space<vmem>>) semaphore(%arg9 : memref<!tpu.dma_semaphore, #tpu.memory_space<semaphore_mem>>) {add = true}
    %scan3A = arith.constant 0 : i32
    %scan3A_9 = arith.constant 1 : i32
    %scan3A_10 = arith.constant 124 : i32
    %scan3A_11 = arith.addi %scan3A_9, %scan3A_10 : i32
    %scan3A_12 = arith.constant 1 : i32
    scf.for %scan3A_25 = %scan3A_9 to %scan3A_11 step %scan3A_12  : i32 {
      %dma_start3A_26 = arith.constant 0 : i32
      %dma_start3A_27 = tpu.memref_slice %arg6[%scan3A_25, %dma_start3A_26] : memref<125x80xi32, #tpu.memory_space<vmem>> -> memref<1x80xi32, #tpu.memory_space<vmem>>
      %dma_start3A_28 = tpu.memref_squeeze %dma_start3A_27 : memref<1x80xi32, #tpu.memory_space<vmem>> -> memref<80xi32, #tpu.memory_space<vmem>>
      %dma_start3A_29 = arith.constant 0 : i32
      %dma_start3A_30 = arith.constant 0 : i32
      %dma_start3A_31 = tpu.memref_slice %arg8[%dma_start3A_29, %dma_start3A_30] : memref<10240x8xf32, #tpu.memory_space<vmem_shared>> -> memref<10240x8xf32, #tpu.memory_space<vmem_shared>>
      tpu.enqueue_indirect_dma source(%arg7 : memref<80x8xf32, #tpu.memory_space<vmem>>) target(%dma_start3A_31 : memref<10240x8xf32, #tpu.memory_space<vmem_shared>>) offsets(%dma_start3A_28 : memref<80xi32, #tpu.memory_space<vmem>>) semaphore(%arg9 : memref<!tpu.dma_semaphore, #tpu.memory_space<semaphore_mem>>) {add = true}
      %sub3A = arith.constant 1 : i32
      %sub3A_32 = arith.subi %scan3A_25, %sub3A : i32
      %dma_wait3A_33 = arith.constant 0 : i32
      %dma_wait3A_34 = tpu.memref_slice %arg6[%sub3A_32, %dma_wait3A_33] : memref<125x80xi32, #tpu.memory_space<vmem>> -> memref<1x80xi32, #tpu.memory_space<vmem>>
      %dma_wait3A_35 = tpu.memref_squeeze %dma_wait3A_34 : memref<1x80xi32, #tpu.memory_space<vmem>> -> memref<80xi32, #tpu.memory_space<vmem>>
      %dma_wait3A_36 = arith.constant 0 : i32
      %dma_wait3A_37 = arith.constant 0 : i32
      %dma_wait3A_38 = tpu.memref_slice %arg8[%dma_wait3A_36, %dma_wait3A_37] : memref<10240x8xf32, #tpu.memory_space<vmem_shared>> -> memref<10240x8xf32, #tpu.memory_space<vmem_shared>>
      tpu.wait_indirect_dma semaphore(%arg9 : memref<!tpu.dma_semaphore, #tpu.memory_space<semaphore_mem>>) src(%arg7 : memref<80x8xf32, #tpu.memory_space<vmem>>) dst(%dma_wait3A_38 : memref<10240x8xf32, #tpu.memory_space<vmem_shared>>)
    }
    %scan3A_13 = arith.constant 124 : i32
    %dma_wait3A = arith.constant 124 : i32
    %dma_wait3A_14 = arith.constant 0 : i32
    %dma_wait3A_15 = tpu.memref_slice %arg6[%dma_wait3A, %dma_wait3A_14] : memref<125x80xi32, #tpu.memory_space<vmem>> -> memref<1x80xi32, #tpu.memory_space<vmem>>
    %dma_wait3A_16 = tpu.memref_squeeze %dma_wait3A_15 : memref<1x80xi32, #tpu.memory_space<vmem>> -> memref<80xi32, #tpu.memory_space<vmem>>
    %dma_wait3A_17 = arith.constant 0 : i32
    %dma_wait3A_18 = arith.constant 0 : i32
    %dma_wait3A_19 = tpu.memref_slice %arg8[%dma_wait3A_17, %dma_wait3A_18] : memref<10240x8xf32, #tpu.memory_space<vmem_shared>> -> memref<10240x8xf32, #tpu.memory_space<vmem_shared>>
    tpu.wait_indirect_dma semaphore(%arg9 : memref<!tpu.dma_semaphore, #tpu.memory_space<semaphore_mem>>) src(%arg7 : memref<80x8xf32, #tpu.memory_space<vmem>>) dst(%dma_wait3A_19 : memref<10240x8xf32, #tpu.memory_space<vmem_shared>>)
    %barrier3A_20 = arith.constant 0 : index
    tpu.barrier barrier_id(%barrier3A_20)
    %mul3A_21 = arith.constant 640 : i32
    %mul3A_22 = arith.muli %arg1, %mul3A_21 : i32
    %mul3A_23 = arith.constant 640 : i32
    %mul3A_24 = arith.muli %arg1, %mul3A_23 : i32
    "tpu.region"() ({
      %run_scoped3A = tpu.sem_alloc : memref<!tpu.dma_semaphore, #tpu.memory_space<semaphore_mem>>
      %dma_start3A_25 = arith.constant 0 : i32
      %dma_start3A_26 = tpu.memref_slice %arg5[%arg0, %mul3A_24, %dma_start3A_25] : memref<2x10240x8xf32, #tpu.memory_space<hbm>> -> memref<1x640x8xf32, #tpu.memory_space<hbm>>
      %dma_start3A_27 = tpu.memref_squeeze %dma_start3A_26 : memref<1x640x8xf32, #tpu.memory_space<hbm>> -> memref<640x8xf32, #tpu.memory_space<hbm>>
      %dma_start3A_28 = arith.constant 0 : i32
      %dma_start3A_29 = tpu.memref_slice %arg8[%mul3A_22, %dma_start3A_28] : memref<10240x8xf32, #tpu.memory_space<vmem_shared>> -> memref<640x8xf32, #tpu.memory_space<vmem_shared>>
      tpu.enqueue_dma source(%dma_start3A_29 : memref<640x8xf32, #tpu.memory_space<vmem_shared>>) target(%dma_start3A_27 : memref<640x8xf32, #tpu.memory_space<hbm>>) target_semaphore(%run_scoped3A : memref<!tpu.dma_semaphore, #tpu.memory_space<semaphore_mem>>)
      %dma_wait3A_30 = arith.constant 0 : i32
      %dma_wait3A_31 = tpu.memref_slice %arg5[%arg0, %mul3A_24, %dma_wait3A_30] : memref<2x10240x8xf32, #tpu.memory_space<hbm>> -> memref<1x640x8xf32, #tpu.memory_space<hbm>>
      %dma_wait3A_32 = tpu.memref_squeeze %dma_wait3A_31 : memref<1x640x8xf32, #tpu.memory_space<hbm>> -> memref<640x8xf32, #tpu.memory_space<hbm>>
      %dma_wait3A_33 = arith.constant 0 : i32
      %dma_wait3A_34 = tpu.memref_slice %arg8[%mul3A_22, %dma_wait3A_33] : memref<10240x8xf32, #tpu.memory_space<vmem_shared>> -> memref<640x8xf32, #tpu.memory_space<vmem_shared>>
      tpu.wait_dma2 semaphore(%run_scoped3A : memref<!tpu.dma_semaphore, #tpu.memory_space<semaphore_mem>>) src(%dma_wait3A_34 : memref<640x8xf32, #tpu.memory_space<vmem_shared>>) dst(%dma_wait3A_32 : memref<640x8xf32, #tpu.memory_space<hbm>>)
      tpu.yield
    }) : () -> ()
    return
  }
}

#map = affine_map<(d0, d1) -> (0, 0)>
#map1 = affine_map<(d0, d1) -> (0, 0, 0)>
module attributes {stable_mosaic.version = 14 : i64} {
  func.func @prop(%arg0: i32, %arg1: i32, %arg2: memref<10000x128xf32, #tpu.memory_space<hbm>>, %arg3: memref<32x250x40xi32, #tpu.memory_space<hbm>>, %arg4: memref<32x250x40xi32, #tpu.memory_space<hbm>>, %arg5: memref<640x128xf32, #tpu.memory_space<hbm>>, %arg6: memref<2x10240x128xf32, #tpu.memory_space<hbm>>, %arg7: memref<250x40xi32, #tpu.memory_space<vmem>>, %arg8: memref<250x40xi32, #tpu.memory_space<vmem>>, %arg9: memref<40x128xf32, #tpu.memory_space<vmem>>, %arg10: memref<40x128xf32, #tpu.memory_space<vmem>>, %arg11: memref<40x128xf32, #tpu.memory_space<vmem>>, %arg12: memref<40x128xf32, #tpu.memory_space<vmem>>, %arg13: memref<40x128xf32, #tpu.memory_space<vmem>>, %arg14: memref<10240x128xf32, #tpu.memory_space<vmem_shared>>, %arg15: memref<!tpu.dma_semaphore, #tpu.memory_space<semaphore_mem>>, %arg16: memref<!tpu.dma_semaphore, #tpu.memory_space<semaphore_mem>>, %arg17: memref<!tpu.dma_semaphore, #tpu.memory_space<semaphore_mem>>, %arg18: memref<!tpu.dma_semaphore, #tpu.memory_space<semaphore_mem>>, %arg19: memref<!tpu.dma_semaphore, #tpu.memory_space<semaphore_mem>>, %arg20: memref<!tpu.dma_semaphore, #tpu.memory_space<semaphore_mem>>, %arg21: memref<!tpu.dma_semaphore, #tpu.memory_space<semaphore_mem>>, %arg22: memref<!tpu.dma_semaphore, #tpu.memory_space<semaphore_mem>>, %arg23: memref<!tpu.dma_semaphore, #tpu.memory_space<semaphore_mem>>, %arg24: memref<!tpu.dma_semaphore, #tpu.memory_space<semaphore_mem>>) attributes {dimension_semantics = [#tpu.dimension_semantics<core_parallel>, #tpu.dimension_semantics<subcore_parallel>], iteration_bounds = array<i64: 2, 16>, scalar_prefetch = 0 : i64, scratch_operands = 18 : i64, tpu.core_type = #tpu.core_type<sc_vector_subcore>, window_params = [{transform_indices = #map}, {transform_indices = #map1}, {transform_indices = #map1}, {transform_indices = #map}, {transform_indices = #map1}]} {
    %mul3A = arith.constant 2 : i32
    %mul3A_0 = arith.muli %arg1, %mul3A : i32
    %add3A = arith.addi %mul3A_0, %arg0 : i32
    "tpu.region"() ({
      %run_scoped3A = tpu.sem_alloc : memref<!tpu.dma_semaphore, #tpu.memory_space<semaphore_mem>>
      %dma_start3A_79 = arith.constant 0 : i32
      %dma_start3A_80 = arith.constant 0 : i32
      %dma_start3A_81 = tpu.memref_slice %arg3[%add3A, %dma_start3A_79, %dma_start3A_80] : memref<32x250x40xi32, #tpu.memory_space<hbm>> -> memref<1x250x40xi32, #tpu.memory_space<hbm>>
      %dma_start3A_82 = tpu.memref_squeeze %dma_start3A_81 : memref<1x250x40xi32, #tpu.memory_space<hbm>> -> memref<250x40xi32, #tpu.memory_space<hbm>>
      %dma_start3A_83 = arith.constant 0 : i32
      %dma_start3A_84 = arith.constant 0 : i32
      %dma_start3A_85 = tpu.memref_slice %arg3[%add3A, %dma_start3A_83, %dma_start3A_84] : memref<32x250x40xi32, #tpu.memory_space<hbm>> -> memref<1x250x40xi32, #tpu.memory_space<hbm>>
      %dma_start3A_86 = tpu.memref_squeeze %dma_start3A_85 : memref<1x250x40xi32, #tpu.memory_space<hbm>> -> memref<250x40xi32, #tpu.memory_space<hbm>>
      tpu.enqueue_dma source(%dma_start3A_86 : memref<250x40xi32, #tpu.memory_space<hbm>>) target(%arg7 : memref<250x40xi32, #tpu.memory_space<vmem>>) target_semaphore(%run_scoped3A : memref<!tpu.dma_semaphore, #tpu.memory_space<semaphore_mem>>)
      %dma_wait3A_87 = arith.constant 0 : i32
      %dma_wait3A_88 = arith.constant 0 : i32
      %dma_wait3A_89 = tpu.memref_slice %arg3[%add3A, %dma_wait3A_87, %dma_wait3A_88] : memref<32x250x40xi32, #tpu.memory_space<hbm>> -> memref<1x250x40xi32, #tpu.memory_space<hbm>>
      %dma_wait3A_90 = tpu.memref_squeeze %dma_wait3A_89 : memref<1x250x40xi32, #tpu.memory_space<hbm>> -> memref<250x40xi32, #tpu.memory_space<hbm>>
      %dma_wait3A_91 = arith.constant 0 : i32
      %dma_wait3A_92 = arith.constant 0 : i32
      %dma_wait3A_93 = tpu.memref_slice %arg3[%add3A, %dma_wait3A_91, %dma_wait3A_92] : memref<32x250x40xi32, #tpu.memory_space<hbm>> -> memref<1x250x40xi32, #tpu.memory_space<hbm>>
      %dma_wait3A_94 = tpu.memref_squeeze %dma_wait3A_93 : memref<1x250x40xi32, #tpu.memory_space<hbm>> -> memref<250x40xi32, #tpu.memory_space<hbm>>
      tpu.wait_dma2 semaphore(%run_scoped3A : memref<!tpu.dma_semaphore, #tpu.memory_space<semaphore_mem>>) src(%dma_wait3A_94 : memref<250x40xi32, #tpu.memory_space<hbm>>) dst(%arg7 : memref<250x40xi32, #tpu.memory_space<vmem>>)
      tpu.yield
    }) : () -> ()
    "tpu.region"() ({
      %run_scoped3A = tpu.sem_alloc : memref<!tpu.dma_semaphore, #tpu.memory_space<semaphore_mem>>
      %dma_start3A_79 = arith.constant 0 : i32
      %dma_start3A_80 = arith.constant 0 : i32
      %dma_start3A_81 = tpu.memref_slice %arg4[%add3A, %dma_start3A_79, %dma_start3A_80] : memref<32x250x40xi32, #tpu.memory_space<hbm>> -> memref<1x250x40xi32, #tpu.memory_space<hbm>>
      %dma_start3A_82 = tpu.memref_squeeze %dma_start3A_81 : memref<1x250x40xi32, #tpu.memory_space<hbm>> -> memref<250x40xi32, #tpu.memory_space<hbm>>
      %dma_start3A_83 = arith.constant 0 : i32
      %dma_start3A_84 = arith.constant 0 : i32
      %dma_start3A_85 = tpu.memref_slice %arg4[%add3A, %dma_start3A_83, %dma_start3A_84] : memref<32x250x40xi32, #tpu.memory_space<hbm>> -> memref<1x250x40xi32, #tpu.memory_space<hbm>>
      %dma_start3A_86 = tpu.memref_squeeze %dma_start3A_85 : memref<1x250x40xi32, #tpu.memory_space<hbm>> -> memref<250x40xi32, #tpu.memory_space<hbm>>
      tpu.enqueue_dma source(%dma_start3A_86 : memref<250x40xi32, #tpu.memory_space<hbm>>) target(%arg8 : memref<250x40xi32, #tpu.memory_space<vmem>>) target_semaphore(%run_scoped3A : memref<!tpu.dma_semaphore, #tpu.memory_space<semaphore_mem>>)
      %dma_wait3A_87 = arith.constant 0 : i32
      %dma_wait3A_88 = arith.constant 0 : i32
      %dma_wait3A_89 = tpu.memref_slice %arg4[%add3A, %dma_wait3A_87, %dma_wait3A_88] : memref<32x250x40xi32, #tpu.memory_space<hbm>> -> memref<1x250x40xi32, #tpu.memory_space<hbm>>
      %dma_wait3A_90 = tpu.memref_squeeze %dma_wait3A_89 : memref<1x250x40xi32, #tpu.memory_space<hbm>> -> memref<250x40xi32, #tpu.memory_space<hbm>>
      %dma_wait3A_91 = arith.constant 0 : i32
      %dma_wait3A_92 = arith.constant 0 : i32
      %dma_wait3A_93 = tpu.memref_slice %arg4[%add3A, %dma_wait3A_91, %dma_wait3A_92] : memref<32x250x40xi32, #tpu.memory_space<hbm>> -> memref<1x250x40xi32, #tpu.memory_space<hbm>>
      %dma_wait3A_94 = tpu.memref_squeeze %dma_wait3A_93 : memref<1x250x40xi32, #tpu.memory_space<hbm>> -> memref<250x40xi32, #tpu.memory_space<hbm>>
      tpu.wait_dma2 semaphore(%run_scoped3A : memref<!tpu.dma_semaphore, #tpu.memory_space<semaphore_mem>>) src(%dma_wait3A_94 : memref<250x40xi32, #tpu.memory_space<hbm>>) dst(%arg8 : memref<250x40xi32, #tpu.memory_space<vmem>>)
      tpu.yield
    }) : () -> ()
    %eq3A = arith.constant 0 : i32
    %eq3A_1 = arith.cmpi eq, %arg0, %eq3A : i32
    %convert_element_type3A = arith.extui %eq3A_1 : i1 to i32
    %cond3A = arith.constant 0 : i32
    %cond3A_2 = arith.cmpi ne, %convert_element_type3A, %cond3A : i32
    scf.if %cond3A_2 {
      %lt3A = arith.constant 15 : i32
      %lt3A_79 = arith.cmpi slt, %arg1, %lt3A : i32
      %convert_element_type3A_80 = arith.extui %lt3A_79 : i1 to i32
      %cond3A_81 = arith.constant 0 : i32
      %cond3A_82 = arith.cmpi ne, %convert_element_type3A_80, %cond3A_81 : i32
      scf.if %cond3A_82 {
        %mul3A_88 = arith.constant 640 : i32
        %mul3A_89 = arith.muli %arg1, %mul3A_88 : i32
        %mul3A_90 = arith.constant 640 : i32
        %mul3A_91 = arith.muli %arg1, %mul3A_90 : i32
        "tpu.region"() ({
          %run_scoped3A = tpu.sem_alloc : memref<!tpu.dma_semaphore, #tpu.memory_space<semaphore_mem>>
          %dma_start3A_92 = arith.constant 0 : i32
          %dma_start3A_93 = tpu.memref_slice %arg14[%mul3A_91, %dma_start3A_92] : memref<10240x128xf32, #tpu.memory_space<vmem_shared>> -> memref<640x128xf32, #tpu.memory_space<vmem_shared>>
          %dma_start3A_94 = arith.constant 0 : i32
          %dma_start3A_95 = tpu.memref_slice %arg2[%mul3A_89, %dma_start3A_94] : memref<10000x128xf32, #tpu.memory_space<hbm>> -> memref<640x128xf32, #tpu.memory_space<hbm>>
          tpu.enqueue_dma source(%dma_start3A_95 : memref<640x128xf32, #tpu.memory_space<hbm>>) target(%dma_start3A_93 : memref<640x128xf32, #tpu.memory_space<vmem_shared>>) target_semaphore(%run_scoped3A : memref<!tpu.dma_semaphore, #tpu.memory_space<semaphore_mem>>)
          %dma_wait3A_96 = arith.constant 0 : i32
          %dma_wait3A_97 = tpu.memref_slice %arg14[%mul3A_91, %dma_wait3A_96] : memref<10240x128xf32, #tpu.memory_space<vmem_shared>> -> memref<640x128xf32, #tpu.memory_space<vmem_shared>>
          %dma_wait3A_98 = arith.constant 0 : i32
          %dma_wait3A_99 = tpu.memref_slice %arg2[%mul3A_89, %dma_wait3A_98] : memref<10000x128xf32, #tpu.memory_space<hbm>> -> memref<640x128xf32, #tpu.memory_space<hbm>>
          tpu.wait_dma2 semaphore(%run_scoped3A : memref<!tpu.dma_semaphore, #tpu.memory_space<semaphore_mem>>) src(%dma_wait3A_99 : memref<640x128xf32, #tpu.memory_space<hbm>>) dst(%dma_wait3A_97 : memref<640x128xf32, #tpu.memory_space<vmem_shared>>)
          tpu.yield
        }) : () -> ()
      } else {
      }
      %eq3A_83 = arith.constant 15 : i32
      %eq3A_84 = arith.cmpi eq, %arg1, %eq3A_83 : i32
      %convert_element_type3A_85 = arith.extui %eq3A_84 : i1 to i32
      %cond3A_86 = arith.constant 0 : i32
      %cond3A_87 = arith.cmpi ne, %convert_element_type3A_85, %cond3A_86 : i32
      scf.if %cond3A_87 {
        "tpu.region"() ({
          %run_scoped3A = tpu.sem_alloc : memref<!tpu.dma_semaphore, #tpu.memory_space<semaphore_mem>>
          %dma_start3A_88 = arith.constant 9600 : i32
          %dma_start3A_89 = arith.constant 0 : i32
          %dma_start3A_90 = tpu.memref_slice %arg14[%dma_start3A_88, %dma_start3A_89] : memref<10240x128xf32, #tpu.memory_space<vmem_shared>> -> memref<400x128xf32, #tpu.memory_space<vmem_shared>>
          %dma_start3A_91 = arith.constant 9600 : i32
          %dma_start3A_92 = arith.constant 0 : i32
          %dma_start3A_93 = tpu.memref_slice %arg2[%dma_start3A_91, %dma_start3A_92] : memref<10000x128xf32, #tpu.memory_space<hbm>> -> memref<400x128xf32, #tpu.memory_space<hbm>>
          tpu.enqueue_dma source(%dma_start3A_93 : memref<400x128xf32, #tpu.memory_space<hbm>>) target(%dma_start3A_90 : memref<400x128xf32, #tpu.memory_space<vmem_shared>>) target_semaphore(%run_scoped3A : memref<!tpu.dma_semaphore, #tpu.memory_space<semaphore_mem>>)
          %dma_wait3A_94 = arith.constant 9600 : i32
          %dma_wait3A_95 = arith.constant 0 : i32
          %dma_wait3A_96 = tpu.memref_slice %arg14[%dma_wait3A_94, %dma_wait3A_95] : memref<10240x128xf32, #tpu.memory_space<vmem_shared>> -> memref<400x128xf32, #tpu.memory_space<vmem_shared>>
          %dma_wait3A_97 = arith.constant 9600 : i32
          %dma_wait3A_98 = arith.constant 0 : i32
          %dma_wait3A_99 = tpu.memref_slice %arg2[%dma_wait3A_97, %dma_wait3A_98] : memref<10000x128xf32, #tpu.memory_space<hbm>> -> memref<400x128xf32, #tpu.memory_space<hbm>>
          tpu.wait_dma2 semaphore(%run_scoped3A : memref<!tpu.dma_semaphore, #tpu.memory_space<semaphore_mem>>) src(%dma_wait3A_99 : memref<400x128xf32, #tpu.memory_space<hbm>>) dst(%dma_wait3A_96 : memref<400x128xf32, #tpu.memory_space<vmem_shared>>)
          tpu.yield
        }) : () -> ()
        "tpu.region"() ({
          %run_scoped3A = tpu.sem_alloc : memref<!tpu.dma_semaphore, #tpu.memory_space<semaphore_mem>>
          %dma_start3A_88 = arith.constant 10000 : i32
          %dma_start3A_89 = arith.constant 0 : i32
          %dma_start3A_90 = tpu.memref_slice %arg14[%dma_start3A_88, %dma_start3A_89] : memref<10240x128xf32, #tpu.memory_space<vmem_shared>> -> memref<240x128xf32, #tpu.memory_space<vmem_shared>>
          %dma_start3A_91 = arith.constant 0 : i32
          %dma_start3A_92 = arith.constant 0 : i32
          %dma_start3A_93 = tpu.memref_slice %arg5[%dma_start3A_91, %dma_start3A_92] : memref<640x128xf32, #tpu.memory_space<hbm>> -> memref<240x128xf32, #tpu.memory_space<hbm>>
          tpu.enqueue_dma source(%dma_start3A_93 : memref<240x128xf32, #tpu.memory_space<hbm>>) target(%dma_start3A_90 : memref<240x128xf32, #tpu.memory_space<vmem_shared>>) target_semaphore(%run_scoped3A : memref<!tpu.dma_semaphore, #tpu.memory_space<semaphore_mem>>)
          %dma_wait3A_94 = arith.constant 10000 : i32
          %dma_wait3A_95 = arith.constant 0 : i32
          %dma_wait3A_96 = tpu.memref_slice %arg14[%dma_wait3A_94, %dma_wait3A_95] : memref<10240x128xf32, #tpu.memory_space<vmem_shared>> -> memref<240x128xf32, #tpu.memory_space<vmem_shared>>
          %dma_wait3A_97 = arith.constant 0 : i32
          %dma_wait3A_98 = arith.constant 0 : i32
          %dma_wait3A_99 = tpu.memref_slice %arg5[%dma_wait3A_97, %dma_wait3A_98] : memref<640x128xf32, #tpu.memory_space<hbm>> -> memref<240x128xf32, #tpu.memory_space<hbm>>
          tpu.wait_dma2 semaphore(%run_scoped3A : memref<!tpu.dma_semaphore, #tpu.memory_space<semaphore_mem>>) src(%dma_wait3A_99 : memref<240x128xf32, #tpu.memory_space<hbm>>) dst(%dma_wait3A_96 : memref<240x128xf32, #tpu.memory_space<vmem_shared>>)
          tpu.yield
        }) : () -> ()
      } else {
      }
    } else {
    }
    %eq3A_3 = arith.constant 1 : i32
    %eq3A_4 = arith.cmpi eq, %arg0, %eq3A_3 : i32
    %convert_element_type3A_5 = arith.extui %eq3A_4 : i1 to i32
    %cond3A_6 = arith.constant 0 : i32
    %cond3A_7 = arith.cmpi ne, %convert_element_type3A_5, %cond3A_6 : i32
    scf.if %cond3A_7 {
      %mul3A_79 = arith.constant 640 : i32
      %mul3A_80 = arith.muli %arg1, %mul3A_79 : i32
      "tpu.region"() ({
        %run_scoped3A = tpu.sem_alloc : memref<!tpu.dma_semaphore, #tpu.memory_space<semaphore_mem>>
        %dma_start3A_81 = arith.constant 0 : i32
        %dma_start3A_82 = tpu.memref_slice %arg14[%mul3A_80, %dma_start3A_81] : memref<10240x128xf32, #tpu.memory_space<vmem_shared>> -> memref<640x128xf32, #tpu.memory_space<vmem_shared>>
        tpu.enqueue_dma source(%arg5 : memref<640x128xf32, #tpu.memory_space<hbm>>) target(%dma_start3A_82 : memref<640x128xf32, #tpu.memory_space<vmem_shared>>) target_semaphore(%run_scoped3A : memref<!tpu.dma_semaphore, #tpu.memory_space<semaphore_mem>>)
        %dma_wait3A_83 = arith.constant 0 : i32
        %dma_wait3A_84 = tpu.memref_slice %arg14[%mul3A_80, %dma_wait3A_83] : memref<10240x128xf32, #tpu.memory_space<vmem_shared>> -> memref<640x128xf32, #tpu.memory_space<vmem_shared>>
        tpu.wait_dma2 semaphore(%run_scoped3A : memref<!tpu.dma_semaphore, #tpu.memory_space<semaphore_mem>>) src(%arg5 : memref<640x128xf32, #tpu.memory_space<hbm>>) dst(%dma_wait3A_84 : memref<640x128xf32, #tpu.memory_space<vmem_shared>>)
        tpu.yield
      }) : () -> ()
    } else {
    }
    %barrier3A = arith.constant 0 : index
    tpu.barrier barrier_id(%barrier3A)
    %dma_start3A = arith.constant 0 : i32
    %dma_start3A_8 = arith.constant 0 : i32
    %dma_start3A_9 = tpu.memref_slice %arg7[%dma_start3A, %dma_start3A_8] : memref<250x40xi32, #tpu.memory_space<vmem>> -> memref<1x40xi32, #tpu.memory_space<vmem>>
    %dma_start3A_10 = tpu.memref_squeeze %dma_start3A_9 : memref<1x40xi32, #tpu.memory_space<vmem>> -> memref<40xi32, #tpu.memory_space<vmem>>
    %dma_start3A_11 = arith.constant 0 : i32
    %dma_start3A_12 = arith.constant 0 : i32
    %dma_start3A_13 = tpu.memref_slice %arg2[%dma_start3A_11, %dma_start3A_12] : memref<10000x128xf32, #tpu.memory_space<hbm>> -> memref<10000x128xf32, #tpu.memory_space<hbm>>
    tpu.enqueue_indirect_dma source(%dma_start3A_13 : memref<10000x128xf32, #tpu.memory_space<hbm>>) target(%arg9 : memref<40x128xf32, #tpu.memory_space<vmem>>) offsets(%dma_start3A_10 : memref<40xi32, #tpu.memory_space<vmem>>) semaphore(%arg15 : memref<!tpu.dma_semaphore, #tpu.memory_space<semaphore_mem>>)
    %dma_start3A_14 = arith.constant 1 : i32
    %dma_start3A_15 = arith.constant 0 : i32
    %dma_start3A_16 = tpu.memref_slice %arg7[%dma_start3A_14, %dma_start3A_15] : memref<250x40xi32, #tpu.memory_space<vmem>> -> memref<1x40xi32, #tpu.memory_space<vmem>>
    %dma_start3A_17 = tpu.memref_squeeze %dma_start3A_16 : memref<1x40xi32, #tpu.memory_space<vmem>> -> memref<40xi32, #tpu.memory_space<vmem>>
    %dma_start3A_18 = arith.constant 0 : i32
    %dma_start3A_19 = arith.constant 0 : i32
    %dma_start3A_20 = tpu.memref_slice %arg2[%dma_start3A_18, %dma_start3A_19] : memref<10000x128xf32, #tpu.memory_space<hbm>> -> memref<10000x128xf32, #tpu.memory_space<hbm>>
    tpu.enqueue_indirect_dma source(%dma_start3A_20 : memref<10000x128xf32, #tpu.memory_space<hbm>>) target(%arg10 : memref<40x128xf32, #tpu.memory_space<vmem>>) offsets(%dma_start3A_17 : memref<40xi32, #tpu.memory_space<vmem>>) semaphore(%arg16 : memref<!tpu.dma_semaphore, #tpu.memory_space<semaphore_mem>>)
    %dma_start3A_21 = arith.constant 2 : i32
    %dma_start3A_22 = arith.constant 0 : i32
    %dma_start3A_23 = tpu.memref_slice %arg7[%dma_start3A_21, %dma_start3A_22] : memref<250x40xi32, #tpu.memory_space<vmem>> -> memref<1x40xi32, #tpu.memory_space<vmem>>
    %dma_start3A_24 = tpu.memref_squeeze %dma_start3A_23 : memref<1x40xi32, #tpu.memory_space<vmem>> -> memref<40xi32, #tpu.memory_space<vmem>>
    %dma_start3A_25 = arith.constant 0 : i32
    %dma_start3A_26 = arith.constant 0 : i32
    %dma_start3A_27 = tpu.memref_slice %arg2[%dma_start3A_25, %dma_start3A_26] : memref<10000x128xf32, #tpu.memory_space<hbm>> -> memref<10000x128xf32, #tpu.memory_space<hbm>>
    tpu.enqueue_indirect_dma source(%dma_start3A_27 : memref<10000x128xf32, #tpu.memory_space<hbm>>) target(%arg11 : memref<40x128xf32, #tpu.memory_space<vmem>>) offsets(%dma_start3A_24 : memref<40xi32, #tpu.memory_space<vmem>>) semaphore(%arg17 : memref<!tpu.dma_semaphore, #tpu.memory_space<semaphore_mem>>)
    %dma_start3A_28 = arith.constant 3 : i32
    %dma_start3A_29 = arith.constant 0 : i32
    %dma_start3A_30 = tpu.memref_slice %arg7[%dma_start3A_28, %dma_start3A_29] : memref<250x40xi32, #tpu.memory_space<vmem>> -> memref<1x40xi32, #tpu.memory_space<vmem>>
    %dma_start3A_31 = tpu.memref_squeeze %dma_start3A_30 : memref<1x40xi32, #tpu.memory_space<vmem>> -> memref<40xi32, #tpu.memory_space<vmem>>
    %dma_start3A_32 = arith.constant 0 : i32
    %dma_start3A_33 = arith.constant 0 : i32
    %dma_start3A_34 = tpu.memref_slice %arg2[%dma_start3A_32, %dma_start3A_33] : memref<10000x128xf32, #tpu.memory_space<hbm>> -> memref<10000x128xf32, #tpu.memory_space<hbm>>
    tpu.enqueue_indirect_dma source(%dma_start3A_34 : memref<10000x128xf32, #tpu.memory_space<hbm>>) target(%arg12 : memref<40x128xf32, #tpu.memory_space<vmem>>) offsets(%dma_start3A_31 : memref<40xi32, #tpu.memory_space<vmem>>) semaphore(%arg18 : memref<!tpu.dma_semaphore, #tpu.memory_space<semaphore_mem>>)
    %scan3A = arith.constant 0 : i32
    %scan3A_35 = arith.constant 0 : i32
    %scan3A_36 = arith.constant 50 : i32
    %scan3A_37 = arith.addi %scan3A_35, %scan3A_36 : i32
    %scan3A_38 = arith.constant 1 : i32
    scf.for %scan3A_79 = %scan3A_35 to %scan3A_37 step %scan3A_38  : i32 {
      %mul3A_80 = arith.constant 5 : i32
      %mul3A_81 = arith.muli %mul3A_80, %scan3A_79 : i32
      %add3A_82 = arith.constant 0 : i32
      %add3A_83 = arith.addi %mul3A_81, %add3A_82 : i32
      %add3A_84 = arith.constant 5 : i32
      %add3A_85 = arith.addi %add3A_83, %add3A_84 : i32
      %sub3A = arith.constant 1 : i32
      %sub3A_86 = arith.subi %add3A_85, %sub3A : i32
      %lt3A = arith.constant 250 : i32
      %lt3A_87 = arith.cmpi slt, %sub3A_86, %lt3A : i32
      %convert_element_type3A_88 = arith.extui %lt3A_87 : i1 to i32
      %cond3A_89 = arith.constant 0 : i32
      %cond3A_90 = arith.cmpi ne, %convert_element_type3A_88, %cond3A_89 : i32
      scf.if %cond3A_90 {
        %ge3A = arith.constant 5 : i32
        %ge3A_205 = arith.cmpi sge, %sub3A_86, %ge3A : i32
        %convert_element_type3A_206 = arith.extui %ge3A_205 : i1 to i32
        %cond3A_207 = arith.constant 0 : i32
        %cond3A_208 = arith.cmpi ne, %convert_element_type3A_206, %cond3A_207 : i32
        scf.if %cond3A_208 {
          %sub3A_215 = arith.constant 5 : i32
          %sub3A_216 = arith.subi %sub3A_86, %sub3A_215 : i32
          %dma_wait3A_217 = arith.constant 0 : i32
          %dma_wait3A_218 = tpu.memref_slice %arg8[%sub3A_216, %dma_wait3A_217] : memref<250x40xi32, #tpu.memory_space<vmem>> -> memref<1x40xi32, #tpu.memory_space<vmem>>
          %dma_wait3A_219 = tpu.memref_squeeze %dma_wait3A_218 : memref<1x40xi32, #tpu.memory_space<vmem>> -> memref<40xi32, #tpu.memory_space<vmem>>
          %dma_wait3A_220 = arith.constant 0 : i32
          %dma_wait3A_221 = arith.constant 0 : i32
          %dma_wait3A_222 = tpu.memref_slice %arg14[%dma_wait3A_220, %dma_wait3A_221] : memref<10240x128xf32, #tpu.memory_space<vmem_shared>> -> memref<10240x128xf32, #tpu.memory_space<vmem_shared>>
          tpu.wait_indirect_dma semaphore(%arg24 : memref<!tpu.dma_semaphore, #tpu.memory_space<semaphore_mem>>) src(%arg13 : memref<40x128xf32, #tpu.memory_space<vmem>>) dst(%dma_wait3A_222 : memref<10240x128xf32, #tpu.memory_space<vmem_shared>>)
        } else {
        }
        %dma_start3A_209 = arith.constant 0 : i32
        %dma_start3A_210 = tpu.memref_slice %arg7[%sub3A_86, %dma_start3A_209] : memref<250x40xi32, #tpu.memory_space<vmem>> -> memref<1x40xi32, #tpu.memory_space<vmem>>
        %dma_start3A_211 = tpu.memref_squeeze %dma_start3A_210 : memref<1x40xi32, #tpu.memory_space<vmem>> -> memref<40xi32, #tpu.memory_space<vmem>>
        %dma_start3A_212 = arith.constant 0 : i32
        %dma_start3A_213 = arith.constant 0 : i32
        %dma_start3A_214 = tpu.memref_slice %arg2[%dma_start3A_212, %dma_start3A_213] : memref<10000x128xf32, #tpu.memory_space<hbm>> -> memref<10000x128xf32, #tpu.memory_space<hbm>>
        tpu.enqueue_indirect_dma source(%dma_start3A_214 : memref<10000x128xf32, #tpu.memory_space<hbm>>) target(%arg13 : memref<40x128xf32, #tpu.memory_space<vmem>>) offsets(%dma_start3A_211 : memref<40xi32, #tpu.memory_space<vmem>>) semaphore(%arg19 : memref<!tpu.dma_semaphore, #tpu.memory_space<semaphore_mem>>)
      } else {
      }
      %add3A_91 = arith.constant 0 : i32
      %add3A_92 = arith.addi %mul3A_81, %add3A_91 : i32
      %dma_wait3A_93 = arith.constant 0 : i32
      %dma_wait3A_94 = tpu.memref_slice %arg7[%add3A_92, %dma_wait3A_93] : memref<250x40xi32, #tpu.memory_space<vmem>> -> memref<1x40xi32, #tpu.memory_space<vmem>>
      %dma_wait3A_95 = tpu.memref_squeeze %dma_wait3A_94 : memref<1x40xi32, #tpu.memory_space<vmem>> -> memref<40xi32, #tpu.memory_space<vmem>>
      %dma_wait3A_96 = arith.constant 0 : i32
      %dma_wait3A_97 = arith.constant 0 : i32
      %dma_wait3A_98 = tpu.memref_slice %arg2[%dma_wait3A_96, %dma_wait3A_97] : memref<10000x128xf32, #tpu.memory_space<hbm>> -> memref<10000x128xf32, #tpu.memory_space<hbm>>
      tpu.wait_indirect_dma semaphore(%arg15 : memref<!tpu.dma_semaphore, #tpu.memory_space<semaphore_mem>>) src(%dma_wait3A_98 : memref<10000x128xf32, #tpu.memory_space<hbm>>) dst(%arg9 : memref<40x128xf32, #tpu.memory_space<vmem>>)
      %dma_start3A_99 = arith.constant 0 : i32
      %dma_start3A_100 = tpu.memref_slice %arg8[%add3A_92, %dma_start3A_99] : memref<250x40xi32, #tpu.memory_space<vmem>> -> memref<1x40xi32, #tpu.memory_space<vmem>>
      %dma_start3A_101 = tpu.memref_squeeze %dma_start3A_100 : memref<1x40xi32, #tpu.memory_space<vmem>> -> memref<40xi32, #tpu.memory_space<vmem>>
      %dma_start3A_102 = arith.constant 0 : i32
      %dma_start3A_103 = arith.constant 0 : i32
      %dma_start3A_104 = tpu.memref_slice %arg14[%dma_start3A_102, %dma_start3A_103] : memref<10240x128xf32, #tpu.memory_space<vmem_shared>> -> memref<10240x128xf32, #tpu.memory_space<vmem_shared>>
      tpu.enqueue_indirect_dma source(%arg9 : memref<40x128xf32, #tpu.memory_space<vmem>>) target(%dma_start3A_104 : memref<10240x128xf32, #tpu.memory_space<vmem_shared>>) offsets(%dma_start3A_101 : memref<40xi32, #tpu.memory_space<vmem>>) semaphore(%arg20 : memref<!tpu.dma_semaphore, #tpu.memory_space<semaphore_mem>>) {add = true}
      %add3A_105 = arith.constant 1 : i32
      %add3A_106 = arith.addi %mul3A_81, %add3A_105 : i32
      %add3A_107 = arith.constant 5 : i32
      %add3A_108 = arith.addi %add3A_106, %add3A_107 : i32
      %sub3A_109 = arith.constant 1 : i32
      %sub3A_110 = arith.subi %add3A_108, %sub3A_109 : i32
      %lt3A_111 = arith.constant 250 : i32
      %lt3A_112 = arith.cmpi slt, %sub3A_110, %lt3A_111 : i32
      %convert_element_type3A_113 = arith.extui %lt3A_112 : i1 to i32
      %cond3A_114 = arith.constant 0 : i32
      %cond3A_115 = arith.cmpi ne, %convert_element_type3A_113, %cond3A_114 : i32
      scf.if %cond3A_115 {
        %ge3A = arith.constant 5 : i32
        %ge3A_205 = arith.cmpi sge, %sub3A_110, %ge3A : i32
        %convert_element_type3A_206 = arith.extui %ge3A_205 : i1 to i32
        %cond3A_207 = arith.constant 0 : i32
        %cond3A_208 = arith.cmpi ne, %convert_element_type3A_206, %cond3A_207 : i32
        scf.if %cond3A_208 {
          %sub3A_215 = arith.constant 5 : i32
          %sub3A_216 = arith.subi %sub3A_110, %sub3A_215 : i32
          %dma_wait3A_217 = arith.constant 0 : i32
          %dma_wait3A_218 = tpu.memref_slice %arg8[%sub3A_216, %dma_wait3A_217] : memref<250x40xi32, #tpu.memory_space<vmem>> -> memref<1x40xi32, #tpu.memory_space<vmem>>
          %dma_wait3A_219 = tpu.memref_squeeze %dma_wait3A_218 : memref<1x40xi32, #tpu.memory_space<vmem>> -> memref<40xi32, #tpu.memory_space<vmem>>
          %dma_wait3A_220 = arith.constant 0 : i32
          %dma_wait3A_221 = arith.constant 0 : i32
          %dma_wait3A_222 = tpu.memref_slice %arg14[%dma_wait3A_220, %dma_wait3A_221] : memref<10240x128xf32, #tpu.memory_space<vmem_shared>> -> memref<10240x128xf32, #tpu.memory_space<vmem_shared>>
          tpu.wait_indirect_dma semaphore(%arg20 : memref<!tpu.dma_semaphore, #tpu.memory_space<semaphore_mem>>) src(%arg9 : memref<40x128xf32, #tpu.memory_space<vmem>>) dst(%dma_wait3A_222 : memref<10240x128xf32, #tpu.memory_space<vmem_shared>>)
        } else {
        }
        %dma_start3A_209 = arith.constant 0 : i32
        %dma_start3A_210 = tpu.memref_slice %arg7[%sub3A_110, %dma_start3A_209] : memref<250x40xi32, #tpu.memory_space<vmem>> -> memref<1x40xi32, #tpu.memory_space<vmem>>
        %dma_start3A_211 = tpu.memref_squeeze %dma_start3A_210 : memref<1x40xi32, #tpu.memory_space<vmem>> -> memref<40xi32, #tpu.memory_space<vmem>>
        %dma_start3A_212 = arith.constant 0 : i32
        %dma_start3A_213 = arith.constant 0 : i32
        %dma_start3A_214 = tpu.memref_slice %arg2[%dma_start3A_212, %dma_start3A_213] : memref<10000x128xf32, #tpu.memory_space<hbm>> -> memref<10000x128xf32, #tpu.memory_space<hbm>>
        tpu.enqueue_indirect_dma source(%dma_start3A_214 : memref<10000x128xf32, #tpu.memory_space<hbm>>) target(%arg9 : memref<40x128xf32, #tpu.memory_space<vmem>>) offsets(%dma_start3A_211 : memref<40xi32, #tpu.memory_space<vmem>>) semaphore(%arg15 : memref<!tpu.dma_semaphore, #tpu.memory_space<semaphore_mem>>)
      } else {
      }
      %add3A_116 = arith.constant 1 : i32
      %add3A_117 = arith.addi %mul3A_81, %add3A_116 : i32
      %dma_wait3A_118 = arith.constant 0 : i32
      %dma_wait3A_119 = tpu.memref_slice %arg7[%add3A_117, %dma_wait3A_118] : memref<250x40xi32, #tpu.memory_space<vmem>> -> memref<1x40xi32, #tpu.memory_space<vmem>>
      %dma_wait3A_120 = tpu.memref_squeeze %dma_wait3A_119 : memref<1x40xi32, #tpu.memory_space<vmem>> -> memref<40xi32, #tpu.memory_space<vmem>>
      %dma_wait3A_121 = arith.constant 0 : i32
      %dma_wait3A_122 = arith.constant 0 : i32
      %dma_wait3A_123 = tpu.memref_slice %arg2[%dma_wait3A_121, %dma_wait3A_122] : memref<10000x128xf32, #tpu.memory_space<hbm>> -> memref<10000x128xf32, #tpu.memory_space<hbm>>
      tpu.wait_indirect_dma semaphore(%arg16 : memref<!tpu.dma_semaphore, #tpu.memory_space<semaphore_mem>>) src(%dma_wait3A_123 : memref<10000x128xf32, #tpu.memory_space<hbm>>) dst(%arg10 : memref<40x128xf32, #tpu.memory_space<vmem>>)
      %dma_start3A_124 = arith.constant 0 : i32
      %dma_start3A_125 = tpu.memref_slice %arg8[%add3A_117, %dma_start3A_124] : memref<250x40xi32, #tpu.memory_space<vmem>> -> memref<1x40xi32, #tpu.memory_space<vmem>>
      %dma_start3A_126 = tpu.memref_squeeze %dma_start3A_125 : memref<1x40xi32, #tpu.memory_space<vmem>> -> memref<40xi32, #tpu.memory_space<vmem>>
      %dma_start3A_127 = arith.constant 0 : i32
      %dma_start3A_128 = arith.constant 0 : i32
      %dma_start3A_129 = tpu.memref_slice %arg14[%dma_start3A_127, %dma_start3A_128] : memref<10240x128xf32, #tpu.memory_space<vmem_shared>> -> memref<10240x128xf32, #tpu.memory_space<vmem_shared>>
      tpu.enqueue_indirect_dma source(%arg10 : memref<40x128xf32, #tpu.memory_space<vmem>>) target(%dma_start3A_129 : memref<10240x128xf32, #tpu.memory_space<vmem_shared>>) offsets(%dma_start3A_126 : memref<40xi32, #tpu.memory_space<vmem>>) semaphore(%arg21 : memref<!tpu.dma_semaphore, #tpu.memory_space<semaphore_mem>>) {add = true}
      %add3A_130 = arith.constant 2 : i32
      %add3A_131 = arith.addi %mul3A_81, %add3A_130 : i32
      %add3A_132 = arith.constant 5 : i32
      %add3A_133 = arith.addi %add3A_131, %add3A_132 : i32
      %sub3A_134 = arith.constant 1 : i32
      %sub3A_135 = arith.subi %add3A_133, %sub3A_134 : i32
      %lt3A_136 = arith.constant 250 : i32
      %lt3A_137 = arith.cmpi slt, %sub3A_135, %lt3A_136 : i32
      %convert_element_type3A_138 = arith.extui %lt3A_137 : i1 to i32
      %cond3A_139 = arith.constant 0 : i32
      %cond3A_140 = arith.cmpi ne, %convert_element_type3A_138, %cond3A_139 : i32
      scf.if %cond3A_140 {
        %ge3A = arith.constant 5 : i32
        %ge3A_205 = arith.cmpi sge, %sub3A_135, %ge3A : i32
        %convert_element_type3A_206 = arith.extui %ge3A_205 : i1 to i32
        %cond3A_207 = arith.constant 0 : i32
        %cond3A_208 = arith.cmpi ne, %convert_element_type3A_206, %cond3A_207 : i32
        scf.if %cond3A_208 {
          %sub3A_215 = arith.constant 5 : i32
          %sub3A_216 = arith.subi %sub3A_135, %sub3A_215 : i32
          %dma_wait3A_217 = arith.constant 0 : i32
          %dma_wait3A_218 = tpu.memref_slice %arg8[%sub3A_216, %dma_wait3A_217] : memref<250x40xi32, #tpu.memory_space<vmem>> -> memref<1x40xi32, #tpu.memory_space<vmem>>
          %dma_wait3A_219 = tpu.memref_squeeze %dma_wait3A_218 : memref<1x40xi32, #tpu.memory_space<vmem>> -> memref<40xi32, #tpu.memory_space<vmem>>
          %dma_wait3A_220 = arith.constant 0 : i32
          %dma_wait3A_221 = arith.constant 0 : i32
          %dma_wait3A_222 = tpu.memref_slice %arg14[%dma_wait3A_220, %dma_wait3A_221] : memref<10240x128xf32, #tpu.memory_space<vmem_shared>> -> memref<10240x128xf32, #tpu.memory_space<vmem_shared>>
          tpu.wait_indirect_dma semaphore(%arg21 : memref<!tpu.dma_semaphore, #tpu.memory_space<semaphore_mem>>) src(%arg10 : memref<40x128xf32, #tpu.memory_space<vmem>>) dst(%dma_wait3A_222 : memref<10240x128xf32, #tpu.memory_space<vmem_shared>>)
        } else {
        }
        %dma_start3A_209 = arith.constant 0 : i32
        %dma_start3A_210 = tpu.memref_slice %arg7[%sub3A_135, %dma_start3A_209] : memref<250x40xi32, #tpu.memory_space<vmem>> -> memref<1x40xi32, #tpu.memory_space<vmem>>
        %dma_start3A_211 = tpu.memref_squeeze %dma_start3A_210 : memref<1x40xi32, #tpu.memory_space<vmem>> -> memref<40xi32, #tpu.memory_space<vmem>>
        %dma_start3A_212 = arith.constant 0 : i32
        %dma_start3A_213 = arith.constant 0 : i32
        %dma_start3A_214 = tpu.memref_slice %arg2[%dma_start3A_212, %dma_start3A_213] : memref<10000x128xf32, #tpu.memory_space<hbm>> -> memref<10000x128xf32, #tpu.memory_space<hbm>>
        tpu.enqueue_indirect_dma source(%dma_start3A_214 : memref<10000x128xf32, #tpu.memory_space<hbm>>) target(%arg10 : memref<40x128xf32, #tpu.memory_space<vmem>>) offsets(%dma_start3A_211 : memref<40xi32, #tpu.memory_space<vmem>>) semaphore(%arg16 : memref<!tpu.dma_semaphore, #tpu.memory_space<semaphore_mem>>)
      } else {
      }
      %add3A_141 = arith.constant 2 : i32
      %add3A_142 = arith.addi %mul3A_81, %add3A_141 : i32
      %dma_wait3A_143 = arith.constant 0 : i32
      %dma_wait3A_144 = tpu.memref_slice %arg7[%add3A_142, %dma_wait3A_143] : memref<250x40xi32, #tpu.memory_space<vmem>> -> memref<1x40xi32, #tpu.memory_space<vmem>>
      %dma_wait3A_145 = tpu.memref_squeeze %dma_wait3A_144 : memref<1x40xi32, #tpu.memory_space<vmem>> -> memref<40xi32, #tpu.memory_space<vmem>>
      %dma_wait3A_146 = arith.constant 0 : i32
      %dma_wait3A_147 = arith.constant 0 : i32
      %dma_wait3A_148 = tpu.memref_slice %arg2[%dma_wait3A_146, %dma_wait3A_147] : memref<10000x128xf32, #tpu.memory_space<hbm>> -> memref<10000x128xf32, #tpu.memory_space<hbm>>
      tpu.wait_indirect_dma semaphore(%arg17 : memref<!tpu.dma_semaphore, #tpu.memory_space<semaphore_mem>>) src(%dma_wait3A_148 : memref<10000x128xf32, #tpu.memory_space<hbm>>) dst(%arg11 : memref<40x128xf32, #tpu.memory_space<vmem>>)
      %dma_start3A_149 = arith.constant 0 : i32
      %dma_start3A_150 = tpu.memref_slice %arg8[%add3A_142, %dma_start3A_149] : memref<250x40xi32, #tpu.memory_space<vmem>> -> memref<1x40xi32, #tpu.memory_space<vmem>>
      %dma_start3A_151 = tpu.memref_squeeze %dma_start3A_150 : memref<1x40xi32, #tpu.memory_space<vmem>> -> memref<40xi32, #tpu.memory_space<vmem>>
      %dma_start3A_152 = arith.constant 0 : i32
      %dma_start3A_153 = arith.constant 0 : i32
      %dma_start3A_154 = tpu.memref_slice %arg14[%dma_start3A_152, %dma_start3A_153] : memref<10240x128xf32, #tpu.memory_space<vmem_shared>> -> memref<10240x128xf32, #tpu.memory_space<vmem_shared>>
      tpu.enqueue_indirect_dma source(%arg11 : memref<40x128xf32, #tpu.memory_space<vmem>>) target(%dma_start3A_154 : memref<10240x128xf32, #tpu.memory_space<vmem_shared>>) offsets(%dma_start3A_151 : memref<40xi32, #tpu.memory_space<vmem>>) semaphore(%arg22 : memref<!tpu.dma_semaphore, #tpu.memory_space<semaphore_mem>>) {add = true}
      %add3A_155 = arith.constant 3 : i32
      %add3A_156 = arith.addi %mul3A_81, %add3A_155 : i32
      %add3A_157 = arith.constant 5 : i32
      %add3A_158 = arith.addi %add3A_156, %add3A_157 : i32
      %sub3A_159 = arith.constant 1 : i32
      %sub3A_160 = arith.subi %add3A_158, %sub3A_159 : i32
      %lt3A_161 = arith.constant 250 : i32
      %lt3A_162 = arith.cmpi slt, %sub3A_160, %lt3A_161 : i32
      %convert_element_type3A_163 = arith.extui %lt3A_162 : i1 to i32
      %cond3A_164 = arith.constant 0 : i32
      %cond3A_165 = arith.cmpi ne, %convert_element_type3A_163, %cond3A_164 : i32
      scf.if %cond3A_165 {
        %ge3A = arith.constant 5 : i32
        %ge3A_205 = arith.cmpi sge, %sub3A_160, %ge3A : i32
        %convert_element_type3A_206 = arith.extui %ge3A_205 : i1 to i32
        %cond3A_207 = arith.constant 0 : i32
        %cond3A_208 = arith.cmpi ne, %convert_element_type3A_206, %cond3A_207 : i32
        scf.if %cond3A_208 {
          %sub3A_215 = arith.constant 5 : i32
          %sub3A_216 = arith.subi %sub3A_160, %sub3A_215 : i32
          %dma_wait3A_217 = arith.constant 0 : i32
          %dma_wait3A_218 = tpu.memref_slice %arg8[%sub3A_216, %dma_wait3A_217] : memref<250x40xi32, #tpu.memory_space<vmem>> -> memref<1x40xi32, #tpu.memory_space<vmem>>
          %dma_wait3A_219 = tpu.memref_squeeze %dma_wait3A_218 : memref<1x40xi32, #tpu.memory_space<vmem>> -> memref<40xi32, #tpu.memory_space<vmem>>
          %dma_wait3A_220 = arith.constant 0 : i32
          %dma_wait3A_221 = arith.constant 0 : i32
          %dma_wait3A_222 = tpu.memref_slice %arg14[%dma_wait3A_220, %dma_wait3A_221] : memref<10240x128xf32, #tpu.memory_space<vmem_shared>> -> memref<10240x128xf32, #tpu.memory_space<vmem_shared>>
          tpu.wait_indirect_dma semaphore(%arg22 : memref<!tpu.dma_semaphore, #tpu.memory_space<semaphore_mem>>) src(%arg11 : memref<40x128xf32, #tpu.memory_space<vmem>>) dst(%dma_wait3A_222 : memref<10240x128xf32, #tpu.memory_space<vmem_shared>>)
        } else {
        }
        %dma_start3A_209 = arith.constant 0 : i32
        %dma_start3A_210 = tpu.memref_slice %arg7[%sub3A_160, %dma_start3A_209] : memref<250x40xi32, #tpu.memory_space<vmem>> -> memref<1x40xi32, #tpu.memory_space<vmem>>
        %dma_start3A_211 = tpu.memref_squeeze %dma_start3A_210 : memref<1x40xi32, #tpu.memory_space<vmem>> -> memref<40xi32, #tpu.memory_space<vmem>>
        %dma_start3A_212 = arith.constant 0 : i32
        %dma_start3A_213 = arith.constant 0 : i32
        %dma_start3A_214 = tpu.memref_slice %arg2[%dma_start3A_212, %dma_start3A_213] : memref<10000x128xf32, #tpu.memory_space<hbm>> -> memref<10000x128xf32, #tpu.memory_space<hbm>>
        tpu.enqueue_indirect_dma source(%dma_start3A_214 : memref<10000x128xf32, #tpu.memory_space<hbm>>) target(%arg11 : memref<40x128xf32, #tpu.memory_space<vmem>>) offsets(%dma_start3A_211 : memref<40xi32, #tpu.memory_space<vmem>>) semaphore(%arg17 : memref<!tpu.dma_semaphore, #tpu.memory_space<semaphore_mem>>)
      } else {
      }
      %add3A_166 = arith.constant 3 : i32
      %add3A_167 = arith.addi %mul3A_81, %add3A_166 : i32
      %dma_wait3A_168 = arith.constant 0 : i32
      %dma_wait3A_169 = tpu.memref_slice %arg7[%add3A_167, %dma_wait3A_168] : memref<250x40xi32, #tpu.memory_space<vmem>> -> memref<1x40xi32, #tpu.memory_space<vmem>>
      %dma_wait3A_170 = tpu.memref_squeeze %dma_wait3A_169 : memref<1x40xi32, #tpu.memory_space<vmem>> -> memref<40xi32, #tpu.memory_space<vmem>>
      %dma_wait3A_171 = arith.constant 0 : i32
      %dma_wait3A_172 = arith.constant 0 : i32
      %dma_wait3A_173 = tpu.memref_slice %arg2[%dma_wait3A_171, %dma_wait3A_172] : memref<10000x128xf32, #tpu.memory_space<hbm>> -> memref<10000x128xf32, #tpu.memory_space<hbm>>
      tpu.wait_indirect_dma semaphore(%arg18 : memref<!tpu.dma_semaphore, #tpu.memory_space<semaphore_mem>>) src(%dma_wait3A_173 : memref<10000x128xf32, #tpu.memory_space<hbm>>) dst(%arg12 : memref<40x128xf32, #tpu.memory_space<vmem>>)
      %dma_start3A_174 = arith.constant 0 : i32
      %dma_start3A_175 = tpu.memref_slice %arg8[%add3A_167, %dma_start3A_174] : memref<250x40xi32, #tpu.memory_space<vmem>> -> memref<1x40xi32, #tpu.memory_space<vmem>>
      %dma_start3A_176 = tpu.memref_squeeze %dma_start3A_175 : memref<1x40xi32, #tpu.memory_space<vmem>> -> memref<40xi32, #tpu.memory_space<vmem>>
      %dma_start3A_177 = arith.constant 0 : i32
      %dma_start3A_178 = arith.constant 0 : i32
      %dma_start3A_179 = tpu.memref_slice %arg14[%dma_start3A_177, %dma_start3A_178] : memref<10240x128xf32, #tpu.memory_space<vmem_shared>> -> memref<10240x128xf32, #tpu.memory_space<vmem_shared>>
      tpu.enqueue_indirect_dma source(%arg12 : memref<40x128xf32, #tpu.memory_space<vmem>>) target(%dma_start3A_179 : memref<10240x128xf32, #tpu.memory_space<vmem_shared>>) offsets(%dma_start3A_176 : memref<40xi32, #tpu.memory_space<vmem>>) semaphore(%arg23 : memref<!tpu.dma_semaphore, #tpu.memory_space<semaphore_mem>>) {add = true}
      %add3A_180 = arith.constant 4 : i32
      %add3A_181 = arith.addi %mul3A_81, %add3A_180 : i32
      %add3A_182 = arith.constant 5 : i32
      %add3A_183 = arith.addi %add3A_181, %add3A_182 : i32
      %sub3A_184 = arith.constant 1 : i32
      %sub3A_185 = arith.subi %add3A_183, %sub3A_184 : i32
      %lt3A_186 = arith.constant 250 : i32
      %lt3A_187 = arith.cmpi slt, %sub3A_185, %lt3A_186 : i32
      %convert_element_type3A_188 = arith.extui %lt3A_187 : i1 to i32
      %cond3A_189 = arith.constant 0 : i32
      %cond3A_190 = arith.cmpi ne, %convert_element_type3A_188, %cond3A_189 : i32
      scf.if %cond3A_190 {
        %ge3A = arith.constant 5 : i32
        %ge3A_205 = arith.cmpi sge, %sub3A_185, %ge3A : i32
        %convert_element_type3A_206 = arith.extui %ge3A_205 : i1 to i32
        %cond3A_207 = arith.constant 0 : i32
        %cond3A_208 = arith.cmpi ne, %convert_element_type3A_206, %cond3A_207 : i32
        scf.if %cond3A_208 {
          %sub3A_215 = arith.constant 5 : i32
          %sub3A_216 = arith.subi %sub3A_185, %sub3A_215 : i32
          %dma_wait3A_217 = arith.constant 0 : i32
          %dma_wait3A_218 = tpu.memref_slice %arg8[%sub3A_216, %dma_wait3A_217] : memref<250x40xi32, #tpu.memory_space<vmem>> -> memref<1x40xi32, #tpu.memory_space<vmem>>
          %dma_wait3A_219 = tpu.memref_squeeze %dma_wait3A_218 : memref<1x40xi32, #tpu.memory_space<vmem>> -> memref<40xi32, #tpu.memory_space<vmem>>
          %dma_wait3A_220 = arith.constant 0 : i32
          %dma_wait3A_221 = arith.constant 0 : i32
          %dma_wait3A_222 = tpu.memref_slice %arg14[%dma_wait3A_220, %dma_wait3A_221] : memref<10240x128xf32, #tpu.memory_space<vmem_shared>> -> memref<10240x128xf32, #tpu.memory_space<vmem_shared>>
          tpu.wait_indirect_dma semaphore(%arg23 : memref<!tpu.dma_semaphore, #tpu.memory_space<semaphore_mem>>) src(%arg12 : memref<40x128xf32, #tpu.memory_space<vmem>>) dst(%dma_wait3A_222 : memref<10240x128xf32, #tpu.memory_space<vmem_shared>>)
        } else {
        }
        %dma_start3A_209 = arith.constant 0 : i32
        %dma_start3A_210 = tpu.memref_slice %arg7[%sub3A_185, %dma_start3A_209] : memref<250x40xi32, #tpu.memory_space<vmem>> -> memref<1x40xi32, #tpu.memory_space<vmem>>
        %dma_start3A_211 = tpu.memref_squeeze %dma_start3A_210 : memref<1x40xi32, #tpu.memory_space<vmem>> -> memref<40xi32, #tpu.memory_space<vmem>>
        %dma_start3A_212 = arith.constant 0 : i32
        %dma_start3A_213 = arith.constant 0 : i32
        %dma_start3A_214 = tpu.memref_slice %arg2[%dma_start3A_212, %dma_start3A_213] : memref<10000x128xf32, #tpu.memory_space<hbm>> -> memref<10000x128xf32, #tpu.memory_space<hbm>>
        tpu.enqueue_indirect_dma source(%dma_start3A_214 : memref<10000x128xf32, #tpu.memory_space<hbm>>) target(%arg12 : memref<40x128xf32, #tpu.memory_space<vmem>>) offsets(%dma_start3A_211 : memref<40xi32, #tpu.memory_space<vmem>>) semaphore(%arg18 : memref<!tpu.dma_semaphore, #tpu.memory_space<semaphore_mem>>)
      } else {
      }
      %add3A_191 = arith.constant 4 : i32
      %add3A_192 = arith.addi %mul3A_81, %add3A_191 : i32
      %dma_wait3A_193 = arith.constant 0 : i32
      %dma_wait3A_194 = tpu.memref_slice %arg7[%add3A_192, %dma_wait3A_193] : memref<250x40xi32, #tpu.memory_space<vmem>> -> memref<1x40xi32, #tpu.memory_space<vmem>>
      %dma_wait3A_195 = tpu.memref_squeeze %dma_wait3A_194 : memref<1x40xi32, #tpu.memory_space<vmem>> -> memref<40xi32, #tpu.memory_space<vmem>>
      %dma_wait3A_196 = arith.constant 0 : i32
      %dma_wait3A_197 = arith.constant 0 : i32
      %dma_wait3A_198 = tpu.memref_slice %arg2[%dma_wait3A_196, %dma_wait3A_197] : memref<10000x128xf32, #tpu.memory_space<hbm>> -> memref<10000x128xf32, #tpu.memory_space<hbm>>
      tpu.wait_indirect_dma semaphore(%arg19 : memref<!tpu.dma_semaphore, #tpu.memory_space<semaphore_mem>>) src(%dma_wait3A_198 : memref<10000x128xf32, #tpu.memory_space<hbm>>) dst(%arg13 : memref<40x128xf32, #tpu.memory_space<vmem>>)
      %dma_start3A_199 = arith.constant 0 : i32
      %dma_start3A_200 = tpu.memref_slice %arg8[%add3A_192, %dma_start3A_199] : memref<250x40xi32, #tpu.memory_space<vmem>> -> memref<1x40xi32, #tpu.memory_space<vmem>>
      %dma_start3A_201 = tpu.memref_squeeze %dma_start3A_200 : memref<1x40xi32, #tpu.memory_space<vmem>> -> memref<40xi32, #tpu.memory_space<vmem>>
      %dma_start3A_202 = arith.constant 0 : i32
      %dma_start3A_203 = arith.constant 0 : i32
      %dma_start3A_204 = tpu.memref_slice %arg14[%dma_start3A_202, %dma_start3A_203] : memref<10240x128xf32, #tpu.memory_space<vmem_shared>> -> memref<10240x128xf32, #tpu.memory_space<vmem_shared>>
      tpu.enqueue_indirect_dma source(%arg13 : memref<40x128xf32, #tpu.memory_space<vmem>>) target(%dma_start3A_204 : memref<10240x128xf32, #tpu.memory_space<vmem_shared>>) offsets(%dma_start3A_201 : memref<40xi32, #tpu.memory_space<vmem>>) semaphore(%arg24 : memref<!tpu.dma_semaphore, #tpu.memory_space<semaphore_mem>>) {add = true}
    }
    %scan3A_39 = arith.constant 50 : i32
    %dma_wait3A = arith.constant 245 : i32
    %dma_wait3A_40 = arith.constant 0 : i32
    %dma_wait3A_41 = tpu.memref_slice %arg8[%dma_wait3A, %dma_wait3A_40] : memref<250x40xi32, #tpu.memory_space<vmem>> -> memref<1x40xi32, #tpu.memory_space<vmem>>
    %dma_wait3A_42 = tpu.memref_squeeze %dma_wait3A_41 : memref<1x40xi32, #tpu.memory_space<vmem>> -> memref<40xi32, #tpu.memory_space<vmem>>
    %dma_wait3A_43 = arith.constant 0 : i32
    %dma_wait3A_44 = arith.constant 0 : i32
    %dma_wait3A_45 = tpu.memref_slice %arg14[%dma_wait3A_43, %dma_wait3A_44] : memref<10240x128xf32, #tpu.memory_space<vmem_shared>> -> memref<10240x128xf32, #tpu.memory_space<vmem_shared>>
    tpu.wait_indirect_dma semaphore(%arg20 : memref<!tpu.dma_semaphore, #tpu.memory_space<semaphore_mem>>) src(%arg9 : memref<40x128xf32, #tpu.memory_space<vmem>>) dst(%dma_wait3A_45 : memref<10240x128xf32, #tpu.memory_space<vmem_shared>>)
    %dma_wait3A_46 = arith.constant 246 : i32
    %dma_wait3A_47 = arith.constant 0 : i32
    %dma_wait3A_48 = tpu.memref_slice %arg8[%dma_wait3A_46, %dma_wait3A_47] : memref<250x40xi32, #tpu.memory_space<vmem>> -> memref<1x40xi32, #tpu.memory_space<vmem>>
    %dma_wait3A_49 = tpu.memref_squeeze %dma_wait3A_48 : memref<1x40xi32, #tpu.memory_space<vmem>> -> memref<40xi32, #tpu.memory_space<vmem>>
    %dma_wait3A_50 = arith.constant 0 : i32
    %dma_wait3A_51 = arith.constant 0 : i32
    %dma_wait3A_52 = tpu.memref_slice %arg14[%dma_wait3A_50, %dma_wait3A_51] : memref<10240x128xf32, #tpu.memory_space<vmem_shared>> -> memref<10240x128xf32, #tpu.memory_space<vmem_shared>>
    tpu.wait_indirect_dma semaphore(%arg21 : memref<!tpu.dma_semaphore, #tpu.memory_space<semaphore_mem>>) src(%arg10 : memref<40x128xf32, #tpu.memory_space<vmem>>) dst(%dma_wait3A_52 : memref<10240x128xf32, #tpu.memory_space<vmem_shared>>)
    %dma_wait3A_53 = arith.constant 247 : i32
    %dma_wait3A_54 = arith.constant 0 : i32
    %dma_wait3A_55 = tpu.memref_slice %arg8[%dma_wait3A_53, %dma_wait3A_54] : memref<250x40xi32, #tpu.memory_space<vmem>> -> memref<1x40xi32, #tpu.memory_space<vmem>>
    %dma_wait3A_56 = tpu.memref_squeeze %dma_wait3A_55 : memref<1x40xi32, #tpu.memory_space<vmem>> -> memref<40xi32, #tpu.memory_space<vmem>>
    %dma_wait3A_57 = arith.constant 0 : i32
    %dma_wait3A_58 = arith.constant 0 : i32
    %dma_wait3A_59 = tpu.memref_slice %arg14[%dma_wait3A_57, %dma_wait3A_58] : memref<10240x128xf32, #tpu.memory_space<vmem_shared>> -> memref<10240x128xf32, #tpu.memory_space<vmem_shared>>
    tpu.wait_indirect_dma semaphore(%arg22 : memref<!tpu.dma_semaphore, #tpu.memory_space<semaphore_mem>>) src(%arg11 : memref<40x128xf32, #tpu.memory_space<vmem>>) dst(%dma_wait3A_59 : memref<10240x128xf32, #tpu.memory_space<vmem_shared>>)
    %dma_wait3A_60 = arith.constant 248 : i32
    %dma_wait3A_61 = arith.constant 0 : i32
    %dma_wait3A_62 = tpu.memref_slice %arg8[%dma_wait3A_60, %dma_wait3A_61] : memref<250x40xi32, #tpu.memory_space<vmem>> -> memref<1x40xi32, #tpu.memory_space<vmem>>
    %dma_wait3A_63 = tpu.memref_squeeze %dma_wait3A_62 : memref<1x40xi32, #tpu.memory_space<vmem>> -> memref<40xi32, #tpu.memory_space<vmem>>
    %dma_wait3A_64 = arith.constant 0 : i32
    %dma_wait3A_65 = arith.constant 0 : i32
    %dma_wait3A_66 = tpu.memref_slice %arg14[%dma_wait3A_64, %dma_wait3A_65] : memref<10240x128xf32, #tpu.memory_space<vmem_shared>> -> memref<10240x128xf32, #tpu.memory_space<vmem_shared>>
    tpu.wait_indirect_dma semaphore(%arg23 : memref<!tpu.dma_semaphore, #tpu.memory_space<semaphore_mem>>) src(%arg12 : memref<40x128xf32, #tpu.memory_space<vmem>>) dst(%dma_wait3A_66 : memref<10240x128xf32, #tpu.memory_space<vmem_shared>>)
    %dma_wait3A_67 = arith.constant 249 : i32
    %dma_wait3A_68 = arith.constant 0 : i32
    %dma_wait3A_69 = tpu.memref_slice %arg8[%dma_wait3A_67, %dma_wait3A_68] : memref<250x40xi32, #tpu.memory_space<vmem>> -> memref<1x40xi32, #tpu.memory_space<vmem>>
    %dma_wait3A_70 = tpu.memref_squeeze %dma_wait3A_69 : memref<1x40xi32, #tpu.memory_space<vmem>> -> memref<40xi32, #tpu.memory_space<vmem>>
    %dma_wait3A_71 = arith.constant 0 : i32
    %dma_wait3A_72 = arith.constant 0 : i32
    %dma_wait3A_73 = tpu.memref_slice %arg14[%dma_wait3A_71, %dma_wait3A_72] : memref<10240x128xf32, #tpu.memory_space<vmem_shared>> -> memref<10240x128xf32, #tpu.memory_space<vmem_shared>>
    tpu.wait_indirect_dma semaphore(%arg24 : memref<!tpu.dma_semaphore, #tpu.memory_space<semaphore_mem>>) src(%arg13 : memref<40x128xf32, #tpu.memory_space<vmem>>) dst(%dma_wait3A_73 : memref<10240x128xf32, #tpu.memory_space<vmem_shared>>)
    %barrier3A_74 = arith.constant 0 : index
    tpu.barrier barrier_id(%barrier3A_74)
    %mul3A_75 = arith.constant 640 : i32
    %mul3A_76 = arith.muli %arg1, %mul3A_75 : i32
    %mul3A_77 = arith.constant 640 : i32
    %mul3A_78 = arith.muli %arg1, %mul3A_77 : i32
    "tpu.region"() ({
      %run_scoped3A = tpu.sem_alloc : memref<!tpu.dma_semaphore, #tpu.memory_space<semaphore_mem>>
      %dma_start3A_79 = arith.constant 0 : i32
      %dma_start3A_80 = tpu.memref_slice %arg6[%arg0, %mul3A_78, %dma_start3A_79] : memref<2x10240x128xf32, #tpu.memory_space<hbm>> -> memref<1x640x128xf32, #tpu.memory_space<hbm>>
      %dma_start3A_81 = tpu.memref_squeeze %dma_start3A_80 : memref<1x640x128xf32, #tpu.memory_space<hbm>> -> memref<640x128xf32, #tpu.memory_space<hbm>>
      %dma_start3A_82 = arith.constant 0 : i32
      %dma_start3A_83 = tpu.memref_slice %arg14[%mul3A_76, %dma_start3A_82] : memref<10240x128xf32, #tpu.memory_space<vmem_shared>> -> memref<640x128xf32, #tpu.memory_space<vmem_shared>>
      tpu.enqueue_dma source(%dma_start3A_83 : memref<640x128xf32, #tpu.memory_space<vmem_shared>>) target(%dma_start3A_81 : memref<640x128xf32, #tpu.memory_space<hbm>>) target_semaphore(%run_scoped3A : memref<!tpu.dma_semaphore, #tpu.memory_space<semaphore_mem>>)
      %dma_wait3A_84 = arith.constant 0 : i32
      %dma_wait3A_85 = tpu.memref_slice %arg6[%arg0, %mul3A_78, %dma_wait3A_84] : memref<2x10240x128xf32, #tpu.memory_space<hbm>> -> memref<1x640x128xf32, #tpu.memory_space<hbm>>
      %dma_wait3A_86 = tpu.memref_squeeze %dma_wait3A_85 : memref<1x640x128xf32, #tpu.memory_space<hbm>> -> memref<640x128xf32, #tpu.memory_space<hbm>>
      %dma_wait3A_87 = arith.constant 0 : i32
      %dma_wait3A_88 = tpu.memref_slice %arg14[%mul3A_76, %dma_wait3A_87] : memref<10240x128xf32, #tpu.memory_space<vmem_shared>> -> memref<640x128xf32, #tpu.memory_space<vmem_shared>>
      tpu.wait_dma2 semaphore(%run_scoped3A : memref<!tpu.dma_semaphore, #tpu.memory_space<semaphore_mem>>) src(%dma_wait3A_88 : memref<640x128xf32, #tpu.memory_space<vmem_shared>>) dst(%dma_wait3A_86 : memref<640x128xf32, #tpu.memory_space<hbm>>)
      tpu.yield
    }) : () -> ()
    return
  }
}

#map = affine_map<(d0, d1) -> (0, 0)>
#map1 = affine_map<(d0, d1) -> (0, 0, 0)>
module attributes {stable_mosaic.version = 14 : i64} {
  func.func @prop(%arg0: i32, %arg1: i32, %arg2: memref<10000x64xf32, #tpu.memory_space<hbm>>, %arg3: memref<32x250x40xi32, #tpu.memory_space<hbm>>, %arg4: memref<32x250x40xi32, #tpu.memory_space<hbm>>, %arg5: memref<640x64xf32, #tpu.memory_space<hbm>>, %arg6: memref<2x10240x64xf32, #tpu.memory_space<hbm>>, %arg7: memref<250x40xi32, #tpu.memory_space<vmem>>, %arg8: memref<250x40xi32, #tpu.memory_space<vmem>>, %arg9: memref<40x64xf32, #tpu.memory_space<vmem>>, %arg10: memref<40x64xf32, #tpu.memory_space<vmem>>, %arg11: memref<40x64xf32, #tpu.memory_space<vmem>>, %arg12: memref<40x64xf32, #tpu.memory_space<vmem>>, %arg13: memref<40x64xf32, #tpu.memory_space<vmem>>, %arg14: memref<40x64xf32, #tpu.memory_space<vmem>>, %arg15: memref<40x64xf32, #tpu.memory_space<vmem>>, %arg16: memref<40x64xf32, #tpu.memory_space<vmem>>, %arg17: memref<10240x64xf32, #tpu.memory_space<vmem_shared>>, %arg18: memref<!tpu.dma_semaphore, #tpu.memory_space<semaphore_mem>>, %arg19: memref<!tpu.dma_semaphore, #tpu.memory_space<semaphore_mem>>, %arg20: memref<!tpu.dma_semaphore, #tpu.memory_space<semaphore_mem>>, %arg21: memref<!tpu.dma_semaphore, #tpu.memory_space<semaphore_mem>>, %arg22: memref<!tpu.dma_semaphore, #tpu.memory_space<semaphore_mem>>, %arg23: memref<!tpu.dma_semaphore, #tpu.memory_space<semaphore_mem>>, %arg24: memref<!tpu.dma_semaphore, #tpu.memory_space<semaphore_mem>>, %arg25: memref<!tpu.dma_semaphore, #tpu.memory_space<semaphore_mem>>, %arg26: memref<!tpu.dma_semaphore, #tpu.memory_space<semaphore_mem>>, %arg27: memref<!tpu.dma_semaphore, #tpu.memory_space<semaphore_mem>>, %arg28: memref<!tpu.dma_semaphore, #tpu.memory_space<semaphore_mem>>, %arg29: memref<!tpu.dma_semaphore, #tpu.memory_space<semaphore_mem>>, %arg30: memref<!tpu.dma_semaphore, #tpu.memory_space<semaphore_mem>>, %arg31: memref<!tpu.dma_semaphore, #tpu.memory_space<semaphore_mem>>, %arg32: memref<!tpu.dma_semaphore, #tpu.memory_space<semaphore_mem>>, %arg33: memref<!tpu.dma_semaphore, #tpu.memory_space<semaphore_mem>>) attributes {dimension_semantics = [#tpu.dimension_semantics<core_parallel>, #tpu.dimension_semantics<subcore_parallel>], iteration_bounds = array<i64: 2, 16>, scalar_prefetch = 0 : i64, scratch_operands = 27 : i64, tpu.core_type = #tpu.core_type<sc_vector_subcore>, window_params = [{transform_indices = #map}, {transform_indices = #map1}, {transform_indices = #map1}, {transform_indices = #map}, {transform_indices = #map1}]} {
    %mul3A = arith.constant 2 : i32
    %mul3A_0 = arith.muli %arg1, %mul3A : i32
    %add3A = arith.addi %mul3A_0, %arg0 : i32
    "tpu.region"() ({
      %run_scoped3A = tpu.sem_alloc : memref<!tpu.dma_semaphore, #tpu.memory_space<semaphore_mem>>
      %dma_start3A_149 = arith.constant 0 : i32
      %dma_start3A_150 = arith.constant 0 : i32
      %dma_start3A_151 = tpu.memref_slice %arg3[%add3A, %dma_start3A_149, %dma_start3A_150] : memref<32x250x40xi32, #tpu.memory_space<hbm>> -> memref<1x250x40xi32, #tpu.memory_space<hbm>>
      %dma_start3A_152 = tpu.memref_squeeze %dma_start3A_151 : memref<1x250x40xi32, #tpu.memory_space<hbm>> -> memref<250x40xi32, #tpu.memory_space<hbm>>
      %dma_start3A_153 = arith.constant 0 : i32
      %dma_start3A_154 = arith.constant 0 : i32
      %dma_start3A_155 = tpu.memref_slice %arg3[%add3A, %dma_start3A_153, %dma_start3A_154] : memref<32x250x40xi32, #tpu.memory_space<hbm>> -> memref<1x250x40xi32, #tpu.memory_space<hbm>>
      %dma_start3A_156 = tpu.memref_squeeze %dma_start3A_155 : memref<1x250x40xi32, #tpu.memory_space<hbm>> -> memref<250x40xi32, #tpu.memory_space<hbm>>
      tpu.enqueue_dma source(%dma_start3A_156 : memref<250x40xi32, #tpu.memory_space<hbm>>) target(%arg7 : memref<250x40xi32, #tpu.memory_space<vmem>>) target_semaphore(%run_scoped3A : memref<!tpu.dma_semaphore, #tpu.memory_space<semaphore_mem>>)
      %dma_wait3A_157 = arith.constant 0 : i32
      %dma_wait3A_158 = arith.constant 0 : i32
      %dma_wait3A_159 = tpu.memref_slice %arg3[%add3A, %dma_wait3A_157, %dma_wait3A_158] : memref<32x250x40xi32, #tpu.memory_space<hbm>> -> memref<1x250x40xi32, #tpu.memory_space<hbm>>
      %dma_wait3A_160 = tpu.memref_squeeze %dma_wait3A_159 : memref<1x250x40xi32, #tpu.memory_space<hbm>> -> memref<250x40xi32, #tpu.memory_space<hbm>>
      %dma_wait3A_161 = arith.constant 0 : i32
      %dma_wait3A_162 = arith.constant 0 : i32
      %dma_wait3A_163 = tpu.memref_slice %arg3[%add3A, %dma_wait3A_161, %dma_wait3A_162] : memref<32x250x40xi32, #tpu.memory_space<hbm>> -> memref<1x250x40xi32, #tpu.memory_space<hbm>>
      %dma_wait3A_164 = tpu.memref_squeeze %dma_wait3A_163 : memref<1x250x40xi32, #tpu.memory_space<hbm>> -> memref<250x40xi32, #tpu.memory_space<hbm>>
      tpu.wait_dma2 semaphore(%run_scoped3A : memref<!tpu.dma_semaphore, #tpu.memory_space<semaphore_mem>>) src(%dma_wait3A_164 : memref<250x40xi32, #tpu.memory_space<hbm>>) dst(%arg7 : memref<250x40xi32, #tpu.memory_space<vmem>>)
      tpu.yield
    }) : () -> ()
    "tpu.region"() ({
      %run_scoped3A = tpu.sem_alloc : memref<!tpu.dma_semaphore, #tpu.memory_space<semaphore_mem>>
      %dma_start3A_149 = arith.constant 0 : i32
      %dma_start3A_150 = arith.constant 0 : i32
      %dma_start3A_151 = tpu.memref_slice %arg4[%add3A, %dma_start3A_149, %dma_start3A_150] : memref<32x250x40xi32, #tpu.memory_space<hbm>> -> memref<1x250x40xi32, #tpu.memory_space<hbm>>
      %dma_start3A_152 = tpu.memref_squeeze %dma_start3A_151 : memref<1x250x40xi32, #tpu.memory_space<hbm>> -> memref<250x40xi32, #tpu.memory_space<hbm>>
      %dma_start3A_153 = arith.constant 0 : i32
      %dma_start3A_154 = arith.constant 0 : i32
      %dma_start3A_155 = tpu.memref_slice %arg4[%add3A, %dma_start3A_153, %dma_start3A_154] : memref<32x250x40xi32, #tpu.memory_space<hbm>> -> memref<1x250x40xi32, #tpu.memory_space<hbm>>
      %dma_start3A_156 = tpu.memref_squeeze %dma_start3A_155 : memref<1x250x40xi32, #tpu.memory_space<hbm>> -> memref<250x40xi32, #tpu.memory_space<hbm>>
      tpu.enqueue_dma source(%dma_start3A_156 : memref<250x40xi32, #tpu.memory_space<hbm>>) target(%arg8 : memref<250x40xi32, #tpu.memory_space<vmem>>) target_semaphore(%run_scoped3A : memref<!tpu.dma_semaphore, #tpu.memory_space<semaphore_mem>>)
      %dma_wait3A_157 = arith.constant 0 : i32
      %dma_wait3A_158 = arith.constant 0 : i32
      %dma_wait3A_159 = tpu.memref_slice %arg4[%add3A, %dma_wait3A_157, %dma_wait3A_158] : memref<32x250x40xi32, #tpu.memory_space<hbm>> -> memref<1x250x40xi32, #tpu.memory_space<hbm>>
      %dma_wait3A_160 = tpu.memref_squeeze %dma_wait3A_159 : memref<1x250x40xi32, #tpu.memory_space<hbm>> -> memref<250x40xi32, #tpu.memory_space<hbm>>
      %dma_wait3A_161 = arith.constant 0 : i32
      %dma_wait3A_162 = arith.constant 0 : i32
      %dma_wait3A_163 = tpu.memref_slice %arg4[%add3A, %dma_wait3A_161, %dma_wait3A_162] : memref<32x250x40xi32, #tpu.memory_space<hbm>> -> memref<1x250x40xi32, #tpu.memory_space<hbm>>
      %dma_wait3A_164 = tpu.memref_squeeze %dma_wait3A_163 : memref<1x250x40xi32, #tpu.memory_space<hbm>> -> memref<250x40xi32, #tpu.memory_space<hbm>>
      tpu.wait_dma2 semaphore(%run_scoped3A : memref<!tpu.dma_semaphore, #tpu.memory_space<semaphore_mem>>) src(%dma_wait3A_164 : memref<250x40xi32, #tpu.memory_space<hbm>>) dst(%arg8 : memref<250x40xi32, #tpu.memory_space<vmem>>)
      tpu.yield
    }) : () -> ()
    %eq3A = arith.constant 0 : i32
    %eq3A_1 = arith.cmpi eq, %arg0, %eq3A : i32
    %convert_element_type3A = arith.extui %eq3A_1 : i1 to i32
    %cond3A = arith.constant 0 : i32
    %cond3A_2 = arith.cmpi ne, %convert_element_type3A, %cond3A : i32
    scf.if %cond3A_2 {
      %lt3A = arith.constant 15 : i32
      %lt3A_149 = arith.cmpi slt, %arg1, %lt3A : i32
      %convert_element_type3A_150 = arith.extui %lt3A_149 : i1 to i32
      %cond3A_151 = arith.constant 0 : i32
      %cond3A_152 = arith.cmpi ne, %convert_element_type3A_150, %cond3A_151 : i32
      scf.if %cond3A_152 {
        %mul3A_158 = arith.constant 640 : i32
        %mul3A_159 = arith.muli %arg1, %mul3A_158 : i32
        %mul3A_160 = arith.constant 640 : i32
        %mul3A_161 = arith.muli %arg1, %mul3A_160 : i32
        "tpu.region"() ({
          %run_scoped3A = tpu.sem_alloc : memref<!tpu.dma_semaphore, #tpu.memory_space<semaphore_mem>>
          %dma_start3A_162 = arith.constant 0 : i32
          %dma_start3A_163 = tpu.memref_slice %arg17[%mul3A_161, %dma_start3A_162] : memref<10240x64xf32, #tpu.memory_space<vmem_shared>> -> memref<640x64xf32, #tpu.memory_space<vmem_shared>>
          %dma_start3A_164 = arith.constant 0 : i32
          %dma_start3A_165 = tpu.memref_slice %arg2[%mul3A_159, %dma_start3A_164] : memref<10000x64xf32, #tpu.memory_space<hbm>> -> memref<640x64xf32, #tpu.memory_space<hbm>>
          tpu.enqueue_dma source(%dma_start3A_165 : memref<640x64xf32, #tpu.memory_space<hbm>>) target(%dma_start3A_163 : memref<640x64xf32, #tpu.memory_space<vmem_shared>>) target_semaphore(%run_scoped3A : memref<!tpu.dma_semaphore, #tpu.memory_space<semaphore_mem>>)
          %dma_wait3A_166 = arith.constant 0 : i32
          %dma_wait3A_167 = tpu.memref_slice %arg17[%mul3A_161, %dma_wait3A_166] : memref<10240x64xf32, #tpu.memory_space<vmem_shared>> -> memref<640x64xf32, #tpu.memory_space<vmem_shared>>
          %dma_wait3A_168 = arith.constant 0 : i32
          %dma_wait3A_169 = tpu.memref_slice %arg2[%mul3A_159, %dma_wait3A_168] : memref<10000x64xf32, #tpu.memory_space<hbm>> -> memref<640x64xf32, #tpu.memory_space<hbm>>
          tpu.wait_dma2 semaphore(%run_scoped3A : memref<!tpu.dma_semaphore, #tpu.memory_space<semaphore_mem>>) src(%dma_wait3A_169 : memref<640x64xf32, #tpu.memory_space<hbm>>) dst(%dma_wait3A_167 : memref<640x64xf32, #tpu.memory_space<vmem_shared>>)
          tpu.yield
        }) : () -> ()
      } else {
      }
      %eq3A_153 = arith.constant 15 : i32
      %eq3A_154 = arith.cmpi eq, %arg1, %eq3A_153 : i32
      %convert_element_type3A_155 = arith.extui %eq3A_154 : i1 to i32
      %cond3A_156 = arith.constant 0 : i32
      %cond3A_157 = arith.cmpi ne, %convert_element_type3A_155, %cond3A_156 : i32
      scf.if %cond3A_157 {
        "tpu.region"() ({
          %run_scoped3A = tpu.sem_alloc : memref<!tpu.dma_semaphore, #tpu.memory_space<semaphore_mem>>
          %dma_start3A_158 = arith.constant 9600 : i32
          %dma_start3A_159 = arith.constant 0 : i32
          %dma_start3A_160 = tpu.memref_slice %arg17[%dma_start3A_158, %dma_start3A_159] : memref<10240x64xf32, #tpu.memory_space<vmem_shared>> -> memref<400x64xf32, #tpu.memory_space<vmem_shared>>
          %dma_start3A_161 = arith.constant 9600 : i32
          %dma_start3A_162 = arith.constant 0 : i32
          %dma_start3A_163 = tpu.memref_slice %arg2[%dma_start3A_161, %dma_start3A_162] : memref<10000x64xf32, #tpu.memory_space<hbm>> -> memref<400x64xf32, #tpu.memory_space<hbm>>
          tpu.enqueue_dma source(%dma_start3A_163 : memref<400x64xf32, #tpu.memory_space<hbm>>) target(%dma_start3A_160 : memref<400x64xf32, #tpu.memory_space<vmem_shared>>) target_semaphore(%run_scoped3A : memref<!tpu.dma_semaphore, #tpu.memory_space<semaphore_mem>>)
          %dma_wait3A_164 = arith.constant 9600 : i32
          %dma_wait3A_165 = arith.constant 0 : i32
          %dma_wait3A_166 = tpu.memref_slice %arg17[%dma_wait3A_164, %dma_wait3A_165] : memref<10240x64xf32, #tpu.memory_space<vmem_shared>> -> memref<400x64xf32, #tpu.memory_space<vmem_shared>>
          %dma_wait3A_167 = arith.constant 9600 : i32
          %dma_wait3A_168 = arith.constant 0 : i32
          %dma_wait3A_169 = tpu.memref_slice %arg2[%dma_wait3A_167, %dma_wait3A_168] : memref<10000x64xf32, #tpu.memory_space<hbm>> -> memref<400x64xf32, #tpu.memory_space<hbm>>
          tpu.wait_dma2 semaphore(%run_scoped3A : memref<!tpu.dma_semaphore, #tpu.memory_space<semaphore_mem>>) src(%dma_wait3A_169 : memref<400x64xf32, #tpu.memory_space<hbm>>) dst(%dma_wait3A_166 : memref<400x64xf32, #tpu.memory_space<vmem_shared>>)
          tpu.yield
        }) : () -> ()
        "tpu.region"() ({
          %run_scoped3A = tpu.sem_alloc : memref<!tpu.dma_semaphore, #tpu.memory_space<semaphore_mem>>
          %dma_start3A_158 = arith.constant 10000 : i32
          %dma_start3A_159 = arith.constant 0 : i32
          %dma_start3A_160 = tpu.memref_slice %arg17[%dma_start3A_158, %dma_start3A_159] : memref<10240x64xf32, #tpu.memory_space<vmem_shared>> -> memref<240x64xf32, #tpu.memory_space<vmem_shared>>
          %dma_start3A_161 = arith.constant 0 : i32
          %dma_start3A_162 = arith.constant 0 : i32
          %dma_start3A_163 = tpu.memref_slice %arg5[%dma_start3A_161, %dma_start3A_162] : memref<640x64xf32, #tpu.memory_space<hbm>> -> memref<240x64xf32, #tpu.memory_space<hbm>>
          tpu.enqueue_dma source(%dma_start3A_163 : memref<240x64xf32, #tpu.memory_space<hbm>>) target(%dma_start3A_160 : memref<240x64xf32, #tpu.memory_space<vmem_shared>>) target_semaphore(%run_scoped3A : memref<!tpu.dma_semaphore, #tpu.memory_space<semaphore_mem>>)
          %dma_wait3A_164 = arith.constant 10000 : i32
          %dma_wait3A_165 = arith.constant 0 : i32
          %dma_wait3A_166 = tpu.memref_slice %arg17[%dma_wait3A_164, %dma_wait3A_165] : memref<10240x64xf32, #tpu.memory_space<vmem_shared>> -> memref<240x64xf32, #tpu.memory_space<vmem_shared>>
          %dma_wait3A_167 = arith.constant 0 : i32
          %dma_wait3A_168 = arith.constant 0 : i32
          %dma_wait3A_169 = tpu.memref_slice %arg5[%dma_wait3A_167, %dma_wait3A_168] : memref<640x64xf32, #tpu.memory_space<hbm>> -> memref<240x64xf32, #tpu.memory_space<hbm>>
          tpu.wait_dma2 semaphore(%run_scoped3A : memref<!tpu.dma_semaphore, #tpu.memory_space<semaphore_mem>>) src(%dma_wait3A_169 : memref<240x64xf32, #tpu.memory_space<hbm>>) dst(%dma_wait3A_166 : memref<240x64xf32, #tpu.memory_space<vmem_shared>>)
          tpu.yield
        }) : () -> ()
      } else {
      }
    } else {
    }
    %eq3A_3 = arith.constant 1 : i32
    %eq3A_4 = arith.cmpi eq, %arg0, %eq3A_3 : i32
    %convert_element_type3A_5 = arith.extui %eq3A_4 : i1 to i32
    %cond3A_6 = arith.constant 0 : i32
    %cond3A_7 = arith.cmpi ne, %convert_element_type3A_5, %cond3A_6 : i32
    scf.if %cond3A_7 {
      %mul3A_149 = arith.constant 640 : i32
      %mul3A_150 = arith.muli %arg1, %mul3A_149 : i32
      "tpu.region"() ({
        %run_scoped3A = tpu.sem_alloc : memref<!tpu.dma_semaphore, #tpu.memory_space<semaphore_mem>>
        %dma_start3A_151 = arith.constant 0 : i32
        %dma_start3A_152 = tpu.memref_slice %arg17[%mul3A_150, %dma_start3A_151] : memref<10240x64xf32, #tpu.memory_space<vmem_shared>> -> memref<640x64xf32, #tpu.memory_space<vmem_shared>>
        tpu.enqueue_dma source(%arg5 : memref<640x64xf32, #tpu.memory_space<hbm>>) target(%dma_start3A_152 : memref<640x64xf32, #tpu.memory_space<vmem_shared>>) target_semaphore(%run_scoped3A : memref<!tpu.dma_semaphore, #tpu.memory_space<semaphore_mem>>)
        %dma_wait3A_153 = arith.constant 0 : i32
        %dma_wait3A_154 = tpu.memref_slice %arg17[%mul3A_150, %dma_wait3A_153] : memref<10240x64xf32, #tpu.memory_space<vmem_shared>> -> memref<640x64xf32, #tpu.memory_space<vmem_shared>>
        tpu.wait_dma2 semaphore(%run_scoped3A : memref<!tpu.dma_semaphore, #tpu.memory_space<semaphore_mem>>) src(%arg5 : memref<640x64xf32, #tpu.memory_space<hbm>>) dst(%dma_wait3A_154 : memref<640x64xf32, #tpu.memory_space<vmem_shared>>)
        tpu.yield
      }) : () -> ()
    } else {
    }
    %barrier3A = arith.constant 0 : index
    tpu.barrier barrier_id(%barrier3A)
    %dma_start3A = arith.constant 0 : i32
    %dma_start3A_8 = arith.constant 0 : i32
    %dma_start3A_9 = tpu.memref_slice %arg7[%dma_start3A, %dma_start3A_8] : memref<250x40xi32, #tpu.memory_space<vmem>> -> memref<1x40xi32, #tpu.memory_space<vmem>>
    %dma_start3A_10 = tpu.memref_squeeze %dma_start3A_9 : memref<1x40xi32, #tpu.memory_space<vmem>> -> memref<40xi32, #tpu.memory_space<vmem>>
    %dma_start3A_11 = arith.constant 0 : i32
    %dma_start3A_12 = arith.constant 0 : i32
    %dma_start3A_13 = tpu.memref_slice %arg2[%dma_start3A_11, %dma_start3A_12] : memref<10000x64xf32, #tpu.memory_space<hbm>> -> memref<10000x64xf32, #tpu.memory_space<hbm>>
    tpu.enqueue_indirect_dma source(%dma_start3A_13 : memref<10000x64xf32, #tpu.memory_space<hbm>>) target(%arg9 : memref<40x64xf32, #tpu.memory_space<vmem>>) offsets(%dma_start3A_10 : memref<40xi32, #tpu.memory_space<vmem>>) semaphore(%arg18 : memref<!tpu.dma_semaphore, #tpu.memory_space<semaphore_mem>>)
    %dma_start3A_14 = arith.constant 1 : i32
    %dma_start3A_15 = arith.constant 0 : i32
    %dma_start3A_16 = tpu.memref_slice %arg7[%dma_start3A_14, %dma_start3A_15] : memref<250x40xi32, #tpu.memory_space<vmem>> -> memref<1x40xi32, #tpu.memory_space<vmem>>
    %dma_start3A_17 = tpu.memref_squeeze %dma_start3A_16 : memref<1x40xi32, #tpu.memory_space<vmem>> -> memref<40xi32, #tpu.memory_space<vmem>>
    %dma_start3A_18 = arith.constant 0 : i32
    %dma_start3A_19 = arith.constant 0 : i32
    %dma_start3A_20 = tpu.memref_slice %arg2[%dma_start3A_18, %dma_start3A_19] : memref<10000x64xf32, #tpu.memory_space<hbm>> -> memref<10000x64xf32, #tpu.memory_space<hbm>>
    tpu.enqueue_indirect_dma source(%dma_start3A_20 : memref<10000x64xf32, #tpu.memory_space<hbm>>) target(%arg10 : memref<40x64xf32, #tpu.memory_space<vmem>>) offsets(%dma_start3A_17 : memref<40xi32, #tpu.memory_space<vmem>>) semaphore(%arg19 : memref<!tpu.dma_semaphore, #tpu.memory_space<semaphore_mem>>)
    %dma_start3A_21 = arith.constant 2 : i32
    %dma_start3A_22 = arith.constant 0 : i32
    %dma_start3A_23 = tpu.memref_slice %arg7[%dma_start3A_21, %dma_start3A_22] : memref<250x40xi32, #tpu.memory_space<vmem>> -> memref<1x40xi32, #tpu.memory_space<vmem>>
    %dma_start3A_24 = tpu.memref_squeeze %dma_start3A_23 : memref<1x40xi32, #tpu.memory_space<vmem>> -> memref<40xi32, #tpu.memory_space<vmem>>
    %dma_start3A_25 = arith.constant 0 : i32
    %dma_start3A_26 = arith.constant 0 : i32
    %dma_start3A_27 = tpu.memref_slice %arg2[%dma_start3A_25, %dma_start3A_26] : memref<10000x64xf32, #tpu.memory_space<hbm>> -> memref<10000x64xf32, #tpu.memory_space<hbm>>
    tpu.enqueue_indirect_dma source(%dma_start3A_27 : memref<10000x64xf32, #tpu.memory_space<hbm>>) target(%arg11 : memref<40x64xf32, #tpu.memory_space<vmem>>) offsets(%dma_start3A_24 : memref<40xi32, #tpu.memory_space<vmem>>) semaphore(%arg20 : memref<!tpu.dma_semaphore, #tpu.memory_space<semaphore_mem>>)
    %dma_start3A_28 = arith.constant 3 : i32
    %dma_start3A_29 = arith.constant 0 : i32
    %dma_start3A_30 = tpu.memref_slice %arg7[%dma_start3A_28, %dma_start3A_29] : memref<250x40xi32, #tpu.memory_space<vmem>> -> memref<1x40xi32, #tpu.memory_space<vmem>>
    %dma_start3A_31 = tpu.memref_squeeze %dma_start3A_30 : memref<1x40xi32, #tpu.memory_space<vmem>> -> memref<40xi32, #tpu.memory_space<vmem>>
    %dma_start3A_32 = arith.constant 0 : i32
    %dma_start3A_33 = arith.constant 0 : i32
    %dma_start3A_34 = tpu.memref_slice %arg2[%dma_start3A_32, %dma_start3A_33] : memref<10000x64xf32, #tpu.memory_space<hbm>> -> memref<10000x64xf32, #tpu.memory_space<hbm>>
    tpu.enqueue_indirect_dma source(%dma_start3A_34 : memref<10000x64xf32, #tpu.memory_space<hbm>>) target(%arg12 : memref<40x64xf32, #tpu.memory_space<vmem>>) offsets(%dma_start3A_31 : memref<40xi32, #tpu.memory_space<vmem>>) semaphore(%arg21 : memref<!tpu.dma_semaphore, #tpu.memory_space<semaphore_mem>>)
    %dma_start3A_35 = arith.constant 4 : i32
    %dma_start3A_36 = arith.constant 0 : i32
    %dma_start3A_37 = tpu.memref_slice %arg7[%dma_start3A_35, %dma_start3A_36] : memref<250x40xi32, #tpu.memory_space<vmem>> -> memref<1x40xi32, #tpu.memory_space<vmem>>
    %dma_start3A_38 = tpu.memref_squeeze %dma_start3A_37 : memref<1x40xi32, #tpu.memory_space<vmem>> -> memref<40xi32, #tpu.memory_space<vmem>>
    %dma_start3A_39 = arith.constant 0 : i32
    %dma_start3A_40 = arith.constant 0 : i32
    %dma_start3A_41 = tpu.memref_slice %arg2[%dma_start3A_39, %dma_start3A_40] : memref<10000x64xf32, #tpu.memory_space<hbm>> -> memref<10000x64xf32, #tpu.memory_space<hbm>>
    tpu.enqueue_indirect_dma source(%dma_start3A_41 : memref<10000x64xf32, #tpu.memory_space<hbm>>) target(%arg13 : memref<40x64xf32, #tpu.memory_space<vmem>>) offsets(%dma_start3A_38 : memref<40xi32, #tpu.memory_space<vmem>>) semaphore(%arg22 : memref<!tpu.dma_semaphore, #tpu.memory_space<semaphore_mem>>)
    %dma_start3A_42 = arith.constant 5 : i32
    %dma_start3A_43 = arith.constant 0 : i32
    %dma_start3A_44 = tpu.memref_slice %arg7[%dma_start3A_42, %dma_start3A_43] : memref<250x40xi32, #tpu.memory_space<vmem>> -> memref<1x40xi32, #tpu.memory_space<vmem>>
    %dma_start3A_45 = tpu.memref_squeeze %dma_start3A_44 : memref<1x40xi32, #tpu.memory_space<vmem>> -> memref<40xi32, #tpu.memory_space<vmem>>
    %dma_start3A_46 = arith.constant 0 : i32
    %dma_start3A_47 = arith.constant 0 : i32
    %dma_start3A_48 = tpu.memref_slice %arg2[%dma_start3A_46, %dma_start3A_47] : memref<10000x64xf32, #tpu.memory_space<hbm>> -> memref<10000x64xf32, #tpu.memory_space<hbm>>
    tpu.enqueue_indirect_dma source(%dma_start3A_48 : memref<10000x64xf32, #tpu.memory_space<hbm>>) target(%arg14 : memref<40x64xf32, #tpu.memory_space<vmem>>) offsets(%dma_start3A_45 : memref<40xi32, #tpu.memory_space<vmem>>) semaphore(%arg23 : memref<!tpu.dma_semaphore, #tpu.memory_space<semaphore_mem>>)
    %dma_start3A_49 = arith.constant 6 : i32
    %dma_start3A_50 = arith.constant 0 : i32
    %dma_start3A_51 = tpu.memref_slice %arg7[%dma_start3A_49, %dma_start3A_50] : memref<250x40xi32, #tpu.memory_space<vmem>> -> memref<1x40xi32, #tpu.memory_space<vmem>>
    %dma_start3A_52 = tpu.memref_squeeze %dma_start3A_51 : memref<1x40xi32, #tpu.memory_space<vmem>> -> memref<40xi32, #tpu.memory_space<vmem>>
    %dma_start3A_53 = arith.constant 0 : i32
    %dma_start3A_54 = arith.constant 0 : i32
    %dma_start3A_55 = tpu.memref_slice %arg2[%dma_start3A_53, %dma_start3A_54] : memref<10000x64xf32, #tpu.memory_space<hbm>> -> memref<10000x64xf32, #tpu.memory_space<hbm>>
    tpu.enqueue_indirect_dma source(%dma_start3A_55 : memref<10000x64xf32, #tpu.memory_space<hbm>>) target(%arg15 : memref<40x64xf32, #tpu.memory_space<vmem>>) offsets(%dma_start3A_52 : memref<40xi32, #tpu.memory_space<vmem>>) semaphore(%arg24 : memref<!tpu.dma_semaphore, #tpu.memory_space<semaphore_mem>>)
    %scan3A = arith.constant 0 : i32
    %scan3A_56 = arith.constant 0 : i32
    %scan3A_57 = arith.constant 31 : i32
    %scan3A_58 = arith.addi %scan3A_56, %scan3A_57 : i32
    %scan3A_59 = arith.constant 1 : i32
    scf.for %scan3A_149 = %scan3A_56 to %scan3A_58 step %scan3A_59  : i32 {
      %mul3A_150 = arith.constant 8 : i32
      %mul3A_151 = arith.muli %mul3A_150, %scan3A_149 : i32
      %add3A_152 = arith.constant 0 : i32
      %add3A_153 = arith.addi %mul3A_151, %add3A_152 : i32
      %add3A_154 = arith.constant 8 : i32
      %add3A_155 = arith.addi %add3A_153, %add3A_154 : i32
      %sub3A = arith.constant 1 : i32
      %sub3A_156 = arith.subi %add3A_155, %sub3A : i32
      %lt3A = arith.constant 250 : i32
      %lt3A_157 = arith.cmpi slt, %sub3A_156, %lt3A : i32
      %convert_element_type3A_158 = arith.extui %lt3A_157 : i1 to i32
      %cond3A_159 = arith.constant 0 : i32
      %cond3A_160 = arith.cmpi ne, %convert_element_type3A_158, %cond3A_159 : i32
      scf.if %cond3A_160 {
        %ge3A = arith.constant 8 : i32
        %ge3A_350 = arith.cmpi sge, %sub3A_156, %ge3A : i32
        %convert_element_type3A_351 = arith.extui %ge3A_350 : i1 to i32
        %cond3A_352 = arith.constant 0 : i32
        %cond3A_353 = arith.cmpi ne, %convert_element_type3A_351, %cond3A_352 : i32
        scf.if %cond3A_353 {
          %sub3A_360 = arith.constant 8 : i32
          %sub3A_361 = arith.subi %sub3A_156, %sub3A_360 : i32
          %dma_wait3A_362 = arith.constant 0 : i32
          %dma_wait3A_363 = tpu.memref_slice %arg8[%sub3A_361, %dma_wait3A_362] : memref<250x40xi32, #tpu.memory_space<vmem>> -> memref<1x40xi32, #tpu.memory_space<vmem>>
          %dma_wait3A_364 = tpu.memref_squeeze %dma_wait3A_363 : memref<1x40xi32, #tpu.memory_space<vmem>> -> memref<40xi32, #tpu.memory_space<vmem>>
          %dma_wait3A_365 = arith.constant 0 : i32
          %dma_wait3A_366 = arith.constant 0 : i32
          %dma_wait3A_367 = tpu.memref_slice %arg17[%dma_wait3A_365, %dma_wait3A_366] : memref<10240x64xf32, #tpu.memory_space<vmem_shared>> -> memref<10240x64xf32, #tpu.memory_space<vmem_shared>>
          tpu.wait_indirect_dma semaphore(%arg33 : memref<!tpu.dma_semaphore, #tpu.memory_space<semaphore_mem>>) src(%arg16 : memref<40x64xf32, #tpu.memory_space<vmem>>) dst(%dma_wait3A_367 : memref<10240x64xf32, #tpu.memory_space<vmem_shared>>)
        } else {
        }
        %dma_start3A_354 = arith.constant 0 : i32
        %dma_start3A_355 = tpu.memref_slice %arg7[%sub3A_156, %dma_start3A_354] : memref<250x40xi32, #tpu.memory_space<vmem>> -> memref<1x40xi32, #tpu.memory_space<vmem>>
        %dma_start3A_356 = tpu.memref_squeeze %dma_start3A_355 : memref<1x40xi32, #tpu.memory_space<vmem>> -> memref<40xi32, #tpu.memory_space<vmem>>
        %dma_start3A_357 = arith.constant 0 : i32
        %dma_start3A_358 = arith.constant 0 : i32
        %dma_start3A_359 = tpu.memref_slice %arg2[%dma_start3A_357, %dma_start3A_358] : memref<10000x64xf32, #tpu.memory_space<hbm>> -> memref<10000x64xf32, #tpu.memory_space<hbm>>
        tpu.enqueue_indirect_dma source(%dma_start3A_359 : memref<10000x64xf32, #tpu.memory_space<hbm>>) target(%arg16 : memref<40x64xf32, #tpu.memory_space<vmem>>) offsets(%dma_start3A_356 : memref<40xi32, #tpu.memory_space<vmem>>) semaphore(%arg25 : memref<!tpu.dma_semaphore, #tpu.memory_space<semaphore_mem>>)
      } else {
      }
      %add3A_161 = arith.constant 0 : i32
      %add3A_162 = arith.addi %mul3A_151, %add3A_161 : i32
      %dma_wait3A_163 = arith.constant 0 : i32
      %dma_wait3A_164 = tpu.memref_slice %arg7[%add3A_162, %dma_wait3A_163] : memref<250x40xi32, #tpu.memory_space<vmem>> -> memref<1x40xi32, #tpu.memory_space<vmem>>
      %dma_wait3A_165 = tpu.memref_squeeze %dma_wait3A_164 : memref<1x40xi32, #tpu.memory_space<vmem>> -> memref<40xi32, #tpu.memory_space<vmem>>
      %dma_wait3A_166 = arith.constant 0 : i32
      %dma_wait3A_167 = arith.constant 0 : i32
      %dma_wait3A_168 = tpu.memref_slice %arg2[%dma_wait3A_166, %dma_wait3A_167] : memref<10000x64xf32, #tpu.memory_space<hbm>> -> memref<10000x64xf32, #tpu.memory_space<hbm>>
      tpu.wait_indirect_dma semaphore(%arg18 : memref<!tpu.dma_semaphore, #tpu.memory_space<semaphore_mem>>) src(%dma_wait3A_168 : memref<10000x64xf32, #tpu.memory_space<hbm>>) dst(%arg9 : memref<40x64xf32, #tpu.memory_space<vmem>>)
      %dma_start3A_169 = arith.constant 0 : i32
      %dma_start3A_170 = tpu.memref_slice %arg8[%add3A_162, %dma_start3A_169] : memref<250x40xi32, #tpu.memory_space<vmem>> -> memref<1x40xi32, #tpu.memory_space<vmem>>
      %dma_start3A_171 = tpu.memref_squeeze %dma_start3A_170 : memref<1x40xi32, #tpu.memory_space<vmem>> -> memref<40xi32, #tpu.memory_space<vmem>>
      %dma_start3A_172 = arith.constant 0 : i32
      %dma_start3A_173 = arith.constant 0 : i32
      %dma_start3A_174 = tpu.memref_slice %arg17[%dma_start3A_172, %dma_start3A_173] : memref<10240x64xf32, #tpu.memory_space<vmem_shared>> -> memref<10240x64xf32, #tpu.memory_space<vmem_shared>>
      tpu.enqueue_indirect_dma source(%arg9 : memref<40x64xf32, #tpu.memory_space<vmem>>) target(%dma_start3A_174 : memref<10240x64xf32, #tpu.memory_space<vmem_shared>>) offsets(%dma_start3A_171 : memref<40xi32, #tpu.memory_space<vmem>>) semaphore(%arg26 : memref<!tpu.dma_semaphore, #tpu.memory_space<semaphore_mem>>) {add = true}
      %add3A_175 = arith.constant 1 : i32
      %add3A_176 = arith.addi %mul3A_151, %add3A_175 : i32
      %add3A_177 = arith.constant 8 : i32
      %add3A_178 = arith.addi %add3A_176, %add3A_177 : i32
      %sub3A_179 = arith.constant 1 : i32
      %sub3A_180 = arith.subi %add3A_178, %sub3A_179 : i32
      %lt3A_181 = arith.constant 250 : i32
      %lt3A_182 = arith.cmpi slt, %sub3A_180, %lt3A_181 : i32
      %convert_element_type3A_183 = arith.extui %lt3A_182 : i1 to i32
      %cond3A_184 = arith.constant 0 : i32
      %cond3A_185 = arith.cmpi ne, %convert_element_type3A_183, %cond3A_184 : i32
      scf.if %cond3A_185 {
        %ge3A = arith.constant 8 : i32
        %ge3A_350 = arith.cmpi sge, %sub3A_180, %ge3A : i32
        %convert_element_type3A_351 = arith.extui %ge3A_350 : i1 to i32
        %cond3A_352 = arith.constant 0 : i32
        %cond3A_353 = arith.cmpi ne, %convert_element_type3A_351, %cond3A_352 : i32
        scf.if %cond3A_353 {
          %sub3A_360 = arith.constant 8 : i32
          %sub3A_361 = arith.subi %sub3A_180, %sub3A_360 : i32
          %dma_wait3A_362 = arith.constant 0 : i32
          %dma_wait3A_363 = tpu.memref_slice %arg8[%sub3A_361, %dma_wait3A_362] : memref<250x40xi32, #tpu.memory_space<vmem>> -> memref<1x40xi32, #tpu.memory_space<vmem>>
          %dma_wait3A_364 = tpu.memref_squeeze %dma_wait3A_363 : memref<1x40xi32, #tpu.memory_space<vmem>> -> memref<40xi32, #tpu.memory_space<vmem>>
          %dma_wait3A_365 = arith.constant 0 : i32
          %dma_wait3A_366 = arith.constant 0 : i32
          %dma_wait3A_367 = tpu.memref_slice %arg17[%dma_wait3A_365, %dma_wait3A_366] : memref<10240x64xf32, #tpu.memory_space<vmem_shared>> -> memref<10240x64xf32, #tpu.memory_space<vmem_shared>>
          tpu.wait_indirect_dma semaphore(%arg26 : memref<!tpu.dma_semaphore, #tpu.memory_space<semaphore_mem>>) src(%arg9 : memref<40x64xf32, #tpu.memory_space<vmem>>) dst(%dma_wait3A_367 : memref<10240x64xf32, #tpu.memory_space<vmem_shared>>)
        } else {
        }
        %dma_start3A_354 = arith.constant 0 : i32
        %dma_start3A_355 = tpu.memref_slice %arg7[%sub3A_180, %dma_start3A_354] : memref<250x40xi32, #tpu.memory_space<vmem>> -> memref<1x40xi32, #tpu.memory_space<vmem>>
        %dma_start3A_356 = tpu.memref_squeeze %dma_start3A_355 : memref<1x40xi32, #tpu.memory_space<vmem>> -> memref<40xi32, #tpu.memory_space<vmem>>
        %dma_start3A_357 = arith.constant 0 : i32
        %dma_start3A_358 = arith.constant 0 : i32
        %dma_start3A_359 = tpu.memref_slice %arg2[%dma_start3A_357, %dma_start3A_358] : memref<10000x64xf32, #tpu.memory_space<hbm>> -> memref<10000x64xf32, #tpu.memory_space<hbm>>
        tpu.enqueue_indirect_dma source(%dma_start3A_359 : memref<10000x64xf32, #tpu.memory_space<hbm>>) target(%arg9 : memref<40x64xf32, #tpu.memory_space<vmem>>) offsets(%dma_start3A_356 : memref<40xi32, #tpu.memory_space<vmem>>) semaphore(%arg18 : memref<!tpu.dma_semaphore, #tpu.memory_space<semaphore_mem>>)
      } else {
      }
      %add3A_186 = arith.constant 1 : i32
      %add3A_187 = arith.addi %mul3A_151, %add3A_186 : i32
      %dma_wait3A_188 = arith.constant 0 : i32
      %dma_wait3A_189 = tpu.memref_slice %arg7[%add3A_187, %dma_wait3A_188] : memref<250x40xi32, #tpu.memory_space<vmem>> -> memref<1x40xi32, #tpu.memory_space<vmem>>
      %dma_wait3A_190 = tpu.memref_squeeze %dma_wait3A_189 : memref<1x40xi32, #tpu.memory_space<vmem>> -> memref<40xi32, #tpu.memory_space<vmem>>
      %dma_wait3A_191 = arith.constant 0 : i32
      %dma_wait3A_192 = arith.constant 0 : i32
      %dma_wait3A_193 = tpu.memref_slice %arg2[%dma_wait3A_191, %dma_wait3A_192] : memref<10000x64xf32, #tpu.memory_space<hbm>> -> memref<10000x64xf32, #tpu.memory_space<hbm>>
      tpu.wait_indirect_dma semaphore(%arg19 : memref<!tpu.dma_semaphore, #tpu.memory_space<semaphore_mem>>) src(%dma_wait3A_193 : memref<10000x64xf32, #tpu.memory_space<hbm>>) dst(%arg10 : memref<40x64xf32, #tpu.memory_space<vmem>>)
      %dma_start3A_194 = arith.constant 0 : i32
      %dma_start3A_195 = tpu.memref_slice %arg8[%add3A_187, %dma_start3A_194] : memref<250x40xi32, #tpu.memory_space<vmem>> -> memref<1x40xi32, #tpu.memory_space<vmem>>
      %dma_start3A_196 = tpu.memref_squeeze %dma_start3A_195 : memref<1x40xi32, #tpu.memory_space<vmem>> -> memref<40xi32, #tpu.memory_space<vmem>>
      %dma_start3A_197 = arith.constant 0 : i32
      %dma_start3A_198 = arith.constant 0 : i32
      %dma_start3A_199 = tpu.memref_slice %arg17[%dma_start3A_197, %dma_start3A_198] : memref<10240x64xf32, #tpu.memory_space<vmem_shared>> -> memref<10240x64xf32, #tpu.memory_space<vmem_shared>>
      tpu.enqueue_indirect_dma source(%arg10 : memref<40x64xf32, #tpu.memory_space<vmem>>) target(%dma_start3A_199 : memref<10240x64xf32, #tpu.memory_space<vmem_shared>>) offsets(%dma_start3A_196 : memref<40xi32, #tpu.memory_space<vmem>>) semaphore(%arg27 : memref<!tpu.dma_semaphore, #tpu.memory_space<semaphore_mem>>) {add = true}
      %add3A_200 = arith.constant 2 : i32
      %add3A_201 = arith.addi %mul3A_151, %add3A_200 : i32
      %add3A_202 = arith.constant 8 : i32
      %add3A_203 = arith.addi %add3A_201, %add3A_202 : i32
      %sub3A_204 = arith.constant 1 : i32
      %sub3A_205 = arith.subi %add3A_203, %sub3A_204 : i32
      %lt3A_206 = arith.constant 250 : i32
      %lt3A_207 = arith.cmpi slt, %sub3A_205, %lt3A_206 : i32
      %convert_element_type3A_208 = arith.extui %lt3A_207 : i1 to i32
      %cond3A_209 = arith.constant 0 : i32
      %cond3A_210 = arith.cmpi ne, %convert_element_type3A_208, %cond3A_209 : i32
      scf.if %cond3A_210 {
        %ge3A = arith.constant 8 : i32
        %ge3A_350 = arith.cmpi sge, %sub3A_205, %ge3A : i32
        %convert_element_type3A_351 = arith.extui %ge3A_350 : i1 to i32
        %cond3A_352 = arith.constant 0 : i32
        %cond3A_353 = arith.cmpi ne, %convert_element_type3A_351, %cond3A_352 : i32
        scf.if %cond3A_353 {
          %sub3A_360 = arith.constant 8 : i32
          %sub3A_361 = arith.subi %sub3A_205, %sub3A_360 : i32
          %dma_wait3A_362 = arith.constant 0 : i32
          %dma_wait3A_363 = tpu.memref_slice %arg8[%sub3A_361, %dma_wait3A_362] : memref<250x40xi32, #tpu.memory_space<vmem>> -> memref<1x40xi32, #tpu.memory_space<vmem>>
          %dma_wait3A_364 = tpu.memref_squeeze %dma_wait3A_363 : memref<1x40xi32, #tpu.memory_space<vmem>> -> memref<40xi32, #tpu.memory_space<vmem>>
          %dma_wait3A_365 = arith.constant 0 : i32
          %dma_wait3A_366 = arith.constant 0 : i32
          %dma_wait3A_367 = tpu.memref_slice %arg17[%dma_wait3A_365, %dma_wait3A_366] : memref<10240x64xf32, #tpu.memory_space<vmem_shared>> -> memref<10240x64xf32, #tpu.memory_space<vmem_shared>>
          tpu.wait_indirect_dma semaphore(%arg27 : memref<!tpu.dma_semaphore, #tpu.memory_space<semaphore_mem>>) src(%arg10 : memref<40x64xf32, #tpu.memory_space<vmem>>) dst(%dma_wait3A_367 : memref<10240x64xf32, #tpu.memory_space<vmem_shared>>)
        } else {
        }
        %dma_start3A_354 = arith.constant 0 : i32
        %dma_start3A_355 = tpu.memref_slice %arg7[%sub3A_205, %dma_start3A_354] : memref<250x40xi32, #tpu.memory_space<vmem>> -> memref<1x40xi32, #tpu.memory_space<vmem>>
        %dma_start3A_356 = tpu.memref_squeeze %dma_start3A_355 : memref<1x40xi32, #tpu.memory_space<vmem>> -> memref<40xi32, #tpu.memory_space<vmem>>
        %dma_start3A_357 = arith.constant 0 : i32
        %dma_start3A_358 = arith.constant 0 : i32
        %dma_start3A_359 = tpu.memref_slice %arg2[%dma_start3A_357, %dma_start3A_358] : memref<10000x64xf32, #tpu.memory_space<hbm>> -> memref<10000x64xf32, #tpu.memory_space<hbm>>
        tpu.enqueue_indirect_dma source(%dma_start3A_359 : memref<10000x64xf32, #tpu.memory_space<hbm>>) target(%arg10 : memref<40x64xf32, #tpu.memory_space<vmem>>) offsets(%dma_start3A_356 : memref<40xi32, #tpu.memory_space<vmem>>) semaphore(%arg19 : memref<!tpu.dma_semaphore, #tpu.memory_space<semaphore_mem>>)
      } else {
      }
      %add3A_211 = arith.constant 2 : i32
      %add3A_212 = arith.addi %mul3A_151, %add3A_211 : i32
      %dma_wait3A_213 = arith.constant 0 : i32
      %dma_wait3A_214 = tpu.memref_slice %arg7[%add3A_212, %dma_wait3A_213] : memref<250x40xi32, #tpu.memory_space<vmem>> -> memref<1x40xi32, #tpu.memory_space<vmem>>
      %dma_wait3A_215 = tpu.memref_squeeze %dma_wait3A_214 : memref<1x40xi32, #tpu.memory_space<vmem>> -> memref<40xi32, #tpu.memory_space<vmem>>
      %dma_wait3A_216 = arith.constant 0 : i32
      %dma_wait3A_217 = arith.constant 0 : i32
      %dma_wait3A_218 = tpu.memref_slice %arg2[%dma_wait3A_216, %dma_wait3A_217] : memref<10000x64xf32, #tpu.memory_space<hbm>> -> memref<10000x64xf32, #tpu.memory_space<hbm>>
      tpu.wait_indirect_dma semaphore(%arg20 : memref<!tpu.dma_semaphore, #tpu.memory_space<semaphore_mem>>) src(%dma_wait3A_218 : memref<10000x64xf32, #tpu.memory_space<hbm>>) dst(%arg11 : memref<40x64xf32, #tpu.memory_space<vmem>>)
      %dma_start3A_219 = arith.constant 0 : i32
      %dma_start3A_220 = tpu.memref_slice %arg8[%add3A_212, %dma_start3A_219] : memref<250x40xi32, #tpu.memory_space<vmem>> -> memref<1x40xi32, #tpu.memory_space<vmem>>
      %dma_start3A_221 = tpu.memref_squeeze %dma_start3A_220 : memref<1x40xi32, #tpu.memory_space<vmem>> -> memref<40xi32, #tpu.memory_space<vmem>>
      %dma_start3A_222 = arith.constant 0 : i32
      %dma_start3A_223 = arith.constant 0 : i32
      %dma_start3A_224 = tpu.memref_slice %arg17[%dma_start3A_222, %dma_start3A_223] : memref<10240x64xf32, #tpu.memory_space<vmem_shared>> -> memref<10240x64xf32, #tpu.memory_space<vmem_shared>>
      tpu.enqueue_indirect_dma source(%arg11 : memref<40x64xf32, #tpu.memory_space<vmem>>) target(%dma_start3A_224 : memref<10240x64xf32, #tpu.memory_space<vmem_shared>>) offsets(%dma_start3A_221 : memref<40xi32, #tpu.memory_space<vmem>>) semaphore(%arg28 : memref<!tpu.dma_semaphore, #tpu.memory_space<semaphore_mem>>) {add = true}
      %add3A_225 = arith.constant 3 : i32
      %add3A_226 = arith.addi %mul3A_151, %add3A_225 : i32
      %add3A_227 = arith.constant 8 : i32
      %add3A_228 = arith.addi %add3A_226, %add3A_227 : i32
      %sub3A_229 = arith.constant 1 : i32
      %sub3A_230 = arith.subi %add3A_228, %sub3A_229 : i32
      %lt3A_231 = arith.constant 250 : i32
      %lt3A_232 = arith.cmpi slt, %sub3A_230, %lt3A_231 : i32
      %convert_element_type3A_233 = arith.extui %lt3A_232 : i1 to i32
      %cond3A_234 = arith.constant 0 : i32
      %cond3A_235 = arith.cmpi ne, %convert_element_type3A_233, %cond3A_234 : i32
      scf.if %cond3A_235 {
        %ge3A = arith.constant 8 : i32
        %ge3A_350 = arith.cmpi sge, %sub3A_230, %ge3A : i32
        %convert_element_type3A_351 = arith.extui %ge3A_350 : i1 to i32
        %cond3A_352 = arith.constant 0 : i32
        %cond3A_353 = arith.cmpi ne, %convert_element_type3A_351, %cond3A_352 : i32
        scf.if %cond3A_353 {
          %sub3A_360 = arith.constant 8 : i32
          %sub3A_361 = arith.subi %sub3A_230, %sub3A_360 : i32
          %dma_wait3A_362 = arith.constant 0 : i32
          %dma_wait3A_363 = tpu.memref_slice %arg8[%sub3A_361, %dma_wait3A_362] : memref<250x40xi32, #tpu.memory_space<vmem>> -> memref<1x40xi32, #tpu.memory_space<vmem>>
          %dma_wait3A_364 = tpu.memref_squeeze %dma_wait3A_363 : memref<1x40xi32, #tpu.memory_space<vmem>> -> memref<40xi32, #tpu.memory_space<vmem>>
          %dma_wait3A_365 = arith.constant 0 : i32
          %dma_wait3A_366 = arith.constant 0 : i32
          %dma_wait3A_367 = tpu.memref_slice %arg17[%dma_wait3A_365, %dma_wait3A_366] : memref<10240x64xf32, #tpu.memory_space<vmem_shared>> -> memref<10240x64xf32, #tpu.memory_space<vmem_shared>>
          tpu.wait_indirect_dma semaphore(%arg28 : memref<!tpu.dma_semaphore, #tpu.memory_space<semaphore_mem>>) src(%arg11 : memref<40x64xf32, #tpu.memory_space<vmem>>) dst(%dma_wait3A_367 : memref<10240x64xf32, #tpu.memory_space<vmem_shared>>)
        } else {
        }
        %dma_start3A_354 = arith.constant 0 : i32
        %dma_start3A_355 = tpu.memref_slice %arg7[%sub3A_230, %dma_start3A_354] : memref<250x40xi32, #tpu.memory_space<vmem>> -> memref<1x40xi32, #tpu.memory_space<vmem>>
        %dma_start3A_356 = tpu.memref_squeeze %dma_start3A_355 : memref<1x40xi32, #tpu.memory_space<vmem>> -> memref<40xi32, #tpu.memory_space<vmem>>
        %dma_start3A_357 = arith.constant 0 : i32
        %dma_start3A_358 = arith.constant 0 : i32
        %dma_start3A_359 = tpu.memref_slice %arg2[%dma_start3A_357, %dma_start3A_358] : memref<10000x64xf32, #tpu.memory_space<hbm>> -> memref<10000x64xf32, #tpu.memory_space<hbm>>
        tpu.enqueue_indirect_dma source(%dma_start3A_359 : memref<10000x64xf32, #tpu.memory_space<hbm>>) target(%arg11 : memref<40x64xf32, #tpu.memory_space<vmem>>) offsets(%dma_start3A_356 : memref<40xi32, #tpu.memory_space<vmem>>) semaphore(%arg20 : memref<!tpu.dma_semaphore, #tpu.memory_space<semaphore_mem>>)
      } else {
      }
      %add3A_236 = arith.constant 3 : i32
      %add3A_237 = arith.addi %mul3A_151, %add3A_236 : i32
      %dma_wait3A_238 = arith.constant 0 : i32
      %dma_wait3A_239 = tpu.memref_slice %arg7[%add3A_237, %dma_wait3A_238] : memref<250x40xi32, #tpu.memory_space<vmem>> -> memref<1x40xi32, #tpu.memory_space<vmem>>
      %dma_wait3A_240 = tpu.memref_squeeze %dma_wait3A_239 : memref<1x40xi32, #tpu.memory_space<vmem>> -> memref<40xi32, #tpu.memory_space<vmem>>
      %dma_wait3A_241 = arith.constant 0 : i32
      %dma_wait3A_242 = arith.constant 0 : i32
      %dma_wait3A_243 = tpu.memref_slice %arg2[%dma_wait3A_241, %dma_wait3A_242] : memref<10000x64xf32, #tpu.memory_space<hbm>> -> memref<10000x64xf32, #tpu.memory_space<hbm>>
      tpu.wait_indirect_dma semaphore(%arg21 : memref<!tpu.dma_semaphore, #tpu.memory_space<semaphore_mem>>) src(%dma_wait3A_243 : memref<10000x64xf32, #tpu.memory_space<hbm>>) dst(%arg12 : memref<40x64xf32, #tpu.memory_space<vmem>>)
      %dma_start3A_244 = arith.constant 0 : i32
      %dma_start3A_245 = tpu.memref_slice %arg8[%add3A_237, %dma_start3A_244] : memref<250x40xi32, #tpu.memory_space<vmem>> -> memref<1x40xi32, #tpu.memory_space<vmem>>
      %dma_start3A_246 = tpu.memref_squeeze %dma_start3A_245 : memref<1x40xi32, #tpu.memory_space<vmem>> -> memref<40xi32, #tpu.memory_space<vmem>>
      %dma_start3A_247 = arith.constant 0 : i32
      %dma_start3A_248 = arith.constant 0 : i32
      %dma_start3A_249 = tpu.memref_slice %arg17[%dma_start3A_247, %dma_start3A_248] : memref<10240x64xf32, #tpu.memory_space<vmem_shared>> -> memref<10240x64xf32, #tpu.memory_space<vmem_shared>>
      tpu.enqueue_indirect_dma source(%arg12 : memref<40x64xf32, #tpu.memory_space<vmem>>) target(%dma_start3A_249 : memref<10240x64xf32, #tpu.memory_space<vmem_shared>>) offsets(%dma_start3A_246 : memref<40xi32, #tpu.memory_space<vmem>>) semaphore(%arg29 : memref<!tpu.dma_semaphore, #tpu.memory_space<semaphore_mem>>) {add = true}
      %add3A_250 = arith.constant 4 : i32
      %add3A_251 = arith.addi %mul3A_151, %add3A_250 : i32
      %add3A_252 = arith.constant 8 : i32
      %add3A_253 = arith.addi %add3A_251, %add3A_252 : i32
      %sub3A_254 = arith.constant 1 : i32
      %sub3A_255 = arith.subi %add3A_253, %sub3A_254 : i32
      %lt3A_256 = arith.constant 250 : i32
      %lt3A_257 = arith.cmpi slt, %sub3A_255, %lt3A_256 : i32
      %convert_element_type3A_258 = arith.extui %lt3A_257 : i1 to i32
      %cond3A_259 = arith.constant 0 : i32
      %cond3A_260 = arith.cmpi ne, %convert_element_type3A_258, %cond3A_259 : i32
      scf.if %cond3A_260 {
        %ge3A = arith.constant 8 : i32
        %ge3A_350 = arith.cmpi sge, %sub3A_255, %ge3A : i32
        %convert_element_type3A_351 = arith.extui %ge3A_350 : i1 to i32
        %cond3A_352 = arith.constant 0 : i32
        %cond3A_353 = arith.cmpi ne, %convert_element_type3A_351, %cond3A_352 : i32
        scf.if %cond3A_353 {
          %sub3A_360 = arith.constant 8 : i32
          %sub3A_361 = arith.subi %sub3A_255, %sub3A_360 : i32
          %dma_wait3A_362 = arith.constant 0 : i32
          %dma_wait3A_363 = tpu.memref_slice %arg8[%sub3A_361, %dma_wait3A_362] : memref<250x40xi32, #tpu.memory_space<vmem>> -> memref<1x40xi32, #tpu.memory_space<vmem>>
          %dma_wait3A_364 = tpu.memref_squeeze %dma_wait3A_363 : memref<1x40xi32, #tpu.memory_space<vmem>> -> memref<40xi32, #tpu.memory_space<vmem>>
          %dma_wait3A_365 = arith.constant 0 : i32
          %dma_wait3A_366 = arith.constant 0 : i32
          %dma_wait3A_367 = tpu.memref_slice %arg17[%dma_wait3A_365, %dma_wait3A_366] : memref<10240x64xf32, #tpu.memory_space<vmem_shared>> -> memref<10240x64xf32, #tpu.memory_space<vmem_shared>>
          tpu.wait_indirect_dma semaphore(%arg29 : memref<!tpu.dma_semaphore, #tpu.memory_space<semaphore_mem>>) src(%arg12 : memref<40x64xf32, #tpu.memory_space<vmem>>) dst(%dma_wait3A_367 : memref<10240x64xf32, #tpu.memory_space<vmem_shared>>)
        } else {
        }
        %dma_start3A_354 = arith.constant 0 : i32
        %dma_start3A_355 = tpu.memref_slice %arg7[%sub3A_255, %dma_start3A_354] : memref<250x40xi32, #tpu.memory_space<vmem>> -> memref<1x40xi32, #tpu.memory_space<vmem>>
        %dma_start3A_356 = tpu.memref_squeeze %dma_start3A_355 : memref<1x40xi32, #tpu.memory_space<vmem>> -> memref<40xi32, #tpu.memory_space<vmem>>
        %dma_start3A_357 = arith.constant 0 : i32
        %dma_start3A_358 = arith.constant 0 : i32
        %dma_start3A_359 = tpu.memref_slice %arg2[%dma_start3A_357, %dma_start3A_358] : memref<10000x64xf32, #tpu.memory_space<hbm>> -> memref<10000x64xf32, #tpu.memory_space<hbm>>
        tpu.enqueue_indirect_dma source(%dma_start3A_359 : memref<10000x64xf32, #tpu.memory_space<hbm>>) target(%arg12 : memref<40x64xf32, #tpu.memory_space<vmem>>) offsets(%dma_start3A_356 : memref<40xi32, #tpu.memory_space<vmem>>) semaphore(%arg21 : memref<!tpu.dma_semaphore, #tpu.memory_space<semaphore_mem>>)
      } else {
      }
      %add3A_261 = arith.constant 4 : i32
      %add3A_262 = arith.addi %mul3A_151, %add3A_261 : i32
      %dma_wait3A_263 = arith.constant 0 : i32
      %dma_wait3A_264 = tpu.memref_slice %arg7[%add3A_262, %dma_wait3A_263] : memref<250x40xi32, #tpu.memory_space<vmem>> -> memref<1x40xi32, #tpu.memory_space<vmem>>
      %dma_wait3A_265 = tpu.memref_squeeze %dma_wait3A_264 : memref<1x40xi32, #tpu.memory_space<vmem>> -> memref<40xi32, #tpu.memory_space<vmem>>
      %dma_wait3A_266 = arith.constant 0 : i32
      %dma_wait3A_267 = arith.constant 0 : i32
      %dma_wait3A_268 = tpu.memref_slice %arg2[%dma_wait3A_266, %dma_wait3A_267] : memref<10000x64xf32, #tpu.memory_space<hbm>> -> memref<10000x64xf32, #tpu.memory_space<hbm>>
      tpu.wait_indirect_dma semaphore(%arg22 : memref<!tpu.dma_semaphore, #tpu.memory_space<semaphore_mem>>) src(%dma_wait3A_268 : memref<10000x64xf32, #tpu.memory_space<hbm>>) dst(%arg13 : memref<40x64xf32, #tpu.memory_space<vmem>>)
      %dma_start3A_269 = arith.constant 0 : i32
      %dma_start3A_270 = tpu.memref_slice %arg8[%add3A_262, %dma_start3A_269] : memref<250x40xi32, #tpu.memory_space<vmem>> -> memref<1x40xi32, #tpu.memory_space<vmem>>
      %dma_start3A_271 = tpu.memref_squeeze %dma_start3A_270 : memref<1x40xi32, #tpu.memory_space<vmem>> -> memref<40xi32, #tpu.memory_space<vmem>>
      %dma_start3A_272 = arith.constant 0 : i32
      %dma_start3A_273 = arith.constant 0 : i32
      %dma_start3A_274 = tpu.memref_slice %arg17[%dma_start3A_272, %dma_start3A_273] : memref<10240x64xf32, #tpu.memory_space<vmem_shared>> -> memref<10240x64xf32, #tpu.memory_space<vmem_shared>>
      tpu.enqueue_indirect_dma source(%arg13 : memref<40x64xf32, #tpu.memory_space<vmem>>) target(%dma_start3A_274 : memref<10240x64xf32, #tpu.memory_space<vmem_shared>>) offsets(%dma_start3A_271 : memref<40xi32, #tpu.memory_space<vmem>>) semaphore(%arg30 : memref<!tpu.dma_semaphore, #tpu.memory_space<semaphore_mem>>) {add = true}
      %add3A_275 = arith.constant 5 : i32
      %add3A_276 = arith.addi %mul3A_151, %add3A_275 : i32
      %add3A_277 = arith.constant 8 : i32
      %add3A_278 = arith.addi %add3A_276, %add3A_277 : i32
      %sub3A_279 = arith.constant 1 : i32
      %sub3A_280 = arith.subi %add3A_278, %sub3A_279 : i32
      %lt3A_281 = arith.constant 250 : i32
      %lt3A_282 = arith.cmpi slt, %sub3A_280, %lt3A_281 : i32
      %convert_element_type3A_283 = arith.extui %lt3A_282 : i1 to i32
      %cond3A_284 = arith.constant 0 : i32
      %cond3A_285 = arith.cmpi ne, %convert_element_type3A_283, %cond3A_284 : i32
      scf.if %cond3A_285 {
        %ge3A = arith.constant 8 : i32
        %ge3A_350 = arith.cmpi sge, %sub3A_280, %ge3A : i32
        %convert_element_type3A_351 = arith.extui %ge3A_350 : i1 to i32
        %cond3A_352 = arith.constant 0 : i32
        %cond3A_353 = arith.cmpi ne, %convert_element_type3A_351, %cond3A_352 : i32
        scf.if %cond3A_353 {
          %sub3A_360 = arith.constant 8 : i32
          %sub3A_361 = arith.subi %sub3A_280, %sub3A_360 : i32
          %dma_wait3A_362 = arith.constant 0 : i32
          %dma_wait3A_363 = tpu.memref_slice %arg8[%sub3A_361, %dma_wait3A_362] : memref<250x40xi32, #tpu.memory_space<vmem>> -> memref<1x40xi32, #tpu.memory_space<vmem>>
          %dma_wait3A_364 = tpu.memref_squeeze %dma_wait3A_363 : memref<1x40xi32, #tpu.memory_space<vmem>> -> memref<40xi32, #tpu.memory_space<vmem>>
          %dma_wait3A_365 = arith.constant 0 : i32
          %dma_wait3A_366 = arith.constant 0 : i32
          %dma_wait3A_367 = tpu.memref_slice %arg17[%dma_wait3A_365, %dma_wait3A_366] : memref<10240x64xf32, #tpu.memory_space<vmem_shared>> -> memref<10240x64xf32, #tpu.memory_space<vmem_shared>>
          tpu.wait_indirect_dma semaphore(%arg30 : memref<!tpu.dma_semaphore, #tpu.memory_space<semaphore_mem>>) src(%arg13 : memref<40x64xf32, #tpu.memory_space<vmem>>) dst(%dma_wait3A_367 : memref<10240x64xf32, #tpu.memory_space<vmem_shared>>)
        } else {
        }
        %dma_start3A_354 = arith.constant 0 : i32
        %dma_start3A_355 = tpu.memref_slice %arg7[%sub3A_280, %dma_start3A_354] : memref<250x40xi32, #tpu.memory_space<vmem>> -> memref<1x40xi32, #tpu.memory_space<vmem>>
        %dma_start3A_356 = tpu.memref_squeeze %dma_start3A_355 : memref<1x40xi32, #tpu.memory_space<vmem>> -> memref<40xi32, #tpu.memory_space<vmem>>
        %dma_start3A_357 = arith.constant 0 : i32
        %dma_start3A_358 = arith.constant 0 : i32
        %dma_start3A_359 = tpu.memref_slice %arg2[%dma_start3A_357, %dma_start3A_358] : memref<10000x64xf32, #tpu.memory_space<hbm>> -> memref<10000x64xf32, #tpu.memory_space<hbm>>
        tpu.enqueue_indirect_dma source(%dma_start3A_359 : memref<10000x64xf32, #tpu.memory_space<hbm>>) target(%arg13 : memref<40x64xf32, #tpu.memory_space<vmem>>) offsets(%dma_start3A_356 : memref<40xi32, #tpu.memory_space<vmem>>) semaphore(%arg22 : memref<!tpu.dma_semaphore, #tpu.memory_space<semaphore_mem>>)
      } else {
      }
      %add3A_286 = arith.constant 5 : i32
      %add3A_287 = arith.addi %mul3A_151, %add3A_286 : i32
      %dma_wait3A_288 = arith.constant 0 : i32
      %dma_wait3A_289 = tpu.memref_slice %arg7[%add3A_287, %dma_wait3A_288] : memref<250x40xi32, #tpu.memory_space<vmem>> -> memref<1x40xi32, #tpu.memory_space<vmem>>
      %dma_wait3A_290 = tpu.memref_squeeze %dma_wait3A_289 : memref<1x40xi32, #tpu.memory_space<vmem>> -> memref<40xi32, #tpu.memory_space<vmem>>
      %dma_wait3A_291 = arith.constant 0 : i32
      %dma_wait3A_292 = arith.constant 0 : i32
      %dma_wait3A_293 = tpu.memref_slice %arg2[%dma_wait3A_291, %dma_wait3A_292] : memref<10000x64xf32, #tpu.memory_space<hbm>> -> memref<10000x64xf32, #tpu.memory_space<hbm>>
      tpu.wait_indirect_dma semaphore(%arg23 : memref<!tpu.dma_semaphore, #tpu.memory_space<semaphore_mem>>) src(%dma_wait3A_293 : memref<10000x64xf32, #tpu.memory_space<hbm>>) dst(%arg14 : memref<40x64xf32, #tpu.memory_space<vmem>>)
      %dma_start3A_294 = arith.constant 0 : i32
      %dma_start3A_295 = tpu.memref_slice %arg8[%add3A_287, %dma_start3A_294] : memref<250x40xi32, #tpu.memory_space<vmem>> -> memref<1x40xi32, #tpu.memory_space<vmem>>
      %dma_start3A_296 = tpu.memref_squeeze %dma_start3A_295 : memref<1x40xi32, #tpu.memory_space<vmem>> -> memref<40xi32, #tpu.memory_space<vmem>>
      %dma_start3A_297 = arith.constant 0 : i32
      %dma_start3A_298 = arith.constant 0 : i32
      %dma_start3A_299 = tpu.memref_slice %arg17[%dma_start3A_297, %dma_start3A_298] : memref<10240x64xf32, #tpu.memory_space<vmem_shared>> -> memref<10240x64xf32, #tpu.memory_space<vmem_shared>>
      tpu.enqueue_indirect_dma source(%arg14 : memref<40x64xf32, #tpu.memory_space<vmem>>) target(%dma_start3A_299 : memref<10240x64xf32, #tpu.memory_space<vmem_shared>>) offsets(%dma_start3A_296 : memref<40xi32, #tpu.memory_space<vmem>>) semaphore(%arg31 : memref<!tpu.dma_semaphore, #tpu.memory_space<semaphore_mem>>) {add = true}
      %add3A_300 = arith.constant 6 : i32
      %add3A_301 = arith.addi %mul3A_151, %add3A_300 : i32
      %add3A_302 = arith.constant 8 : i32
      %add3A_303 = arith.addi %add3A_301, %add3A_302 : i32
      %sub3A_304 = arith.constant 1 : i32
      %sub3A_305 = arith.subi %add3A_303, %sub3A_304 : i32
      %lt3A_306 = arith.constant 250 : i32
      %lt3A_307 = arith.cmpi slt, %sub3A_305, %lt3A_306 : i32
      %convert_element_type3A_308 = arith.extui %lt3A_307 : i1 to i32
      %cond3A_309 = arith.constant 0 : i32
      %cond3A_310 = arith.cmpi ne, %convert_element_type3A_308, %cond3A_309 : i32
      scf.if %cond3A_310 {
        %ge3A = arith.constant 8 : i32
        %ge3A_350 = arith.cmpi sge, %sub3A_305, %ge3A : i32
        %convert_element_type3A_351 = arith.extui %ge3A_350 : i1 to i32
        %cond3A_352 = arith.constant 0 : i32
        %cond3A_353 = arith.cmpi ne, %convert_element_type3A_351, %cond3A_352 : i32
        scf.if %cond3A_353 {
          %sub3A_360 = arith.constant 8 : i32
          %sub3A_361 = arith.subi %sub3A_305, %sub3A_360 : i32
          %dma_wait3A_362 = arith.constant 0 : i32
          %dma_wait3A_363 = tpu.memref_slice %arg8[%sub3A_361, %dma_wait3A_362] : memref<250x40xi32, #tpu.memory_space<vmem>> -> memref<1x40xi32, #tpu.memory_space<vmem>>
          %dma_wait3A_364 = tpu.memref_squeeze %dma_wait3A_363 : memref<1x40xi32, #tpu.memory_space<vmem>> -> memref<40xi32, #tpu.memory_space<vmem>>
          %dma_wait3A_365 = arith.constant 0 : i32
          %dma_wait3A_366 = arith.constant 0 : i32
          %dma_wait3A_367 = tpu.memref_slice %arg17[%dma_wait3A_365, %dma_wait3A_366] : memref<10240x64xf32, #tpu.memory_space<vmem_shared>> -> memref<10240x64xf32, #tpu.memory_space<vmem_shared>>
          tpu.wait_indirect_dma semaphore(%arg31 : memref<!tpu.dma_semaphore, #tpu.memory_space<semaphore_mem>>) src(%arg14 : memref<40x64xf32, #tpu.memory_space<vmem>>) dst(%dma_wait3A_367 : memref<10240x64xf32, #tpu.memory_space<vmem_shared>>)
        } else {
        }
        %dma_start3A_354 = arith.constant 0 : i32
        %dma_start3A_355 = tpu.memref_slice %arg7[%sub3A_305, %dma_start3A_354] : memref<250x40xi32, #tpu.memory_space<vmem>> -> memref<1x40xi32, #tpu.memory_space<vmem>>
        %dma_start3A_356 = tpu.memref_squeeze %dma_start3A_355 : memref<1x40xi32, #tpu.memory_space<vmem>> -> memref<40xi32, #tpu.memory_space<vmem>>
        %dma_start3A_357 = arith.constant 0 : i32
        %dma_start3A_358 = arith.constant 0 : i32
        %dma_start3A_359 = tpu.memref_slice %arg2[%dma_start3A_357, %dma_start3A_358] : memref<10000x64xf32, #tpu.memory_space<hbm>> -> memref<10000x64xf32, #tpu.memory_space<hbm>>
        tpu.enqueue_indirect_dma source(%dma_start3A_359 : memref<10000x64xf32, #tpu.memory_space<hbm>>) target(%arg14 : memref<40x64xf32, #tpu.memory_space<vmem>>) offsets(%dma_start3A_356 : memref<40xi32, #tpu.memory_space<vmem>>) semaphore(%arg23 : memref<!tpu.dma_semaphore, #tpu.memory_space<semaphore_mem>>)
      } else {
      }
      %add3A_311 = arith.constant 6 : i32
      %add3A_312 = arith.addi %mul3A_151, %add3A_311 : i32
      %dma_wait3A_313 = arith.constant 0 : i32
      %dma_wait3A_314 = tpu.memref_slice %arg7[%add3A_312, %dma_wait3A_313] : memref<250x40xi32, #tpu.memory_space<vmem>> -> memref<1x40xi32, #tpu.memory_space<vmem>>
      %dma_wait3A_315 = tpu.memref_squeeze %dma_wait3A_314 : memref<1x40xi32, #tpu.memory_space<vmem>> -> memref<40xi32, #tpu.memory_space<vmem>>
      %dma_wait3A_316 = arith.constant 0 : i32
      %dma_wait3A_317 = arith.constant 0 : i32
      %dma_wait3A_318 = tpu.memref_slice %arg2[%dma_wait3A_316, %dma_wait3A_317] : memref<10000x64xf32, #tpu.memory_space<hbm>> -> memref<10000x64xf32, #tpu.memory_space<hbm>>
      tpu.wait_indirect_dma semaphore(%arg24 : memref<!tpu.dma_semaphore, #tpu.memory_space<semaphore_mem>>) src(%dma_wait3A_318 : memref<10000x64xf32, #tpu.memory_space<hbm>>) dst(%arg15 : memref<40x64xf32, #tpu.memory_space<vmem>>)
      %dma_start3A_319 = arith.constant 0 : i32
      %dma_start3A_320 = tpu.memref_slice %arg8[%add3A_312, %dma_start3A_319] : memref<250x40xi32, #tpu.memory_space<vmem>> -> memref<1x40xi32, #tpu.memory_space<vmem>>
      %dma_start3A_321 = tpu.memref_squeeze %dma_start3A_320 : memref<1x40xi32, #tpu.memory_space<vmem>> -> memref<40xi32, #tpu.memory_space<vmem>>
      %dma_start3A_322 = arith.constant 0 : i32
      %dma_start3A_323 = arith.constant 0 : i32
      %dma_start3A_324 = tpu.memref_slice %arg17[%dma_start3A_322, %dma_start3A_323] : memref<10240x64xf32, #tpu.memory_space<vmem_shared>> -> memref<10240x64xf32, #tpu.memory_space<vmem_shared>>
      tpu.enqueue_indirect_dma source(%arg15 : memref<40x64xf32, #tpu.memory_space<vmem>>) target(%dma_start3A_324 : memref<10240x64xf32, #tpu.memory_space<vmem_shared>>) offsets(%dma_start3A_321 : memref<40xi32, #tpu.memory_space<vmem>>) semaphore(%arg32 : memref<!tpu.dma_semaphore, #tpu.memory_space<semaphore_mem>>) {add = true}
      %add3A_325 = arith.constant 7 : i32
      %add3A_326 = arith.addi %mul3A_151, %add3A_325 : i32
      %add3A_327 = arith.constant 8 : i32
      %add3A_328 = arith.addi %add3A_326, %add3A_327 : i32
      %sub3A_329 = arith.constant 1 : i32
      %sub3A_330 = arith.subi %add3A_328, %sub3A_329 : i32
      %lt3A_331 = arith.constant 250 : i32
      %lt3A_332 = arith.cmpi slt, %sub3A_330, %lt3A_331 : i32
      %convert_element_type3A_333 = arith.extui %lt3A_332 : i1 to i32
      %cond3A_334 = arith.constant 0 : i32
      %cond3A_335 = arith.cmpi ne, %convert_element_type3A_333, %cond3A_334 : i32
      scf.if %cond3A_335 {
        %ge3A = arith.constant 8 : i32
        %ge3A_350 = arith.cmpi sge, %sub3A_330, %ge3A : i32
        %convert_element_type3A_351 = arith.extui %ge3A_350 : i1 to i32
        %cond3A_352 = arith.constant 0 : i32
        %cond3A_353 = arith.cmpi ne, %convert_element_type3A_351, %cond3A_352 : i32
        scf.if %cond3A_353 {
          %sub3A_360 = arith.constant 8 : i32
          %sub3A_361 = arith.subi %sub3A_330, %sub3A_360 : i32
          %dma_wait3A_362 = arith.constant 0 : i32
          %dma_wait3A_363 = tpu.memref_slice %arg8[%sub3A_361, %dma_wait3A_362] : memref<250x40xi32, #tpu.memory_space<vmem>> -> memref<1x40xi32, #tpu.memory_space<vmem>>
          %dma_wait3A_364 = tpu.memref_squeeze %dma_wait3A_363 : memref<1x40xi32, #tpu.memory_space<vmem>> -> memref<40xi32, #tpu.memory_space<vmem>>
          %dma_wait3A_365 = arith.constant 0 : i32
          %dma_wait3A_366 = arith.constant 0 : i32
          %dma_wait3A_367 = tpu.memref_slice %arg17[%dma_wait3A_365, %dma_wait3A_366] : memref<10240x64xf32, #tpu.memory_space<vmem_shared>> -> memref<10240x64xf32, #tpu.memory_space<vmem_shared>>
          tpu.wait_indirect_dma semaphore(%arg32 : memref<!tpu.dma_semaphore, #tpu.memory_space<semaphore_mem>>) src(%arg15 : memref<40x64xf32, #tpu.memory_space<vmem>>) dst(%dma_wait3A_367 : memref<10240x64xf32, #tpu.memory_space<vmem_shared>>)
        } else {
        }
        %dma_start3A_354 = arith.constant 0 : i32
        %dma_start3A_355 = tpu.memref_slice %arg7[%sub3A_330, %dma_start3A_354] : memref<250x40xi32, #tpu.memory_space<vmem>> -> memref<1x40xi32, #tpu.memory_space<vmem>>
        %dma_start3A_356 = tpu.memref_squeeze %dma_start3A_355 : memref<1x40xi32, #tpu.memory_space<vmem>> -> memref<40xi32, #tpu.memory_space<vmem>>
        %dma_start3A_357 = arith.constant 0 : i32
        %dma_start3A_358 = arith.constant 0 : i32
        %dma_start3A_359 = tpu.memref_slice %arg2[%dma_start3A_357, %dma_start3A_358] : memref<10000x64xf32, #tpu.memory_space<hbm>> -> memref<10000x64xf32, #tpu.memory_space<hbm>>
        tpu.enqueue_indirect_dma source(%dma_start3A_359 : memref<10000x64xf32, #tpu.memory_space<hbm>>) target(%arg15 : memref<40x64xf32, #tpu.memory_space<vmem>>) offsets(%dma_start3A_356 : memref<40xi32, #tpu.memory_space<vmem>>) semaphore(%arg24 : memref<!tpu.dma_semaphore, #tpu.memory_space<semaphore_mem>>)
      } else {
      }
      %add3A_336 = arith.constant 7 : i32
      %add3A_337 = arith.addi %mul3A_151, %add3A_336 : i32
      %dma_wait3A_338 = arith.constant 0 : i32
      %dma_wait3A_339 = tpu.memref_slice %arg7[%add3A_337, %dma_wait3A_338] : memref<250x40xi32, #tpu.memory_space<vmem>> -> memref<1x40xi32, #tpu.memory_space<vmem>>
      %dma_wait3A_340 = tpu.memref_squeeze %dma_wait3A_339 : memref<1x40xi32, #tpu.memory_space<vmem>> -> memref<40xi32, #tpu.memory_space<vmem>>
      %dma_wait3A_341 = arith.constant 0 : i32
      %dma_wait3A_342 = arith.constant 0 : i32
      %dma_wait3A_343 = tpu.memref_slice %arg2[%dma_wait3A_341, %dma_wait3A_342] : memref<10000x64xf32, #tpu.memory_space<hbm>> -> memref<10000x64xf32, #tpu.memory_space<hbm>>
      tpu.wait_indirect_dma semaphore(%arg25 : memref<!tpu.dma_semaphore, #tpu.memory_space<semaphore_mem>>) src(%dma_wait3A_343 : memref<10000x64xf32, #tpu.memory_space<hbm>>) dst(%arg16 : memref<40x64xf32, #tpu.memory_space<vmem>>)
      %dma_start3A_344 = arith.constant 0 : i32
      %dma_start3A_345 = tpu.memref_slice %arg8[%add3A_337, %dma_start3A_344] : memref<250x40xi32, #tpu.memory_space<vmem>> -> memref<1x40xi32, #tpu.memory_space<vmem>>
      %dma_start3A_346 = tpu.memref_squeeze %dma_start3A_345 : memref<1x40xi32, #tpu.memory_space<vmem>> -> memref<40xi32, #tpu.memory_space<vmem>>
      %dma_start3A_347 = arith.constant 0 : i32
      %dma_start3A_348 = arith.constant 0 : i32
      %dma_start3A_349 = tpu.memref_slice %arg17[%dma_start3A_347, %dma_start3A_348] : memref<10240x64xf32, #tpu.memory_space<vmem_shared>> -> memref<10240x64xf32, #tpu.memory_space<vmem_shared>>
      tpu.enqueue_indirect_dma source(%arg16 : memref<40x64xf32, #tpu.memory_space<vmem>>) target(%dma_start3A_349 : memref<10240x64xf32, #tpu.memory_space<vmem_shared>>) offsets(%dma_start3A_346 : memref<40xi32, #tpu.memory_space<vmem>>) semaphore(%arg33 : memref<!tpu.dma_semaphore, #tpu.memory_space<semaphore_mem>>) {add = true}
    }
    %scan3A_60 = arith.constant 31 : i32
    %dma_wait3A = arith.constant 248 : i32
    %dma_wait3A_61 = arith.constant 0 : i32
    %dma_wait3A_62 = tpu.memref_slice %arg7[%dma_wait3A, %dma_wait3A_61] : memref<250x40xi32, #tpu.memory_space<vmem>> -> memref<1x40xi32, #tpu.memory_space<vmem>>
    %dma_wait3A_63 = tpu.memref_squeeze %dma_wait3A_62 : memref<1x40xi32, #tpu.memory_space<vmem>> -> memref<40xi32, #tpu.memory_space<vmem>>
    %dma_wait3A_64 = arith.constant 0 : i32
    %dma_wait3A_65 = arith.constant 0 : i32
    %dma_wait3A_66 = tpu.memref_slice %arg2[%dma_wait3A_64, %dma_wait3A_65] : memref<10000x64xf32, #tpu.memory_space<hbm>> -> memref<10000x64xf32, #tpu.memory_space<hbm>>
    tpu.wait_indirect_dma semaphore(%arg18 : memref<!tpu.dma_semaphore, #tpu.memory_space<semaphore_mem>>) src(%dma_wait3A_66 : memref<10000x64xf32, #tpu.memory_space<hbm>>) dst(%arg9 : memref<40x64xf32, #tpu.memory_space<vmem>>)
    %dma_start3A_67 = arith.constant 248 : i32
    %dma_start3A_68 = arith.constant 0 : i32
    %dma_start3A_69 = tpu.memref_slice %arg8[%dma_start3A_67, %dma_start3A_68] : memref<250x40xi32, #tpu.memory_space<vmem>> -> memref<1x40xi32, #tpu.memory_space<vmem>>
    %dma_start3A_70 = tpu.memref_squeeze %dma_start3A_69 : memref<1x40xi32, #tpu.memory_space<vmem>> -> memref<40xi32, #tpu.memory_space<vmem>>
    %dma_start3A_71 = arith.constant 0 : i32
    %dma_start3A_72 = arith.constant 0 : i32
    %dma_start3A_73 = tpu.memref_slice %arg17[%dma_start3A_71, %dma_start3A_72] : memref<10240x64xf32, #tpu.memory_space<vmem_shared>> -> memref<10240x64xf32, #tpu.memory_space<vmem_shared>>
    tpu.enqueue_indirect_dma source(%arg9 : memref<40x64xf32, #tpu.memory_space<vmem>>) target(%dma_start3A_73 : memref<10240x64xf32, #tpu.memory_space<vmem_shared>>) offsets(%dma_start3A_70 : memref<40xi32, #tpu.memory_space<vmem>>) semaphore(%arg26 : memref<!tpu.dma_semaphore, #tpu.memory_space<semaphore_mem>>) {add = true}
    %dma_wait3A_74 = arith.constant 249 : i32
    %dma_wait3A_75 = arith.constant 0 : i32
    %dma_wait3A_76 = tpu.memref_slice %arg7[%dma_wait3A_74, %dma_wait3A_75] : memref<250x40xi32, #tpu.memory_space<vmem>> -> memref<1x40xi32, #tpu.memory_space<vmem>>
    %dma_wait3A_77 = tpu.memref_squeeze %dma_wait3A_76 : memref<1x40xi32, #tpu.memory_space<vmem>> -> memref<40xi32, #tpu.memory_space<vmem>>
    %dma_wait3A_78 = arith.constant 0 : i32
    %dma_wait3A_79 = arith.constant 0 : i32
    %dma_wait3A_80 = tpu.memref_slice %arg2[%dma_wait3A_78, %dma_wait3A_79] : memref<10000x64xf32, #tpu.memory_space<hbm>> -> memref<10000x64xf32, #tpu.memory_space<hbm>>
    tpu.wait_indirect_dma semaphore(%arg19 : memref<!tpu.dma_semaphore, #tpu.memory_space<semaphore_mem>>) src(%dma_wait3A_80 : memref<10000x64xf32, #tpu.memory_space<hbm>>) dst(%arg10 : memref<40x64xf32, #tpu.memory_space<vmem>>)
    %dma_start3A_81 = arith.constant 249 : i32
    %dma_start3A_82 = arith.constant 0 : i32
    %dma_start3A_83 = tpu.memref_slice %arg8[%dma_start3A_81, %dma_start3A_82] : memref<250x40xi32, #tpu.memory_space<vmem>> -> memref<1x40xi32, #tpu.memory_space<vmem>>
    %dma_start3A_84 = tpu.memref_squeeze %dma_start3A_83 : memref<1x40xi32, #tpu.memory_space<vmem>> -> memref<40xi32, #tpu.memory_space<vmem>>
    %dma_start3A_85 = arith.constant 0 : i32
    %dma_start3A_86 = arith.constant 0 : i32
    %dma_start3A_87 = tpu.memref_slice %arg17[%dma_start3A_85, %dma_start3A_86] : memref<10240x64xf32, #tpu.memory_space<vmem_shared>> -> memref<10240x64xf32, #tpu.memory_space<vmem_shared>>
    tpu.enqueue_indirect_dma source(%arg10 : memref<40x64xf32, #tpu.memory_space<vmem>>) target(%dma_start3A_87 : memref<10240x64xf32, #tpu.memory_space<vmem_shared>>) offsets(%dma_start3A_84 : memref<40xi32, #tpu.memory_space<vmem>>) semaphore(%arg27 : memref<!tpu.dma_semaphore, #tpu.memory_space<semaphore_mem>>) {add = true}
    %dma_wait3A_88 = arith.constant 242 : i32
    %dma_wait3A_89 = arith.constant 0 : i32
    %dma_wait3A_90 = tpu.memref_slice %arg8[%dma_wait3A_88, %dma_wait3A_89] : memref<250x40xi32, #tpu.memory_space<vmem>> -> memref<1x40xi32, #tpu.memory_space<vmem>>
    %dma_wait3A_91 = tpu.memref_squeeze %dma_wait3A_90 : memref<1x40xi32, #tpu.memory_space<vmem>> -> memref<40xi32, #tpu.memory_space<vmem>>
    %dma_wait3A_92 = arith.constant 0 : i32
    %dma_wait3A_93 = arith.constant 0 : i32
    %dma_wait3A_94 = tpu.memref_slice %arg17[%dma_wait3A_92, %dma_wait3A_93] : memref<10240x64xf32, #tpu.memory_space<vmem_shared>> -> memref<10240x64xf32, #tpu.memory_space<vmem_shared>>
    tpu.wait_indirect_dma semaphore(%arg28 : memref<!tpu.dma_semaphore, #tpu.memory_space<semaphore_mem>>) src(%arg11 : memref<40x64xf32, #tpu.memory_space<vmem>>) dst(%dma_wait3A_94 : memref<10240x64xf32, #tpu.memory_space<vmem_shared>>)
    %dma_wait3A_95 = arith.constant 243 : i32
    %dma_wait3A_96 = arith.constant 0 : i32
    %dma_wait3A_97 = tpu.memref_slice %arg8[%dma_wait3A_95, %dma_wait3A_96] : memref<250x40xi32, #tpu.memory_space<vmem>> -> memref<1x40xi32, #tpu.memory_space<vmem>>
    %dma_wait3A_98 = tpu.memref_squeeze %dma_wait3A_97 : memref<1x40xi32, #tpu.memory_space<vmem>> -> memref<40xi32, #tpu.memory_space<vmem>>
    %dma_wait3A_99 = arith.constant 0 : i32
    %dma_wait3A_100 = arith.constant 0 : i32
    %dma_wait3A_101 = tpu.memref_slice %arg17[%dma_wait3A_99, %dma_wait3A_100] : memref<10240x64xf32, #tpu.memory_space<vmem_shared>> -> memref<10240x64xf32, #tpu.memory_space<vmem_shared>>
    tpu.wait_indirect_dma semaphore(%arg29 : memref<!tpu.dma_semaphore, #tpu.memory_space<semaphore_mem>>) src(%arg12 : memref<40x64xf32, #tpu.memory_space<vmem>>) dst(%dma_wait3A_101 : memref<10240x64xf32, #tpu.memory_space<vmem_shared>>)
    %dma_wait3A_102 = arith.constant 244 : i32
    %dma_wait3A_103 = arith.constant 0 : i32
    %dma_wait3A_104 = tpu.memref_slice %arg8[%dma_wait3A_102, %dma_wait3A_103] : memref<250x40xi32, #tpu.memory_space<vmem>> -> memref<1x40xi32, #tpu.memory_space<vmem>>
    %dma_wait3A_105 = tpu.memref_squeeze %dma_wait3A_104 : memref<1x40xi32, #tpu.memory_space<vmem>> -> memref<40xi32, #tpu.memory_space<vmem>>
    %dma_wait3A_106 = arith.constant 0 : i32
    %dma_wait3A_107 = arith.constant 0 : i32
    %dma_wait3A_108 = tpu.memref_slice %arg17[%dma_wait3A_106, %dma_wait3A_107] : memref<10240x64xf32, #tpu.memory_space<vmem_shared>> -> memref<10240x64xf32, #tpu.memory_space<vmem_shared>>
    tpu.wait_indirect_dma semaphore(%arg30 : memref<!tpu.dma_semaphore, #tpu.memory_space<semaphore_mem>>) src(%arg13 : memref<40x64xf32, #tpu.memory_space<vmem>>) dst(%dma_wait3A_108 : memref<10240x64xf32, #tpu.memory_space<vmem_shared>>)
    %dma_wait3A_109 = arith.constant 245 : i32
    %dma_wait3A_110 = arith.constant 0 : i32
    %dma_wait3A_111 = tpu.memref_slice %arg8[%dma_wait3A_109, %dma_wait3A_110] : memref<250x40xi32, #tpu.memory_space<vmem>> -> memref<1x40xi32, #tpu.memory_space<vmem>>
    %dma_wait3A_112 = tpu.memref_squeeze %dma_wait3A_111 : memref<1x40xi32, #tpu.memory_space<vmem>> -> memref<40xi32, #tpu.memory_space<vmem>>
    %dma_wait3A_113 = arith.constant 0 : i32
    %dma_wait3A_114 = arith.constant 0 : i32
    %dma_wait3A_115 = tpu.memref_slice %arg17[%dma_wait3A_113, %dma_wait3A_114] : memref<10240x64xf32, #tpu.memory_space<vmem_shared>> -> memref<10240x64xf32, #tpu.memory_space<vmem_shared>>
    tpu.wait_indirect_dma semaphore(%arg31 : memref<!tpu.dma_semaphore, #tpu.memory_space<semaphore_mem>>) src(%arg14 : memref<40x64xf32, #tpu.memory_space<vmem>>) dst(%dma_wait3A_115 : memref<10240x64xf32, #tpu.memory_space<vmem_shared>>)
    %dma_wait3A_116 = arith.constant 246 : i32
    %dma_wait3A_117 = arith.constant 0 : i32
    %dma_wait3A_118 = tpu.memref_slice %arg8[%dma_wait3A_116, %dma_wait3A_117] : memref<250x40xi32, #tpu.memory_space<vmem>> -> memref<1x40xi32, #tpu.memory_space<vmem>>
    %dma_wait3A_119 = tpu.memref_squeeze %dma_wait3A_118 : memref<1x40xi32, #tpu.memory_space<vmem>> -> memref<40xi32, #tpu.memory_space<vmem>>
    %dma_wait3A_120 = arith.constant 0 : i32
    %dma_wait3A_121 = arith.constant 0 : i32
    %dma_wait3A_122 = tpu.memref_slice %arg17[%dma_wait3A_120, %dma_wait3A_121] : memref<10240x64xf32, #tpu.memory_space<vmem_shared>> -> memref<10240x64xf32, #tpu.memory_space<vmem_shared>>
    tpu.wait_indirect_dma semaphore(%arg32 : memref<!tpu.dma_semaphore, #tpu.memory_space<semaphore_mem>>) src(%arg15 : memref<40x64xf32, #tpu.memory_space<vmem>>) dst(%dma_wait3A_122 : memref<10240x64xf32, #tpu.memory_space<vmem_shared>>)
    %dma_wait3A_123 = arith.constant 247 : i32
    %dma_wait3A_124 = arith.constant 0 : i32
    %dma_wait3A_125 = tpu.memref_slice %arg8[%dma_wait3A_123, %dma_wait3A_124] : memref<250x40xi32, #tpu.memory_space<vmem>> -> memref<1x40xi32, #tpu.memory_space<vmem>>
    %dma_wait3A_126 = tpu.memref_squeeze %dma_wait3A_125 : memref<1x40xi32, #tpu.memory_space<vmem>> -> memref<40xi32, #tpu.memory_space<vmem>>
    %dma_wait3A_127 = arith.constant 0 : i32
    %dma_wait3A_128 = arith.constant 0 : i32
    %dma_wait3A_129 = tpu.memref_slice %arg17[%dma_wait3A_127, %dma_wait3A_128] : memref<10240x64xf32, #tpu.memory_space<vmem_shared>> -> memref<10240x64xf32, #tpu.memory_space<vmem_shared>>
    tpu.wait_indirect_dma semaphore(%arg33 : memref<!tpu.dma_semaphore, #tpu.memory_space<semaphore_mem>>) src(%arg16 : memref<40x64xf32, #tpu.memory_space<vmem>>) dst(%dma_wait3A_129 : memref<10240x64xf32, #tpu.memory_space<vmem_shared>>)
    %dma_wait3A_130 = arith.constant 248 : i32
    %dma_wait3A_131 = arith.constant 0 : i32
    %dma_wait3A_132 = tpu.memref_slice %arg8[%dma_wait3A_130, %dma_wait3A_131] : memref<250x40xi32, #tpu.memory_space<vmem>> -> memref<1x40xi32, #tpu.memory_space<vmem>>
    %dma_wait3A_133 = tpu.memref_squeeze %dma_wait3A_132 : memref<1x40xi32, #tpu.memory_space<vmem>> -> memref<40xi32, #tpu.memory_space<vmem>>
    %dma_wait3A_134 = arith.constant 0 : i32
    %dma_wait3A_135 = arith.constant 0 : i32
    %dma_wait3A_136 = tpu.memref_slice %arg17[%dma_wait3A_134, %dma_wait3A_135] : memref<10240x64xf32, #tpu.memory_space<vmem_shared>> -> memref<10240x64xf32, #tpu.memory_space<vmem_shared>>
    tpu.wait_indirect_dma semaphore(%arg26 : memref<!tpu.dma_semaphore, #tpu.memory_space<semaphore_mem>>) src(%arg9 : memref<40x64xf32, #tpu.memory_space<vmem>>) dst(%dma_wait3A_136 : memref<10240x64xf32, #tpu.memory_space<vmem_shared>>)
    %dma_wait3A_137 = arith.constant 249 : i32
    %dma_wait3A_138 = arith.constant 0 : i32
    %dma_wait3A_139 = tpu.memref_slice %arg8[%dma_wait3A_137, %dma_wait3A_138] : memref<250x40xi32, #tpu.memory_space<vmem>> -> memref<1x40xi32, #tpu.memory_space<vmem>>
    %dma_wait3A_140 = tpu.memref_squeeze %dma_wait3A_139 : memref<1x40xi32, #tpu.memory_space<vmem>> -> memref<40xi32, #tpu.memory_space<vmem>>
    %dma_wait3A_141 = arith.constant 0 : i32
    %dma_wait3A_142 = arith.constant 0 : i32
    %dma_wait3A_143 = tpu.memref_slice %arg17[%dma_wait3A_141, %dma_wait3A_142] : memref<10240x64xf32, #tpu.memory_space<vmem_shared>> -> memref<10240x64xf32, #tpu.memory_space<vmem_shared>>
    tpu.wait_indirect_dma semaphore(%arg27 : memref<!tpu.dma_semaphore, #tpu.memory_space<semaphore_mem>>) src(%arg10 : memref<40x64xf32, #tpu.memory_space<vmem>>) dst(%dma_wait3A_143 : memref<10240x64xf32, #tpu.memory_space<vmem_shared>>)
    %barrier3A_144 = arith.constant 0 : index
    tpu.barrier barrier_id(%barrier3A_144)
    %mul3A_145 = arith.constant 640 : i32
    %mul3A_146 = arith.muli %arg1, %mul3A_145 : i32
    %mul3A_147 = arith.constant 640 : i32
    %mul3A_148 = arith.muli %arg1, %mul3A_147 : i32
    "tpu.region"() ({
      %run_scoped3A = tpu.sem_alloc : memref<!tpu.dma_semaphore, #tpu.memory_space<semaphore_mem>>
      %dma_start3A_149 = arith.constant 0 : i32
      %dma_start3A_150 = tpu.memref_slice %arg6[%arg0, %mul3A_148, %dma_start3A_149] : memref<2x10240x64xf32, #tpu.memory_space<hbm>> -> memref<1x640x64xf32, #tpu.memory_space<hbm>>
      %dma_start3A_151 = tpu.memref_squeeze %dma_start3A_150 : memref<1x640x64xf32, #tpu.memory_space<hbm>> -> memref<640x64xf32, #tpu.memory_space<hbm>>
      %dma_start3A_152 = arith.constant 0 : i32
      %dma_start3A_153 = tpu.memref_slice %arg17[%mul3A_146, %dma_start3A_152] : memref<10240x64xf32, #tpu.memory_space<vmem_shared>> -> memref<640x64xf32, #tpu.memory_space<vmem_shared>>
      tpu.enqueue_dma source(%dma_start3A_153 : memref<640x64xf32, #tpu.memory_space<vmem_shared>>) target(%dma_start3A_151 : memref<640x64xf32, #tpu.memory_space<hbm>>) target_semaphore(%run_scoped3A : memref<!tpu.dma_semaphore, #tpu.memory_space<semaphore_mem>>)
      %dma_wait3A_154 = arith.constant 0 : i32
      %dma_wait3A_155 = tpu.memref_slice %arg6[%arg0, %mul3A_148, %dma_wait3A_154] : memref<2x10240x64xf32, #tpu.memory_space<hbm>> -> memref<1x640x64xf32, #tpu.memory_space<hbm>>
      %dma_wait3A_156 = tpu.memref_squeeze %dma_wait3A_155 : memref<1x640x64xf32, #tpu.memory_space<hbm>> -> memref<640x64xf32, #tpu.memory_space<hbm>>
      %dma_wait3A_157 = arith.constant 0 : i32
      %dma_wait3A_158 = tpu.memref_slice %arg17[%mul3A_146, %dma_wait3A_157] : memref<10240x64xf32, #tpu.memory_space<vmem_shared>> -> memref<640x64xf32, #tpu.memory_space<vmem_shared>>
      tpu.wait_dma2 semaphore(%run_scoped3A : memref<!tpu.dma_semaphore, #tpu.memory_space<semaphore_mem>>) src(%dma_wait3A_158 : memref<640x64xf32, #tpu.memory_space<vmem_shared>>) dst(%dma_wait3A_156 : memref<640x64xf32, #tpu.memory_space<hbm>>)
      tpu.yield
    }) : () -> ()
    return
  }
}

module attributes {stable_mosaic.version = 14 : i64} {
  func.func @_tc1_body(%arg0: i32, %arg1: memref<2x2000x8xf32, #tpu.memory_space<vmem>>, %arg2: memref<2000x128xf32, #tpu.memory_space<vmem>>, %arg3: memref<128x128xf32, #tpu.memory_space<vmem>>, %arg4: memref<2000x1xf32, #tpu.memory_space<vmem>>, %arg5: memref<2000x128xf32, #tpu.memory_space<vmem>>) attributes {dimension_semantics = [#tpu.dimension_semantics<arbitrary>], iteration_bounds = array<i64: 5>, scalar_prefetch = 0 : i64, scratch_operands = 0 : i64, tpu.core_type = #tpu.core_type<tc>, window_params = [{transform_indices = @transform_0, window_bounds = array<i64: 2, 2000, 8>}, {transform_indices = @transform_1, window_bounds = array<i64: 2000, 128>}, {pipeline_mode = #tpu.pipeline_mode<synchronous>, transform_indices = @transform_2, window_bounds = array<i64: 128, 128>}, {transform_indices = @transform_3, window_bounds = array<i64: 2000, 1>}, {transform_indices = @transform_4, window_bounds = array<i64: 2000, 128>}]} {
    %get3A = arith.constant 0 : index
    %get3A_0 = arith.constant 0 : index
    %get3A_1 = arith.constant 0 : index
    %get3A_2 = vector.load %arg1[%get3A, %get3A_0, %get3A_1] : memref<2x2000x8xf32, #tpu.memory_space<vmem>>, vector<1x2000x1xf32>
    %get3A_3 = vector.shape_cast %get3A_2 : vector<1x2000x1xf32> to vector<2000x1xf32>
    %get3A_4 = arith.constant 1 : index
    %get3A_5 = arith.constant 0 : index
    %get3A_6 = arith.constant 0 : index
    %get3A_7 = vector.load %arg1[%get3A_4, %get3A_5, %get3A_6] : memref<2x2000x8xf32, #tpu.memory_space<vmem>>, vector<1x2000x1xf32>
    %get3A_8 = vector.shape_cast %get3A_7 : vector<1x2000x1xf32> to vector<2000x1xf32>
    %add3A = arith.addf %get3A_3, %get3A_8 : vector<2000x1xf32>
    %add3A_9 = arith.constant 1.000000e+00 : f32
    %add3A_10 = vector.broadcast %add3A_9 : f32 to vector<2000x1xf32>
    %add3A_11 = arith.addf %add3A, %add3A_10 : vector<2000x1xf32>
    %rsqrt3A = math.rsqrt %add3A_11 : vector<2000x1xf32>
    %swap3A = arith.constant 0 : index
    %swap3A_12 = arith.constant 0 : index
    %swap3A_13 = vector.load %arg4[%swap3A, %swap3A_12] : memref<2000x1xf32, #tpu.memory_space<vmem>>, vector<2000x1xf32>
    tpu.vector_store %arg4[%swap3A, %swap3A_12], %rsqrt3A {strides = array<i32>} : memref<2000x1xf32, #tpu.memory_space<vmem>>, vector<2000x1xf32>,
    %get3A_14 = arith.constant 0 : index
    %get3A_15 = arith.constant 0 : index
    %get3A_16 = vector.load %arg2[%get3A_14, %get3A_15] : memref<2000x128xf32, #tpu.memory_space<vmem>>, vector<2000x128xf32>
    %get3A_17 = arith.constant 0 : index
    %get3A_18 = arith.constant 0 : index
    %get3A_19 = vector.load %arg3[%get3A_17, %get3A_18] : memref<128x128xf32, #tpu.memory_space<vmem>>, vector<128x128xf32>
    %dot_general3A = arith.constant dense<0.000000e+00> : vector<2000x128xf32>
    %dot_general3A_20 = tpu.matmul %get3A_16, %get3A_19, %dot_general3A {dimension_numbers = #tpu.dot_dimension_numbers<[1], [0], [0], [1], [0, 0, 1, 1], [], []>, transpose_lhs_hint = false} : vector<2000x128xf32>, vector<128x128xf32>, vector<2000x128xf32> -> vector<2000x128xf32>
    %mul3A = vector.broadcast %rsqrt3A : vector<2000x1xf32> to vector<2000x128xf32>
    %mul3A_21 = arith.mulf %mul3A, %dot_general3A_20 : vector<2000x128xf32>
    %swap3A_22 = arith.constant 0 : index
    %swap3A_23 = arith.constant 0 : index
    %swap3A_24 = vector.load %arg5[%swap3A_22, %swap3A_23] : memref<2000x128xf32, #tpu.memory_space<vmem>>, vector<2000x128xf32>
    tpu.vector_store %arg5[%swap3A_22, %swap3A_23], %mul3A_21 {strides = array<i32>} : memref<2000x128xf32, #tpu.memory_space<vmem>>, vector<2000x128xf32>,
    return
  }
  func.func @transform_0(%arg0: i32) -> (i32, i32, i32) {
    %c0_i32 = arith.constant 0 : i32
    %c0_i32_0 = arith.constant 0 : i32
    %c0_i32_1 = arith.constant 0 : i32
    return %c0_i32, %arg0, %c0_i32_0 : i32, i32, i32
  }
  func.func @transform_1(%arg0: i32) -> (i32, i32) {
    %c0_i32 = arith.constant 0 : i32
    %c0_i32_0 = arith.constant 0 : i32
    return %arg0, %c0_i32 : i32, i32
  }
  func.func @transform_2(%arg0: i32) -> (i32, i32) {
    %c0_i32 = arith.constant 0 : i32
    %c0_i32_0 = arith.constant 0 : i32
    %c0_i32_1 = arith.constant 0 : i32
    return %c0_i32, %c0_i32_0 : i32, i32
  }
  func.func @transform_3(%arg0: i32) -> (i32, i32) {
    %c0_i32 = arith.constant 0 : i32
    %c0_i32_0 = arith.constant 0 : i32
    return %arg0, %c0_i32 : i32, i32
  }
  func.func @transform_4(%arg0: i32) -> (i32, i32) {
    %c0_i32 = arith.constant 0 : i32
    %c0_i32_0 = arith.constant 0 : i32
    return %arg0, %c0_i32 : i32, i32
  }
}

module attributes {stable_mosaic.version = 14 : i64} {
  func.func @_tc2_body(%arg0: i32, %arg1: memref<2x2000x128xf32, #tpu.memory_space<vmem>>, %arg2: memref<2000x1xf32, #tpu.memory_space<vmem>>, %arg3: memref<1x128xf32, #tpu.memory_space<vmem>>, %arg4: memref<128x64xf32, #tpu.memory_space<vmem>>, %arg5: memref<2000x64xf32, #tpu.memory_space<vmem>>) attributes {dimension_semantics = [#tpu.dimension_semantics<arbitrary>], iteration_bounds = array<i64: 5>, scalar_prefetch = 0 : i64, scratch_operands = 0 : i64, tpu.core_type = #tpu.core_type<tc>, window_params = [{transform_indices = @transform_0, window_bounds = array<i64: 2, 2000, 128>}, {transform_indices = @transform_1, window_bounds = array<i64: 2000, 1>}, {pipeline_mode = #tpu.pipeline_mode<synchronous>, transform_indices = @transform_2, window_bounds = array<i64: 1, 128>}, {pipeline_mode = #tpu.pipeline_mode<synchronous>, transform_indices = @transform_3, window_bounds = array<i64: 128, 64>}, {transform_indices = @transform_4, window_bounds = array<i64: 2000, 64>}]} {
    %get3A = arith.constant 0 : index
    %get3A_0 = arith.constant 0 : index
    %get3A_1 = vector.load %arg2[%get3A, %get3A_0] : memref<2000x1xf32, #tpu.memory_space<vmem>>, vector<2000x1xf32>
    %get3A_2 = arith.constant 0 : index
    %get3A_3 = arith.constant 0 : index
    %get3A_4 = arith.constant 0 : index
    %get3A_5 = vector.load %arg1[%get3A_2, %get3A_3, %get3A_4] : memref<2x2000x128xf32, #tpu.memory_space<vmem>>, vector<1x2000x128xf32>
    %get3A_6 = vector.shape_cast %get3A_5 : vector<1x2000x128xf32> to vector<2000x128xf32>
    %get3A_7 = arith.constant 1 : index
    %get3A_8 = arith.constant 0 : index
    %get3A_9 = arith.constant 0 : index
    %get3A_10 = vector.load %arg1[%get3A_7, %get3A_8, %get3A_9] : memref<2x2000x128xf32, #tpu.memory_space<vmem>>, vector<1x2000x128xf32>
    %get3A_11 = vector.shape_cast %get3A_10 : vector<1x2000x128xf32> to vector<2000x128xf32>
    %add3A = arith.addf %get3A_6, %get3A_11 : vector<2000x128xf32>
    %mul3A = vector.broadcast %get3A_1 : vector<2000x1xf32> to vector<2000x128xf32>
    %mul3A_12 = arith.mulf %mul3A, %add3A : vector<2000x128xf32>
    %get3A_13 = arith.constant 0 : index
    %get3A_14 = arith.constant 0 : index
    %get3A_15 = vector.load %arg3[%get3A_13, %get3A_14] : memref<1x128xf32, #tpu.memory_space<vmem>>, vector<1x128xf32>
    %add3A_16 = vector.broadcast %get3A_15 : vector<1x128xf32> to vector<2000x128xf32>
    %add3A_17 = arith.addf %mul3A_12, %add3A_16 : vector<2000x128xf32>
    %max3A = arith.constant 0.000000e+00 : f32
    %max3A_18 = vector.broadcast %max3A : f32 to vector<2000x128xf32>
    %max3A_19 = arith.maximumf %add3A_17, %max3A_18 : vector<2000x128xf32>
    %get3A_20 = arith.constant 0 : index
    %get3A_21 = arith.constant 0 : index
    %get3A_22 = vector.load %arg4[%get3A_20, %get3A_21] : memref<128x64xf32, #tpu.memory_space<vmem>>, vector<128x64xf32>
    %dot_general3A = arith.constant dense<0.000000e+00> : vector<2000x64xf32>
    %dot_general3A_23 = tpu.matmul %max3A_19, %get3A_22, %dot_general3A {dimension_numbers = #tpu.dot_dimension_numbers<[1], [0], [0], [1], [0, 0, 1, 1], [], []>, transpose_lhs_hint = false} : vector<2000x128xf32>, vector<128x64xf32>, vector<2000x64xf32> -> vector<2000x64xf32>
    %mul3A_24 = vector.broadcast %get3A_1 : vector<2000x1xf32> to vector<2000x64xf32>
    %mul3A_25 = arith.mulf %mul3A_24, %dot_general3A_23 : vector<2000x64xf32>
    %swap3A = arith.constant 0 : index
    %swap3A_26 = arith.constant 0 : index
    %swap3A_27 = vector.load %arg5[%swap3A, %swap3A_26] : memref<2000x64xf32, #tpu.memory_space<vmem>>, vector<2000x64xf32>
    tpu.vector_store %arg5[%swap3A, %swap3A_26], %mul3A_25 {strides = array<i32>} : memref<2000x64xf32, #tpu.memory_space<vmem>>, vector<2000x64xf32>,
    return
  }
  func.func @transform_0(%arg0: i32) -> (i32, i32, i32) {
    %c0_i32 = arith.constant 0 : i32
    %c0_i32_0 = arith.constant 0 : i32
    %c0_i32_1 = arith.constant 0 : i32
    return %c0_i32, %arg0, %c0_i32_0 : i32, i32, i32
  }
  func.func @transform_1(%arg0: i32) -> (i32, i32) {
    %c0_i32 = arith.constant 0 : i32
    %c0_i32_0 = arith.constant 0 : i32
    return %arg0, %c0_i32 : i32, i32
  }
  func.func @transform_2(%arg0: i32) -> (i32, i32) {
    %c0_i32 = arith.constant 0 : i32
    %c0_i32_0 = arith.constant 0 : i32
    %c0_i32_1 = arith.constant 0 : i32
    return %c0_i32, %c0_i32_0 : i32, i32
  }
  func.func @transform_3(%arg0: i32) -> (i32, i32) {
    %c0_i32 = arith.constant 0 : i32
    %c0_i32_0 = arith.constant 0 : i32
    %c0_i32_1 = arith.constant 0 : i32
    return %c0_i32, %c0_i32_0 : i32, i32
  }
  func.func @transform_4(%arg0: i32) -> (i32, i32) {
    %c0_i32 = arith.constant 0 : i32
    %c0_i32_0 = arith.constant 0 : i32
    return %arg0, %c0_i32 : i32, i32
  }
}

module attributes {stable_mosaic.version = 14 : i64} {
  func.func @_tc3_body(%arg0: i32, %arg1: memref<2x2000x64xf32, #tpu.memory_space<vmem>>, %arg2: memref<2000x1xf32, #tpu.memory_space<vmem>>, %arg3: memref<1x64xf32, #tpu.memory_space<vmem>>, %arg4: memref<2000x64xf32, #tpu.memory_space<vmem>>) attributes {dimension_semantics = [#tpu.dimension_semantics<arbitrary>], iteration_bounds = array<i64: 5>, scalar_prefetch = 0 : i64, scratch_operands = 0 : i64, tpu.core_type = #tpu.core_type<tc>, window_params = [{transform_indices = @transform_0, window_bounds = array<i64: 2, 2000, 64>}, {transform_indices = @transform_1, window_bounds = array<i64: 2000, 1>}, {pipeline_mode = #tpu.pipeline_mode<synchronous>, transform_indices = @transform_2, window_bounds = array<i64: 1, 64>}, {transform_indices = @transform_3, window_bounds = array<i64: 2000, 64>}]} {
    %get3A = arith.constant 0 : index
    %get3A_0 = arith.constant 0 : index
    %get3A_1 = vector.load %arg2[%get3A, %get3A_0] : memref<2000x1xf32, #tpu.memory_space<vmem>>, vector<2000x1xf32>
    %get3A_2 = arith.constant 0 : index
    %get3A_3 = arith.constant 0 : index
    %get3A_4 = arith.constant 0 : index
    %get3A_5 = vector.load %arg1[%get3A_2, %get3A_3, %get3A_4] : memref<2x2000x64xf32, #tpu.memory_space<vmem>>, vector<1x2000x64xf32>
    %get3A_6 = vector.shape_cast %get3A_5 : vector<1x2000x64xf32> to vector<2000x64xf32>
    %get3A_7 = arith.constant 1 : index
    %get3A_8 = arith.constant 0 : index
    %get3A_9 = arith.constant 0 : index
    %get3A_10 = vector.load %arg1[%get3A_7, %get3A_8, %get3A_9] : memref<2x2000x64xf32, #tpu.memory_space<vmem>>, vector<1x2000x64xf32>
    %get3A_11 = vector.shape_cast %get3A_10 : vector<1x2000x64xf32> to vector<2000x64xf32>
    %add3A = arith.addf %get3A_6, %get3A_11 : vector<2000x64xf32>
    %mul3A = vector.broadcast %get3A_1 : vector<2000x1xf32> to vector<2000x64xf32>
    %mul3A_12 = arith.mulf %mul3A, %add3A : vector<2000x64xf32>
    %get3A_13 = arith.constant 0 : index
    %get3A_14 = arith.constant 0 : index
    %get3A_15 = vector.load %arg3[%get3A_13, %get3A_14] : memref<1x64xf32, #tpu.memory_space<vmem>>, vector<1x64xf32>
    %add3A_16 = vector.broadcast %get3A_15 : vector<1x64xf32> to vector<2000x64xf32>
    %add3A_17 = arith.addf %mul3A_12, %add3A_16 : vector<2000x64xf32>
    %max3A = arith.constant 0.000000e+00 : f32
    %max3A_18 = vector.broadcast %max3A : f32 to vector<2000x64xf32>
    %max3A_19 = arith.maximumf %add3A_17, %max3A_18 : vector<2000x64xf32>
    %mul3A_20 = vector.broadcast %get3A_1 : vector<2000x1xf32> to vector<2000x64xf32>
    %mul3A_21 = arith.mulf %mul3A_20, %max3A_19 : vector<2000x64xf32>
    %swap3A = arith.constant 0 : index
    %swap3A_22 = arith.constant 0 : index
    %swap3A_23 = vector.load %arg4[%swap3A, %swap3A_22] : memref<2000x64xf32, #tpu.memory_space<vmem>>, vector<2000x64xf32>
    tpu.vector_store %arg4[%swap3A, %swap3A_22], %mul3A_21 {strides = array<i32>} : memref<2000x64xf32, #tpu.memory_space<vmem>>, vector<2000x64xf32>,
    return
  }
  func.func @transform_0(%arg0: i32) -> (i32, i32, i32) {
    %c0_i32 = arith.constant 0 : i32
    %c0_i32_0 = arith.constant 0 : i32
    %c0_i32_1 = arith.constant 0 : i32
    return %c0_i32, %arg0, %c0_i32_0 : i32, i32, i32
  }
  func.func @transform_1(%arg0: i32) -> (i32, i32) {
    %c0_i32 = arith.constant 0 : i32
    %c0_i32_0 = arith.constant 0 : i32
    return %arg0, %c0_i32 : i32, i32
  }
  func.func @transform_2(%arg0: i32) -> (i32, i32) {
    %c0_i32 = arith.constant 0 : i32
    %c0_i32_0 = arith.constant 0 : i32
    %c0_i32_1 = arith.constant 0 : i32
    return %c0_i32, %c0_i32_0 : i32, i32
  }
  func.func @transform_3(%arg0: i32) -> (i32, i32) {
    %c0_i32 = arith.constant 0 : i32
    %c0_i32_0 = arith.constant 0 : i32
    return %arg0, %c0_i32 : i32, i32
  }
}

module attributes {stable_mosaic.version = 14 : i64} {
  func.func @_tc4_body(%arg0: i32, %arg1: memref<2x2000x64xf32, #tpu.memory_space<vmem>>, %arg2: memref<2000x1xf32, #tpu.memory_space<vmem>>, %arg3: memref<64x128xf32, #tpu.memory_space<vmem>>, %arg4: memref<1x128xf32, #tpu.memory_space<vmem>>, %arg5: memref<2000x128xf32, #tpu.memory_space<vmem>>) attributes {dimension_semantics = [#tpu.dimension_semantics<arbitrary>], iteration_bounds = array<i64: 5>, scalar_prefetch = 0 : i64, scratch_operands = 0 : i64, tpu.core_type = #tpu.core_type<tc>, window_params = [{transform_indices = @transform_0, window_bounds = array<i64: 2, 2000, 64>}, {transform_indices = @transform_1, window_bounds = array<i64: 2000, 1>}, {pipeline_mode = #tpu.pipeline_mode<synchronous>, transform_indices = @transform_2, window_bounds = array<i64: 64, 128>}, {pipeline_mode = #tpu.pipeline_mode<synchronous>, transform_indices = @transform_3, window_bounds = array<i64: 1, 128>}, {transform_indices = @transform_4, window_bounds = array<i64: 2000, 128>}]} {
    %get3A = arith.constant 0 : index
    %get3A_0 = arith.constant 0 : index
    %get3A_1 = vector.load %arg2[%get3A, %get3A_0] : memref<2000x1xf32, #tpu.memory_space<vmem>>, vector<2000x1xf32>
    %get3A_2 = arith.constant 0 : index
    %get3A_3 = arith.constant 0 : index
    %get3A_4 = arith.constant 0 : index
    %get3A_5 = vector.load %arg1[%get3A_2, %get3A_3, %get3A_4] : memref<2x2000x64xf32, #tpu.memory_space<vmem>>, vector<1x2000x64xf32>
    %get3A_6 = vector.shape_cast %get3A_5 : vector<1x2000x64xf32> to vector<2000x64xf32>
    %get3A_7 = arith.constant 1 : index
    %get3A_8 = arith.constant 0 : index
    %get3A_9 = arith.constant 0 : index
    %get3A_10 = vector.load %arg1[%get3A_7, %get3A_8, %get3A_9] : memref<2x2000x64xf32, #tpu.memory_space<vmem>>, vector<1x2000x64xf32>
    %get3A_11 = vector.shape_cast %get3A_10 : vector<1x2000x64xf32> to vector<2000x64xf32>
    %add3A = arith.addf %get3A_6, %get3A_11 : vector<2000x64xf32>
    %mul3A = vector.broadcast %get3A_1 : vector<2000x1xf32> to vector<2000x64xf32>
    %mul3A_12 = arith.mulf %mul3A, %add3A : vector<2000x64xf32>
    %get3A_13 = arith.constant 0 : index
    %get3A_14 = arith.constant 0 : index
    %get3A_15 = vector.load %arg3[%get3A_13, %get3A_14] : memref<64x128xf32, #tpu.memory_space<vmem>>, vector<64x128xf32>
    %dot_general3A = arith.constant dense<0.000000e+00> : vector<2000x128xf32>
    %dot_general3A_16 = tpu.matmul %mul3A_12, %get3A_15, %dot_general3A {dimension_numbers = #tpu.dot_dimension_numbers<[1], [0], [0], [1], [0, 0, 1, 1], [], []>, transpose_lhs_hint = false} : vector<2000x64xf32>, vector<64x128xf32>, vector<2000x128xf32> -> vector<2000x128xf32>
    %get3A_17 = arith.constant 0 : index
    %get3A_18 = arith.constant 0 : index
    %get3A_19 = vector.load %arg4[%get3A_17, %get3A_18] : memref<1x128xf32, #tpu.memory_space<vmem>>, vector<1x128xf32>
    %add3A_20 = vector.broadcast %get3A_19 : vector<1x128xf32> to vector<2000x128xf32>
    %add3A_21 = arith.addf %dot_general3A_16, %add3A_20 : vector<2000x128xf32>
    %swap3A = arith.constant 0 : index
    %swap3A_22 = arith.constant 0 : index
    %swap3A_23 = vector.load %arg5[%swap3A, %swap3A_22] : memref<2000x128xf32, #tpu.memory_space<vmem>>, vector<2000x128xf32>
    tpu.vector_store %arg5[%swap3A, %swap3A_22], %add3A_21 {strides = array<i32>} : memref<2000x128xf32, #tpu.memory_space<vmem>>, vector<2000x128xf32>,
    return
  }
  func.func @transform_0(%arg0: i32) -> (i32, i32, i32) {
    %c0_i32 = arith.constant 0 : i32
    %c0_i32_0 = arith.constant 0 : i32
    %c0_i32_1 = arith.constant 0 : i32
    return %c0_i32, %arg0, %c0_i32_0 : i32, i32, i32
  }
  func.func @transform_1(%arg0: i32) -> (i32, i32) {
    %c0_i32 = arith.constant 0 : i32
    %c0_i32_0 = arith.constant 0 : i32
    return %arg0, %c0_i32 : i32, i32
  }
  func.func @transform_2(%arg0: i32) -> (i32, i32) {
    %c0_i32 = arith.constant 0 : i32
    %c0_i32_0 = arith.constant 0 : i32
    %c0_i32_1 = arith.constant 0 : i32
    return %c0_i32, %c0_i32_0 : i32, i32
  }
  func.func @transform_3(%arg0: i32) -> (i32, i32) {
    %c0_i32 = arith.constant 0 : i32
    %c0_i32_0 = arith.constant 0 : i32
    %c0_i32_1 = arith.constant 0 : i32
    return %c0_i32, %c0_i32_0 : i32, i32
  }
  func.func @transform_4(%arg0: i32) -> (i32, i32) {
    %c0_i32 = arith.constant 0 : i32
    %c0_i32_0 = arith.constant 0 : i32
    return %arg0, %c0_i32 : i32, i32
  }
}

</mosaic_0001>

<sc_bundles>
// kernel: kernel.10.cloned.1.call-start
scs
__scs_entry_jumppad:
0x0: {  	(pc) =	sbr.rel $0x88, $3  }
0x1: {  	(tag) =	ssettag $0x0;
	lr =	simm.s32 $0x1  }
0x2: {  	[smem:$0x3F99] =	sst lr;
	_ =	strace $0xD0000000  }
0x3: {  	_ = 	snop  }
0x4: {  	_ = 	snop  }
0x5: {  	_ = 	snop  }
0x6: {  	_ = 	snop  }
0x7: {  	_ = 	snop  }
__scs_overlays_trampoline_lowered:
0x8: {  	[smem:$0x3FA8] =	sst s0  }
0x9: {  	[smem:$0x3FA9] =	sst s1  }
0xa: {  	[smem:$0x3FAA] =	sst s2  }
0xb: {  	[smem:$0x3FAB] =	sst s3  }
0xc: {  	[smem:$0x3FAC] =	sst s4  }
0xd: {  	[smem:$0x3FAD] =	sst s5  }
0xe: {  	[smem:$0x3FAE] =	sst s6  }
0xf: {  	[smem:$0x3FAF] =	sst s7  }
0x10: {  	[smem:$0x3FB0] =	sst s8  }
0x11: {  	[smem:$0x3FB1] =	sst s9;
	s0 =	simm.s32 @!p0 $0x0  }
0x12: {  	s1 =	sld [smem:$0x3F97];
	s0 =	simm.s32 @p0 $0x1  }
0x13: {  	[smem:$0x3FB2] =	sst s0;
	s0 =	simm.s32 @!p1 $0x0  }
0x14: {  	s2 =	sld [smem:$0x3F96];
	s0 =	simm.s32 @p1 $0x1  }
0x15: {  	[smem:$0x3FB3] =	sst s0;
	s0 =	simm.s32 @!p2 $0x0  }
0x16: {  	s3 =	sld [smem:$0x3FDB];
	s0 =	simm.s32 @p2 $0x1  }
0x17: {  	s4 =	simm.s32 $0x1BF5;
	[smem:$0x3FB5] =	sst s0  }
0x18: {  	s0 =	sld [smem:$0x3F98];
	_ =	swait.ge [sflag:s4], $0x0  }
0x19: {  	s7 =	sld [smem:$0x3F99]  }
0x1a: {  	s8 =	sadd.s32 $0xFFFFE003, lr  }
0x1b: {  	s9 =	sadd.s32 $0xFFFFFEF7, lr;
	s5 =	simm.s32 $0xFFFFFFFF;
	p2 =	slt.u32 s8, $0xFFFFF086  }
0x1c: {  	p1 =	slt.u32 s9, $0xF7A;
	s5 =	simm.s32 @!p2 $0x0  }
0x1d: {  	s5 =	simm.s32 @p1 $0x1;
	p0 =	seq.s32 s7, s2  }
0x1e: {  	s7 =	smul.u32 @!p0 $0xF7A, s2;
	p2 =	seq.s32 @!p0 s5, $0x0  }
0x1f: {  	s9 =	smul.u32 $0xF7A, s1;
	s8 =	simm.s32 @!p0 $0x1BF5;
	p2 =	por !p2, p0  }
0x20: {  	[sflag:s8] =	ssyncset.s32 @!p0 $0xFFFFF086;
	s6 =	sadd.s32 @!p0 s3, s7;
	s7 =	simm.s32 @!p0 $0x108  }
0x21: {  	s3 =	sadd.s32 s3, s9;
	s6 =	sadd.s32 @!p0 $0x88, s6;
	s7 =	simm.s32 @p2 $0x1082  }
0x22: {  	[simem:s7], [sflag:s8] =	dma.local @!p0 [hbm:s6], $0xF7A  }
0x23: {  	s9 =	sor.u32 $0xD0000000, s2;
	s6 =	simm.s32 $0x108;
	_ =	swait.ge @!p0 [sflag:s8], $0x0  }
0x24: {  	s3 =	sadd.s32 $0x88, s3;
	s6 =	simm.s32 @!p1 $0x1082;
	[sflag:s4] =	ssyncset.s32 $0xFFFFF086  }
0x25: {  	[simem:s6], [sflag:s4] =	dma.local [hbm:s3], $0xF7A  }
0x26: {  	[smem:$0x3F99] =	sst s1;
	(tag) =	ssettag s2;
	_ =	strace s9  }
0x27: {  	s1 =	sld [smem:$0x3FA9]  }
0x28: {  	s2 =	sld [smem:$0x3FAA]  }
0x29: {  	s4 =	sld [smem:$0x3FAC]  }
0x2a: {  	p0 =	seq.s32 s5, $0x0;
	s5 =	sld [smem:$0x3FAD]  }
0x2b: {  	s6 =	sld [smem:$0x3FAE]  }
0x2c: {  	s7 =	sld [smem:$0x3FAF]  }
0x2d: {  	s3 =	simm.s32 $0x108;
	s8 =	sld [smem:$0x3FB0]  }
0x2e: {  	s3 =	simm.s32 @!p0 $0x1082;
	s9 =	sld [smem:$0x3FB1]  }
0x2f: {  	lr =	sadd.s32 s0, s3;
	s0 =	sld [smem:$0x3FA8]  }
0x30: {  	s3 =	sld [smem:$0x3FAB]  }
0x31: {  	[smem:$0x3FB4] =	sst s10  }
0x32: {  	s10 =	sld [smem:$0x3FB2];
	_ =	sdelay $0x3  }
0x33: {  	p0 =	seq.s32 s10, $0x1;
	s10 =	sld [smem:$0x3FB4];
	_ =	sdelay $0x3  }
0x34: {  	[smem:$0x3FB4] =	sst s10  }
0x35: {  	s10 =	sld [smem:$0x3FB3];
	_ =	sdelay $0x3  }
0x36: {  	p1 =	seq.s32 s10, $0x1;
	s10 =	sld [smem:$0x3FB4];
	_ =	sdelay $0x3  }
0x37: {  	[smem:$0x3FB4] =	sst s10  }
0x38: {  	s10 =	sld [smem:$0x3FB5]  }
0x39: {  	_ = 	snop;
	(pc) =	sbr.ind lr, $3  }
0x3a: {  	_ = 	snop  }
0x3b: {  	_ = 	snop  }
0x3c: {  	p2 =	seq.s32 s10, $0x1;
	s10 =	sld [smem:$0x3FB4]  }
0x3d: {  	_ =	shalt  }
0x3e: {  	_ =	shalt  }
0x3f: {  	_ =	shalt  }
0x40: {  	_ =	shalt  }
0x41: {  	_ =	shalt  }
0x42: {  	_ =	shalt  }
0x43: {  	_ =	shalt  }
0x44: {  	_ =	shalt  }
0x45: {  	_ =	shalt  }
0x46: {  	_ =	shalt  }
0x47: {  	_ =	shalt  }
0x48: {  	_ =	shalt  }
0x49: {  	_ =	shalt  }
0x4a: {  	_ =	shalt  }
0x4b: {  	_ =	shalt  }
0x4c: {  	_ =	shalt  }
0x4d: {  	_ =	shalt  }
0x4e: {  	_ =	shalt  }
0x4f: {  	_ =	shalt  }
0x50: {  	_ =	shalt  }
0x51: {  	_ =	shalt  }
0x52: {  	_ =	shalt  }
0x53: {  	_ =	shalt  }
0x54: {  	_ =	shalt  }
0x55: {  	_ =	shalt  }
0x56: {  	_ =	shalt  }
0x57: {  	_ =	shalt  }
0x58: {  	_ =	shalt  }
0x59: {  	_ =	shalt  }
0x5a: {  	_ =	shalt  }
0x5b: {  	_ =	shalt  }
0x5c: {  	_ =	shalt  }
0x5d: {  	_ =	shalt  }
0x5e: {  	_ =	shalt  }
0x5f: {  	_ =	shalt  }
0x60: {  	_ =	shalt  }
0x61: {  	_ =	shalt  }
0x62: {  	_ =	shalt  }
0x63: {  	_ =	shalt  }
0x64: {  	_ =	shalt  }
0x65: {  	_ =	shalt  }
0x66: {  	_ =	shalt  }
0x67: {  	_ =	shalt  }
0x68: {  	_ =	shalt  }
0x69: {  	_ =	shalt  }
0x6a: {  	_ =	shalt  }
0x6b: {  	_ =	shalt  }
0x6c: {  	_ =	shalt  }
0x6d: {  	_ =	shalt  }
0x6e: {  	_ =	shalt  }
0x6f: {  	_ =	shalt  }
0x70: {  	_ =	shalt  }
0x71: {  	_ =	shalt  }
0x72: {  	_ =	shalt  }
0x73: {  	_ =	shalt  }
0x74: {  	_ =	shalt  }
0x75: {  	_ =	shalt  }
0x76: {  	_ =	shalt  }
0x77: {  	_ =	shalt  }
0x78: {  	_ =	shalt  }
0x79: {  	_ =	shalt  }
0x7a: {  	_ =	shalt  }
0x7b: {  	_ =	shalt  }
0x7c: {  	_ =	shalt  }
0x7d: {  	_ =	shalt  }
0x7e: {  	_ =	shalt  }
0x7f: {  	_ =	shalt  }
0x80: {  	_ =	shalt  }
0x81: {  	_ =	shalt  }
0x82: {  	_ =	shalt  }
0x83: {  	_ =	shalt  }
0x84: {  	_ =	shalt  }
0x85: {  	_ =	shalt  }
0x86: {  	_ =	shalt  }
0x87: {  	_ =	shalt  }
.Lfunc_end0:
.L_simem_size_0:
called_computation_lowered:
.L_overlay_start_0:
0x88: {  	s2 =	sld [smem:$0x3FD9]  }
0x89: {  	s3 =	sld [smem:$0x3FFE];
	_ =	sdelay $0x1  }
0x8a: {  	s1 =	srdreg.scid  }
0x8b: {  	s0 =	sand.u32 $0x1, s1  }
0x8c: {  	s17 =	sshll.u32 s0, $0xA;
	s2 =	sadd.s32 s3, s2  }
0x8d: {  	s2 =	sadd.s32 s2, s17  }
0x8e: {  	[smem:$0x3FC0] =	sst s2  }
0x8f: {  	_ = 	snop  }
0x90: {  	s2 =	sld [smem:$0x3FD0];
	(tm) =	ssettm $0x1  }
0x91: {  	s18 =	sld [smem:$0x3FFB];
	_ =	sdelay $0x3  }
0x92: {  	_ =	strace s18  }
0x93: {  	s3 =	sld [smem:$0x3FFC];
	_ =	sdelay $0x3  }
0x94: {  	_ =	strace s3  }
0x95: {  	s3 =	sld [smem:$0x3FFD];
	_ =	sdelay $0x3  }
0x96: {  	_ =	strace s3  }
0x97: {  	_ =	strace $0x8FFFFFFF  }
0x98: {  	s19 =	sld [smem:$0x3FDB];
	_ =	sdelay $0x1  }
0x99: {  	s4 =	simm.s32 $_scs_section_size  }
0x9a: {  	s5 =	simm.s32 $_size__tile_overlayer_lowered;
	s6 =	simm.s32 $_tile_overlayer_lowered  }
0x9b: {  	s22 =	simm.s32 $0x1BFF;
	s21 =	sshll.u32 s6, $0x1;
	s3 =	sadd.s32 s4, s19  }
0x9c: {  	s7 =	simm.s32 $0x0;
	s20 =	sshll.u32 s5, $0x1;
	s5 =	sadd.s32 s21, s3  }
0x9d: {  	[timem:s7], [sflag:s22] =	dma.local [hbm:s5], s20  }
0x9e: {  	_ =	swait.ge [sflag:s22], s20  }
0x9f: {  	s4 =	ssub.s32 $0x0, s20;
	[sflag:s22] =	ssyncset.done $0x0  }
0xa0: {  	[sflag:s22] =	ssyncadd.s32 s4;
	_ =	sdelay $0x1  }
0xa1: {  	s23 =	simm.s32 $0x1B8B  }
0xa2: {  	_ =	swait.ge [sflag:s23], $0x1  }
0xa3: {  	[sflag:s23] =	ssyncset.done $0x0  }
0xa4: {  	s25 =	simm.s32 $0x1B8E;
	s24 =	sld [smem:$0x3FFE];
	[sflag:s23] =	ssyncadd.s32 $0xFFFFFFFF  }
0xa5: {  	s26 =	simm.s32 $execute0_lowered;
	[smem:$0x3FD2] =	sst s25  }
0xa6: {  	s5 =	sshll.u32 s26, $0x1;
	_ =	strace $0x80000046;
	[dreg:$0x1] =	wrdreg $0xFFFFFFFF  }
0xa7: {  	s28 =	simm.s32 $_size_execute0_lowered;
	s3 =	sadd.s32 s3, s5;
	[dreg:$0x0] =	wrdreg $0x0  }
0xa8: {  	s5 =	sshll.u32 s28, $0x1;
	[dreg:$0x2] =	wrdreg s3  }
0xa9: {  	[dreg:$0x3] =	wrdreg s5  }
0xaa: {  	[dreg:$0x4] =	wrdreg $0xC0  }
0xab: {  	_ =	task [dreg:s7], $0x5FFFF  }
0xac: {  	[dreg:$0x1] =	wrdreg $0xFFFFFFFF  }
0xad: {  	[dreg:$0x0] =	wrdreg $0x60  }
0xae: {  	[dreg:$0x2] =	wrdreg s24  }
0xaf: {  	[dreg:$0x3] =	wrdreg s2  }
0xb0: {  	[dreg:$0x4] =	wrdreg $0x29900  }
0xb1: {  	[dreg:$0x5] =	wrdreg $0x9  }
0xb2: {  	_ =	task.clear_ibuf [dreg:s7], $0x6FFFF;
	_ =	strace $0x90000046  }
0xb3: {  	s29 =	simm.s32 $0x9;
	_ =	strace $0x80000048  }
0xb4: {  	_ =	swait.ge [sflag:s29], $0x1  }
0xb5: {  	[sflag:s29] =	ssyncadd.s32 $0xFFFFFFFF  }
0xb6: {  	_ =	strace $0x90000048  }
0xb7: {  	_ =	sfence  }
0xb8: {  	s30 =	sld [smem:$0x0];
	_ =	sdelay $0x2  }
0xb9: {  	s31 =	sshll.u32 s1, $0xD;
	s1 =	sshrl.u32 s1, $0x2  }
0xba: {  	s3 =	sand.u32 $0x4000, s31;
	s1 =	sadd.s32 s1, s30  }
0xbb: {  	s0 =	sor.u32 s3, s0;
	s1 =	sshll.u32 s1, $0x11  }
0xbc: {  	s0 =	sor.u32 s1, s0  }
0xbd: {  	s0 =	sadd.s32 $0x8F2B, s0  }
0xbe: {  	[sflag:s0] =	ssyncadd.remote.s32 $0x1  }
0xbf: {  	_ =	sfence.sel $0xFFFF  }
0xc0: {  	[dreg:$0x0] =	wrdreg $0xFFFFFFFF;
	(pc) =	sbr.abs _section_cstart, $3  }
0xc1: {  	[dreg:$0x1] =	wrdreg $0xFFFFFFFF  }
0xc2: {  	_ =	task.clear_ibuf [dreg:s7], $0x2FFFF;
	_ =	strace $0x9FFFFFFF  }
0xc3: {  	(tm) =	ssettm $0x7FFFFFFF  }
tec
execute0_lowered:
.L_overlay_start_1:
0x0: {  	(tag) =	ssettag $0x1  }
0x1: {  	s5 =	rddreg [dreg:$0x0]  }
0x2: {  	s1 =	srdreg.scid;
	s7 =	rddreg [dreg:$0x1]  }
0x3: {  	s0 =	stileid.u32;
	s2 =	rddreg [dreg:$0x2]  }
0x4: {  	s3 =	simm.s32 $0x0;
	s13 =	simm.s32 $0x50;
	s14 =	simm.s32 $0x1  }
0x5: {  	s15 =	simm.s32 $0x0;
	s6 =	sand.u32 $0x1, s1;
	s30 =	sshll.u32 s0, $0x1  }
0x6: {  	s9 =	smul.u32 $0x1400, s0;
	[smem:$0x7FF] =	sst s3;
	s4 =	sadd.s32 $0x16200, s5  }
0x7: {  	s31 =	sshll.u32 s0, $0x6;
	s1 =	sor.u32 s6, s30;
	s10 =	smul.u32 $0x14000, s6  }
0x8: {  	s6 =	ssub.s32 $0x2, s6;
	s8 =	smul.u32 $0x4E2, s1;
	s1 =	rddreg [dreg:$0x3]  }
0x9: {  	_ =	strace $0x80000047;
	s11 =	sshrl.u32 s6, $0x1;
	s12 =	sadd.s32 s9, s2  }
0xa: {  	s10 =	sadd.s32 s9, s10;
	s11 =	ssub.s32 s6, s11;
	s9 =	simm.s32 $0x2  }
0xb: {  	s12 =	sshrl.u32 s12, $0x3;
	s8 =	sadd.s32 s8, s5;
	s10 =	sshrl.u32 s10, $0x3  }
0xc: {  	s5 =	sadd.s32 $0x15E00, s5;
	s6 =	sadd.s32 $0xC000, s8;
	s7 =	sadd.s32 s7, s10  }
0xd: {  	s8 =	smax.u32 s11, $0x1;
	s10 =	simm.s32 $0x2710;
	s11 =	sor.u32 $0x1C02, s31  }
.LBB2_1:
0xe: {  	[tilespmem:s3], [sflag:$0x2] =	stream.linear.gather [hbm4b:s6+s3], $0x2710, $0x38;
	[tilespmem:$0x3D90] =	vst v63  }
0xf: {  	_ =	swait.ge [sflag:s9], $0x2710  }
0x10: {  	[sflag:s9] =	ssyncset.done $0x0  }
0x11: {  	[sflag:s9] =	ssyncadd.s32 $0xFFFFD8F0  }
0x12: {  	[tilespmem:s10], [sflag:$0x2] =	stream.linear.gather [hbm4b:s4+s3], $0x280, $0x38;
	[tilespmem:$0x3D90] =	vst v63  }
0x13: {  	_ =	swait.ge [sflag:s9], $0x280  }
0x14: {  	[sflag:s9] =	ssyncset.done $0x0  }
0x15: {  	[sflag:s9] =	ssyncadd.s32 $0xFFFFFD80  }
0x16: {  	[spmem:s12], [sflag:s11] =	dma.local [hbm:s5], $0x280  }
0x17: {  	_ =	swait.ge [sflag:s9], $0x280  }
0x18: {  	[sflag:s9] =	ssyncset.done $0x0  }
0x19: {  	[sflag:s9] =	ssyncadd.s32 $0xFFFFFD80  }
0x1a: {  	[bflag:$0x0] =	sbarrier.arrive $0xFFFF  }
0x1b: {  	[spmem:s2] =	stream.indirect.scatter.add.f32 [tilespmem:s10], [sflag:$0x1], $0x8, s3, s13, $0xb8;
	[tilespmem:$0x3D90] =	vst v63  }
0x1c: {  	s16 =	simm.s32 $0x50  }
0x1d: {  	[spmem:s2] =	stream.indirect.scatter.add.f32 [tilespmem:s10], [sflag:$0x1], $0x8, s16, s13, $0xb8;
	[tilespmem:$0x3D90] =	vst v63  }
0x1e: {  	_ =	swait.ge [sflag:s14], $0x280  }
0x1f: {  	s16 =	simm.s32 $0x280;
	[sflag:s14] =	ssyncset.done $0x0  }
.LBB2_2:
0x20: {  	s17 =	sshra.s32 s16, $0x2;
	[sflag:s14] =	ssyncadd.s32 $0xFFFFFD80;
	p0 =	sne.s32 s16, $0x9B00  }
0x21: {  	[spmem:s2] =	stream.indirect.scatter.add.f32 [tilespmem:s10], [sflag:$0x1], $0x8, s17, s13, $0xb8;
	[tilespmem:$0x3D90] =	vst v63  }
.Ltmp0:
0x22: {  	_ = 	snop;
	(pc) =	sbr.rel @p0 .LBB2_2-.Ltmp0, $4  }
0x23: {  	_ = 	snop  }
0x24: {  	s16 =	sadd.s32 $0x140, s16  }
0x25: {  	_ =	swait.ge [sflag:s14], $0x280  }
0x26: {  	[sflag:s14] =	ssyncset.done $0x0  }
0x27: {  	[sflag:s14] =	ssyncadd.s32 $0xFFFFFD80  }
0x28: {  	_ =	swait.ge [sflag:s14], $0x280  }
0x29: {  	s15 =	sadd.s32 $0x1, s15;
	[sflag:s14] =	ssyncset.done $0x0  }
0x2a: {  	p0 =	sne.s32 s15, s8;
	[sflag:s14] =	ssyncadd.s32 $0xFFFFFD80  }
.Ltmp1:
0x2b: {  	[bflag:$0x0] =	sbarrier.arrive $0xFFFF;
	(pc) =	sbr.rel @p0 .LBB2_1-.Ltmp1, $4  }
0x2c: {  	[hbm:s7], [sflag:s11] =	dma.local [spmem:s12], $0x280  }
0x2d: {  	_ =	swait.ge [sflag:s9], $0x280  }
0x2e: {  	[sflag:s9] =	ssyncset.done $0x0  }
0x2f: {  	[sflag:s9] =	ssyncadd.s32 $0xFFFFFD80  }
0x30: {  	_ =	sfence.sel $0x180000  }
0x31: {  	[bflag:$0x0] =	sbarrier.arrive $0xFFFF  }
0x32: {  	p0 =	sne.s32 s0, $0x0;
	_ =	strace $0x90000047  }
0x33: {  	s0 =	sadd.s32 @!p0 $0x100000, s1;
	[bflag:$0x2] =	sbarrier.arrive $0xFFFF  }
0x34: {  	[sflag:s0] =	ssyncadd.tile.s32 @!p0 $0x1;
	_ =	shalt  }
.Lfunc_end2:
_tile_overlayer_lowered:
.L_overlay_start_2:
0x35: {  	(tag) =	ssettag $0x2  }
0x36: {  	s0 =	rddreg [dreg:$0x0];
	s2 =	stileid.u32  }
0x37: {  	s1 =	rddreg [dreg:$0x1];
	p0 =	sne.s32 s2, $0x0  }
0x38: {  	s3 =	rddreg [dreg:$0x2];
	[bflag:$0x3] =	sbarrier.arrive $0xFFFF;
	s2 =	simm.s32 @!p0 $0x1C02  }
0x39: {  	[timem:s3], [sflag:s2] =	dma.local @!p0 [hbm:s0], s1  }
0x3a: {  	s0 =	simm.s32 @!p0 $0x2  }
0x3b: {  	_ =	swait.ge @!p0 [sflag:s0], s1  }
0x3c: {  	s1 =	ssub.s32 @!p0 $0x0, s1;
	[sflag:s0] =	ssyncset.done @!p0 $0x0  }
0x3d: {  	[sflag:s0] =	ssyncadd.s32 @!p0 s1  }
0x3e: {  	[bflag:$0x3] =	sbarrier.arrive $0xFFFF  }
0x3f: {  	_ =	shalt  }

// kernel: kernel.13.cloned.1.call-start
scs
__scs_entry_jumppad:
0x0: {  	(pc) =	sbr.rel $0x88, $3  }
0x1: {  	(tag) =	ssettag $0x0;
	lr =	simm.s32 $0x1  }
0x2: {  	[smem:$0x3F99] =	sst lr;
	_ =	strace $0xD0000000  }
0x3: {  	_ = 	snop  }
0x4: {  	_ = 	snop  }
0x5: {  	_ = 	snop  }
0x6: {  	_ = 	snop  }
0x7: {  	_ = 	snop  }
__scs_overlays_trampoline_lowered:
0x8: {  	[smem:$0x3FA8] =	sst s0  }
0x9: {  	[smem:$0x3FA9] =	sst s1  }
0xa: {  	[smem:$0x3FAA] =	sst s2  }
0xb: {  	[smem:$0x3FAB] =	sst s3  }
0xc: {  	[smem:$0x3FAC] =	sst s4  }
0xd: {  	[smem:$0x3FAD] =	sst s5  }
0xe: {  	[smem:$0x3FAE] =	sst s6  }
0xf: {  	[smem:$0x3FAF] =	sst s7  }
0x10: {  	[smem:$0x3FB0] =	sst s8  }
0x11: {  	[smem:$0x3FB1] =	sst s9;
	s0 =	simm.s32 @!p0 $0x0  }
0x12: {  	s1 =	sld [smem:$0x3F97];
	s0 =	simm.s32 @p0 $0x1  }
0x13: {  	[smem:$0x3FB2] =	sst s0;
	s0 =	simm.s32 @!p1 $0x0  }
0x14: {  	s2 =	sld [smem:$0x3F96];
	s0 =	simm.s32 @p1 $0x1  }
0x15: {  	[smem:$0x3FB3] =	sst s0;
	s0 =	simm.s32 @!p2 $0x0  }
0x16: {  	s3 =	sld [smem:$0x3FDB];
	s0 =	simm.s32 @p2 $0x1  }
0x17: {  	s4 =	simm.s32 $0x1BF5;
	[smem:$0x3FB5] =	sst s0  }
0x18: {  	s0 =	sld [smem:$0x3F98];
	_ =	swait.ge [sflag:s4], $0x0  }
0x19: {  	s7 =	sld [smem:$0x3F99]  }
0x1a: {  	s8 =	sadd.s32 $0xFFFFE003, lr  }
0x1b: {  	s9 =	sadd.s32 $0xFFFFFEF7, lr;
	s5 =	simm.s32 $0xFFFFFFFF;
	p2 =	slt.u32 s8, $0xFFFFF086  }
0x1c: {  	p1 =	slt.u32 s9, $0xF7A;
	s5 =	simm.s32 @!p2 $0x0  }
0x1d: {  	s5 =	simm.s32 @p1 $0x1;
	p0 =	seq.s32 s7, s2  }
0x1e: {  	s7 =	smul.u32 @!p0 $0xF7A, s2;
	p2 =	seq.s32 @!p0 s5, $0x0  }
0x1f: {  	s9 =	smul.u32 $0xF7A, s1;
	s8 =	simm.s32 @!p0 $0x1BF5;
	p2 =	por !p2, p0  }
0x20: {  	[sflag:s8] =	ssyncset.s32 @!p0 $0xFFFFF086;
	s6 =	sadd.s32 @!p0 s3, s7;
	s7 =	simm.s32 @!p0 $0x108  }
0x21: {  	s3 =	sadd.s32 s3, s9;
	s6 =	sadd.s32 @!p0 $0x88, s6;
	s7 =	simm.s32 @p2 $0x1082  }
0x22: {  	[simem:s7], [sflag:s8] =	dma.local @!p0 [hbm:s6], $0xF7A  }
0x23: {  	s9 =	sor.u32 $0xD0000000, s2;
	s6 =	simm.s32 $0x108;
	_ =	swait.ge @!p0 [sflag:s8], $0x0  }
0x24: {  	s3 =	sadd.s32 $0x88, s3;
	s6 =	simm.s32 @!p1 $0x1082;
	[sflag:s4] =	ssyncset.s32 $0xFFFFF086  }
0x25: {  	[simem:s6], [sflag:s4] =	dma.local [hbm:s3], $0xF7A  }
0x26: {  	[smem:$0x3F99] =	sst s1;
	(tag) =	ssettag s2;
	_ =	strace s9  }
0x27: {  	s1 =	sld [smem:$0x3FA9]  }
0x28: {  	s2 =	sld [smem:$0x3FAA]  }
0x29: {  	s4 =	sld [smem:$0x3FAC]  }
0x2a: {  	p0 =	seq.s32 s5, $0x0;
	s5 =	sld [smem:$0x3FAD]  }
0x2b: {  	s6 =	sld [smem:$0x3FAE]  }
0x2c: {  	s7 =	sld [smem:$0x3FAF]  }
0x2d: {  	s3 =	simm.s32 $0x108;
	s8 =	sld [smem:$0x3FB0]  }
0x2e: {  	s3 =	simm.s32 @!p0 $0x1082;
	s9 =	sld [smem:$0x3FB1]  }
0x2f: {  	lr =	sadd.s32 s0, s3;
	s0 =	sld [smem:$0x3FA8]  }
0x30: {  	s3 =	sld [smem:$0x3FAB]  }
0x31: {  	[smem:$0x3FB4] =	sst s10  }
0x32: {  	s10 =	sld [smem:$0x3FB2];
	_ =	sdelay $0x3  }
0x33: {  	p0 =	seq.s32 s10, $0x1;
	s10 =	sld [smem:$0x3FB4];
	_ =	sdelay $0x3  }
0x34: {  	[smem:$0x3FB4] =	sst s10  }
0x35: {  	s10 =	sld [smem:$0x3FB3];
	_ =	sdelay $0x3  }
0x36: {  	p1 =	seq.s32 s10, $0x1;
	s10 =	sld [smem:$0x3FB4];
	_ =	sdelay $0x3  }
0x37: {  	[smem:$0x3FB4] =	sst s10  }
0x38: {  	s10 =	sld [smem:$0x3FB5]  }
0x39: {  	_ = 	snop;
	(pc) =	sbr.ind lr, $3  }
0x3a: {  	_ = 	snop  }
0x3b: {  	_ = 	snop  }
0x3c: {  	p2 =	seq.s32 s10, $0x1;
	s10 =	sld [smem:$0x3FB4]  }
0x3d: {  	_ =	shalt  }
0x3e: {  	_ =	shalt  }
0x3f: {  	_ =	shalt  }
0x40: {  	_ =	shalt  }
0x41: {  	_ =	shalt  }
0x42: {  	_ =	shalt  }
0x43: {  	_ =	shalt  }
0x44: {  	_ =	shalt  }
0x45: {  	_ =	shalt  }
0x46: {  	_ =	shalt  }
0x47: {  	_ =	shalt  }
0x48: {  	_ =	shalt  }
0x49: {  	_ =	shalt  }
0x4a: {  	_ =	shalt  }
0x4b: {  	_ =	shalt  }
0x4c: {  	_ =	shalt  }
0x4d: {  	_ =	shalt  }
0x4e: {  	_ =	shalt  }
0x4f: {  	_ =	shalt  }
0x50: {  	_ =	shalt  }
0x51: {  	_ =	shalt  }
0x52: {  	_ =	shalt  }
0x53: {  	_ =	shalt  }
0x54: {  	_ =	shalt  }
0x55: {  	_ =	shalt  }
0x56: {  	_ =	shalt  }
0x57: {  	_ =	shalt  }
0x58: {  	_ =	shalt  }
0x59: {  	_ =	shalt  }
0x5a: {  	_ =	shalt  }
0x5b: {  	_ =	shalt  }
0x5c: {  	_ =	shalt  }
0x5d: {  	_ =	shalt  }
0x5e: {  	_ =	shalt  }
0x5f: {  	_ =	shalt  }
0x60: {  	_ =	shalt  }
0x61: {  	_ =	shalt  }
0x62: {  	_ =	shalt  }
0x63: {  	_ =	shalt  }
0x64: {  	_ =	shalt  }
0x65: {  	_ =	shalt  }
0x66: {  	_ =	shalt  }
0x67: {  	_ =	shalt  }
0x68: {  	_ =	shalt  }
0x69: {  	_ =	shalt  }
0x6a: {  	_ =	shalt  }
0x6b: {  	_ =	shalt  }
0x6c: {  	_ =	shalt  }
0x6d: {  	_ =	shalt  }
0x6e: {  	_ =	shalt  }
0x6f: {  	_ =	shalt  }
0x70: {  	_ =	shalt  }
0x71: {  	_ =	shalt  }
0x72: {  	_ =	shalt  }
0x73: {  	_ =	shalt  }
0x74: {  	_ =	shalt  }
0x75: {  	_ =	shalt  }
0x76: {  	_ =	shalt  }
0x77: {  	_ =	shalt  }
0x78: {  	_ =	shalt  }
0x79: {  	_ =	shalt  }
0x7a: {  	_ =	shalt  }
0x7b: {  	_ =	shalt  }
0x7c: {  	_ =	shalt  }
0x7d: {  	_ =	shalt  }
0x7e: {  	_ =	shalt  }
0x7f: {  	_ =	shalt  }
0x80: {  	_ =	shalt  }
0x81: {  	_ =	shalt  }
0x82: {  	_ =	shalt  }
0x83: {  	_ =	shalt  }
0x84: {  	_ =	shalt  }
0x85: {  	_ =	shalt  }
0x86: {  	_ =	shalt  }
0x87: {  	_ =	shalt  }
.Lfunc_end0:
.L_simem_size_0:
called_computation.1_lowered:
.L_overlay_start_0:
0x88: {  	s2 =	sld [smem:$0x3FD9]  }
0x89: {  	s3 =	sld [smem:$0x3FFE];
	_ =	sdelay $0x1  }
0x8a: {  	s1 =	srdreg.scid  }
0x8b: {  	s0 =	sand.u32 $0x1, s1  }
0x8c: {  	s17 =	sshll.u32 s0, $0xA;
	s2 =	sadd.s32 s3, s2  }
0x8d: {  	s2 =	sadd.s32 s2, s17  }
0x8e: {  	[smem:$0x3FC0] =	sst s2  }
0x8f: {  	_ = 	snop  }
0x90: {  	s2 =	sld [smem:$0x3FD0];
	(tm) =	ssettm $0x1  }
0x91: {  	s18 =	sld [smem:$0x3FFB];
	_ =	sdelay $0x3  }
0x92: {  	_ =	strace s18  }
0x93: {  	s3 =	sld [smem:$0x3FFC];
	_ =	sdelay $0x3  }
0x94: {  	_ =	strace s3  }
0x95: {  	s3 =	sld [smem:$0x3FFD];
	_ =	sdelay $0x3  }
0x96: {  	_ =	strace s3  }
0x97: {  	_ =	strace $0x8FFFFFFF  }
0x98: {  	s19 =	sld [smem:$0x3FDB];
	_ =	sdelay $0x1  }
0x99: {  	s4 =	simm.s32 $_scs_section_size  }
0x9a: {  	s5 =	simm.s32 $_size__tile_overlayer_lowered;
	s6 =	simm.s32 $_tile_overlayer_lowered  }
0x9b: {  	s22 =	simm.s32 $0x1BFF;
	s21 =	sshll.u32 s6, $0x1;
	s3 =	sadd.s32 s4, s19  }
0x9c: {  	s7 =	simm.s32 $0x0;
	s20 =	sshll.u32 s5, $0x1;
	s5 =	sadd.s32 s21, s3  }
0x9d: {  	[timem:s7], [sflag:s22] =	dma.local [hbm:s5], s20  }
0x9e: {  	_ =	swait.ge [sflag:s22], s20  }
0x9f: {  	s4 =	ssub.s32 $0x0, s20;
	[sflag:s22] =	ssyncset.done $0x0  }
0xa0: {  	[sflag:s22] =	ssyncadd.s32 s4;
	_ =	sdelay $0x1  }
0xa1: {  	s23 =	simm.s32 $0x1B8B  }
0xa2: {  	_ =	swait.ge [sflag:s23], $0x1  }
0xa3: {  	[sflag:s23] =	ssyncset.done $0x0  }
0xa4: {  	s25 =	simm.s32 $0x1B8E;
	s24 =	sld [smem:$0x3FFE];
	[sflag:s23] =	ssyncadd.s32 $0xFFFFFFFF  }
0xa5: {  	s26 =	simm.s32 $execute0_lowered;
	[smem:$0x3FD2] =	sst s25  }
0xa6: {  	s5 =	sshll.u32 s26, $0x1;
	_ =	strace $0x80000049;
	[dreg:$0x1] =	wrdreg $0xFFFFFFFF  }
0xa7: {  	s28 =	simm.s32 $_size_execute0_lowered;
	s3 =	sadd.s32 s3, s5;
	[dreg:$0x0] =	wrdreg $0x0  }
0xa8: {  	s5 =	sshll.u32 s28, $0x1;
	[dreg:$0x2] =	wrdreg s3  }
0xa9: {  	[dreg:$0x3] =	wrdreg s5  }
0xaa: {  	[dreg:$0x4] =	wrdreg $0xC0  }
0xab: {  	_ =	task [dreg:s7], $0x5FFFF  }
0xac: {  	[dreg:$0x1] =	wrdreg $0xFFFFFFFF  }
0xad: {  	[dreg:$0x0] =	wrdreg $0x60  }
0xae: {  	[dreg:$0x2] =	wrdreg s2  }
0xaf: {  	[dreg:$0x3] =	wrdreg s24  }
0xb0: {  	[dreg:$0x4] =	wrdreg $0xB2200  }
0xb1: {  	[dreg:$0x5] =	wrdreg $0x9  }
0xb2: {  	_ =	task.clear_ibuf [dreg:s7], $0x6FFFF;
	_ =	strace $0x90000049  }
0xb3: {  	s29 =	simm.s32 $0x9;
	_ =	strace $0x8000004B  }
0xb4: {  	_ =	swait.ge [sflag:s29], $0x1  }
0xb5: {  	[sflag:s29] =	ssyncadd.s32 $0xFFFFFFFF  }
0xb6: {  	_ =	strace $0x9000004B  }
0xb7: {  	_ =	sfence  }
0xb8: {  	s30 =	sld [smem:$0x0];
	_ =	sdelay $0x2  }
0xb9: {  	s31 =	sshll.u32 s1, $0xD;
	s1 =	sshrl.u32 s1, $0x2  }
0xba: {  	s3 =	sand.u32 $0x4000, s31;
	s1 =	sadd.s32 s1, s30  }
0xbb: {  	s0 =	sor.u32 s3, s0;
	s1 =	sshll.u32 s1, $0x11  }
0xbc: {  	s0 =	sor.u32 s1, s0  }
0xbd: {  	s0 =	sadd.s32 $0x8F2B, s0  }
0xbe: {  	[sflag:s0] =	ssyncadd.remote.s32 $0x1  }
0xbf: {  	_ =	sfence.sel $0xFFFF  }
0xc0: {  	[dreg:$0x0] =	wrdreg $0xFFFFFFFF;
	(pc) =	sbr.abs _section_cstart, $3  }
0xc1: {  	[dreg:$0x1] =	wrdreg $0xFFFFFFFF  }
0xc2: {  	_ =	task.clear_ibuf [dreg:s7], $0x2FFFF;
	_ =	strace $0x9FFFFFFF  }
0xc3: {  	(tm) =	ssettm $0x7FFFFFFF  }
tec
execute0_lowered:
.L_overlay_start_1:
0x0: {  	(tag) =	ssettag $0x1  }
0x1: {  	s1 =	rddreg [dreg:$0x0]  }
0x2: {  	s0 =	rddreg [dreg:$0x1]  }
0x3: {  	s3 =	rddreg [dreg:$0x2]  }
0x4: {  	s2 =	srdreg.scid;
	s11 =	stileid.u32;
	s4 =	simm.s32 $0x0  }
0x5: {  	s13 =	simm.s32 $0xB;
	s28 =	simm.s32 $0x8A20;
	s30 =	simm.s32 $0x9E20  }
0x6: {  	s31 =	simm.s32 $0x1;
	s29 =	simm.s32 $0x3;
	s14 =	simm.s32 $0x0  }
0x7: {  	s16 =	simm.s32 $0x2710;
	s2 =	sand.u32 $0x1, s2;
	s6 =	smul.u32 $0x14000, s11  }
0x8: {  	s5 =	sshll.u32 s11, $0x1;
	[smem:$0x7FF] =	sst s4;
	s22 =	smul.u32 $0x50000, s11  }
0x9: {  	s25 =	sadd.s32 $0x25800, s1;
	s5 =	sor.u32 s2, s5;
	s7 =	smul.u32 $0x140000, s2  }
0xa: {  	_ =	strace $0x8000004A;
	s8 =	ssub.s32 $0x2, s2;
	p0 =	seq.s32 s2, $0x1  }
0xb: {  	[dreg:$0x7] =	wrdreg s25;
	s25 =	simm.s32 $0x7620;
	s5 =	smul.u32 $0x4E2, s5  }
0xc: {  	s10 =	sshrl.u32 s8, $0x1;
	s23 =	sshrl.u32 s6, $0x3;
	s24 =	sshrl.u32 s22, $0x2  }
0xd: {  	p2 =	seq.s32 @!p0 s11, $0xF;
	s22 =	simm.s32 $0x4E20;
	s7 =	sadd.s32 s6, s7  }
0xe: {  	s19 =	ssub.s32 s8, s10;
	s8 =	sadd.s32 s6, s3;
	s2 =	sadd.s32 s1, s23  }
0xf: {  	s6 =	sadd.s32 s24, s3;
	p1 =	por !p2, p0;
	p2 =	por p2, p0  }
0x10: {  	s23 =	simm.s32 $0x6220;
	s24 =	simm.s32 $0x7;
	s10 =	simm.s32 $0xA  }
0x11: {  	s9 =	sadd.s32 s5, s0;
	s7 =	sshrl.u32 s7, $0x3;
	s5 =	sadd.s32 $0x15E00, s0  }
0x12: {  	[dreg:$0x6] =	wrdreg s2;
	s2 =	sadd.s32 $0x12C000, s3;
	s26 =	smax.u32 s19, $0x1  }
0x13: {  	s15 =	smov.u32 s8;
	s0 =	sadd.s32 s7, s0;
	s20 =	sadd.s32 $0x2200, s9  }
0x14: {  	s21 =	sadd.s32 $0xC000, s9;
	s9 =	sadd.s32 $0x138800, s3;
	[dreg:$0x9] =	wrdreg s26  }
0x15: {  	s17 =	sshrl.u32 @!p1 s2, $0x3;
	s26 =	simm.s32 $0x2;
	[dreg:$0x4] =	wrdreg s20  }
0x16: {  	s2 =	simm.s32 $0x8;
	[dreg:$0x5] =	wrdreg s21;
	s0 =	sadd.s32 $0x18600, s0  }
0x17: {  	s7 =	simm.s32 $0x9;
	[dreg:$0x8] =	wrdreg s0;
	s0 =	sshll.u32 @p0 s11, $0x6  }
0x18: {  	s18 =	sshrl.u32 @!p1 s9, $0x3;
	s20 =	sshrl.u32 @!p2 s8, $0x3;
	s0 =	sor.u32 @p0 $0x1C0B, s0  }
0x19: {  	s21 =	simm.s32 $0x28;
	[dreg:$0xa] =	wrdreg s0;
	s0 =	sshrl.u32 @p0 s6, $0x3  }
0x1a: {  	s9 =	simm.s32 $0x5;
	[dreg:$0xb] =	wrdreg s0;
	s0 =	sshll.u32 @!p2 s11, $0x6  }
0x1b: {  	s6 =	simm.s32 $0x4;
	s19 =	sor.u32 @!p2 $0x1C0B, s0;
	s0 =	simm.s32 $0x6  }
.LBB2_1:
0x1c: {  	s8 =	rddreg [dreg:$0x4]  }
0x1d: {  	[tilespmem:s4], [sflag:$0xB] =	stream.linear.gather [hbm4b:s8+s4], $0x2710, $0x38;
	[tilespmem:$0x1F220] =	vst v63  }
0x1e: {  	_ =	swait.ge [sflag:s13], $0x2710  }
0x1f: {  	[sflag:s13] =	ssyncset.done $0x0  }
0x20: {  	s12 =	rddreg [dreg:$0x5];
	[sflag:s13] =	ssyncadd.s32 $0xFFFFD8F0  }
0x21: {  	[tilespmem:s16], [sflag:$0xB] =	stream.linear.gather [hbm4b:s12+s4], $0x2710, $0x38;
	[tilespmem:$0x1F220] =	vst v63  }
0x22: {  	_ =	swait.ge [sflag:s13], $0x2710  }
0x23: {  	[sflag:s13] =	ssyncset.done $0x0;
	s8 =	rddreg [dreg:$0xa]  }
0x24: {  	s11 =	rddreg [dreg:$0xb];
	[sflag:s13] =	ssyncadd.s32 $0xFFFFD8F0  }
0x25: {  	[spmem:s11], [sflag:s8] =	dma.local @p0 [hbm:s5], $0x2800  }
0x26: {  	s11 =	simm.s32 @p0 $0xB  }
0x27: {  	_ =	swait.ge @p0 [sflag:s11], $0x2800  }
0x28: {  	s12 =	simm.s32 @!p1 $0xB;
	[sflag:s11] =	ssyncset.done @p0 $0x0  }
0x29: {  	s8 =	rddreg [dreg:$0x7];
	[sflag:s11] =	ssyncadd.s32 @p0 $0xFFFFD800;
	s11 =	simm.s32 @!p1 $0x1FCB  }
0x2a: {  	[spmem:s17], [sflag:s11] =	dma.local @!p1 [hbm:s8], $0x1900  }
0x2b: {  	_ =	swait.ge @!p1 [sflag:s12], $0x1900  }
0x2c: {  	[sflag:s12] =	ssyncset.done @!p1 $0x0  }
0x2d: {  	[sflag:s12] =	ssyncadd.s32 @!p1 $0xFFFFE700  }
0x2e: {  	[spmem:s18], [sflag:s11] =	dma.local @!p1 [hbm:s5], $0xF00  }
0x2f: {  	_ =	swait.ge @!p1 [sflag:s12], $0xF00  }
0x30: {  	[sflag:s12] =	ssyncset.done @!p1 $0x0  }
0x31: {  	s11 =	simm.s32 @!p2 $0xB;
	s8 =	rddreg [dreg:$0x6];
	[sflag:s12] =	ssyncadd.s32 @!p1 $0xFFFFF100  }
0x32: {  	[spmem:s20], [sflag:s19] =	dma.local @!p2 [hbm:s8], $0x2800  }
0x33: {  	_ =	swait.ge @!p2 [sflag:s11], $0x2800  }
0x34: {  	[sflag:s11] =	ssyncset.done @!p2 $0x0  }
0x35: {  	[sflag:s11] =	ssyncadd.s32 @!p2 $0xFFFFD800  }
0x36: {  	[bflag:$0x0] =	sbarrier.arrive $0xFFFF  }
0x37: {  	[tilespmem:s22], [sflag:$0x1] =	stream.indirect.gather [hbm4b:s1+s21], $0x80, s4, s21, $0xb8;
	[tilespmem:$0x1F220] =	vst v63  }
0x38: {  	_ = 	snop  }
0x39: {  	[tilespmem:s23], [sflag:$0x2] =	stream.indirect.gather [hbm4b:s1+s21], $0x80, s21, s21, $0xb8;
	[tilespmem:$0x1F220] =	vst v63  }
0x3a: {  	s11 =	simm.s32 $0x50  }
0x3b: {  	[tilespmem:s25], [sflag:$0x3] =	stream.indirect.gather [hbm4b:s1+s21], $0x80, s11, s21, $0xb8;
	[tilespmem:$0x1F220] =	vst v63  }
0x3c: {  	s12 =	simm.s32 $0x78  }
0x3d: {  	[tilespmem:s28], [sflag:$0x4] =	stream.indirect.gather [hbm4b:s1+s21], $0x80, s12, s21, $0xb8;
	[tilespmem:$0x1F220] =	vst v63  }
0x3e: {  	s11 =	simm.s32 $0xA0  }
0x3f: {  	[tilespmem:s30], [sflag:$0x5] =	stream.indirect.gather [hbm4b:s1+s21], $0x80, s11, s21, $0xb8;
	[tilespmem:$0x1F220] =	vst v63  }
0x40: {  	_ =	swait.ge [sflag:s31], $0x1400  }
0x41: {  	[sflag:s31] =	ssyncset.done $0x0  }
0x42: {  	[sflag:s31] =	ssyncadd.s32 $0xFFFFEC00  }
0x43: {  	[spmem:s3] =	stream.indirect.scatter.add.f32 [tilespmem:s22], [sflag:$0x6], $0x80, s16, s21, $0xb8;
	[tilespmem:$0x1F220] =	vst v63  }
0x44: {  	_ =	swait.ge [sflag:s0], $0x1400  }
0x45: {  	[sflag:s0] =	ssyncset.done $0x0  }
0x46: {  	s12 =	simm.s32 $0xC8;
	[sflag:s0] =	ssyncadd.s32 $0xFFFFEC00  }
0x47: {  	[tilespmem:s22], [sflag:$0x1] =	stream.indirect.gather [hbm4b:s1+s21], $0x80, s12, s21, $0xb8;
	[tilespmem:$0x1F220] =	vst v63  }
0x48: {  	_ =	swait.ge [sflag:s26], $0x1400  }
0x49: {  	[sflag:s26] =	ssyncset.done $0x0  }
0x4a: {  	s11 =	simm.s32 $0x2738;
	[sflag:s26] =	ssyncadd.s32 $0xFFFFEC00  }
0x4b: {  	[spmem:s3] =	stream.indirect.scatter.add.f32 [tilespmem:s23], [sflag:$0x7], $0x80, s11, s21, $0xb8;
	[tilespmem:$0x1F220] =	vst v63  }
0x4c: {  	_ =	swait.ge [sflag:s24], $0x1400  }
0x4d: {  	[sflag:s24] =	ssyncset.done $0x0  }
0x4e: {  	s12 =	simm.s32 $0xF0;
	[sflag:s24] =	ssyncadd.s32 $0xFFFFEC00  }
0x4f: {  	[tilespmem:s23], [sflag:$0x2] =	stream.indirect.gather [hbm4b:s1+s21], $0x80, s12, s21, $0xb8;
	[tilespmem:$0x1F220] =	vst v63  }
0x50: {  	_ =	swait.ge [sflag:s29], $0x1400  }
0x51: {  	[sflag:s29] =	ssyncset.done $0x0  }
0x52: {  	s11 =	simm.s32 $0x2760;
	[sflag:s29] =	ssyncadd.s32 $0xFFFFEC00  }
0x53: {  	[spmem:s3] =	stream.indirect.scatter.add.f32 [tilespmem:s25], [sflag:$0x8], $0x80, s11, s21, $0xb8;
	[tilespmem:$0x1F220] =	vst v63  }
0x54: {  	_ =	swait.ge [sflag:s2], $0x1400  }
0x55: {  	[sflag:s2] =	ssyncset.done $0x0  }
0x56: {  	s12 =	simm.s32 $0x118;
	[sflag:s2] =	ssyncadd.s32 $0xFFFFEC00  }
0x57: {  	[tilespmem:s25], [sflag:$0x3] =	stream.indirect.gather [hbm4b:s1+s21], $0x80, s12, s21, $0xb8;
	[tilespmem:$0x1F220] =	vst v63  }
0x58: {  	_ =	swait.ge [sflag:s6], $0x1400  }
0x59: {  	[sflag:s6] =	ssyncset.done $0x0  }
0x5a: {  	s11 =	simm.s32 $0x2788;
	[sflag:s6] =	ssyncadd.s32 $0xFFFFEC00  }
0x5b: {  	[spmem:s3] =	stream.indirect.scatter.add.f32 [tilespmem:s28], [sflag:$0x9], $0x80, s11, s21, $0xb8;
	[tilespmem:$0x1F220] =	vst v63  }
0x5c: {  	_ =	swait.ge [sflag:s7], $0x1400  }
0x5d: {  	[sflag:s7] =	ssyncset.done $0x0  }
0x5e: {  	s12 =	simm.s32 $0x140;
	[sflag:s7] =	ssyncadd.s32 $0xFFFFEC00  }
0x5f: {  	[tilespmem:s28], [sflag:$0x4] =	stream.indirect.gather [hbm4b:s1+s21], $0x80, s12, s21, $0xb8;
	[tilespmem:$0x1F220] =	vst v63  }
0x60: {  	_ =	swait.ge [sflag:s9], $0x1400  }
0x61: {  	[sflag:s9] =	ssyncset.done $0x0  }
0x62: {  	s11 =	simm.s32 $0x27B0;
	[sflag:s9] =	ssyncadd.s32 $0xFFFFEC00  }
0x63: {  	[spmem:s3] =	stream.indirect.scatter.add.f32 [tilespmem:s30], [sflag:$0xA], $0x80, s11, s21, $0xb8;
	[tilespmem:$0x1F220] =	vst v63  }
0x64: {  	_ =	swait.ge [sflag:s10], $0x1400  }
0x65: {  	[sflag:s10] =	ssyncset.done $0x0  }
0x66: {  	s12 =	simm.s32 $0x168;
	[sflag:s10] =	ssyncadd.s32 $0xFFFFEC00  }
0x67: {  	[tilespmem:s30], [sflag:$0x5] =	stream.indirect.gather [hbm4b:s1+s21], $0x80, s12, s21, $0xb8;
	[tilespmem:$0x1F220] =	vst v63  }
0x68: {  	_ =	swait.ge [sflag:s31], $0x1400  }
0x69: {  	[sflag:s31] =	ssyncset.done $0x0  }
0x6a: {  	s8 =	simm.s32 $0x27D8;
	[sflag:s31] =	ssyncadd.s32 $0xFFFFEC00  }
0x6b: {  	[spmem:s3] =	stream.indirect.scatter.add.f32 [tilespmem:s22], [sflag:$0x6], $0x80, s8, s21, $0xb8;
	[tilespmem:$0x1F220] =	vst v63  }
0x6c: {  	_ =	swait.ge [sflag:s0], $0x1400  }
0x6d: {  	[sflag:s0] =	ssyncset.done $0x0  }
0x6e: {  	s12 =	simm.s32 $0x190;
	[sflag:s0] =	ssyncadd.s32 $0xFFFFEC00  }
0x6f: {  	[tilespmem:s22], [sflag:$0x1] =	stream.indirect.gather [hbm4b:s1+s21], $0x80, s12, s21, $0xb8;
	[tilespmem:$0x1F220] =	vst v63  }
0x70: {  	_ =	swait.ge [sflag:s26], $0x1400  }
0x71: {  	[sflag:s26] =	ssyncset.done $0x0  }
0x72: {  	s8 =	simm.s32 $0x2800;
	[sflag:s26] =	ssyncadd.s32 $0xFFFFEC00  }
0x73: {  	[spmem:s3] =	stream.indirect.scatter.add.f32 [tilespmem:s23], [sflag:$0x7], $0x80, s8, s21, $0xb8;
	[tilespmem:$0x1F220] =	vst v63  }
0x74: {  	_ =	swait.ge [sflag:s24], $0x1400  }
0x75: {  	[sflag:s24] =	ssyncset.done $0x0  }
0x76: {  	s12 =	simm.s32 $0x1B8;
	[sflag:s24] =	ssyncadd.s32 $0xFFFFEC00  }
0x77: {  	[tilespmem:s23], [sflag:$0x2] =	stream.indirect.gather [hbm4b:s1+s21], $0x80, s12, s21, $0xb8;
	[tilespmem:$0x1F220] =	vst v63  }
0x78: {  	_ =	swait.ge [sflag:s29], $0x1400  }
0x79: {  	[sflag:s29] =	ssyncset.done $0x0  }
0x7a: {  	s8 =	simm.s32 $0x2828;
	[sflag:s29] =	ssyncadd.s32 $0xFFFFEC00  }
0x7b: {  	[spmem:s3] =	stream.indirect.scatter.add.f32 [tilespmem:s25], [sflag:$0x8], $0x80, s8, s21, $0xb8;
	[tilespmem:$0x1F220] =	vst v63  }
0x7c: {  	_ =	swait.ge [sflag:s2], $0x1400  }
0x7d: {  	[sflag:s2] =	ssyncset.done $0x0  }
0x7e: {  	s12 =	simm.s32 $0x1E0;
	[sflag:s2] =	ssyncadd.s32 $0xFFFFEC00  }
0x7f: {  	[tilespmem:s25], [sflag:$0x3] =	stream.indirect.gather [hbm4b:s1+s21], $0x80, s12, s21, $0xb8;
	[tilespmem:$0x1F220] =	vst v63  }
0x80: {  	_ =	swait.ge [sflag:s6], $0x1400  }
0x81: {  	[sflag:s6] =	ssyncset.done $0x0  }
0x82: {  	s8 =	simm.s32 $0x2850;
	[sflag:s6] =	ssyncadd.s32 $0xFFFFEC00  }
0x83: {  	[spmem:s3] =	stream.indirect.scatter.add.f32 [tilespmem:s28], [sflag:$0x9], $0x80, s8, s21, $0xb8;
	[tilespmem:$0x1F220] =	vst v63  }
0x84: {  	_ =	swait.ge [sflag:s7], $0x1400  }
0x85: {  	[sflag:s7] =	ssyncset.done $0x0  }
0x86: {  	s12 =	simm.s32 $0x208;
	[sflag:s7] =	ssyncadd.s32 $0xFFFFEC00  }
0x87: {  	[tilespmem:s28], [sflag:$0x4] =	stream.indirect.gather [hbm4b:s1+s21], $0x80, s12, s21, $0xb8;
	[tilespmem:$0x1F220] =	vst v63  }
0x88: {  	_ =	swait.ge [sflag:s9], $0x1400  }
0x89: {  	[sflag:s9] =	ssyncset.done $0x0  }
0x8a: {  	s11 =	simm.s32 $0x320;
	s12 =	simm.s32 $0x2878;
	[sflag:s9] =	ssyncadd.s32 $0xFFFFEC00  }
.LBB2_2:
0x8b: {  	[spmem:s3] =	stream.indirect.scatter.add.f32 [tilespmem:s30], [sflag:$0xA], $0x80, s12, s21, $0xb8;
	[tilespmem:$0x1F220] =	vst v63  }
0x8c: {  	s12 =	smov.u32 s11;
	s11 =	sadd.s32 $0x320, s11;
	_ =	swait.ge [sflag:s10], $0x1400  }
0x8d: {  	s12 =	sshra.s32 s12, $0x2;
	p3 =	sne.s32 s11, $0x9600;
	[sflag:s10] =	ssyncset.done $0x0  }
0x8e: {  	s8 =	sadd.s32 $0x168, s12;
	[sflag:s10] =	ssyncadd.s32 $0xFFFFEC00  }
0x8f: {  	[tilespmem:s30], [sflag:$0x5] =	stream.indirect.gather [hbm4b:s1+s21], $0x80, s8, s21, $0xb8;
	[tilespmem:$0x1F220] =	vst v63  }
0x90: {  	_ =	swait.ge [sflag:s31], $0x1400  }
0x91: {  	[sflag:s31] =	ssyncset.done $0x0  }
0x92: {  	s8 =	sadd.s32 $0x27D8, s12;
	[sflag:s31] =	ssyncadd.s32 $0xFFFFEC00  }
0x93: {  	[spmem:s3] =	stream.indirect.scatter.add.f32 [tilespmem:s22], [sflag:$0x6], $0x80, s8, s21, $0xb8;
	[tilespmem:$0x1F220] =	vst v63  }
0x94: {  	_ =	swait.ge [sflag:s0], $0x1400  }
0x95: {  	[sflag:s0] =	ssyncset.done $0x0  }
0x96: {  	s8 =	sadd.s32 $0x190, s12;
	[sflag:s0] =	ssyncadd.s32 $0xFFFFEC00  }
0x97: {  	[tilespmem:s22], [sflag:$0x1] =	stream.indirect.gather [hbm4b:s1+s21], $0x80, s8, s21, $0xb8;
	[tilespmem:$0x1F220] =	vst v63  }
0x98: {  	_ =	swait.ge [sflag:s26], $0x1400  }
0x99: {  	[sflag:s26] =	ssyncset.done $0x0  }
0x9a: {  	s8 =	sadd.s32 $0x2800, s12;
	[sflag:s26] =	ssyncadd.s32 $0xFFFFEC00  }
0x9b: {  	[spmem:s3] =	stream.indirect.scatter.add.f32 [tilespmem:s23], [sflag:$0x7], $0x80, s8, s21, $0xb8;
	[tilespmem:$0x1F220] =	vst v63  }
0x9c: {  	_ =	swait.ge [sflag:s24], $0x1400  }
0x9d: {  	[sflag:s24] =	ssyncset.done $0x0  }
0x9e: {  	s8 =	sadd.s32 $0x1B8, s12;
	[sflag:s24] =	ssyncadd.s32 $0xFFFFEC00  }
0x9f: {  	[tilespmem:s23], [sflag:$0x2] =	stream.indirect.gather [hbm4b:s1+s21], $0x80, s8, s21, $0xb8;
	[tilespmem:$0x1F220] =	vst v63  }
0xa0: {  	_ =	swait.ge [sflag:s29], $0x1400  }
0xa1: {  	[sflag:s29] =	ssyncset.done $0x0  }
0xa2: {  	s8 =	sadd.s32 $0x2828, s12;
	[sflag:s29] =	ssyncadd.s32 $0xFFFFEC00  }
0xa3: {  	[spmem:s3] =	stream.indirect.scatter.add.f32 [tilespmem:s25], [sflag:$0x8], $0x80, s8, s21, $0xb8;
	[tilespmem:$0x1F220] =	vst v63  }
0xa4: {  	_ =	swait.ge [sflag:s2], $0x1400  }
0xa5: {  	[sflag:s2] =	ssyncset.done $0x0  }
0xa6: {  	s8 =	sadd.s32 $0x1E0, s12;
	[sflag:s2] =	ssyncadd.s32 $0xFFFFEC00  }
0xa7: {  	[tilespmem:s25], [sflag:$0x3] =	stream.indirect.gather [hbm4b:s1+s21], $0x80, s8, s21, $0xb8;
	[tilespmem:$0x1F220] =	vst v63  }
0xa8: {  	_ =	swait.ge [sflag:s6], $0x1400  }
0xa9: {  	[sflag:s6] =	ssyncset.done $0x0  }
0xaa: {  	s8 =	sadd.s32 $0x2850, s12;
	[sflag:s6] =	ssyncadd.s32 $0xFFFFEC00  }
0xab: {  	[spmem:s3] =	stream.indirect.scatter.add.f32 [tilespmem:s28], [sflag:$0x9], $0x80, s8, s21, $0xb8;
	[tilespmem:$0x1F220] =	vst v63  }
0xac: {  	_ =	swait.ge [sflag:s7], $0x1400  }
0xad: {  	[sflag:s7] =	ssyncset.done $0x0  }
.Ltmp0:
0xae: {  	s8 =	sadd.s32 $0x208, s12;
	[sflag:s7] =	ssyncadd.s32 $0xFFFFEC00;
	(pc) =	sbr.rel @p3 .LBB2_2-.Ltmp0, $4  }
0xaf: {  	[tilespmem:s28], [sflag:$0x4] =	stream.indirect.gather [hbm4b:s1+s21], $0x80, s8, s21, $0xb8;
	[tilespmem:$0x1F220] =	vst v63  }
0xb0: {  	_ =	swait.ge [sflag:s9], $0x1400  }
0xb1: {  	[sflag:s9] =	ssyncset.done $0x0  }
0xb2: {  	s12 =	sadd.s32 $0x2878, s12;
	[sflag:s9] =	ssyncadd.s32 $0xFFFFEC00  }
0xb3: {  	[spmem:s3] =	stream.indirect.scatter.add.f32 [tilespmem:s30], [sflag:$0xA], $0x80, s12, s21, $0xb8;
	[tilespmem:$0x1F220] =	vst v63  }
0xb4: {  	_ =	swait.ge [sflag:s10], $0x1400  }
0xb5: {  	[sflag:s10] =	ssyncset.done $0x0  }
0xb6: {  	s8 =	simm.s32 $0x26E8;
	[sflag:s10] =	ssyncadd.s32 $0xFFFFEC00  }
0xb7: {  	[tilespmem:s30], [sflag:$0x5] =	stream.indirect.gather [hbm4b:s1+s21], $0x80, s8, s21, $0xb8;
	[tilespmem:$0x1F220] =	vst v63  }
0xb8: {  	_ =	swait.ge [sflag:s31], $0x1400  }
0xb9: {  	s8 =	sshra.s32 s11, $0x2;
	[sflag:s31] =	ssyncset.done $0x0  }
0xba: {  	s11 =	sadd.s32 $0x27D8, s8;
	[sflag:s31] =	ssyncadd.s32 $0xFFFFEC00  }
0xbb: {  	[spmem:s3] =	stream.indirect.scatter.add.f32 [tilespmem:s22], [sflag:$0x6], $0x80, s11, s21, $0xb8;
	[tilespmem:$0x1F220] =	vst v63  }
0xbc: {  	_ =	swait.ge [sflag:s26], $0x1400  }
0xbd: {  	[sflag:s26] =	ssyncset.done $0x0  }
0xbe: {  	s12 =	sadd.s32 $0x2800, s8;
	[sflag:s26] =	ssyncadd.s32 $0xFFFFEC00  }
0xbf: {  	[spmem:s3] =	stream.indirect.scatter.add.f32 [tilespmem:s23], [sflag:$0x7], $0x80, s12, s21, $0xb8;
	[tilespmem:$0x1F220] =	vst v63  }
0xc0: {  	_ =	swait.ge [sflag:s29], $0x1400  }
0xc1: {  	[sflag:s29] =	ssyncset.done $0x0  }
0xc2: {  	s12 =	sadd.s32 $0x2828, s8;
	[sflag:s29] =	ssyncadd.s32 $0xFFFFEC00  }
0xc3: {  	[spmem:s3] =	stream.indirect.scatter.add.f32 [tilespmem:s25], [sflag:$0x8], $0x80, s12, s21, $0xb8;
	[tilespmem:$0x1F220] =	vst v63  }
0xc4: {  	_ =	swait.ge [sflag:s6], $0x1400  }
0xc5: {  	[sflag:s6] =	ssyncset.done $0x0  }
0xc6: {  	s8 =	sadd.s32 $0x2850, s8;
	[sflag:s6] =	ssyncadd.s32 $0xFFFFEC00  }
0xc7: {  	[spmem:s3] =	stream.indirect.scatter.add.f32 [tilespmem:s28], [sflag:$0x9], $0x80, s8, s21, $0xb8;
	[tilespmem:$0x1F220] =	vst v63  }
0xc8: {  	_ =	swait.ge [sflag:s9], $0x1400  }
0xc9: {  	[sflag:s9] =	ssyncset.done $0x0  }
0xca: {  	s12 =	simm.s32 $0x4DF8;
	[sflag:s9] =	ssyncadd.s32 $0xFFFFEC00  }
0xcb: {  	[spmem:s3] =	stream.indirect.scatter.add.f32 [tilespmem:s30], [sflag:$0xA], $0x80, s12, s21, $0xb8;
	[tilespmem:$0x1F220] =	vst v63  }
0xcc: {  	_ =	swait.ge [sflag:s0], $0x1400  }
0xcd: {  	[sflag:s0] =	ssyncset.done $0x0  }
0xce: {  	[sflag:s0] =	ssyncadd.s32 $0xFFFFEC00  }
0xcf: {  	_ =	swait.ge [sflag:s24], $0x1400  }
0xd0: {  	[sflag:s24] =	ssyncset.done $0x0  }
0xd1: {  	[sflag:s24] =	ssyncadd.s32 $0xFFFFEC00  }
0xd2: {  	_ =	swait.ge [sflag:s2], $0x1400  }
0xd3: {  	[sflag:s2] =	ssyncset.done $0x0  }
0xd4: {  	[sflag:s2] =	ssyncadd.s32 $0xFFFFEC00  }
0xd5: {  	_ =	swait.ge [sflag:s7], $0x1400  }
0xd6: {  	[sflag:s7] =	ssyncset.done $0x0  }
0xd7: {  	[sflag:s7] =	ssyncadd.s32 $0xFFFFEC00  }
0xd8: {  	_ =	swait.ge [sflag:s10], $0x1400  }
0xd9: {  	[sflag:s10] =	ssyncset.done $0x0  }
0xda: {  	s11 =	stileid.u32;
	[sflag:s10] =	ssyncadd.s32 $0xFFFFEC00  }
0xdb: {  	s8 =	sshll.u32 s11, $0x6;
	[bflag:$0x0] =	sbarrier.arrive $0xFFFF  }
0xdc: {  	s11 =	sshrl.u32 s15, $0x3;
	s8 =	sor.u32 $0x1C0B, s8;
	s12 =	rddreg [dreg:$0x8]  }
0xdd: {  	[hbm:s12], [sflag:s8] =	dma.local [spmem:s11], $0x2800  }
0xde: {  	_ =	swait.ge [sflag:s13], $0x2800  }
0xdf: {  	s14 =	sadd.s32 $0x1, s14;
	s12 =	rddreg [dreg:$0x9]  }
0xe0: {  	p3 =	sne.s32 s14, s12  }
.Ltmp1:
0xe1: {  	_ = 	snop;
	(pc) =	sbr.rel @p3 .LBB2_1-.Ltmp1, $3  }
0xe2: {  	_ =	sdelay $0x1  }
0xe3: {  	[sflag:s13] =	ssyncset.done $0x0  }
0xe4: {  	[sflag:s13] =	ssyncadd.s32 $0xFFFFD800  }
0xe5: {  	_ =	sfence.sel $0x180000  }
0xe6: {  	[bflag:$0x0] =	sbarrier.arrive $0xFFFF  }
0xe7: {  	_ =	strace $0x9000004A  }
0xe8: {  	s0 =	stileid.u32;
	[bflag:$0x2] =	sbarrier.arrive $0xFFFF  }
0xe9: {  	p0 =	sne.s32 s0, $0x0;
	s0 =	rddreg [dreg:$0x3]  }
0xea: {  	s0 =	sadd.s32 @!p0 $0x100000, s0  }
0xeb: {  	[sflag:s0] =	ssyncadd.tile.s32 @!p0 $0x1;
	_ =	shalt  }
.Lfunc_end2:
_tile_overlayer_lowered:
.L_overlay_start_2:
0xec: {  	(tag) =	ssettag $0x2  }
0xed: {  	s0 =	rddreg [dreg:$0x0];
	s2 =	stileid.u32  }
0xee: {  	s1 =	rddreg [dreg:$0x1];
	p0 =	sne.s32 s2, $0x0  }
0xef: {  	s3 =	rddreg [dreg:$0x2];
	[bflag:$0x3] =	sbarrier.arrive $0xFFFF;
	s2 =	simm.s32 @!p0 $0x1C0B  }
0xf0: {  	[timem:s3], [sflag:s2] =	dma.local @!p0 [hbm:s0], s1  }
0xf1: {  	s0 =	simm.s32 @!p0 $0xB  }
0xf2: {  	_ =	swait.ge @!p0 [sflag:s0], s1  }
0xf3: {  	s1 =	ssub.s32 @!p0 $0x0, s1;
	[sflag:s0] =	ssyncset.done @!p0 $0x0  }
0xf4: {  	[sflag:s0] =	ssyncadd.s32 @!p0 s1  }
0xf5: {  	[bflag:$0x3] =	sbarrier.arrive $0xFFFF  }
0xf6: {  	_ =	shalt  }

// kernel: kernel.16.cloned.1.call-start
scs
__scs_entry_jumppad:
0x0: {  	(pc) =	sbr.rel $0x88, $3  }
0x1: {  	(tag) =	ssettag $0x0;
	lr =	simm.s32 $0x1  }
0x2: {  	[smem:$0x3F99] =	sst lr;
	_ =	strace $0xD0000000  }
0x3: {  	_ = 	snop  }
0x4: {  	_ = 	snop  }
0x5: {  	_ = 	snop  }
0x6: {  	_ = 	snop  }
0x7: {  	_ = 	snop  }
__scs_overlays_trampoline_lowered:
0x8: {  	[smem:$0x3FA8] =	sst s0  }
0x9: {  	[smem:$0x3FA9] =	sst s1  }
0xa: {  	[smem:$0x3FAA] =	sst s2  }
0xb: {  	[smem:$0x3FAB] =	sst s3  }
0xc: {  	[smem:$0x3FAC] =	sst s4  }
0xd: {  	[smem:$0x3FAD] =	sst s5  }
0xe: {  	[smem:$0x3FAE] =	sst s6  }
0xf: {  	[smem:$0x3FAF] =	sst s7  }
0x10: {  	[smem:$0x3FB0] =	sst s8  }
0x11: {  	[smem:$0x3FB1] =	sst s9;
	s0 =	simm.s32 @!p0 $0x0  }
0x12: {  	s1 =	sld [smem:$0x3F97];
	s0 =	simm.s32 @p0 $0x1  }
0x13: {  	[smem:$0x3FB2] =	sst s0;
	s0 =	simm.s32 @!p1 $0x0  }
0x14: {  	s2 =	sld [smem:$0x3F96];
	s0 =	simm.s32 @p1 $0x1  }
0x15: {  	[smem:$0x3FB3] =	sst s0;
	s0 =	simm.s32 @!p2 $0x0  }
0x16: {  	s3 =	sld [smem:$0x3FDB];
	s0 =	simm.s32 @p2 $0x1  }
0x17: {  	s4 =	simm.s32 $0x1BF5;
	[smem:$0x3FB5] =	sst s0  }
0x18: {  	s0 =	sld [smem:$0x3F98];
	_ =	swait.ge [sflag:s4], $0x0  }
0x19: {  	s7 =	sld [smem:$0x3F99]  }
0x1a: {  	s8 =	sadd.s32 $0xFFFFE003, lr  }
0x1b: {  	s9 =	sadd.s32 $0xFFFFFEF7, lr;
	s5 =	simm.s32 $0xFFFFFFFF;
	p2 =	slt.u32 s8, $0xFFFFF086  }
0x1c: {  	p1 =	slt.u32 s9, $0xF7A;
	s5 =	simm.s32 @!p2 $0x0  }
0x1d: {  	s5 =	simm.s32 @p1 $0x1;
	p0 =	seq.s32 s7, s2  }
0x1e: {  	s7 =	smul.u32 @!p0 $0xF7A, s2;
	p2 =	seq.s32 @!p0 s5, $0x0  }
0x1f: {  	s9 =	smul.u32 $0xF7A, s1;
	s8 =	simm.s32 @!p0 $0x1BF5;
	p2 =	por !p2, p0  }
0x20: {  	[sflag:s8] =	ssyncset.s32 @!p0 $0xFFFFF086;
	s6 =	sadd.s32 @!p0 s3, s7;
	s7 =	simm.s32 @!p0 $0x108  }
0x21: {  	s3 =	sadd.s32 s3, s9;
	s6 =	sadd.s32 @!p0 $0x88, s6;
	s7 =	simm.s32 @p2 $0x1082  }
0x22: {  	[simem:s7], [sflag:s8] =	dma.local @!p0 [hbm:s6], $0xF7A  }
0x23: {  	s9 =	sor.u32 $0xD0000000, s2;
	s6 =	simm.s32 $0x108;
	_ =	swait.ge @!p0 [sflag:s8], $0x0  }
0x24: {  	s3 =	sadd.s32 $0x88, s3;
	s6 =	simm.s32 @!p1 $0x1082;
	[sflag:s4] =	ssyncset.s32 $0xFFFFF086  }
0x25: {  	[simem:s6], [sflag:s4] =	dma.local [hbm:s3], $0xF7A  }
0x26: {  	[smem:$0x3F99] =	sst s1;
	(tag) =	ssettag s2;
	_ =	strace s9  }
0x27: {  	s1 =	sld [smem:$0x3FA9]  }
0x28: {  	s2 =	sld [smem:$0x3FAA]  }
0x29: {  	s4 =	sld [smem:$0x3FAC]  }
0x2a: {  	p0 =	seq.s32 s5, $0x0;
	s5 =	sld [smem:$0x3FAD]  }
0x2b: {  	s6 =	sld [smem:$0x3FAE]  }
0x2c: {  	s7 =	sld [smem:$0x3FAF]  }
0x2d: {  	s3 =	simm.s32 $0x108;
	s8 =	sld [smem:$0x3FB0]  }
0x2e: {  	s3 =	simm.s32 @!p0 $0x1082;
	s9 =	sld [smem:$0x3FB1]  }
0x2f: {  	lr =	sadd.s32 s0, s3;
	s0 =	sld [smem:$0x3FA8]  }
0x30: {  	s3 =	sld [smem:$0x3FAB]  }
0x31: {  	[smem:$0x3FB4] =	sst s10  }
0x32: {  	s10 =	sld [smem:$0x3FB2];
	_ =	sdelay $0x3  }
0x33: {  	p0 =	seq.s32 s10, $0x1;
	s10 =	sld [smem:$0x3FB4];
	_ =	sdelay $0x3  }
0x34: {  	[smem:$0x3FB4] =	sst s10  }
0x35: {  	s10 =	sld [smem:$0x3FB3];
	_ =	sdelay $0x3  }
0x36: {  	p1 =	seq.s32 s10, $0x1;
	s10 =	sld [smem:$0x3FB4];
	_ =	sdelay $0x3  }
0x37: {  	[smem:$0x3FB4] =	sst s10  }
0x38: {  	s10 =	sld [smem:$0x3FB5]  }
0x39: {  	_ = 	snop;
	(pc) =	sbr.ind lr, $3  }
0x3a: {  	_ = 	snop  }
0x3b: {  	_ = 	snop  }
0x3c: {  	p2 =	seq.s32 s10, $0x1;
	s10 =	sld [smem:$0x3FB4]  }
0x3d: {  	_ =	shalt  }
0x3e: {  	_ =	shalt  }
0x3f: {  	_ =	shalt  }
0x40: {  	_ =	shalt  }
0x41: {  	_ =	shalt  }
0x42: {  	_ =	shalt  }
0x43: {  	_ =	shalt  }
0x44: {  	_ =	shalt  }
0x45: {  	_ =	shalt  }
0x46: {  	_ =	shalt  }
0x47: {  	_ =	shalt  }
0x48: {  	_ =	shalt  }
0x49: {  	_ =	shalt  }
0x4a: {  	_ =	shalt  }
0x4b: {  	_ =	shalt  }
0x4c: {  	_ =	shalt  }
0x4d: {  	_ =	shalt  }
0x4e: {  	_ =	shalt  }
0x4f: {  	_ =	shalt  }
0x50: {  	_ =	shalt  }
0x51: {  	_ =	shalt  }
0x52: {  	_ =	shalt  }
0x53: {  	_ =	shalt  }
0x54: {  	_ =	shalt  }
0x55: {  	_ =	shalt  }
0x56: {  	_ =	shalt  }
0x57: {  	_ =	shalt  }
0x58: {  	_ =	shalt  }
0x59: {  	_ =	shalt  }
0x5a: {  	_ =	shalt  }
0x5b: {  	_ =	shalt  }
0x5c: {  	_ =	shalt  }
0x5d: {  	_ =	shalt  }
0x5e: {  	_ =	shalt  }
0x5f: {  	_ =	shalt  }
0x60: {  	_ =	shalt  }
0x61: {  	_ =	shalt  }
0x62: {  	_ =	shalt  }
0x63: {  	_ =	shalt  }
0x64: {  	_ =	shalt  }
0x65: {  	_ =	shalt  }
0x66: {  	_ =	shalt  }
0x67: {  	_ =	shalt  }
0x68: {  	_ =	shalt  }
0x69: {  	_ =	shalt  }
0x6a: {  	_ =	shalt  }
0x6b: {  	_ =	shalt  }
0x6c: {  	_ =	shalt  }
0x6d: {  	_ =	shalt  }
0x6e: {  	_ =	shalt  }
0x6f: {  	_ =	shalt  }
0x70: {  	_ =	shalt  }
0x71: {  	_ =	shalt  }
0x72: {  	_ =	shalt  }
0x73: {  	_ =	shalt  }
0x74: {  	_ =	shalt  }
0x75: {  	_ =	shalt  }
0x76: {  	_ =	shalt  }
0x77: {  	_ =	shalt  }
0x78: {  	_ =	shalt  }
0x79: {  	_ =	shalt  }
0x7a: {  	_ =	shalt  }
0x7b: {  	_ =	shalt  }
0x7c: {  	_ =	shalt  }
0x7d: {  	_ =	shalt  }
0x7e: {  	_ =	shalt  }
0x7f: {  	_ =	shalt  }
0x80: {  	_ =	shalt  }
0x81: {  	_ =	shalt  }
0x82: {  	_ =	shalt  }
0x83: {  	_ =	shalt  }
0x84: {  	_ =	shalt  }
0x85: {  	_ =	shalt  }
0x86: {  	_ =	shalt  }
0x87: {  	_ =	shalt  }
.Lfunc_end0:
.L_simem_size_0:
called_computation.2_lowered:
.L_overlay_start_0:
0x88: {  	s2 =	sld [smem:$0x3FD9]  }
0x89: {  	s3 =	sld [smem:$0x3FFE];
	_ =	sdelay $0x1  }
0x8a: {  	s1 =	srdreg.scid  }
0x8b: {  	s0 =	sand.u32 $0x1, s1  }
0x8c: {  	s17 =	sshll.u32 s0, $0xA;
	s2 =	sadd.s32 s3, s2  }
0x8d: {  	s2 =	sadd.s32 s2, s17  }
0x8e: {  	[smem:$0x3FC0] =	sst s2  }
0x8f: {  	_ = 	snop  }
0x90: {  	s2 =	sld [smem:$0x3FD0];
	(tm) =	ssettm $0x1  }
0x91: {  	s18 =	sld [smem:$0x3FFB];
	_ =	sdelay $0x3  }
0x92: {  	_ =	strace s18  }
0x93: {  	s3 =	sld [smem:$0x3FFC];
	_ =	sdelay $0x3  }
0x94: {  	_ =	strace s3  }
0x95: {  	s3 =	sld [smem:$0x3FFD];
	_ =	sdelay $0x3  }
0x96: {  	_ =	strace s3  }
0x97: {  	_ =	strace $0x8FFFFFFF  }
0x98: {  	s19 =	sld [smem:$0x3FDB];
	_ =	sdelay $0x1  }
0x99: {  	s4 =	simm.s32 $_scs_section_size  }
0x9a: {  	s5 =	simm.s32 $_size__tile_overlayer_lowered;
	s6 =	simm.s32 $_tile_overlayer_lowered  }
0x9b: {  	s22 =	simm.s32 $0x1BFF;
	s21 =	sshll.u32 s6, $0x1;
	s3 =	sadd.s32 s4, s19  }
0x9c: {  	s7 =	simm.s32 $0x0;
	s20 =	sshll.u32 s5, $0x1;
	s5 =	sadd.s32 s21, s3  }
0x9d: {  	[timem:s7], [sflag:s22] =	dma.local [hbm:s5], s20  }
0x9e: {  	_ =	swait.ge [sflag:s22], s20  }
0x9f: {  	s4 =	ssub.s32 $0x0, s20;
	[sflag:s22] =	ssyncset.done $0x0  }
0xa0: {  	[sflag:s22] =	ssyncadd.s32 s4;
	_ =	sdelay $0x1  }
0xa1: {  	s23 =	simm.s32 $0x1B8B  }
0xa2: {  	_ =	swait.ge [sflag:s23], $0x1  }
0xa3: {  	[sflag:s23] =	ssyncset.done $0x0  }
0xa4: {  	s25 =	simm.s32 $0x1B8E;
	s24 =	sld [smem:$0x3FFE];
	[sflag:s23] =	ssyncadd.s32 $0xFFFFFFFF  }
0xa5: {  	s26 =	simm.s32 $execute0_lowered;
	[smem:$0x3FD2] =	sst s25  }
0xa6: {  	s5 =	sshll.u32 s26, $0x1;
	_ =	strace $0x8000004C;
	[dreg:$0x1] =	wrdreg $0xFFFFFFFF  }
0xa7: {  	s28 =	simm.s32 $_size_execute0_lowered;
	s3 =	sadd.s32 s3, s5;
	[dreg:$0x0] =	wrdreg $0x0  }
0xa8: {  	s5 =	sshll.u32 s28, $0x1;
	[dreg:$0x2] =	wrdreg s3  }
0xa9: {  	[dreg:$0x3] =	wrdreg s5  }
0xaa: {  	[dreg:$0x4] =	wrdreg $0xC0  }
0xab: {  	_ =	task [dreg:s7], $0x5FFFF  }
0xac: {  	[dreg:$0x1] =	wrdreg $0xFFFFFFFF  }
0xad: {  	[dreg:$0x0] =	wrdreg $0x60  }
0xae: {  	[dreg:$0x2] =	wrdreg s2  }
0xaf: {  	[dreg:$0x3] =	wrdreg s24  }
0xb0: {  	[dreg:$0x4] =	wrdreg $0x9E200  }
0xb1: {  	[dreg:$0x5] =	wrdreg $0x9  }
0xb2: {  	_ =	task.clear_ibuf [dreg:s7], $0x6FFFF;
	_ =	strace $0x9000004C  }
0xb3: {  	s29 =	simm.s32 $0x9;
	_ =	strace $0x8000004E  }
0xb4: {  	_ =	swait.ge [sflag:s29], $0x1  }
0xb5: {  	[sflag:s29] =	ssyncadd.s32 $0xFFFFFFFF  }
0xb6: {  	_ =	strace $0x9000004E  }
0xb7: {  	_ =	sfence  }
0xb8: {  	s30 =	sld [smem:$0x0];
	_ =	sdelay $0x2  }
0xb9: {  	s31 =	sshll.u32 s1, $0xD;
	s1 =	sshrl.u32 s1, $0x2  }
0xba: {  	s3 =	sand.u32 $0x4000, s31;
	s1 =	sadd.s32 s1, s30  }
0xbb: {  	s0 =	sor.u32 s3, s0;
	s1 =	sshll.u32 s1, $0x11  }
0xbc: {  	s0 =	sor.u32 s1, s0  }
0xbd: {  	s0 =	sadd.s32 $0x8F2B, s0  }
0xbe: {  	[sflag:s0] =	ssyncadd.remote.s32 $0x1  }
0xbf: {  	_ =	sfence.sel $0xFFFF  }
0xc0: {  	[dreg:$0x0] =	wrdreg $0xFFFFFFFF;
	(pc) =	sbr.abs _section_cstart, $3  }
0xc1: {  	[dreg:$0x1] =	wrdreg $0xFFFFFFFF  }
0xc2: {  	_ =	task.clear_ibuf [dreg:s7], $0x2FFFF;
	_ =	strace $0x9FFFFFFF  }
0xc3: {  	(tm) =	ssettm $0x7FFFFFFF  }
tec
execute0_lowered:
.L_overlay_start_1:
0x0: {  	(tag) =	ssettag $0x1  }
0x1: {  	s0 =	srdreg.scid;
	s1 =	rddreg [dreg:$0x0]  }
0x2: {  	s10 =	stileid.u32;
	s4 =	rddreg [dreg:$0x1]  }
0x3: {  	s3 =	rddreg [dreg:$0x2];
	s5 =	simm.s32 $0x0;
	s28 =	simm.s32 $0x1  }
0x4: {  	s29 =	simm.s32 $0x9;
	s31 =	simm.s32 $0x2;
	s14 =	simm.s32 $0x3  }
0x5: {  	s0 =	sand.u32 $0x1, s0;
	s2 =	sshll.u32 s10, $0x1;
	s6 =	smul.u32 $0xA000, s10  }
0x6: {  	[smem:$0x7FF] =	sst s5;
	s19 =	sadd.s32 $0x15E00, s4;
	s23 =	smul.u32 $0x28000, s10  }
0x7: {  	s25 =	sadd.s32 $0x12C00, s1;
	s2 =	sor.u32 s0, s2;
	s18 =	smul.u32 $0xA0000, s0  }
0x8: {  	_ =	strace $0x8000004D;
	s8 =	ssub.s32 $0x2, s0;
	[dreg:$0x4] =	wrdreg s19  }
0x9: {  	p0 =	seq.s32 s0, $0x1;
	s0 =	sadd.s32 $0x96000, s3;
	[dreg:$0x9] =	wrdreg s25  }
0xa: {  	s2 =	smul.u32 $0x4E2, s2;
	s9 =	sshrl.u32 s8, $0x1;
	s22 =	sshrl.u32 s6, $0x3  }
0xb: {  	s5 =	sadd.s32 s6, s3;
	s26 =	sshrl.u32 s23, $0x2;
	p2 =	seq.s32 @!p0 s10, $0xF  }
0xc: {  	s23 =	simm.s32 $0x5820;
	s7 =	sadd.s32 s6, s18;
	s20 =	ssub.s32 s8, s9  }
0xd: {  	s24 =	sadd.s32 s1, s22;
	s6 =	sadd.s32 $0x9C400, s3;
	s8 =	simm.s32 $0x11  }
0xe: {  	p1 =	por !p2, p0;
	p2 =	por p2, p0;
	[dreg:$0x7] =	wrdreg s5  }
0xf: {  	s22 =	simm.s32 $0x4E20;
	s2 =	sadd.s32 s2, s4;
	s7 =	sshrl.u32 s7, $0x3  }
0x10: {  	[dreg:$0x8] =	wrdreg s24;
	s30 =	smax.u32 s20, $0x1;
	s0 =	sshrl.u32 @!p1 s0, $0x3  }
0x11: {  	s24 =	simm.s32 $0x6220;
	s4 =	sadd.s32 s7, s4;
	[dreg:$0xb] =	wrdreg s30  }
0x12: {  	s21 =	sadd.s32 $0x2200, s2;
	s2 =	sadd.s32 $0xC000, s2;
	[dreg:$0xe] =	wrdreg s0  }
0x13: {  	s0 =	sshrl.u32 @!p1 s6, $0x3;
	s6 =	simm.s32 $0x7;
	[dreg:$0x5] =	wrdreg s21  }
0x14: {  	s7 =	simm.s32 $0x8;
	[dreg:$0x6] =	wrdreg s2;
	s2 =	sadd.s32 s26, s3  }
0x15: {  	s4 =	sadd.s32 $0x17200, s4;
	[dreg:$0xf] =	wrdreg s0;
	s0 =	sshll.u32 @!p2 s10, $0x6  }
0x16: {  	s21 =	simm.s32 $0x28;
	[dreg:$0xa] =	wrdreg s4;
	s2 =	sshrl.u32 @p0 s2, $0x3  }
0x17: {  	s4 =	sshll.u32 @p0 s10, $0x6;
	s0 =	sor.u32 @!p2 $0x1C11, s0;
	[dreg:$0xd] =	wrdreg s2  }
0x18: {  	s26 =	simm.s32 $0x9420;
	s4 =	sor.u32 @p0 $0x1C11, s4;
	[dreg:$0x10] =	wrdreg s0  }
0x19: {  	s0 =	sshrl.u32 @!p2 s5, $0x3;
	s2 =	simm.s32 $0xA;
	[dreg:$0xc] =	wrdreg s4  }
0x1a: {  	s5 =	simm.s32 $0x0;
	[dreg:$0x11] =	wrdreg s0;
	s0 =	simm.s32 $0x5  }
.LBB2_1:
0x1b: {  	[dreg:$0x12] =	wrdreg s5  }
0x1c: {  	s18 =	simm.s32 $0x0;
	s4 =	rddreg [dreg:$0x5]  }
0x1d: {  	[tilespmem:s18], [sflag:$0x11] =	stream.linear.gather [hbm4b:s4+s18], $0x2710, $0x38;
	[tilespmem:$0x13E20] =	vst v63  }
0x1e: {  	_ =	swait.ge [sflag:s8], $0x2710  }
0x1f: {  	[sflag:s8] =	ssyncset.done $0x0  }
0x20: {  	s9 =	simm.s32 $0x2710;
	s19 =	rddreg [dreg:$0x6];
	[sflag:s8] =	ssyncadd.s32 $0xFFFFD8F0  }
0x21: {  	[tilespmem:s9], [sflag:$0x11] =	stream.linear.gather [hbm4b:s19+s18], $0x2710, $0x38;
	[tilespmem:$0x13E20] =	vst v63  }
0x22: {  	_ =	swait.ge [sflag:s8], $0x2710  }
0x23: {  	s9 =	rddreg [dreg:$0x4]  }
0x24: {  	[sflag:s8] =	ssyncset.done $0x0;
	s4 =	rddreg [dreg:$0xc]  }
0x25: {  	[sflag:s8] =	ssyncadd.s32 $0xFFFFD8F0;
	s8 =	rddreg [dreg:$0xd]  }
0x26: {  	[spmem:s8], [sflag:s4] =	dma.local @p0 [hbm:s9], $0x1400  }
0x27: {  	s4 =	simm.s32 @p0 $0x11  }
0x28: {  	_ =	swait.ge @p0 [sflag:s4], $0x1400  }
0x29: {  	[sflag:s4] =	ssyncset.done @p0 $0x0;
	s8 =	rddreg [dreg:$0x9]  }
0x2a: {  	s10 =	rddreg [dreg:$0xe];
	[sflag:s4] =	ssyncadd.s32 @p0 $0xFFFFEC00;
	s4 =	simm.s32 @!p1 $0x1FD1  }
0x2b: {  	[spmem:s10], [sflag:s4] =	dma.local @!p1 [hbm:s8], $0xC80  }
0x2c: {  	s8 =	simm.s32 @!p1 $0x11  }
0x2d: {  	_ =	swait.ge @!p1 [sflag:s8], $0xC80  }
0x2e: {  	[sflag:s8] =	ssyncset.done @!p1 $0x0  }
0x2f: {  	s10 =	rddreg [dreg:$0xf];
	[sflag:s8] =	ssyncadd.s32 @!p1 $0xFFFFF380  }
0x30: {  	[spmem:s10], [sflag:s4] =	dma.local @!p1 [hbm:s9], $0x780  }
0x31: {  	_ =	swait.ge @!p1 [sflag:s8], $0x780  }
0x32: {  	s4 =	rddreg [dreg:$0x8]  }
0x33: {  	[sflag:s8] =	ssyncset.done @!p1 $0x0;
	s9 =	rddreg [dreg:$0x11]  }
0x34: {  	[sflag:s8] =	ssyncadd.s32 @!p1 $0xFFFFF880;
	s8 =	rddreg [dreg:$0x10]  }
0x35: {  	[spmem:s9], [sflag:s8] =	dma.local @!p2 [hbm:s4], $0x1400  }
0x36: {  	s4 =	simm.s32 @!p2 $0x11  }
0x37: {  	_ =	swait.ge @!p2 [sflag:s4], $0x1400  }
0x38: {  	[sflag:s4] =	ssyncset.done @!p2 $0x0  }
0x39: {  	[sflag:s4] =	ssyncadd.s32 @!p2 $0xFFFFEC00  }
0x3a: {  	[bflag:$0x0] =	sbarrier.arrive $0xFFFF  }
0x3b: {  	[tilespmem:s22], [sflag:$0x1] =	stream.indirect.gather [hbm4b:s1+s21], $0x40, s18, s21, $0xb8;
	[tilespmem:$0x13E20] =	vst v63  }
0x3c: {  	_ = 	snop  }
0x3d: {  	[tilespmem:s23], [sflag:$0x2] =	stream.indirect.gather [hbm4b:s1+s21], $0x40, s21, s21, $0xb8;
	[tilespmem:$0x13E20] =	vst v63  }
0x3e: {  	s20 =	simm.s32 $0x50;
	s5 =	simm.s32 $0x6220  }
0x3f: {  	[tilespmem:s5], [sflag:$0x3] =	stream.indirect.gather [hbm4b:s1+s21], $0x40, s20, s21, $0xb8;
	[tilespmem:$0x13E20] =	vst v63  }
0x40: {  	s25 =	simm.s32 $0x78;
	s30 =	simm.s32 $0x6C20  }
0x41: {  	[tilespmem:s30], [sflag:$0x4] =	stream.indirect.gather [hbm4b:s1+s21], $0x40, s25, s21, $0xb8;
	[tilespmem:$0x13E20] =	vst v63  }
0x42: {  	s11 =	simm.s32 $0x7620;
	s9 =	simm.s32 $0xA0  }
0x43: {  	[tilespmem:s11], [sflag:$0x5] =	stream.indirect.gather [hbm4b:s1+s21], $0x40, s9, s21, $0xb8;
	[tilespmem:$0x13E20] =	vst v63  }
0x44: {  	s12 =	simm.s32 $0x8020;
	p3 =	por $0x1, $0x1;
	s10 =	simm.s32 $0xC8  }
0x45: {  	[tilespmem:s12], [sflag:$0x6] =	stream.indirect.gather [hbm4b:s1+s21], $0x40, s10, s21, $0xb8;
	[tilespmem:$0x13E20] =	vst v63  }
0x46: {  	s13 =	simm.s32 $0xF0;
	s4 =	simm.s32 @!p3 $0x10;
	s12 =	simm.s32 $0x8A20  }
0x47: {  	[tilespmem:s12], [sflag:$0x7] =	stream.indirect.gather [hbm4b:s1+s21], $0x40, s13, s21, $0xb8;
	[tilespmem:$0x13E20] =	vst v63  }
0x48: {  	_ =	swait.ge @!p3 [sflag:s4], $0xA00  }
0x49: {  	[sflag:s4] =	ssyncset.done @!p3 $0x0  }
0x4a: {  	s15 =	simm.s32 $0x118;
	[sflag:s4] =	ssyncadd.s32 @!p3 $0xFFFFF600  }
0x4b: {  	[tilespmem:s26], [sflag:$0x8] =	stream.indirect.gather [hbm4b:s1+s21], $0x40, s15, s21, $0xb8;
	[tilespmem:$0x13E20] =	vst v63  }
0x4c: {  	_ =	swait.ge [sflag:s28], $0xA00  }
0x4d: {  	[sflag:s28] =	ssyncset.done $0x0  }
0x4e: {  	s16 =	simm.s32 $0x2710;
	[sflag:s28] =	ssyncadd.s32 $0xFFFFF600  }
0x4f: {  	[spmem:s3] =	stream.indirect.scatter.add.f32 [tilespmem:s22], [sflag:$0x9], $0x40, s16, s21, $0xb8;
	[tilespmem:$0x13E20] =	vst v63  }
0x50: {  	_ =	swait.ge [sflag:s29], $0xA00  }
0x51: {  	[sflag:s29] =	ssyncset.done $0x0  }
0x52: {  	s17 =	simm.s32 $0x140;
	[sflag:s29] =	ssyncadd.s32 $0xFFFFF600  }
0x53: {  	[tilespmem:s22], [sflag:$0x1] =	stream.indirect.gather [hbm4b:s1+s21], $0x40, s17, s21, $0xb8;
	[tilespmem:$0x13E20] =	vst v63  }
0x54: {  	_ =	swait.ge [sflag:s31], $0xA00  }
0x55: {  	[sflag:s31] =	ssyncset.done $0x0  }
0x56: {  	s18 =	simm.s32 $0x2738;
	[sflag:s31] =	ssyncadd.s32 $0xFFFFF600  }
0x57: {  	[spmem:s3] =	stream.indirect.scatter.add.f32 [tilespmem:s23], [sflag:$0xA], $0x40, s18, s21, $0xb8;
	[tilespmem:$0x13E20] =	vst v63  }
0x58: {  	_ =	swait.ge [sflag:s2], $0xA00  }
0x59: {  	[sflag:s2] =	ssyncset.done $0x0  }
0x5a: {  	s19 =	simm.s32 $0x168;
	[sflag:s2] =	ssyncadd.s32 $0xFFFFF600  }
0x5b: {  	[tilespmem:s23], [sflag:$0x2] =	stream.indirect.gather [hbm4b:s1+s21], $0x40, s19, s21, $0xb8;
	[tilespmem:$0x13E20] =	vst v63  }
0x5c: {  	_ =	swait.ge [sflag:s14], $0xA00  }
0x5d: {  	p3 =	por $0x0, $0x0;
	[sflag:s14] =	ssyncset.done $0x0  }
0x5e: {  	s20 =	simm.s32 $0x2760;
	s8 =	simm.s32 @p3 $0x4;
	[sflag:s14] =	ssyncadd.s32 $0xFFFFF600  }
0x5f: {  	[spmem:s3] =	stream.indirect.scatter.add.f32 [tilespmem:s5], [sflag:$0xB], $0x40, s20, s21, $0xb8;
	[tilespmem:$0x13E20] =	vst v63  }
0x60: {  	_ =	swait.ge @p3 [sflag:s8], $0xA00  }
0x61: {  	s4 =	simm.s32 @p3 $0x2788;
	s9 =	simm.s32 @p3 $0x28;
	[sflag:s8] =	ssyncset.done @p3 $0x0  }
0x62: {  	s10 =	simm.s32 @p3 $0x6C20;
	[sflag:s8] =	ssyncadd.s32 @p3 $0xFFFFF600;
	s8 =	simm.s32 @!p3 $0xB  }
0x63: {  	[spmem:s3] =	stream.indirect.scatter.add.f32 @p3 [tilespmem:s10], [sflag:$0xC], $0x40, s4, s9, $0xb8;
	[tilespmem:$0x13E20] =	vst v63  }
0x64: {  	_ =	swait.ge @!p3 [sflag:s8], $0xA00  }
0x65: {  	s4 =	simm.s32 @!p3 $0x190;
	[sflag:s8] =	ssyncset.done @!p3 $0x0  }
0x66: {  	s10 =	simm.s32 @!p3 $0x28;
	[sflag:s8] =	ssyncadd.s32 @!p3 $0xFFFFF600;
	s8 =	simm.s32 @!p3 $0x6220  }
0x67: {  	[tilespmem:s8], [sflag:$0x3] =	stream.indirect.gather @!p3 [hbm4b:s1+s10], $0x40, s4, s10, $0xb8;
	[tilespmem:$0x13E20] =	vst v63  }
0x68: {  	s4 =	simm.s32 @!p3 $0x4  }
0x69: {  	_ =	swait.ge @!p3 [sflag:s4], $0xA00  }
0x6a: {  	[sflag:s4] =	ssyncset.done @!p3 $0x0  }
0x6b: {  	s8 =	simm.s32 @!p3 $0x2788;
	[sflag:s4] =	ssyncadd.s32 @!p3 $0xFFFFF600;
	s4 =	simm.s32 @!p3 $0x6C20  }
0x6c: {  	[spmem:s3] =	stream.indirect.scatter.add.f32 @!p3 [tilespmem:s4], [sflag:$0xC], $0x40, s8, s10, $0xb8;
	[tilespmem:$0x13E20] =	vst v63  }
0x6d: {  	s8 =	simm.s32 @!p3 $0xC  }
0x6e: {  	_ =	swait.ge @!p3 [sflag:s8], $0xA00  }
0x6f: {  	[sflag:s8] =	ssyncset.done @!p3 $0x0  }
0x70: {  	[sflag:s8] =	ssyncadd.s32 @!p3 $0xFFFFF600;
	s8 =	simm.s32 @!p3 $0x1B8  }
0x71: {  	[tilespmem:s4], [sflag:$0x4] =	stream.indirect.gather @!p3 [hbm4b:s1+s10], $0x40, s8, s10, $0xb8;
	[tilespmem:$0x13E20] =	vst v63  }
0x72: {  	_ =	swait.ge [sflag:s0], $0xA00  }
0x73: {  	[sflag:s0] =	ssyncset.done $0x0  }
0x74: {  	s25 =	simm.s32 $0x27B0;
	s8 =	simm.s32 @p3 $0x6;
	[sflag:s0] =	ssyncadd.s32 $0xFFFFF600  }
0x75: {  	[spmem:s3] =	stream.indirect.scatter.add.f32 [tilespmem:s11], [sflag:$0xD], $0x40, s25, s21, $0xb8;
	[tilespmem:$0x13E20] =	vst v63  }
0x76: {  	_ =	swait.ge @p3 [sflag:s8], $0xA00  }
0x77: {  	[sflag:s8] =	ssyncset.done @p3 $0x0  }
0x78: {  	s4 =	simm.s32 @p3 $0x27D8;
	[sflag:s8] =	ssyncadd.s32 @p3 $0xFFFFF600;
	s8 =	simm.s32 @p3 $0x8020  }
0x79: {  	[spmem:s3] =	stream.indirect.scatter.add.f32 @p3 [tilespmem:s8], [sflag:$0xE], $0x40, s4, s9, $0xb8;
	[tilespmem:$0x13E20] =	vst v63  }
0x7a: {  	s4 =	simm.s32 @!p3 $0xD  }
0x7b: {  	_ =	swait.ge @!p3 [sflag:s4], $0xA00  }
0x7c: {  	[sflag:s4] =	ssyncset.done @!p3 $0x0  }
0x7d: {  	s8 =	simm.s32 @!p3 $0x1E0;
	[sflag:s4] =	ssyncadd.s32 @!p3 $0xFFFFF600;
	s4 =	simm.s32 @!p3 $0x7620  }
0x7e: {  	[tilespmem:s4], [sflag:$0x5] =	stream.indirect.gather @!p3 [hbm4b:s1+s10], $0x40, s8, s10, $0xb8;
	[tilespmem:$0x13E20] =	vst v63  }
0x7f: {  	s4 =	simm.s32 @!p3 $0x6  }
0x80: {  	_ =	swait.ge @!p3 [sflag:s4], $0xA00  }
0x81: {  	[sflag:s4] =	ssyncset.done @!p3 $0x0  }
0x82: {  	s8 =	simm.s32 @!p3 $0x27D8;
	[sflag:s4] =	ssyncadd.s32 @!p3 $0xFFFFF600;
	s4 =	simm.s32 @!p3 $0x8020  }
0x83: {  	[spmem:s3] =	stream.indirect.scatter.add.f32 @!p3 [tilespmem:s4], [sflag:$0xE], $0x40, s8, s10, $0xb8;
	[tilespmem:$0x13E20] =	vst v63  }
0x84: {  	s8 =	simm.s32 @!p3 $0xE  }
0x85: {  	_ =	swait.ge @!p3 [sflag:s8], $0xA00  }
0x86: {  	[sflag:s8] =	ssyncset.done @!p3 $0x0  }
0x87: {  	[sflag:s8] =	ssyncadd.s32 @!p3 $0xFFFFF600;
	s8 =	simm.s32 @!p3 $0x208  }
0x88: {  	[tilespmem:s4], [sflag:$0x6] =	stream.indirect.gather @!p3 [hbm4b:s1+s10], $0x40, s8, s10, $0xb8;
	[tilespmem:$0x13E20] =	vst v63  }
0x89: {  	_ =	swait.ge [sflag:s6], $0xA00  }
0x8a: {  	[sflag:s6] =	ssyncset.done $0x0  }
0x8b: {  	s30 =	simm.s32 $0x2800;
	s8 =	simm.s32 @!p3 $0xF;
	[sflag:s6] =	ssyncadd.s32 $0xFFFFF600  }
0x8c: {  	[spmem:s3] =	stream.indirect.scatter.add.f32 [tilespmem:s12], [sflag:$0xF], $0x40, s30, s21, $0xb8;
	[tilespmem:$0x13E20] =	vst v63  }
0x8d: {  	_ =	swait.ge @!p3 [sflag:s8], $0xA00  }
0x8e: {  	p4 =	por $0x0, $0x0;
	s18 =	simm.s32 $0xA00;
	[sflag:s8] =	ssyncset.done @!p3 $0x0  }
0x8f: {  	s4 =	simm.s32 @!p3 $0x230;
	[sflag:s8] =	ssyncadd.s32 @!p3 $0xFFFFF600;
	s8 =	simm.s32 @!p3 $0x8A20  }
0x90: {  	[tilespmem:s8], [sflag:$0x7] =	stream.indirect.gather @!p3 [hbm4b:s1+s10], $0x40, s4, s10, $0xb8;
	[tilespmem:$0x13E20] =	vst v63  }
0x91: {  	s19 =	simm.s32 $0x2828;
	s8 =	simm.s32 $0x500;
	_ =	swait.ge [sflag:s7], $0xA00  }
.LBB2_2:
0x92: {  	s9 =	simm.s32 @!p4 $0x10  }
0x93: {  	[sflag:s7] =	ssyncset.done $0x0;
	s4 =	smov.u32 s18;
	s18 =	sadd.s32 $0x500, s18  }
0x94: {  	p3 =	sne.s32 s18, $0x9B00;
	[sflag:s7] =	ssyncadd.s32 $0xFFFFF600  }
0x95: {  	[spmem:s3] =	stream.indirect.scatter.add.f32 [tilespmem:s26], [sflag:$0x10], $0x40, s19, s21, $0xb8;
	[tilespmem:$0x13E20] =	vst v63  }
0x96: {  	s20 =	sshra.s32 s8, $0x2;
	_ =	swait.ge @!p4 [sflag:s9], $0xA00  }
0x97: {  	s10 =	sadd.s32 $0x118, s20;
	s19 =	sadd.s32 $0x2828, s20;
	[sflag:s9] =	ssyncset.done @!p4 $0x0  }
0x98: {  	[sflag:s9] =	ssyncadd.s32 @!p4 $0xFFFFF600  }
0x99: {  	[tilespmem:s26], [sflag:$0x8] =	stream.indirect.gather [hbm4b:s1+s21], $0x40, s10, s21, $0xb8;
	[tilespmem:$0x13E20] =	vst v63  }
0x9a: {  	_ =	swait.ge [sflag:s28], $0xA00  }
0x9b: {  	s9 =	sadd.s32 $0x2710, s20;
	[sflag:s28] =	ssyncset.done $0x0  }
0x9c: {  	[sflag:s28] =	ssyncadd.s32 $0xFFFFF600  }
0x9d: {  	[spmem:s3] =	stream.indirect.scatter.add.f32 [tilespmem:s22], [sflag:$0x9], $0x40, s9, s21, $0xb8;
	[tilespmem:$0x13E20] =	vst v63  }
0x9e: {  	_ =	swait.ge [sflag:s29], $0xA00  }
0x9f: {  	s9 =	sadd.s32 $0x140, s20;
	[sflag:s29] =	ssyncset.done $0x0  }
0xa0: {  	[sflag:s29] =	ssyncadd.s32 $0xFFFFF600  }
0xa1: {  	[tilespmem:s22], [sflag:$0x1] =	stream.indirect.gather [hbm4b:s1+s21], $0x40, s9, s21, $0xb8;
	[tilespmem:$0x13E20] =	vst v63  }
0xa2: {  	_ =	swait.ge [sflag:s31], $0xA00  }
0xa3: {  	s9 =	sadd.s32 $0x2738, s20;
	[sflag:s31] =	ssyncset.done $0x0  }
0xa4: {  	[sflag:s31] =	ssyncadd.s32 $0xFFFFF600  }
0xa5: {  	[spmem:s3] =	stream.indirect.scatter.add.f32 [tilespmem:s23], [sflag:$0xA], $0x40, s9, s21, $0xb8;
	[tilespmem:$0x13E20] =	vst v63  }
0xa6: {  	_ =	swait.ge [sflag:s2], $0xA00  }
0xa7: {  	s9 =	sadd.s32 $0x168, s20;
	[sflag:s2] =	ssyncset.done $0x0  }
0xa8: {  	[sflag:s2] =	ssyncadd.s32 $0xFFFFF600  }
0xa9: {  	[tilespmem:s23], [sflag:$0x2] =	stream.indirect.gather [hbm4b:s1+s21], $0x40, s9, s21, $0xb8;
	[tilespmem:$0x13E20] =	vst v63  }
0xaa: {  	_ =	swait.ge [sflag:s14], $0xA00  }
0xab: {  	p4 =	seq.s32 s8, $0x9600;
	s9 =	sadd.s32 $0x2760, s20;
	[sflag:s14] =	ssyncset.done $0x0  }
0xac: {  	s10 =	simm.s32 @p4 $0x4;
	s12 =	sshra.s32 @p4 s8, $0x2;
	[sflag:s14] =	ssyncadd.s32 $0xFFFFF600  }
0xad: {  	[spmem:s3] =	stream.indirect.scatter.add.f32 [tilespmem:s24], [sflag:$0xB], $0x40, s9, s21, $0xb8;
	[tilespmem:$0x13E20] =	vst v63  }
0xae: {  	s8 =	sshra.s32 @!p4 s8, $0x2;
	s9 =	sadd.s32 @p4 $0x2788, s12;
	_ =	swait.ge @p4 [sflag:s10], $0xA00  }
0xaf: {  	s11 =	simm.s32 @p4 $0x28;
	s15 =	simm.s32 @p4 $0x6C20;
	[sflag:s10] =	ssyncset.done @p4 $0x0  }
0xb0: {  	s16 =	sadd.s32 @!p4 $0x190, s8;
	[sflag:s10] =	ssyncadd.s32 @p4 $0xFFFFF600;
	s10 =	simm.s32 @!p4 $0xB  }
0xb1: {  	[spmem:s3] =	stream.indirect.scatter.add.f32 @p4 [tilespmem:s15], [sflag:$0xC], $0x40, s9, s11, $0xb8;
	[tilespmem:$0x13E20] =	vst v63  }
0xb2: {  	s5 =	sadd.s32 @!p4 $0x1B8, s8;
	s15 =	sadd.s32 @!p4 $0x2788, s8;
	_ =	swait.ge @!p4 [sflag:s10], $0xA00  }
0xb3: {  	s13 =	simm.s32 @!p4 $0x6220;
	s9 =	simm.s32 @!p4 $0x28;
	[sflag:s10] =	ssyncset.done @!p4 $0x0  }
0xb4: {  	s17 =	sadd.s32 @p4 $0x27D8, s12;
	[sflag:s10] =	ssyncadd.s32 @!p4 $0xFFFFF600;
	s10 =	simm.s32 @!p4 $0x4  }
0xb5: {  	[tilespmem:s13], [sflag:$0x3] =	stream.indirect.gather @!p4 [hbm4b:s1+s9], $0x40, s16, s9, $0xb8;
	[tilespmem:$0x13E20] =	vst v63  }
0xb6: {  	s13 =	sadd.s32 @!p4 $0x1E0, s8;
	s16 =	sadd.s32 @!p4 $0x27D8, s8;
	_ =	swait.ge @!p4 [sflag:s10], $0xA00  }
0xb7: {  	s25 =	simm.s32 @!p4 $0x6C20;
	s12 =	sadd.s32 @!p4 $0x208, s8;
	[sflag:s10] =	ssyncset.done @!p4 $0x0  }
0xb8: {  	s30 =	simm.s32 @!p4 $0xC;
	[sflag:s10] =	ssyncadd.s32 @!p4 $0xFFFFF600;
	s10 =	sadd.s32 @!p4 $0x230, s8  }
0xb9: {  	[spmem:s3] =	stream.indirect.scatter.add.f32 @!p4 [tilespmem:s25], [sflag:$0xC], $0x40, s15, s9, $0xb8;
	[tilespmem:$0x13E20] =	vst v63  }
0xba: {  	s8 =	smov.u32 s4;
	_ =	swait.ge @!p4 [sflag:s30], $0xA00  }
0xbb: {  	[sflag:s30] =	ssyncset.done @!p4 $0x0  }
0xbc: {  	[sflag:s30] =	ssyncadd.s32 @!p4 $0xFFFFF600  }
0xbd: {  	[tilespmem:s25], [sflag:$0x4] =	stream.indirect.gather @!p4 [hbm4b:s1+s9], $0x40, s5, s9, $0xb8;
	[tilespmem:$0x13E20] =	vst v63  }
0xbe: {  	_ =	swait.ge [sflag:s0], $0xA00  }
0xbf: {  	s4 =	sadd.s32 $0x27B0, s20;
	[sflag:s0] =	ssyncset.done $0x0  }
0xc0: {  	s15 =	simm.s32 $0x7620;
	s5 =	simm.s32 @p4 $0x6;
	[sflag:s0] =	ssyncadd.s32 $0xFFFFF600  }
0xc1: {  	[spmem:s3] =	stream.indirect.scatter.add.f32 [tilespmem:s15], [sflag:$0xD], $0x40, s4, s21, $0xb8;
	[tilespmem:$0x13E20] =	vst v63  }
0xc2: {  	_ =	swait.ge @p4 [sflag:s5], $0xA00  }
0xc3: {  	s4 =	simm.s32 @p4 $0x8020;
	[sflag:s5] =	ssyncset.done @p4 $0x0  }
0xc4: {  	[sflag:s5] =	ssyncadd.s32 @p4 $0xFFFFF600;
	s5 =	simm.s32 @!p4 $0xD  }
0xc5: {  	[spmem:s3] =	stream.indirect.scatter.add.f32 @p4 [tilespmem:s4], [sflag:$0xE], $0x40, s17, s11, $0xb8;
	[tilespmem:$0x13E20] =	vst v63  }
0xc6: {  	_ =	swait.ge @!p4 [sflag:s5], $0xA00  }
0xc7: {  	s4 =	simm.s32 @!p4 $0x7620;
	[sflag:s5] =	ssyncset.done @!p4 $0x0  }
0xc8: {  	[sflag:s5] =	ssyncadd.s32 @!p4 $0xFFFFF600;
	s5 =	simm.s32 @!p4 $0x6  }
0xc9: {  	[tilespmem:s4], [sflag:$0x5] =	stream.indirect.gather @!p4 [hbm4b:s1+s9], $0x40, s13, s9, $0xb8;
	[tilespmem:$0x13E20] =	vst v63  }
0xca: {  	_ =	swait.ge @!p4 [sflag:s5], $0xA00  }
0xcb: {  	s4 =	simm.s32 @!p4 $0x8020;
	[sflag:s5] =	ssyncset.done @!p4 $0x0  }
0xcc: {  	[sflag:s5] =	ssyncadd.s32 @!p4 $0xFFFFF600;
	s5 =	simm.s32 @!p4 $0xE  }
0xcd: {  	[spmem:s3] =	stream.indirect.scatter.add.f32 @!p4 [tilespmem:s4], [sflag:$0xE], $0x40, s16, s9, $0xb8;
	[tilespmem:$0x13E20] =	vst v63  }
0xce: {  	_ =	swait.ge @!p4 [sflag:s5], $0xA00  }
0xcf: {  	[sflag:s5] =	ssyncset.done @!p4 $0x0  }
0xd0: {  	[sflag:s5] =	ssyncadd.s32 @!p4 $0xFFFFF600  }
0xd1: {  	[tilespmem:s4], [sflag:$0x6] =	stream.indirect.gather @!p4 [hbm4b:s1+s9], $0x40, s12, s9, $0xb8;
	[tilespmem:$0x13E20] =	vst v63  }
0xd2: {  	_ =	swait.ge [sflag:s6], $0xA00  }
0xd3: {  	s4 =	sadd.s32 $0x2800, s20;
	[sflag:s6] =	ssyncset.done $0x0  }
0xd4: {  	s11 =	simm.s32 $0x8A20;
	s5 =	simm.s32 @!p4 $0xF;
	[sflag:s6] =	ssyncadd.s32 $0xFFFFF600  }
0xd5: {  	[spmem:s3] =	stream.indirect.scatter.add.f32 [tilespmem:s11], [sflag:$0xF], $0x40, s4, s21, $0xb8;
	[tilespmem:$0x13E20] =	vst v63  }
.Ltmp0:
0xd6: {  	_ =	swait.ge @!p4 [sflag:s5], $0xA00;
	(pc) =	sbr.rel @p3 .LBB2_2-.Ltmp0, $4  }
0xd7: {  	s4 =	simm.s32 @!p4 $0x8A20;
	[sflag:s5] =	ssyncset.done @!p4 $0x0  }
0xd8: {  	[sflag:s5] =	ssyncadd.s32 @!p4 $0xFFFFF600  }
0xd9: {  	[tilespmem:s4], [sflag:$0x7] =	stream.indirect.gather @!p4 [hbm4b:s1+s9], $0x40, s10, s9, $0xb8;
	[tilespmem:$0x13E20] =	vst v63  }
0xda: {  	p4 =	seq.s32 s8, $0x0;
	_ =	swait.ge [sflag:s7], $0xA00  }
0xdb: {  	[sflag:s7] =	ssyncset.done $0x0  }
0xdc: {  	s5 =	simm.s32 @!p4 $0x10;
	[sflag:s7] =	ssyncadd.s32 $0xFFFFF600  }
0xdd: {  	[spmem:s3] =	stream.indirect.scatter.add.f32 [tilespmem:s26], [sflag:$0x10], $0x40, s19, s21, $0xb8;
	[tilespmem:$0x13E20] =	vst v63  }
0xde: {  	_ =	swait.ge @!p4 [sflag:s5], $0xA00  }
0xdf: {  	s4 =	sshra.s32 s8, $0x2;
	[sflag:s5] =	ssyncset.done @!p4 $0x0  }
0xe0: {  	s9 =	sadd.s32 $0x118, s4;
	[sflag:s5] =	ssyncadd.s32 @!p4 $0xFFFFF600  }
0xe1: {  	[tilespmem:s26], [sflag:$0x8] =	stream.indirect.gather [hbm4b:s1+s21], $0x40, s9, s21, $0xb8;
	[tilespmem:$0x13E20] =	vst v63  }
0xe2: {  	_ =	swait.ge [sflag:s28], $0xA00  }
0xe3: {  	[sflag:s28] =	ssyncset.done $0x0  }
0xe4: {  	s13 =	sadd.s32 $0x2710, s4;
	[sflag:s28] =	ssyncadd.s32 $0xFFFFF600  }
0xe5: {  	[spmem:s3] =	stream.indirect.scatter.add.f32 [tilespmem:s22], [sflag:$0x9], $0x40, s13, s21, $0xb8;
	[tilespmem:$0x13E20] =	vst v63  }
0xe6: {  	_ =	swait.ge [sflag:s29], $0xA00  }
0xe7: {  	[sflag:s29] =	ssyncset.done $0x0  }
0xe8: {  	s15 =	sadd.s32 $0x140, s4;
	[sflag:s29] =	ssyncadd.s32 $0xFFFFF600  }
0xe9: {  	[tilespmem:s22], [sflag:$0x1] =	stream.indirect.gather [hbm4b:s1+s21], $0x40, s15, s21, $0xb8;
	[tilespmem:$0x13E20] =	vst v63  }
0xea: {  	_ =	swait.ge [sflag:s31], $0xA00  }
0xeb: {  	[sflag:s31] =	ssyncset.done $0x0  }
0xec: {  	s16 =	sadd.s32 $0x2738, s4;
	[sflag:s31] =	ssyncadd.s32 $0xFFFFF600  }
0xed: {  	[spmem:s3] =	stream.indirect.scatter.add.f32 [tilespmem:s23], [sflag:$0xA], $0x40, s16, s21, $0xb8;
	[tilespmem:$0x13E20] =	vst v63  }
0xee: {  	_ =	swait.ge [sflag:s2], $0xA00  }
0xef: {  	[sflag:s2] =	ssyncset.done $0x0  }
0xf0: {  	s17 =	sadd.s32 $0x168, s4;
	[sflag:s2] =	ssyncadd.s32 $0xFFFFF600  }
0xf1: {  	[tilespmem:s23], [sflag:$0x2] =	stream.indirect.gather [hbm4b:s1+s21], $0x40, s17, s21, $0xb8;
	[tilespmem:$0x13E20] =	vst v63  }
0xf2: {  	_ =	swait.ge [sflag:s14], $0xA00  }
0xf3: {  	p3 =	seq.s32 s8, $0x9600;
	[sflag:s14] =	ssyncset.done $0x0  }
0xf4: {  	s18 =	sadd.s32 $0x2760, s4;
	s9 =	simm.s32 @p3 $0x4;
	[sflag:s14] =	ssyncadd.s32 $0xFFFFF600  }
0xf5: {  	[spmem:s3] =	stream.indirect.scatter.add.f32 [tilespmem:s24], [sflag:$0xB], $0x40, s18, s21, $0xb8;
	[tilespmem:$0x13E20] =	vst v63  }
0xf6: {  	s11 =	simm.s32 @p3 $0x28;
	_ =	swait.ge @p3 [sflag:s9], $0xA00  }
0xf7: {  	s12 =	simm.s32 @p3 $0x6C20;
	s5 =	sshra.s32 @p3 s8, $0x2;
	[sflag:s9] =	ssyncset.done @p3 $0x0  }
0xf8: {  	s10 =	sadd.s32 @p3 $0x2788, s5;
	[sflag:s9] =	ssyncadd.s32 @p3 $0xFFFFF600;
	s9 =	simm.s32 @!p3 $0xB  }
0xf9: {  	[spmem:s3] =	stream.indirect.scatter.add.f32 @p3 [tilespmem:s12], [sflag:$0xC], $0x40, s10, s11, $0xb8;
	[tilespmem:$0x13E20] =	vst v63  }
0xfa: {  	s8 =	sshra.s32 @!p3 s8, $0x2;
	_ =	swait.ge @!p3 [sflag:s9], $0xA00  }
0xfb: {  	s10 =	sadd.s32 @!p3 $0x190, s8;
	[sflag:s9] =	ssyncset.done @!p3 $0x0  }
0xfc: {  	s12 =	simm.s32 @!p3 $0x28;
	[sflag:s9] =	ssyncadd.s32 @!p3 $0xFFFFF600;
	s9 =	simm.s32 @!p3 $0x6220  }
0xfd: {  	[tilespmem:s9], [sflag:$0x3] =	stream.indirect.gather @!p3 [hbm4b:s1+s12], $0x40, s10, s12, $0xb8;
	[tilespmem:$0x13E20] =	vst v63  }
0xfe: {  	s9 =	simm.s32 @!p3 $0x4  }
0xff: {  	_ =	swait.ge @!p3 [sflag:s9], $0xA00  }
0x100: {  	[sflag:s9] =	ssyncset.done @!p3 $0x0  }
0x101: {  	s10 =	sadd.s32 @!p3 $0x2788, s8;
	[sflag:s9] =	ssyncadd.s32 @!p3 $0xFFFFF600;
	s9 =	simm.s32 @!p3 $0x6C20  }
0x102: {  	[spmem:s3] =	stream.indirect.scatter.add.f32 @!p3 [tilespmem:s9], [sflag:$0xC], $0x40, s10, s12, $0xb8;
	[tilespmem:$0x13E20] =	vst v63  }
0x103: {  	s10 =	simm.s32 @!p3 $0xC  }
0x104: {  	_ =	swait.ge @!p3 [sflag:s10], $0xA00  }
0x105: {  	[sflag:s10] =	ssyncset.done @!p3 $0x0  }
0x106: {  	[sflag:s10] =	ssyncadd.s32 @!p3 $0xFFFFF600;
	s10 =	sadd.s32 @!p3 $0x1B8, s8  }
0x107: {  	[tilespmem:s9], [sflag:$0x4] =	stream.indirect.gather @!p3 [hbm4b:s1+s12], $0x40, s10, s12, $0xb8;
	[tilespmem:$0x13E20] =	vst v63  }
0x108: {  	_ =	swait.ge [sflag:s0], $0xA00  }
0x109: {  	s20 =	simm.s32 $0x7620;
	[sflag:s0] =	ssyncset.done $0x0  }
0x10a: {  	s19 =	sadd.s32 $0x27B0, s4;
	s9 =	simm.s32 @p3 $0x6;
	[sflag:s0] =	ssyncadd.s32 $0xFFFFF600  }
0x10b: {  	[spmem:s3] =	stream.indirect.scatter.add.f32 [tilespmem:s20], [sflag:$0xD], $0x40, s19, s21, $0xb8;
	[tilespmem:$0x13E20] =	vst v63  }
0x10c: {  	_ =	swait.ge @p3 [sflag:s9], $0xA00  }
0x10d: {  	[sflag:s9] =	ssyncset.done @p3 $0x0  }
0x10e: {  	s5 =	sadd.s32 @p3 $0x27D8, s5;
	[sflag:s9] =	ssyncadd.s32 @p3 $0xFFFFF600;
	s9 =	simm.s32 @p3 $0x8020  }
0x10f: {  	[spmem:s3] =	stream.indirect.scatter.add.f32 @p3 [tilespmem:s9], [sflag:$0xE], $0x40, s5, s11, $0xb8;
	[tilespmem:$0x13E20] =	vst v63  }
0x110: {  	s5 =	simm.s32 @!p3 $0xD  }
0x111: {  	_ =	swait.ge @!p3 [sflag:s5], $0xA00  }
0x112: {  	[sflag:s5] =	ssyncset.done @!p3 $0x0  }
0x113: {  	s9 =	sadd.s32 @!p3 $0x1E0, s8;
	[sflag:s5] =	ssyncadd.s32 @!p3 $0xFFFFF600;
	s5 =	simm.s32 @!p3 $0x7620  }
0x114: {  	[tilespmem:s5], [sflag:$0x5] =	stream.indirect.gather @!p3 [hbm4b:s1+s12], $0x40, s9, s12, $0xb8;
	[tilespmem:$0x13E20] =	vst v63  }
0x115: {  	s5 =	simm.s32 @!p3 $0x6  }
0x116: {  	_ =	swait.ge @!p3 [sflag:s5], $0xA00  }
0x117: {  	[sflag:s5] =	ssyncset.done @!p3 $0x0  }
0x118: {  	s9 =	sadd.s32 @!p3 $0x27D8, s8;
	[sflag:s5] =	ssyncadd.s32 @!p3 $0xFFFFF600;
	s5 =	simm.s32 @!p3 $0x8020  }
0x119: {  	[spmem:s3] =	stream.indirect.scatter.add.f32 @!p3 [tilespmem:s5], [sflag:$0xE], $0x40, s9, s12, $0xb8;
	[tilespmem:$0x13E20] =	vst v63  }
0x11a: {  	s9 =	simm.s32 @!p3 $0xE  }
0x11b: {  	_ =	swait.ge @!p3 [sflag:s9], $0xA00  }
0x11c: {  	[sflag:s9] =	ssyncset.done @!p3 $0x0  }
0x11d: {  	[sflag:s9] =	ssyncadd.s32 @!p3 $0xFFFFF600;
	s9 =	sadd.s32 @!p3 $0x208, s8  }
0x11e: {  	[tilespmem:s5], [sflag:$0x6] =	stream.indirect.gather @!p3 [hbm4b:s1+s12], $0x40, s9, s12, $0xb8;
	[tilespmem:$0x13E20] =	vst v63  }
0x11f: {  	_ =	swait.ge [sflag:s6], $0xA00  }
0x120: {  	s30 =	simm.s32 $0x8A20;
	[sflag:s6] =	ssyncset.done $0x0  }
0x121: {  	s25 =	sadd.s32 $0x2800, s4;
	s5 =	simm.s32 @!p3 $0xF;
	[sflag:s6] =	ssyncadd.s32 $0xFFFFF600  }
0x122: {  	[spmem:s3] =	stream.indirect.scatter.add.f32 [tilespmem:s30], [sflag:$0xF], $0x40, s25, s21, $0xb8;
	[tilespmem:$0x13E20] =	vst v63  }
0x123: {  	_ =	swait.ge @!p3 [sflag:s5], $0xA00  }
0x124: {  	[sflag:s5] =	ssyncset.done @!p3 $0x0  }
0x125: {  	s8 =	sadd.s32 @!p3 $0x230, s8;
	[sflag:s5] =	ssyncadd.s32 @!p3 $0xFFFFF600;
	s5 =	simm.s32 @!p3 $0x8A20  }
0x126: {  	[tilespmem:s5], [sflag:$0x7] =	stream.indirect.gather @!p3 [hbm4b:s1+s12], $0x40, s8, s12, $0xb8;
	[tilespmem:$0x13E20] =	vst v63  }
0x127: {  	_ =	swait.ge [sflag:s7], $0xA00  }
0x128: {  	[sflag:s7] =	ssyncset.done $0x0  }
0x129: {  	s4 =	sadd.s32 $0x2828, s4;
	[sflag:s7] =	ssyncadd.s32 $0xFFFFF600  }
0x12a: {  	[spmem:s3] =	stream.indirect.scatter.add.f32 [tilespmem:s26], [sflag:$0x10], $0x40, s4, s21, $0xb8;
	[tilespmem:$0x13E20] =	vst v63  }
0x12b: {  	_ =	swait.ge [sflag:s28], $0xA00  }
0x12c: {  	[sflag:s28] =	ssyncset.done $0x0  }
0x12d: {  	s9 =	simm.s32 $0x4DD0;
	[sflag:s28] =	ssyncadd.s32 $0xFFFFF600  }
0x12e: {  	[spmem:s3] =	stream.indirect.scatter.add.f32 [tilespmem:s22], [sflag:$0x9], $0x40, s9, s21, $0xb8;
	[tilespmem:$0x13E20] =	vst v63  }
0x12f: {  	_ =	swait.ge [sflag:s31], $0xA00  }
0x130: {  	[sflag:s31] =	ssyncset.done $0x0  }
0x131: {  	s10 =	simm.s32 $0x4DF8;
	s11 =	simm.s32 $0xB;
	[sflag:s31] =	ssyncadd.s32 $0xFFFFF600  }
0x132: {  	[spmem:s3] =	stream.indirect.scatter.add.f32 [tilespmem:s23], [sflag:$0xA], $0x40, s10, s21, $0xb8;
	[tilespmem:$0x13E20] =	vst v63  }
0x133: {  	_ =	swait.ge [sflag:s11], $0xA00  }
0x134: {  	[sflag:s11] =	ssyncset.done $0x0  }
0x135: {  	s12 =	simm.s32 $0xC;
	[sflag:s11] =	ssyncadd.s32 $0xFFFFF600  }
0x136: {  	_ =	swait.ge [sflag:s12], $0xA00  }
0x137: {  	[sflag:s12] =	ssyncset.done $0x0  }
0x138: {  	s13 =	simm.s32 $0xD;
	[sflag:s12] =	ssyncadd.s32 $0xFFFFF600  }
0x139: {  	_ =	swait.ge [sflag:s13], $0xA00  }
0x13a: {  	[sflag:s13] =	ssyncset.done $0x0  }
0x13b: {  	s15 =	simm.s32 $0xE;
	[sflag:s13] =	ssyncadd.s32 $0xFFFFF600  }
0x13c: {  	_ =	swait.ge [sflag:s15], $0xA00  }
0x13d: {  	[sflag:s15] =	ssyncset.done $0x0  }
0x13e: {  	s16 =	simm.s32 $0xF;
	[sflag:s15] =	ssyncadd.s32 $0xFFFFF600  }
0x13f: {  	_ =	swait.ge [sflag:s16], $0xA00  }
0x140: {  	[sflag:s16] =	ssyncset.done $0x0  }
0x141: {  	s17 =	simm.s32 $0x10;
	[sflag:s16] =	ssyncadd.s32 $0xFFFFF600  }
0x142: {  	_ =	swait.ge [sflag:s17], $0xA00  }
0x143: {  	[sflag:s17] =	ssyncset.done $0x0  }
0x144: {  	[sflag:s17] =	ssyncadd.s32 $0xFFFFF600  }
0x145: {  	_ =	swait.ge [sflag:s29], $0xA00  }
0x146: {  	[sflag:s29] =	ssyncset.done $0x0  }
0x147: {  	[sflag:s29] =	ssyncadd.s32 $0xFFFFF600  }
0x148: {  	_ =	swait.ge [sflag:s2], $0xA00  }
0x149: {  	[sflag:s2] =	ssyncset.done $0x0  }
0x14a: {  	[sflag:s2] =	ssyncadd.s32 $0xFFFFF600  }
0x14b: {  	s18 =	stileid.u32;
	[bflag:$0x0] =	sbarrier.arrive $0xFFFF  }
0x14c: {  	s8 =	simm.s32 $0x11;
	s4 =	sshll.u32 s18, $0x6;
	s19 =	rddreg [dreg:$0x7]  }
0x14d: {  	s4 =	sor.u32 $0x1C11, s4;
	s20 =	rddreg [dreg:$0xa];
	s5 =	sshrl.u32 s19, $0x3  }
0x14e: {  	[hbm:s20], [sflag:s4] =	dma.local [spmem:s5], $0x1400  }
0x14f: {  	_ =	swait.ge [sflag:s8], $0x1400  }
0x150: {  	s25 =	rddreg [dreg:$0x12]  }
0x151: {  	s30 =	rddreg [dreg:$0xb];
	s5 =	sadd.s32 $0x1, s25  }
0x152: {  	p3 =	sne.s32 s5, s30  }
.Ltmp1:
0x153: {  	_ = 	snop;
	(pc) =	sbr.rel @p3 .LBB2_1-.Ltmp1, $3  }
0x154: {  	_ =	sdelay $0x1  }
0x155: {  	[sflag:s8] =	ssyncset.done $0x0  }
0x156: {  	[sflag:s8] =	ssyncadd.s32 $0xFFFFEC00  }
0x157: {  	_ =	sfence.sel $0x180000  }
0x158: {  	[bflag:$0x0] =	sbarrier.arrive $0xFFFF  }
0x159: {  	_ =	strace $0x9000004D  }
0x15a: {  	s0 =	stileid.u32;
	[bflag:$0x2] =	sbarrier.arrive $0xFFFF  }
0x15b: {  	p0 =	sne.s32 s0, $0x0;
	s0 =	rddreg [dreg:$0x3]  }
0x15c: {  	s0 =	sadd.s32 @!p0 $0x100000, s0  }
0x15d: {  	[sflag:s0] =	ssyncadd.tile.s32 @!p0 $0x1;
	_ =	shalt  }
.Lfunc_end2:
_tile_overlayer_lowered:
.L_overlay_start_2:
0x15e: {  	(tag) =	ssettag $0x2  }
0x15f: {  	s0 =	rddreg [dreg:$0x0];
	s2 =	stileid.u32  }
0x160: {  	s1 =	rddreg [dreg:$0x1];
	p0 =	sne.s32 s2, $0x0  }
0x161: {  	s3 =	rddreg [dreg:$0x2];
	[bflag:$0x3] =	sbarrier.arrive $0xFFFF;
	s2 =	simm.s32 @!p0 $0x1C11  }
0x162: {  	[timem:s3], [sflag:s2] =	dma.local @!p0 [hbm:s0], s1  }
0x163: {  	s0 =	simm.s32 @!p0 $0x11  }
0x164: {  	_ =	swait.ge @!p0 [sflag:s0], s1  }
0x165: {  	s1 =	ssub.s32 @!p0 $0x0, s1;
	[sflag:s0] =	ssyncset.done @!p0 $0x0  }
0x166: {  	[sflag:s0] =	ssyncadd.s32 @!p0 s1  }
0x167: {  	[bflag:$0x3] =	sbarrier.arrive $0xFFFF  }
0x168: {  	_ =	shalt  }

// kernel: kernel.19.cloned.1.call-start
scs
__scs_entry_jumppad:
0x0: {  	(pc) =	sbr.rel $0x88, $3  }
0x1: {  	(tag) =	ssettag $0x0;
	lr =	simm.s32 $0x1  }
0x2: {  	[smem:$0x3F99] =	sst lr;
	_ =	strace $0xD0000000  }
0x3: {  	_ = 	snop  }
0x4: {  	_ = 	snop  }
0x5: {  	_ = 	snop  }
0x6: {  	_ = 	snop  }
0x7: {  	_ = 	snop  }
__scs_overlays_trampoline_lowered:
0x8: {  	[smem:$0x3FA8] =	sst s0  }
0x9: {  	[smem:$0x3FA9] =	sst s1  }
0xa: {  	[smem:$0x3FAA] =	sst s2  }
0xb: {  	[smem:$0x3FAB] =	sst s3  }
0xc: {  	[smem:$0x3FAC] =	sst s4  }
0xd: {  	[smem:$0x3FAD] =	sst s5  }
0xe: {  	[smem:$0x3FAE] =	sst s6  }
0xf: {  	[smem:$0x3FAF] =	sst s7  }
0x10: {  	[smem:$0x3FB0] =	sst s8  }
0x11: {  	[smem:$0x3FB1] =	sst s9;
	s0 =	simm.s32 @!p0 $0x0  }
0x12: {  	s1 =	sld [smem:$0x3F97];
	s0 =	simm.s32 @p0 $0x1  }
0x13: {  	[smem:$0x3FB2] =	sst s0;
	s0 =	simm.s32 @!p1 $0x0  }
0x14: {  	s2 =	sld [smem:$0x3F96];
	s0 =	simm.s32 @p1 $0x1  }
0x15: {  	[smem:$0x3FB3] =	sst s0;
	s0 =	simm.s32 @!p2 $0x0  }
0x16: {  	s3 =	sld [smem:$0x3FDB];
	s0 =	simm.s32 @p2 $0x1  }
0x17: {  	s4 =	simm.s32 $0x1BF5;
	[smem:$0x3FB5] =	sst s0  }
0x18: {  	s0 =	sld [smem:$0x3F98];
	_ =	swait.ge [sflag:s4], $0x0  }
0x19: {  	s7 =	sld [smem:$0x3F99]  }
0x1a: {  	s8 =	sadd.s32 $0xFFFFE003, lr  }
0x1b: {  	s9 =	sadd.s32 $0xFFFFFEF7, lr;
	s5 =	simm.s32 $0xFFFFFFFF;
	p2 =	slt.u32 s8, $0xFFFFF086  }
0x1c: {  	p1 =	slt.u32 s9, $0xF7A;
	s5 =	simm.s32 @!p2 $0x0  }
0x1d: {  	s5 =	simm.s32 @p1 $0x1;
	p0 =	seq.s32 s7, s2  }
0x1e: {  	s7 =	smul.u32 @!p0 $0xF7A, s2;
	p2 =	seq.s32 @!p0 s5, $0x0  }
0x1f: {  	s9 =	smul.u32 $0xF7A, s1;
	s8 =	simm.s32 @!p0 $0x1BF5;
	p2 =	por !p2, p0  }
0x20: {  	[sflag:s8] =	ssyncset.s32 @!p0 $0xFFFFF086;
	s6 =	sadd.s32 @!p0 s3, s7;
	s7 =	simm.s32 @!p0 $0x108  }
0x21: {  	s3 =	sadd.s32 s3, s9;
	s6 =	sadd.s32 @!p0 $0x88, s6;
	s7 =	simm.s32 @p2 $0x1082  }
0x22: {  	[simem:s7], [sflag:s8] =	dma.local @!p0 [hbm:s6], $0xF7A  }
0x23: {  	s9 =	sor.u32 $0xD0000000, s2;
	s6 =	simm.s32 $0x108;
	_ =	swait.ge @!p0 [sflag:s8], $0x0  }
0x24: {  	s3 =	sadd.s32 $0x88, s3;
	s6 =	simm.s32 @!p1 $0x1082;
	[sflag:s4] =	ssyncset.s32 $0xFFFFF086  }
0x25: {  	[simem:s6], [sflag:s4] =	dma.local [hbm:s3], $0xF7A  }
0x26: {  	[smem:$0x3F99] =	sst s1;
	(tag) =	ssettag s2;
	_ =	strace s9  }
0x27: {  	s1 =	sld [smem:$0x3FA9]  }
0x28: {  	s2 =	sld [smem:$0x3FAA]  }
0x29: {  	s4 =	sld [smem:$0x3FAC]  }
0x2a: {  	p0 =	seq.s32 s5, $0x0;
	s5 =	sld [smem:$0x3FAD]  }
0x2b: {  	s6 =	sld [smem:$0x3FAE]  }
0x2c: {  	s7 =	sld [smem:$0x3FAF]  }
0x2d: {  	s3 =	simm.s32 $0x108;
	s8 =	sld [smem:$0x3FB0]  }
0x2e: {  	s3 =	simm.s32 @!p0 $0x1082;
	s9 =	sld [smem:$0x3FB1]  }
0x2f: {  	lr =	sadd.s32 s0, s3;
	s0 =	sld [smem:$0x3FA8]  }
0x30: {  	s3 =	sld [smem:$0x3FAB]  }
0x31: {  	[smem:$0x3FB4] =	sst s10  }
0x32: {  	s10 =	sld [smem:$0x3FB2];
	_ =	sdelay $0x3  }
0x33: {  	p0 =	seq.s32 s10, $0x1;
	s10 =	sld [smem:$0x3FB4];
	_ =	sdelay $0x3  }
0x34: {  	[smem:$0x3FB4] =	sst s10  }
0x35: {  	s10 =	sld [smem:$0x3FB3];
	_ =	sdelay $0x3  }
0x36: {  	p1 =	seq.s32 s10, $0x1;
	s10 =	sld [smem:$0x3FB4];
	_ =	sdelay $0x3  }
0x37: {  	[smem:$0x3FB4] =	sst s10  }
0x38: {  	s10 =	sld [smem:$0x3FB5]  }
0x39: {  	_ = 	snop;
	(pc) =	sbr.ind lr, $3  }
0x3a: {  	_ = 	snop  }
0x3b: {  	_ = 	snop  }
0x3c: {  	p2 =	seq.s32 s10, $0x1;
	s10 =	sld [smem:$0x3FB4]  }
0x3d: {  	_ =	shalt  }
0x3e: {  	_ =	shalt  }
0x3f: {  	_ =	shalt  }
0x40: {  	_ =	shalt  }
0x41: {  	_ =	shalt  }
0x42: {  	_ =	shalt  }
0x43: {  	_ =	shalt  }
0x44: {  	_ =	shalt  }
0x45: {  	_ =	shalt  }
0x46: {  	_ =	shalt  }
0x47: {  	_ =	shalt  }
0x48: {  	_ =	shalt  }
0x49: {  	_ =	shalt  }
0x4a: {  	_ =	shalt  }
0x4b: {  	_ =	shalt  }
0x4c: {  	_ =	shalt  }
0x4d: {  	_ =	shalt  }
0x4e: {  	_ =	shalt  }
0x4f: {  	_ =	shalt  }
0x50: {  	_ =	shalt  }
0x51: {  	_ =	shalt  }
0x52: {  	_ =	shalt  }
0x53: {  	_ =	shalt  }
0x54: {  	_ =	shalt  }
0x55: {  	_ =	shalt  }
0x56: {  	_ =	shalt  }
0x57: {  	_ =	shalt  }
0x58: {  	_ =	shalt  }
0x59: {  	_ =	shalt  }
0x5a: {  	_ =	shalt  }
0x5b: {  	_ =	shalt  }
0x5c: {  	_ =	shalt  }
0x5d: {  	_ =	shalt  }
0x5e: {  	_ =	shalt  }
0x5f: {  	_ =	shalt  }
0x60: {  	_ =	shalt  }
0x61: {  	_ =	shalt  }
0x62: {  	_ =	shalt  }
0x63: {  	_ =	shalt  }
0x64: {  	_ =	shalt  }
0x65: {  	_ =	shalt  }
0x66: {  	_ =	shalt  }
0x67: {  	_ =	shalt  }
0x68: {  	_ =	shalt  }
0x69: {  	_ =	shalt  }
0x6a: {  	_ =	shalt  }
0x6b: {  	_ =	shalt  }
0x6c: {  	_ =	shalt  }
0x6d: {  	_ =	shalt  }
0x6e: {  	_ =	shalt  }
0x6f: {  	_ =	shalt  }
0x70: {  	_ =	shalt  }
0x71: {  	_ =	shalt  }
0x72: {  	_ =	shalt  }
0x73: {  	_ =	shalt  }
0x74: {  	_ =	shalt  }
0x75: {  	_ =	shalt  }
0x76: {  	_ =	shalt  }
0x77: {  	_ =	shalt  }
0x78: {  	_ =	shalt  }
0x79: {  	_ =	shalt  }
0x7a: {  	_ =	shalt  }
0x7b: {  	_ =	shalt  }
0x7c: {  	_ =	shalt  }
0x7d: {  	_ =	shalt  }
0x7e: {  	_ =	shalt  }
0x7f: {  	_ =	shalt  }
0x80: {  	_ =	shalt  }
0x81: {  	_ =	shalt  }
0x82: {  	_ =	shalt  }
0x83: {  	_ =	shalt  }
0x84: {  	_ =	shalt  }
0x85: {  	_ =	shalt  }
0x86: {  	_ =	shalt  }
0x87: {  	_ =	shalt  }
.Lfunc_end0:
.L_simem_size_0:
called_computation.3_lowered:
.L_overlay_start_0:
0x88: {  	s2 =	sld [smem:$0x3FD9]  }
0x89: {  	s3 =	sld [smem:$0x3FFE];
	_ =	sdelay $0x1  }
0x8a: {  	s1 =	srdreg.scid  }
0x8b: {  	s0 =	sand.u32 $0x1, s1  }
0x8c: {  	s17 =	sshll.u32 s0, $0xA;
	s2 =	sadd.s32 s3, s2  }
0x8d: {  	s2 =	sadd.s32 s2, s17  }
0x8e: {  	[smem:$0x3FC0] =	sst s2  }
0x8f: {  	_ = 	snop  }
0x90: {  	s2 =	sld [smem:$0x3FD0];
	(tm) =	ssettm $0x1  }
0x91: {  	s18 =	sld [smem:$0x3FFB];
	_ =	sdelay $0x3  }
0x92: {  	_ =	strace s18  }
0x93: {  	s3 =	sld [smem:$0x3FFC];
	_ =	sdelay $0x3  }
0x94: {  	_ =	strace s3  }
0x95: {  	s3 =	sld [smem:$0x3FFD];
	_ =	sdelay $0x3  }
0x96: {  	_ =	strace s3  }
0x97: {  	_ =	strace $0x8FFFFFFF  }
0x98: {  	s19 =	sld [smem:$0x3FDB];
	_ =	sdelay $0x1  }
0x99: {  	s4 =	simm.s32 $_scs_section_size  }
0x9a: {  	s5 =	simm.s32 $_size__tile_overlayer_lowered;
	s6 =	simm.s32 $_tile_overlayer_lowered  }
0x9b: {  	s22 =	simm.s32 $0x1BFF;
	s21 =	sshll.u32 s6, $0x1;
	s3 =	sadd.s32 s4, s19  }
0x9c: {  	s7 =	simm.s32 $0x0;
	s20 =	sshll.u32 s5, $0x1;
	s5 =	sadd.s32 s21, s3  }
0x9d: {  	[timem:s7], [sflag:s22] =	dma.local [hbm:s5], s20  }
0x9e: {  	_ =	swait.ge [sflag:s22], s20  }
0x9f: {  	s4 =	ssub.s32 $0x0, s20;
	[sflag:s22] =	ssyncset.done $0x0  }
0xa0: {  	[sflag:s22] =	ssyncadd.s32 s4;
	_ =	sdelay $0x1  }
0xa1: {  	s23 =	simm.s32 $0x1B8B  }
0xa2: {  	_ =	swait.ge [sflag:s23], $0x1  }
0xa3: {  	[sflag:s23] =	ssyncset.done $0x0  }
0xa4: {  	s25 =	simm.s32 $0x1B8E;
	s24 =	sld [smem:$0x3FFE];
	[sflag:s23] =	ssyncadd.s32 $0xFFFFFFFF  }
0xa5: {  	s26 =	simm.s32 $execute0_lowered;
	[smem:$0x3FD2] =	sst s25  }
0xa6: {  	s5 =	sshll.u32 s26, $0x1;
	_ =	strace $0x8000004F;
	[dreg:$0x1] =	wrdreg $0xFFFFFFFF  }
0xa7: {  	s28 =	simm.s32 $_size_execute0_lowered;
	s3 =	sadd.s32 s3, s5;
	[dreg:$0x0] =	wrdreg $0x0  }
0xa8: {  	s5 =	sshll.u32 s28, $0x1;
	[dreg:$0x2] =	wrdreg s3  }
0xa9: {  	[dreg:$0x3] =	wrdreg s5  }
0xaa: {  	[dreg:$0x4] =	wrdreg $0xC0  }
0xab: {  	_ =	task [dreg:s7], $0x5FFFF  }
0xac: {  	[dreg:$0x1] =	wrdreg $0xFFFFFFFF  }
0xad: {  	[dreg:$0x0] =	wrdreg $0x60  }
0xae: {  	[dreg:$0x2] =	wrdreg s2  }
0xaf: {  	[dreg:$0x3] =	wrdreg s24  }
0xb0: {  	[dreg:$0x4] =	wrdreg $0x9E200  }
0xb1: {  	[dreg:$0x5] =	wrdreg $0x9  }
0xb2: {  	_ =	task.clear_ibuf [dreg:s7], $0x6FFFF;
	_ =	strace $0x9000004F  }
0xb3: {  	s29 =	simm.s32 $0x9;
	_ =	strace $0x80000051  }
0xb4: {  	_ =	swait.ge [sflag:s29], $0x1  }
0xb5: {  	[sflag:s29] =	ssyncadd.s32 $0xFFFFFFFF  }
0xb6: {  	_ =	strace $0x90000051  }
0xb7: {  	_ =	sfence  }
0xb8: {  	s30 =	sld [smem:$0x0];
	_ =	sdelay $0x2  }
0xb9: {  	s31 =	sshll.u32 s1, $0xD;
	s1 =	sshrl.u32 s1, $0x2  }
0xba: {  	s3 =	sand.u32 $0x4000, s31;
	s1 =	sadd.s32 s1, s30  }
0xbb: {  	s0 =	sor.u32 s3, s0;
	s1 =	sshll.u32 s1, $0x11  }
0xbc: {  	s0 =	sor.u32 s1, s0  }
0xbd: {  	s0 =	sadd.s32 $0x8F2B, s0  }
0xbe: {  	[sflag:s0] =	ssyncadd.remote.s32 $0x1  }
0xbf: {  	_ =	sfence.sel $0xFFFF  }
0xc0: {  	[dreg:$0x0] =	wrdreg $0xFFFFFFFF;
	(pc) =	sbr.abs _section_cstart, $3  }
0xc1: {  	[dreg:$0x1] =	wrdreg $0xFFFFFFFF  }
0xc2: {  	_ =	task.clear_ibuf [dreg:s7], $0x2FFFF;
	_ =	strace $0x9FFFFFFF  }
0xc3: {  	(tm) =	ssettm $0x7FFFFFFF  }
tec
execute0_lowered:
.L_overlay_start_1:
0x0: {  	(tag) =	ssettag $0x1  }
0x1: {  	s0 =	srdreg.scid;
	s1 =	rddreg [dreg:$0x0]  }
0x2: {  	s10 =	stileid.u32;
	s4 =	rddreg [dreg:$0x1]  }
0x3: {  	s3 =	rddreg [dreg:$0x2];
	s5 =	simm.s32 $0x0;
	s28 =	simm.s32 $0x1  }
0x4: {  	s29 =	simm.s32 $0x9;
	s31 =	simm.s32 $0x2;
	s14 =	simm.s32 $0x3  }
0x5: {  	s0 =	sand.u32 $0x1, s0;
	s2 =	sshll.u32 s10, $0x1;
	s6 =	smul.u32 $0xA000, s10  }
0x6: {  	[smem:$0x7FF] =	sst s5;
	s19 =	sadd.s32 $0x15E00, s4;
	s23 =	smul.u32 $0x28000, s10  }
0x7: {  	s25 =	sadd.s32 $0x12C00, s1;
	s2 =	sor.u32 s0, s2;
	s18 =	smul.u32 $0xA0000, s0  }
0x8: {  	_ =	strace $0x80000050;
	s8 =	ssub.s32 $0x2, s0;
	[dreg:$0x4] =	wrdreg s19  }
0x9: {  	p0 =	seq.s32 s0, $0x1;
	s0 =	sadd.s32 $0x96000, s3;
	[dreg:$0x9] =	wrdreg s25  }
0xa: {  	s2 =	smul.u32 $0x4E2, s2;
	s9 =	sshrl.u32 s8, $0x1;
	s22 =	sshrl.u32 s6, $0x3  }
0xb: {  	s5 =	sadd.s32 s6, s3;
	s26 =	sshrl.u32 s23, $0x2;
	p2 =	seq.s32 @!p0 s10, $0xF  }
0xc: {  	s23 =	simm.s32 $0x5820;
	s7 =	sadd.s32 s6, s18;
	s20 =	ssub.s32 s8, s9  }
0xd: {  	s24 =	sadd.s32 s1, s22;
	s6 =	sadd.s32 $0x9C400, s3;
	s8 =	simm.s32 $0x11  }
0xe: {  	p1 =	por !p2, p0;
	p2 =	por p2, p0;
	[dreg:$0x7] =	wrdreg s5  }
0xf: {  	s22 =	simm.s32 $0x4E20;
	s2 =	sadd.s32 s2, s4;
	s7 =	sshrl.u32 s7, $0x3  }
0x10: {  	[dreg:$0x8] =	wrdreg s24;
	s30 =	smax.u32 s20, $0x1;
	s0 =	sshrl.u32 @!p1 s0, $0x3  }
0x11: {  	s24 =	simm.s32 $0x6220;
	s4 =	sadd.s32 s7, s4;
	[dreg:$0xb] =	wrdreg s30  }
0x12: {  	s21 =	sadd.s32 $0x2200, s2;
	s2 =	sadd.s32 $0xC000, s2;
	[dreg:$0xe] =	wrdreg s0  }
0x13: {  	s0 =	sshrl.u32 @!p1 s6, $0x3;
	s6 =	simm.s32 $0x7;
	[dreg:$0x5] =	wrdreg s21  }
0x14: {  	s7 =	simm.s32 $0x8;
	[dreg:$0x6] =	wrdreg s2;
	s2 =	sadd.s32 s26, s3  }
0x15: {  	s4 =	sadd.s32 $0x17200, s4;
	[dreg:$0xf] =	wrdreg s0;
	s0 =	sshll.u32 @!p2 s10, $0x6  }
0x16: {  	s21 =	simm.s32 $0x28;
	[dreg:$0xa] =	wrdreg s4;
	s2 =	sshrl.u32 @p0 s2, $0x3  }
0x17: {  	s4 =	sshll.u32 @p0 s10, $0x6;
	s0 =	sor.u32 @!p2 $0x1C11, s0;
	[dreg:$0xd] =	wrdreg s2  }
0x18: {  	s26 =	simm.s32 $0x9420;
	s4 =	sor.u32 @p0 $0x1C11, s4;
	[dreg:$0x10] =	wrdreg s0  }
0x19: {  	s0 =	sshrl.u32 @!p2 s5, $0x3;
	s2 =	simm.s32 $0xA;
	[dreg:$0xc] =	wrdreg s4  }
0x1a: {  	s5 =	simm.s32 $0x0;
	[dreg:$0x11] =	wrdreg s0;
	s0 =	simm.s32 $0x5  }
.LBB2_1:
0x1b: {  	[dreg:$0x12] =	wrdreg s5  }
0x1c: {  	s18 =	simm.s32 $0x0;
	s4 =	rddreg [dreg:$0x5]  }
0x1d: {  	[tilespmem:s18], [sflag:$0x11] =	stream.linear.gather [hbm4b:s4+s18], $0x2710, $0x38;
	[tilespmem:$0x13E20] =	vst v63  }
0x1e: {  	_ =	swait.ge [sflag:s8], $0x2710  }
0x1f: {  	[sflag:s8] =	ssyncset.done $0x0  }
0x20: {  	s9 =	simm.s32 $0x2710;
	s19 =	rddreg [dreg:$0x6];
	[sflag:s8] =	ssyncadd.s32 $0xFFFFD8F0  }
0x21: {  	[tilespmem:s9], [sflag:$0x11] =	stream.linear.gather [hbm4b:s19+s18], $0x2710, $0x38;
	[tilespmem:$0x13E20] =	vst v63  }
0x22: {  	_ =	swait.ge [sflag:s8], $0x2710  }
0x23: {  	s9 =	rddreg [dreg:$0x4]  }
0x24: {  	[sflag:s8] =	ssyncset.done $0x0;
	s4 =	rddreg [dreg:$0xc]  }
0x25: {  	[sflag:s8] =	ssyncadd.s32 $0xFFFFD8F0;
	s8 =	rddreg [dreg:$0xd]  }
0x26: {  	[spmem:s8], [sflag:s4] =	dma.local @p0 [hbm:s9], $0x1400  }
0x27: {  	s4 =	simm.s32 @p0 $0x11  }
0x28: {  	_ =	swait.ge @p0 [sflag:s4], $0x1400  }
0x29: {  	[sflag:s4] =	ssyncset.done @p0 $0x0;
	s8 =	rddreg [dreg:$0x9]  }
0x2a: {  	s10 =	rddreg [dreg:$0xe];
	[sflag:s4] =	ssyncadd.s32 @p0 $0xFFFFEC00;
	s4 =	simm.s32 @!p1 $0x1FD1  }
0x2b: {  	[spmem:s10], [sflag:s4] =	dma.local @!p1 [hbm:s8], $0xC80  }
0x2c: {  	s8 =	simm.s32 @!p1 $0x11  }
0x2d: {  	_ =	swait.ge @!p1 [sflag:s8], $0xC80  }
0x2e: {  	[sflag:s8] =	ssyncset.done @!p1 $0x0  }
0x2f: {  	s10 =	rddreg [dreg:$0xf];
	[sflag:s8] =	ssyncadd.s32 @!p1 $0xFFFFF380  }
0x30: {  	[spmem:s10], [sflag:s4] =	dma.local @!p1 [hbm:s9], $0x780  }
0x31: {  	_ =	swait.ge @!p1 [sflag:s8], $0x780  }
0x32: {  	s4 =	rddreg [dreg:$0x8]  }
0x33: {  	[sflag:s8] =	ssyncset.done @!p1 $0x0;
	s9 =	rddreg [dreg:$0x11]  }
0x34: {  	[sflag:s8] =	ssyncadd.s32 @!p1 $0xFFFFF880;
	s8 =	rddreg [dreg:$0x10]  }
0x35: {  	[spmem:s9], [sflag:s8] =	dma.local @!p2 [hbm:s4], $0x1400  }
0x36: {  	s4 =	simm.s32 @!p2 $0x11  }
0x37: {  	_ =	swait.ge @!p2 [sflag:s4], $0x1400  }
0x38: {  	[sflag:s4] =	ssyncset.done @!p2 $0x0  }
0x39: {  	[sflag:s4] =	ssyncadd.s32 @!p2 $0xFFFFEC00  }
0x3a: {  	[bflag:$0x0] =	sbarrier.arrive $0xFFFF  }
0x3b: {  	[tilespmem:s22], [sflag:$0x1] =	stream.indirect.gather [hbm4b:s1+s21], $0x40, s18, s21, $0xb8;
	[tilespmem:$0x13E20] =	vst v63  }
0x3c: {  	_ = 	snop  }
0x3d: {  	[tilespmem:s23], [sflag:$0x2] =	stream.indirect.gather [hbm4b:s1+s21], $0x40, s21, s21, $0xb8;
	[tilespmem:$0x13E20] =	vst v63  }
0x3e: {  	s20 =	simm.s32 $0x50;
	s5 =	simm.s32 $0x6220  }
0x3f: {  	[tilespmem:s5], [sflag:$0x3] =	stream.indirect.gather [hbm4b:s1+s21], $0x40, s20, s21, $0xb8;
	[tilespmem:$0x13E20] =	vst v63  }
0x40: {  	s25 =	simm.s32 $0x78;
	s30 =	simm.s32 $0x6C20  }
0x41: {  	[tilespmem:s30], [sflag:$0x4] =	stream.indirect.gather [hbm4b:s1+s21], $0x40, s25, s21, $0xb8;
	[tilespmem:$0x13E20] =	vst v63  }
0x42: {  	s11 =	simm.s32 $0x7620;
	s9 =	simm.s32 $0xA0  }
0x43: {  	[tilespmem:s11], [sflag:$0x5] =	stream.indirect.gather [hbm4b:s1+s21], $0x40, s9, s21, $0xb8;
	[tilespmem:$0x13E20] =	vst v63  }
0x44: {  	s12 =	simm.s32 $0x8020;
	p3 =	por $0x1, $0x1;
	s10 =	simm.s32 $0xC8  }
0x45: {  	[tilespmem:s12], [sflag:$0x6] =	stream.indirect.gather [hbm4b:s1+s21], $0x40, s10, s21, $0xb8;
	[tilespmem:$0x13E20] =	vst v63  }
0x46: {  	s13 =	simm.s32 $0xF0;
	s4 =	simm.s32 @!p3 $0x10;
	s12 =	simm.s32 $0x8A20  }
0x47: {  	[tilespmem:s12], [sflag:$0x7] =	stream.indirect.gather [hbm4b:s1+s21], $0x40, s13, s21, $0xb8;
	[tilespmem:$0x13E20] =	vst v63  }
0x48: {  	_ =	swait.ge @!p3 [sflag:s4], $0xA00  }
0x49: {  	[sflag:s4] =	ssyncset.done @!p3 $0x0  }
0x4a: {  	s15 =	simm.s32 $0x118;
	[sflag:s4] =	ssyncadd.s32 @!p3 $0xFFFFF600  }
0x4b: {  	[tilespmem:s26], [sflag:$0x8] =	stream.indirect.gather [hbm4b:s1+s21], $0x40, s15, s21, $0xb8;
	[tilespmem:$0x13E20] =	vst v63  }
0x4c: {  	_ =	swait.ge [sflag:s28], $0xA00  }
0x4d: {  	[sflag:s28] =	ssyncset.done $0x0  }
0x4e: {  	s16 =	simm.s32 $0x2710;
	[sflag:s28] =	ssyncadd.s32 $0xFFFFF600  }
0x4f: {  	[spmem:s3] =	stream.indirect.scatter.add.f32 [tilespmem:s22], [sflag:$0x9], $0x40, s16, s21, $0xb8;
	[tilespmem:$0x13E20] =	vst v63  }
0x50: {  	_ =	swait.ge [sflag:s29], $0xA00  }
0x51: {  	[sflag:s29] =	ssyncset.done $0x0  }
0x52: {  	s17 =	simm.s32 $0x140;
	[sflag:s29] =	ssyncadd.s32 $0xFFFFF600  }
0x53: {  	[tilespmem:s22], [sflag:$0x1] =	stream.indirect.gather [hbm4b:s1+s21], $0x40, s17, s21, $0xb8;
	[tilespmem:$0x13E20] =	vst v63  }
0x54: {  	_ =	swait.ge [sflag:s31], $0xA00  }
0x55: {  	[sflag:s31] =	ssyncset.done $0x0  }
0x56: {  	s18 =	simm.s32 $0x2738;
	[sflag:s31] =	ssyncadd.s32 $0xFFFFF600  }
0x57: {  	[spmem:s3] =	stream.indirect.scatter.add.f32 [tilespmem:s23], [sflag:$0xA], $0x40, s18, s21, $0xb8;
	[tilespmem:$0x13E20] =	vst v63  }
0x58: {  	_ =	swait.ge [sflag:s2], $0xA00  }
0x59: {  	[sflag:s2] =	ssyncset.done $0x0  }
0x5a: {  	s19 =	simm.s32 $0x168;
	[sflag:s2] =	ssyncadd.s32 $0xFFFFF600  }
0x5b: {  	[tilespmem:s23], [sflag:$0x2] =	stream.indirect.gather [hbm4b:s1+s21], $0x40, s19, s21, $0xb8;
	[tilespmem:$0x13E20] =	vst v63  }
0x5c: {  	_ =	swait.ge [sflag:s14], $0xA00  }
0x5d: {  	p3 =	por $0x0, $0x0;
	[sflag:s14] =	ssyncset.done $0x0  }
0x5e: {  	s20 =	simm.s32 $0x2760;
	s8 =	simm.s32 @p3 $0x4;
	[sflag:s14] =	ssyncadd.s32 $0xFFFFF600  }
0x5f: {  	[spmem:s3] =	stream.indirect.scatter.add.f32 [tilespmem:s5], [sflag:$0xB], $0x40, s20, s21, $0xb8;
	[tilespmem:$0x13E20] =	vst v63  }
0x60: {  	_ =	swait.ge @p3 [sflag:s8], $0xA00  }
0x61: {  	s4 =	simm.s32 @p3 $0x2788;
	s9 =	simm.s32 @p3 $0x28;
	[sflag:s8] =	ssyncset.done @p3 $0x0  }
0x62: {  	s10 =	simm.s32 @p3 $0x6C20;
	[sflag:s8] =	ssyncadd.s32 @p3 $0xFFFFF600;
	s8 =	simm.s32 @!p3 $0xB  }
0x63: {  	[spmem:s3] =	stream.indirect.scatter.add.f32 @p3 [tilespmem:s10], [sflag:$0xC], $0x40, s4, s9, $0xb8;
	[tilespmem:$0x13E20] =	vst v63  }
0x64: {  	_ =	swait.ge @!p3 [sflag:s8], $0xA00  }
0x65: {  	s4 =	simm.s32 @!p3 $0x190;
	[sflag:s8] =	ssyncset.done @!p3 $0x0  }
0x66: {  	s10 =	simm.s32 @!p3 $0x28;
	[sflag:s8] =	ssyncadd.s32 @!p3 $0xFFFFF600;
	s8 =	simm.s32 @!p3 $0x6220  }
0x67: {  	[tilespmem:s8], [sflag:$0x3] =	stream.indirect.gather @!p3 [hbm4b:s1+s10], $0x40, s4, s10, $0xb8;
	[tilespmem:$0x13E20] =	vst v63  }
0x68: {  	s4 =	simm.s32 @!p3 $0x4  }
0x69: {  	_ =	swait.ge @!p3 [sflag:s4], $0xA00  }
0x6a: {  	[sflag:s4] =	ssyncset.done @!p3 $0x0  }
0x6b: {  	s8 =	simm.s32 @!p3 $0x2788;
	[sflag:s4] =	ssyncadd.s32 @!p3 $0xFFFFF600;
	s4 =	simm.s32 @!p3 $0x6C20  }
0x6c: {  	[spmem:s3] =	stream.indirect.scatter.add.f32 @!p3 [tilespmem:s4], [sflag:$0xC], $0x40, s8, s10, $0xb8;
	[tilespmem:$0x13E20] =	vst v63  }
0x6d: {  	s8 =	simm.s32 @!p3 $0xC  }
0x6e: {  	_ =	swait.ge @!p3 [sflag:s8], $0xA00  }
0x6f: {  	[sflag:s8] =	ssyncset.done @!p3 $0x0  }
0x70: {  	[sflag:s8] =	ssyncadd.s32 @!p3 $0xFFFFF600;
	s8 =	simm.s32 @!p3 $0x1B8  }
0x71: {  	[tilespmem:s4], [sflag:$0x4] =	stream.indirect.gather @!p3 [hbm4b:s1+s10], $0x40, s8, s10, $0xb8;
	[tilespmem:$0x13E20] =	vst v63  }
0x72: {  	_ =	swait.ge [sflag:s0], $0xA00  }
0x73: {  	[sflag:s0] =	ssyncset.done $0x0  }
0x74: {  	s25 =	simm.s32 $0x27B0;
	s8 =	simm.s32 @p3 $0x6;
	[sflag:s0] =	ssyncadd.s32 $0xFFFFF600  }
0x75: {  	[spmem:s3] =	stream.indirect.scatter.add.f32 [tilespmem:s11], [sflag:$0xD], $0x40, s25, s21, $0xb8;
	[tilespmem:$0x13E20] =	vst v63  }
0x76: {  	_ =	swait.ge @p3 [sflag:s8], $0xA00  }
0x77: {  	[sflag:s8] =	ssyncset.done @p3 $0x0  }
0x78: {  	s4 =	simm.s32 @p3 $0x27D8;
	[sflag:s8] =	ssyncadd.s32 @p3 $0xFFFFF600;
	s8 =	simm.s32 @p3 $0x8020  }
0x79: {  	[spmem:s3] =	stream.indirect.scatter.add.f32 @p3 [tilespmem:s8], [sflag:$0xE], $0x40, s4, s9, $0xb8;
	[tilespmem:$0x13E20] =	vst v63  }
0x7a: {  	s4 =	simm.s32 @!p3 $0xD  }
0x7b: {  	_ =	swait.ge @!p3 [sflag:s4], $0xA00  }
0x7c: {  	[sflag:s4] =	ssyncset.done @!p3 $0x0  }
0x7d: {  	s8 =	simm.s32 @!p3 $0x1E0;
	[sflag:s4] =	ssyncadd.s32 @!p3 $0xFFFFF600;
	s4 =	simm.s32 @!p3 $0x7620  }
0x7e: {  	[tilespmem:s4], [sflag:$0x5] =	stream.indirect.gather @!p3 [hbm4b:s1+s10], $0x40, s8, s10, $0xb8;
	[tilespmem:$0x13E20] =	vst v63  }
0x7f: {  	s4 =	simm.s32 @!p3 $0x6  }
0x80: {  	_ =	swait.ge @!p3 [sflag:s4], $0xA00  }
0x81: {  	[sflag:s4] =	ssyncset.done @!p3 $0x0  }
0x82: {  	s8 =	simm.s32 @!p3 $0x27D8;
	[sflag:s4] =	ssyncadd.s32 @!p3 $0xFFFFF600;
	s4 =	simm.s32 @!p3 $0x8020  }
0x83: {  	[spmem:s3] =	stream.indirect.scatter.add.f32 @!p3 [tilespmem:s4], [sflag:$0xE], $0x40, s8, s10, $0xb8;
	[tilespmem:$0x13E20] =	vst v63  }
0x84: {  	s8 =	simm.s32 @!p3 $0xE  }
0x85: {  	_ =	swait.ge @!p3 [sflag:s8], $0xA00  }
0x86: {  	[sflag:s8] =	ssyncset.done @!p3 $0x0  }
0x87: {  	[sflag:s8] =	ssyncadd.s32 @!p3 $0xFFFFF600;
	s8 =	simm.s32 @!p3 $0x208  }
0x88: {  	[tilespmem:s4], [sflag:$0x6] =	stream.indirect.gather @!p3 [hbm4b:s1+s10], $0x40, s8, s10, $0xb8;
	[tilespmem:$0x13E20] =	vst v63  }
0x89: {  	_ =	swait.ge [sflag:s6], $0xA00  }
0x8a: {  	[sflag:s6] =	ssyncset.done $0x0  }
0x8b: {  	s30 =	simm.s32 $0x2800;
	s8 =	simm.s32 @!p3 $0xF;
	[sflag:s6] =	ssyncadd.s32 $0xFFFFF600  }
0x8c: {  	[spmem:s3] =	stream.indirect.scatter.add.f32 [tilespmem:s12], [sflag:$0xF], $0x40, s30, s21, $0xb8;
	[tilespmem:$0x13E20] =	vst v63  }
0x8d: {  	_ =	swait.ge @!p3 [sflag:s8], $0xA00  }
0x8e: {  	p4 =	por $0x0, $0x0;
	s18 =	simm.s32 $0xA00;
	[sflag:s8] =	ssyncset.done @!p3 $0x0  }
0x8f: {  	s4 =	simm.s32 @!p3 $0x230;
	[sflag:s8] =	ssyncadd.s32 @!p3 $0xFFFFF600;
	s8 =	simm.s32 @!p3 $0x8A20  }
0x90: {  	[tilespmem:s8], [sflag:$0x7] =	stream.indirect.gather @!p3 [hbm4b:s1+s10], $0x40, s4, s10, $0xb8;
	[tilespmem:$0x13E20] =	vst v63  }
0x91: {  	s19 =	simm.s32 $0x2828;
	s8 =	simm.s32 $0x500;
	_ =	swait.ge [sflag:s7], $0xA00  }
.LBB2_2:
0x92: {  	s9 =	simm.s32 @!p4 $0x10  }
0x93: {  	[sflag:s7] =	ssyncset.done $0x0;
	s4 =	smov.u32 s18;
	s18 =	sadd.s32 $0x500, s18  }
0x94: {  	p3 =	sne.s32 s18, $0x9B00;
	[sflag:s7] =	ssyncadd.s32 $0xFFFFF600  }
0x95: {  	[spmem:s3] =	stream.indirect.scatter.add.f32 [tilespmem:s26], [sflag:$0x10], $0x40, s19, s21, $0xb8;
	[tilespmem:$0x13E20] =	vst v63  }
0x96: {  	s20 =	sshra.s32 s8, $0x2;
	_ =	swait.ge @!p4 [sflag:s9], $0xA00  }
0x97: {  	s10 =	sadd.s32 $0x118, s20;
	s19 =	sadd.s32 $0x2828, s20;
	[sflag:s9] =	ssyncset.done @!p4 $0x0  }
0x98: {  	[sflag:s9] =	ssyncadd.s32 @!p4 $0xFFFFF600  }
0x99: {  	[tilespmem:s26], [sflag:$0x8] =	stream.indirect.gather [hbm4b:s1+s21], $0x40, s10, s21, $0xb8;
	[tilespmem:$0x13E20] =	vst v63  }
0x9a: {  	_ =	swait.ge [sflag:s28], $0xA00  }
0x9b: {  	s9 =	sadd.s32 $0x2710, s20;
	[sflag:s28] =	ssyncset.done $0x0  }
0x9c: {  	[sflag:s28] =	ssyncadd.s32 $0xFFFFF600  }
0x9d: {  	[spmem:s3] =	stream.indirect.scatter.add.f32 [tilespmem:s22], [sflag:$0x9], $0x40, s9, s21, $0xb8;
	[tilespmem:$0x13E20] =	vst v63  }
0x9e: {  	_ =	swait.ge [sflag:s29], $0xA00  }
0x9f: {  	s9 =	sadd.s32 $0x140, s20;
	[sflag:s29] =	ssyncset.done $0x0  }
0xa0: {  	[sflag:s29] =	ssyncadd.s32 $0xFFFFF600  }
0xa1: {  	[tilespmem:s22], [sflag:$0x1] =	stream.indirect.gather [hbm4b:s1+s21], $0x40, s9, s21, $0xb8;
	[tilespmem:$0x13E20] =	vst v63  }
0xa2: {  	_ =	swait.ge [sflag:s31], $0xA00  }
0xa3: {  	s9 =	sadd.s32 $0x2738, s20;
	[sflag:s31] =	ssyncset.done $0x0  }
0xa4: {  	[sflag:s31] =	ssyncadd.s32 $0xFFFFF600  }
0xa5: {  	[spmem:s3] =	stream.indirect.scatter.add.f32 [tilespmem:s23], [sflag:$0xA], $0x40, s9, s21, $0xb8;
	[tilespmem:$0x13E20] =	vst v63  }
0xa6: {  	_ =	swait.ge [sflag:s2], $0xA00  }
0xa7: {  	s9 =	sadd.s32 $0x168, s20;
	[sflag:s2] =	ssyncset.done $0x0  }
0xa8: {  	[sflag:s2] =	ssyncadd.s32 $0xFFFFF600  }
0xa9: {  	[tilespmem:s23], [sflag:$0x2] =	stream.indirect.gather [hbm4b:s1+s21], $0x40, s9, s21, $0xb8;
	[tilespmem:$0x13E20] =	vst v63  }
0xaa: {  	_ =	swait.ge [sflag:s14], $0xA00  }
0xab: {  	p4 =	seq.s32 s8, $0x9600;
	s9 =	sadd.s32 $0x2760, s20;
	[sflag:s14] =	ssyncset.done $0x0  }
0xac: {  	s10 =	simm.s32 @p4 $0x4;
	s12 =	sshra.s32 @p4 s8, $0x2;
	[sflag:s14] =	ssyncadd.s32 $0xFFFFF600  }
0xad: {  	[spmem:s3] =	stream.indirect.scatter.add.f32 [tilespmem:s24], [sflag:$0xB], $0x40, s9, s21, $0xb8;
	[tilespmem:$0x13E20] =	vst v63  }
0xae: {  	s8 =	sshra.s32 @!p4 s8, $0x2;
	s9 =	sadd.s32 @p4 $0x2788, s12;
	_ =	swait.ge @p4 [sflag:s10], $0xA00  }
0xaf: {  	s11 =	simm.s32 @p4 $0x28;
	s15 =	simm.s32 @p4 $0x6C20;
	[sflag:s10] =	ssyncset.done @p4 $0x0  }
0xb0: {  	s16 =	sadd.s32 @!p4 $0x190, s8;
	[sflag:s10] =	ssyncadd.s32 @p4 $0xFFFFF600;
	s10 =	simm.s32 @!p4 $0xB  }
0xb1: {  	[spmem:s3] =	stream.indirect.scatter.add.f32 @p4 [tilespmem:s15], [sflag:$0xC], $0x40, s9, s11, $0xb8;
	[tilespmem:$0x13E20] =	vst v63  }
0xb2: {  	s5 =	sadd.s32 @!p4 $0x1B8, s8;
	s15 =	sadd.s32 @!p4 $0x2788, s8;
	_ =	swait.ge @!p4 [sflag:s10], $0xA00  }
0xb3: {  	s13 =	simm.s32 @!p4 $0x6220;
	s9 =	simm.s32 @!p4 $0x28;
	[sflag:s10] =	ssyncset.done @!p4 $0x0  }
0xb4: {  	s17 =	sadd.s32 @p4 $0x27D8, s12;
	[sflag:s10] =	ssyncadd.s32 @!p4 $0xFFFFF600;
	s10 =	simm.s32 @!p4 $0x4  }
0xb5: {  	[tilespmem:s13], [sflag:$0x3] =	stream.indirect.gather @!p4 [hbm4b:s1+s9], $0x40, s16, s9, $0xb8;
	[tilespmem:$0x13E20] =	vst v63  }
0xb6: {  	s13 =	sadd.s32 @!p4 $0x1E0, s8;
	s16 =	sadd.s32 @!p4 $0x27D8, s8;
	_ =	swait.ge @!p4 [sflag:s10], $0xA00  }
0xb7: {  	s25 =	simm.s32 @!p4 $0x6C20;
	s12 =	sadd.s32 @!p4 $0x208, s8;
	[sflag:s10] =	ssyncset.done @!p4 $0x0  }
0xb8: {  	s30 =	simm.s32 @!p4 $0xC;
	[sflag:s10] =	ssyncadd.s32 @!p4 $0xFFFFF600;
	s10 =	sadd.s32 @!p4 $0x230, s8  }
0xb9: {  	[spmem:s3] =	stream.indirect.scatter.add.f32 @!p4 [tilespmem:s25], [sflag:$0xC], $0x40, s15, s9, $0xb8;
	[tilespmem:$0x13E20] =	vst v63  }
0xba: {  	s8 =	smov.u32 s4;
	_ =	swait.ge @!p4 [sflag:s30], $0xA00  }
0xbb: {  	[sflag:s30] =	ssyncset.done @!p4 $0x0  }
0xbc: {  	[sflag:s30] =	ssyncadd.s32 @!p4 $0xFFFFF600  }
0xbd: {  	[tilespmem:s25], [sflag:$0x4] =	stream.indirect.gather @!p4 [hbm4b:s1+s9], $0x40, s5, s9, $0xb8;
	[tilespmem:$0x13E20] =	vst v63  }
0xbe: {  	_ =	swait.ge [sflag:s0], $0xA00  }
0xbf: {  	s4 =	sadd.s32 $0x27B0, s20;
	[sflag:s0] =	ssyncset.done $0x0  }
0xc0: {  	s15 =	simm.s32 $0x7620;
	s5 =	simm.s32 @p4 $0x6;
	[sflag:s0] =	ssyncadd.s32 $0xFFFFF600  }
0xc1: {  	[spmem:s3] =	stream.indirect.scatter.add.f32 [tilespmem:s15], [sflag:$0xD], $0x40, s4, s21, $0xb8;
	[tilespmem:$0x13E20] =	vst v63  }
0xc2: {  	_ =	swait.ge @p4 [sflag:s5], $0xA00  }
0xc3: {  	s4 =	simm.s32 @p4 $0x8020;
	[sflag:s5] =	ssyncset.done @p4 $0x0  }
0xc4: {  	[sflag:s5] =	ssyncadd.s32 @p4 $0xFFFFF600;
	s5 =	simm.s32 @!p4 $0xD  }
0xc5: {  	[spmem:s3] =	stream.indirect.scatter.add.f32 @p4 [tilespmem:s4], [sflag:$0xE], $0x40, s17, s11, $0xb8;
	[tilespmem:$0x13E20] =	vst v63  }
0xc6: {  	_ =	swait.ge @!p4 [sflag:s5], $0xA00  }
0xc7: {  	s4 =	simm.s32 @!p4 $0x7620;
	[sflag:s5] =	ssyncset.done @!p4 $0x0  }
0xc8: {  	[sflag:s5] =	ssyncadd.s32 @!p4 $0xFFFFF600;
	s5 =	simm.s32 @!p4 $0x6  }
0xc9: {  	[tilespmem:s4], [sflag:$0x5] =	stream.indirect.gather @!p4 [hbm4b:s1+s9], $0x40, s13, s9, $0xb8;
	[tilespmem:$0x13E20] =	vst v63  }
0xca: {  	_ =	swait.ge @!p4 [sflag:s5], $0xA00  }
0xcb: {  	s4 =	simm.s32 @!p4 $0x8020;
	[sflag:s5] =	ssyncset.done @!p4 $0x0  }
0xcc: {  	[sflag:s5] =	ssyncadd.s32 @!p4 $0xFFFFF600;
	s5 =	simm.s32 @!p4 $0xE  }
0xcd: {  	[spmem:s3] =	stream.indirect.scatter.add.f32 @!p4 [tilespmem:s4], [sflag:$0xE], $0x40, s16, s9, $0xb8;
	[tilespmem:$0x13E20] =	vst v63  }
0xce: {  	_ =	swait.ge @!p4 [sflag:s5], $0xA00  }
0xcf: {  	[sflag:s5] =	ssyncset.done @!p4 $0x0  }
0xd0: {  	[sflag:s5] =	ssyncadd.s32 @!p4 $0xFFFFF600  }
0xd1: {  	[tilespmem:s4], [sflag:$0x6] =	stream.indirect.gather @!p4 [hbm4b:s1+s9], $0x40, s12, s9, $0xb8;
	[tilespmem:$0x13E20] =	vst v63  }
0xd2: {  	_ =	swait.ge [sflag:s6], $0xA00  }
0xd3: {  	s4 =	sadd.s32 $0x2800, s20;
	[sflag:s6] =	ssyncset.done $0x0  }
0xd4: {  	s11 =	simm.s32 $0x8A20;
	s5 =	simm.s32 @!p4 $0xF;
	[sflag:s6] =	ssyncadd.s32 $0xFFFFF600  }
0xd5: {  	[spmem:s3] =	stream.indirect.scatter.add.f32 [tilespmem:s11], [sflag:$0xF], $0x40, s4, s21, $0xb8;
	[tilespmem:$0x13E20] =	vst v63  }
.Ltmp0:
0xd6: {  	_ =	swait.ge @!p4 [sflag:s5], $0xA00;
	(pc) =	sbr.rel @p3 .LBB2_2-.Ltmp0, $4  }
0xd7: {  	s4 =	simm.s32 @!p4 $0x8A20;
	[sflag:s5] =	ssyncset.done @!p4 $0x0  }
0xd8: {  	[sflag:s5] =	ssyncadd.s32 @!p4 $0xFFFFF600  }
0xd9: {  	[tilespmem:s4], [sflag:$0x7] =	stream.indirect.gather @!p4 [hbm4b:s1+s9], $0x40, s10, s9, $0xb8;
	[tilespmem:$0x13E20] =	vst v63  }
0xda: {  	p4 =	seq.s32 s8, $0x0;
	_ =	swait.ge [sflag:s7], $0xA00  }
0xdb: {  	[sflag:s7] =	ssyncset.done $0x0  }
0xdc: {  	s5 =	simm.s32 @!p4 $0x10;
	[sflag:s7] =	ssyncadd.s32 $0xFFFFF600  }
0xdd: {  	[spmem:s3] =	stream.indirect.scatter.add.f32 [tilespmem:s26], [sflag:$0x10], $0x40, s19, s21, $0xb8;
	[tilespmem:$0x13E20] =	vst v63  }
0xde: {  	_ =	swait.ge @!p4 [sflag:s5], $0xA00  }
0xdf: {  	s4 =	sshra.s32 s8, $0x2;
	[sflag:s5] =	ssyncset.done @!p4 $0x0  }
0xe0: {  	s9 =	sadd.s32 $0x118, s4;
	[sflag:s5] =	ssyncadd.s32 @!p4 $0xFFFFF600  }
0xe1: {  	[tilespmem:s26], [sflag:$0x8] =	stream.indirect.gather [hbm4b:s1+s21], $0x40, s9, s21, $0xb8;
	[tilespmem:$0x13E20] =	vst v63  }
0xe2: {  	_ =	swait.ge [sflag:s28], $0xA00  }
0xe3: {  	[sflag:s28] =	ssyncset.done $0x0  }
0xe4: {  	s13 =	sadd.s32 $0x2710, s4;
	[sflag:s28] =	ssyncadd.s32 $0xFFFFF600  }
0xe5: {  	[spmem:s3] =	stream.indirect.scatter.add.f32 [tilespmem:s22], [sflag:$0x9], $0x40, s13, s21, $0xb8;
	[tilespmem:$0x13E20] =	vst v63  }
0xe6: {  	_ =	swait.ge [sflag:s29], $0xA00  }
0xe7: {  	[sflag:s29] =	ssyncset.done $0x0  }
0xe8: {  	s15 =	sadd.s32 $0x140, s4;
	[sflag:s29] =	ssyncadd.s32 $0xFFFFF600  }
0xe9: {  	[tilespmem:s22], [sflag:$0x1] =	stream.indirect.gather [hbm4b:s1+s21], $0x40, s15, s21, $0xb8;
	[tilespmem:$0x13E20] =	vst v63  }
0xea: {  	_ =	swait.ge [sflag:s31], $0xA00  }
0xeb: {  	[sflag:s31] =	ssyncset.done $0x0  }
0xec: {  	s16 =	sadd.s32 $0x2738, s4;
	[sflag:s31] =	ssyncadd.s32 $0xFFFFF600  }
0xed: {  	[spmem:s3] =	stream.indirect.scatter.add.f32 [tilespmem:s23], [sflag:$0xA], $0x40, s16, s21, $0xb8;
	[tilespmem:$0x13E20] =	vst v63  }
0xee: {  	_ =	swait.ge [sflag:s2], $0xA00  }
0xef: {  	[sflag:s2] =	ssyncset.done $0x0  }
0xf0: {  	s17 =	sadd.s32 $0x168, s4;
	[sflag:s2] =	ssyncadd.s32 $0xFFFFF600  }
0xf1: {  	[tilespmem:s23], [sflag:$0x2] =	stream.indirect.gather [hbm4b:s1+s21], $0x40, s17, s21, $0xb8;
	[tilespmem:$0x13E20] =	vst v63  }
0xf2: {  	_ =	swait.ge [sflag:s14], $0xA00  }
0xf3: {  	p3 =	seq.s32 s8, $0x9600;
	[sflag:s14] =	ssyncset.done $0x0  }
0xf4: {  	s18 =	sadd.s32 $0x2760, s4;
	s9 =	simm.s32 @p3 $0x4;
	[sflag:s14] =	ssyncadd.s32 $0xFFFFF600  }
0xf5: {  	[spmem:s3] =	stream.indirect.scatter.add.f32 [tilespmem:s24], [sflag:$0xB], $0x40, s18, s21, $0xb8;
	[tilespmem:$0x13E20] =	vst v63  }
0xf6: {  	s11 =	simm.s32 @p3 $0x28;
	_ =	swait.ge @p3 [sflag:s9], $0xA00  }
0xf7: {  	s12 =	simm.s32 @p3 $0x6C20;
	s5 =	sshra.s32 @p3 s8, $0x2;
	[sflag:s9] =	ssyncset.done @p3 $0x0  }
0xf8: {  	s10 =	sadd.s32 @p3 $0x2788, s5;
	[sflag:s9] =	ssyncadd.s32 @p3 $0xFFFFF600;
	s9 =	simm.s32 @!p3 $0xB  }
0xf9: {  	[spmem:s3] =	stream.indirect.scatter.add.f32 @p3 [tilespmem:s12], [sflag:$0xC], $0x40, s10, s11, $0xb8;
	[tilespmem:$0x13E20] =	vst v63  }
0xfa: {  	s8 =	sshra.s32 @!p3 s8, $0x2;
	_ =	swait.ge @!p3 [sflag:s9], $0xA00  }
0xfb: {  	s10 =	sadd.s32 @!p3 $0x190, s8;
	[sflag:s9] =	ssyncset.done @!p3 $0x0  }
0xfc: {  	s12 =	simm.s32 @!p3 $0x28;
	[sflag:s9] =	ssyncadd.s32 @!p3 $0xFFFFF600;
	s9 =	simm.s32 @!p3 $0x6220  }
0xfd: {  	[tilespmem:s9], [sflag:$0x3] =	stream.indirect.gather @!p3 [hbm4b:s1+s12], $0x40, s10, s12, $0xb8;
	[tilespmem:$0x13E20] =	vst v63  }
0xfe: {  	s9 =	simm.s32 @!p3 $0x4  }
0xff: {  	_ =	swait.ge @!p3 [sflag:s9], $0xA00  }
0x100: {  	[sflag:s9] =	ssyncset.done @!p3 $0x0  }
0x101: {  	s10 =	sadd.s32 @!p3 $0x2788, s8;
	[sflag:s9] =	ssyncadd.s32 @!p3 $0xFFFFF600;
	s9 =	simm.s32 @!p3 $0x6C20  }
0x102: {  	[spmem:s3] =	stream.indirect.scatter.add.f32 @!p3 [tilespmem:s9], [sflag:$0xC], $0x40, s10, s12, $0xb8;
	[tilespmem:$0x13E20] =	vst v63  }
0x103: {  	s10 =	simm.s32 @!p3 $0xC  }
0x104: {  	_ =	swait.ge @!p3 [sflag:s10], $0xA00  }
0x105: {  	[sflag:s10] =	ssyncset.done @!p3 $0x0  }
0x106: {  	[sflag:s10] =	ssyncadd.s32 @!p3 $0xFFFFF600;
	s10 =	sadd.s32 @!p3 $0x1B8, s8  }
0x107: {  	[tilespmem:s9], [sflag:$0x4] =	stream.indirect.gather @!p3 [hbm4b:s1+s12], $0x40, s10, s12, $0xb8;
	[tilespmem:$0x13E20] =	vst v63  }
0x108: {  	_ =	swait.ge [sflag:s0], $0xA00  }
0x109: {  	s20 =	simm.s32 $0x7620;
	[sflag:s0] =	ssyncset.done $0x0  }
0x10a: {  	s19 =	sadd.s32 $0x27B0, s4;
	s9 =	simm.s32 @p3 $0x6;
	[sflag:s0] =	ssyncadd.s32 $0xFFFFF600  }
0x10b: {  	[spmem:s3] =	stream.indirect.scatter.add.f32 [tilespmem:s20], [sflag:$0xD], $0x40, s19, s21, $0xb8;
	[tilespmem:$0x13E20] =	vst v63  }
0x10c: {  	_ =	swait.ge @p3 [sflag:s9], $0xA00  }
0x10d: {  	[sflag:s9] =	ssyncset.done @p3 $0x0  }
0x10e: {  	s5 =	sadd.s32 @p3 $0x27D8, s5;
	[sflag:s9] =	ssyncadd.s32 @p3 $0xFFFFF600;
	s9 =	simm.s32 @p3 $0x8020  }
0x10f: {  	[spmem:s3] =	stream.indirect.scatter.add.f32 @p3 [tilespmem:s9], [sflag:$0xE], $0x40, s5, s11, $0xb8;
	[tilespmem:$0x13E20] =	vst v63  }
0x110: {  	s5 =	simm.s32 @!p3 $0xD  }
0x111: {  	_ =	swait.ge @!p3 [sflag:s5], $0xA00  }
0x112: {  	[sflag:s5] =	ssyncset.done @!p3 $0x0  }
0x113: {  	s9 =	sadd.s32 @!p3 $0x1E0, s8;
	[sflag:s5] =	ssyncadd.s32 @!p3 $0xFFFFF600;
	s5 =	simm.s32 @!p3 $0x7620  }
0x114: {  	[tilespmem:s5], [sflag:$0x5] =	stream.indirect.gather @!p3 [hbm4b:s1+s12], $0x40, s9, s12, $0xb8;
	[tilespmem:$0x13E20] =	vst v63  }
0x115: {  	s5 =	simm.s32 @!p3 $0x6  }
0x116: {  	_ =	swait.ge @!p3 [sflag:s5], $0xA00  }
0x117: {  	[sflag:s5] =	ssyncset.done @!p3 $0x0  }
0x118: {  	s9 =	sadd.s32 @!p3 $0x27D8, s8;
	[sflag:s5] =	ssyncadd.s32 @!p3 $0xFFFFF600;
	s5 =	simm.s32 @!p3 $0x8020  }
0x119: {  	[spmem:s3] =	stream.indirect.scatter.add.f32 @!p3 [tilespmem:s5], [sflag:$0xE], $0x40, s9, s12, $0xb8;
	[tilespmem:$0x13E20] =	vst v63  }
0x11a: {  	s9 =	simm.s32 @!p3 $0xE  }
0x11b: {  	_ =	swait.ge @!p3 [sflag:s9], $0xA00  }
0x11c: {  	[sflag:s9] =	ssyncset.done @!p3 $0x0  }
0x11d: {  	[sflag:s9] =	ssyncadd.s32 @!p3 $0xFFFFF600;
	s9 =	sadd.s32 @!p3 $0x208, s8  }
0x11e: {  	[tilespmem:s5], [sflag:$0x6] =	stream.indirect.gather @!p3 [hbm4b:s1+s12], $0x40, s9, s12, $0xb8;
	[tilespmem:$0x13E20] =	vst v63  }
0x11f: {  	_ =	swait.ge [sflag:s6], $0xA00  }
0x120: {  	s30 =	simm.s32 $0x8A20;
	[sflag:s6] =	ssyncset.done $0x0  }
0x121: {  	s25 =	sadd.s32 $0x2800, s4;
	s5 =	simm.s32 @!p3 $0xF;
	[sflag:s6] =	ssyncadd.s32 $0xFFFFF600  }
0x122: {  	[spmem:s3] =	stream.indirect.scatter.add.f32 [tilespmem:s30], [sflag:$0xF], $0x40, s25, s21, $0xb8;
	[tilespmem:$0x13E20] =	vst v63  }
0x123: {  	_ =	swait.ge @!p3 [sflag:s5], $0xA00  }
0x124: {  	[sflag:s5] =	ssyncset.done @!p3 $0x0  }
0x125: {  	s8 =	sadd.s32 @!p3 $0x230, s8;
	[sflag:s5] =	ssyncadd.s32 @!p3 $0xFFFFF600;
	s5 =	simm.s32 @!p3 $0x8A20  }
0x126: {  	[tilespmem:s5], [sflag:$0x7] =	stream.indirect.gather @!p3 [hbm4b:s1+s12], $0x40, s8, s12, $0xb8;
	[tilespmem:$0x13E20] =	vst v63  }
0x127: {  	_ =	swait.ge [sflag:s7], $0xA00  }
0x128: {  	[sflag:s7] =	ssyncset.done $0x0  }
0x129: {  	s4 =	sadd.s32 $0x2828, s4;
	[sflag:s7] =	ssyncadd.s32 $0xFFFFF600  }
0x12a: {  	[spmem:s3] =	stream.indirect.scatter.add.f32 [tilespmem:s26], [sflag:$0x10], $0x40, s4, s21, $0xb8;
	[tilespmem:$0x13E20] =	vst v63  }
0x12b: {  	_ =	swait.ge [sflag:s28], $0xA00  }
0x12c: {  	[sflag:s28] =	ssyncset.done $0x0  }
0x12d: {  	s9 =	simm.s32 $0x4DD0;
	[sflag:s28] =	ssyncadd.s32 $0xFFFFF600  }
0x12e: {  	[spmem:s3] =	stream.indirect.scatter.add.f32 [tilespmem:s22], [sflag:$0x9], $0x40, s9, s21, $0xb8;
	[tilespmem:$0x13E20] =	vst v63  }
0x12f: {  	_ =	swait.ge [sflag:s31], $0xA00  }
0x130: {  	[sflag:s31] =	ssyncset.done $0x0  }
0x131: {  	s10 =	simm.s32 $0x4DF8;
	s11 =	simm.s32 $0xB;
	[sflag:s31] =	ssyncadd.s32 $0xFFFFF600  }
0x132: {  	[spmem:s3] =	stream.indirect.scatter.add.f32 [tilespmem:s23], [sflag:$0xA], $0x40, s10, s21, $0xb8;
	[tilespmem:$0x13E20] =	vst v63  }
0x133: {  	_ =	swait.ge [sflag:s11], $0xA00  }
0x134: {  	[sflag:s11] =	ssyncset.done $0x0  }
0x135: {  	s12 =	simm.s32 $0xC;
	[sflag:s11] =	ssyncadd.s32 $0xFFFFF600  }
0x136: {  	_ =	swait.ge [sflag:s12], $0xA00  }
0x137: {  	[sflag:s12] =	ssyncset.done $0x0  }
0x138: {  	s13 =	simm.s32 $0xD;
	[sflag:s12] =	ssyncadd.s32 $0xFFFFF600  }
0x139: {  	_ =	swait.ge [sflag:s13], $0xA00  }
0x13a: {  	[sflag:s13] =	ssyncset.done $0x0  }
0x13b: {  	s15 =	simm.s32 $0xE;
	[sflag:s13] =	ssyncadd.s32 $0xFFFFF600  }
0x13c: {  	_ =	swait.ge [sflag:s15], $0xA00  }
0x13d: {  	[sflag:s15] =	ssyncset.done $0x0  }
0x13e: {  	s16 =	simm.s32 $0xF;
	[sflag:s15] =	ssyncadd.s32 $0xFFFFF600  }
0x13f: {  	_ =	swait.ge [sflag:s16], $0xA00  }
0x140: {  	[sflag:s16] =	ssyncset.done $0x0  }
0x141: {  	s17 =	simm.s32 $0x10;
	[sflag:s16] =	ssyncadd.s32 $0xFFFFF600  }
0x142: {  	_ =	swait.ge [sflag:s17], $0xA00  }
0x143: {  	[sflag:s17] =	ssyncset.done $0x0  }
0x144: {  	[sflag:s17] =	ssyncadd.s32 $0xFFFFF600  }
0x145: {  	_ =	swait.ge [sflag:s29], $0xA00  }
0x146: {  	[sflag:s29] =	ssyncset.done $0x0  }
0x147: {  	[sflag:s29] =	ssyncadd.s32 $0xFFFFF600  }
0x148: {  	_ =	swait.ge [sflag:s2], $0xA00  }
0x149: {  	[sflag:s2] =	ssyncset.done $0x0  }
0x14a: {  	[sflag:s2] =	ssyncadd.s32 $0xFFFFF600  }
0x14b: {  	s18 =	stileid.u32;
	[bflag:$0x0] =	sbarrier.arrive $0xFFFF  }
0x14c: {  	s8 =	simm.s32 $0x11;
	s4 =	sshll.u32 s18, $0x6;
	s19 =	rddreg [dreg:$0x7]  }
0x14d: {  	s4 =	sor.u32 $0x1C11, s4;
	s20 =	rddreg [dreg:$0xa];
	s5 =	sshrl.u32 s19, $0x3  }
0x14e: {  	[hbm:s20], [sflag:s4] =	dma.local [spmem:s5], $0x1400  }
0x14f: {  	_ =	swait.ge [sflag:s8], $0x1400  }
0x150: {  	s25 =	rddreg [dreg:$0x12]  }
0x151: {  	s30 =	rddreg [dreg:$0xb];
	s5 =	sadd.s32 $0x1, s25  }
0x152: {  	p3 =	sne.s32 s5, s30  }
.Ltmp1:
0x153: {  	_ = 	snop;
	(pc) =	sbr.rel @p3 .LBB2_1-.Ltmp1, $3  }
0x154: {  	_ =	sdelay $0x1  }
0x155: {  	[sflag:s8] =	ssyncset.done $0x0  }
0x156: {  	[sflag:s8] =	ssyncadd.s32 $0xFFFFEC00  }
0x157: {  	_ =	sfence.sel $0x180000  }
0x158: {  	[bflag:$0x0] =	sbarrier.arrive $0xFFFF  }
0x159: {  	_ =	strace $0x90000050  }
0x15a: {  	s0 =	stileid.u32;
	[bflag:$0x2] =	sbarrier.arrive $0xFFFF  }
0x15b: {  	p0 =	sne.s32 s0, $0x0;
	s0 =	rddreg [dreg:$0x3]  }
0x15c: {  	s0 =	sadd.s32 @!p0 $0x100000, s0  }
0x15d: {  	[sflag:s0] =	ssyncadd.tile.s32 @!p0 $0x1;
	_ =	shalt  }
.Lfunc_end2:
_tile_overlayer_lowered:
.L_overlay_start_2:
0x15e: {  	(tag) =	ssettag $0x2  }
0x15f: {  	s0 =	rddreg [dreg:$0x0];
	s2 =	stileid.u32  }
0x160: {  	s1 =	rddreg [dreg:$0x1];
	p0 =	sne.s32 s2, $0x0  }
0x161: {  	s3 =	rddreg [dreg:$0x2];
	[bflag:$0x3] =	sbarrier.arrive $0xFFFF;
	s2 =	simm.s32 @!p0 $0x1C11  }
0x162: {  	[timem:s3], [sflag:s2] =	dma.local @!p0 [hbm:s0], s1  }
0x163: {  	s0 =	simm.s32 @!p0 $0x11  }
0x164: {  	_ =	swait.ge @!p0 [sflag:s0], s1  }
0x165: {  	s1 =	ssub.s32 @!p0 $0x0, s1;
	[sflag:s0] =	ssyncset.done @!p0 $0x0  }
0x166: {  	[sflag:s0] =	ssyncadd.s32 @!p0 s1  }
0x167: {  	[bflag:$0x3] =	sbarrier.arrive $0xFFFF  }
0x168: {  	_ =	shalt  }

</sc_bundles>
